<compile_context>
chip_gen: v7x
topology: tpu7x:2x2x1
jax: 0.10.2.dev20260603
libtpu: 0.0.44.dev20260713+nightly
codegen_flags: <defaults>
</compile_context>

<pallas_src>
import functools

import jax
import jax.numpy as jnp
from jax import lax
from jax.experimental import pallas as pl
from jax.experimental.pallas import tpu as pltpu
from jax.experimental.pallas import tpu_sc as plsc

NC = 2
NS = 16
L = 16

N = 10000
E = 160000
NPAD = 10240
RT = NPAD // (NC * NS)


def _sc_mesh():
  return plsc.VectorSubcoreMesh(core_axis_name="c", subcore_axis_name="s")


_SC_PARAMS = pltpu.CompilerParams(needs_layout_passes=False)


_E_PER_W = E // (NC * NS)
_DEG_FULL = _E_PER_W // L
_DEG_TAIL = _E_PER_W - _DEG_FULL * L


def _deg_body(dst_hbm, degp_hbm, dst_v, cnt):
  c = lax.axis_index("c")
  s = lax.axis_index("s")
  wid = c * NS + s
  pltpu.sync_copy(dst_hbm.at[pl.ds(wid * _E_PER_W, _E_PER_W)],
                  dst_v.at[pl.ds(0, _E_PER_W)])

  def zero(i, carry):
    cnt[pl.ds(i * L, L)] = jnp.zeros((L,), jnp.float32)
    return carry
  lax.fori_loop(0, 640, zero, 0)

  ones = jnp.ones((L,), jnp.float32)

  def count(i, carry):
    d = dst_v[pl.ds(i * L, L)]
    plsc.addupdate_scatter(cnt, [d], ones)
    return carry
  lax.fori_loop(0, _DEG_FULL, count, 0)

  if _DEG_TAIL:
    d = dst_v[pl.ds(_DEG_FULL * L, L)]
    msk = lax.iota(jnp.int32, L) < _DEG_TAIL
    d = jnp.where(msk, d, 0)
    plsc.addupdate_scatter(cnt, [d], ones, mask=msk)

  pltpu.sync_copy(cnt, degp_hbm.at[wid])


_deg_kernel = functools.partial(
    pl.kernel,
    out_type=jax.ShapeDtypeStruct((NC * NS, 640 * 16), jnp.float32),
    mesh=_sc_mesh(),
    compiler_params=_SC_PARAMS,
    scratch_types=[
        pltpu.VMEM((_E_PER_W + L,), jnp.int32),
        pltpu.VMEM((640 * 16,), jnp.float32),
    ],
)(_deg_body)


def _make_agg(D, NPASS):
  RP = RT // NPASS
  ECH = 4000
  CG = 64
  GD = D // L
  DP = D // 2
  GP = DP // L

  NCH = E // ECH

  def body(src_hbm, dst_hbm, h_hbm, out_hbm,
           srcA, dstA, srcB, dstB, srcC, dofC, idxg, rows, acc,
           semSA, semDA, semSB, semDB, sem):
    c = lax.axis_index("c")
    s = lax.axis_index("s")
    wid = c * NS + s
    iota = lax.iota(jnp.int32, L)

    def sca(vec, lane):
      return jnp.sum(jnp.where(iota == lane, vec, jnp.int32(0)))

    def start_edge(ch, sbuf, dbuf, ssem, dsem):
      pltpu.async_copy(src_hbm.at[pl.ds(ch * ECH, ECH)], sbuf, ssem)
      pltpu.async_copy(dst_hbm.at[pl.ds(ch * ECH, ECH)], dbuf, dsem)

    def wait_edge(ch, sbuf, dbuf, ssem, dsem):
      pltpu.make_async_copy(src_hbm.at[pl.ds(ch * ECH, ECH)], sbuf,
                            ssem).wait()
      pltpu.make_async_copy(dst_hbm.at[pl.ds(ch * ECH, ECH)], dbuf,
                            dsem).wait()

    for p in range(NPASS):
      lo = wid * RT + p * RP

      def zz(i, carry):
        acc[i // GD, pl.ds((i % GD) * L, L)] = jnp.zeros((L,), jnp.float32)
        return carry
      lax.fori_loop(0, (RP + 1) * GD, zz, 0)

      def process(src_v, dst_v):
        def comp(i, base):
          sv = src_v[pl.ds(i * L, L)]
          dv = dst_v[pl.ds(i * L, L)]
          dq = dv - lo
          m = (dq >= 0) & (dq < RP)
          mi = m.astype(jnp.int32)
          pref = plsc.cumsum(mi)
          pos = base + pref - 1
          plsc.store_scatter(srcC, [pos], sv, mask=m)
          plsc.store_scatter(dofC, [pos], dq, mask=m)
          return base + jnp.sum(mi)
        kin = lax.fori_loop(0, ECH // L, comp, jnp.int32(0))

        for t in range(CG // L):
          srcC[pl.ds(kin + t * L, L)] = jnp.zeros((L,), jnp.int32)
          dofC[pl.ds(kin + t * L, L)] = jnp.full((L,), RP, jnp.int32)
        nch = (kin + CG - 1) // CG

        def gchunk(j, carry2):
          for t in range(CG // L):
            idxg[pl.ds(t * L, L)] = srcC[pl.ds(j * CG + t * L, L)]
          pltpu.async_copy(h_hbm.at[idxg], rows, sem).wait()

          def edge(i, carry3):
            dvv = dofC[pl.ds(j * CG + i, L)]
            row = sca(dvv, 0)
            for g in range(GP):
              v = rows[i, pl.ds(g * L, L)]
              lo = lax.bitcast_convert_type(v << 16, jnp.float32)
              hi = lax.bitcast_convert_type(
                  jnp.bitwise_and(v, jnp.int32(-65536)), jnp.float32)
              plsc.addupdate(acc.at[row, pl.ds(g * L, L)], lo)
              plsc.addupdate(acc.at[row, pl.ds(DP + g * L, L)], hi)
            return carry3
          lax.fori_loop(0, CG, edge, 0)
          return carry2
        lax.fori_loop(0, nch, gchunk, 0)

      start_edge(0, srcA, dstA, semSA, semDA)

      def pair(k, carry):
        c0 = 2 * k
        start_edge(c0 + 1, srcB, dstB, semSB, semDB)
        wait_edge(c0, srcA, dstA, semSA, semDA)
        process(srcA, dstA)
        start_edge(lax.rem(c0 + 2, NCH), srcA, dstA, semSA, semDA)
        wait_edge(c0 + 1, srcB, dstB, semSB, semDB)
        process(srcB, dstB)
        return carry
      lax.fori_loop(0, NCH // 2, pair, 0)

      wait_edge(0, srcA, dstA, semSA, semDA)

      pltpu.sync_copy(acc.at[pl.ds(0, RP)], out_hbm.at[pl.ds(lo, RP)])

  return pl.kernel(
      body,
      out_type=jax.ShapeDtypeStruct((NPAD, D), jnp.float32),
      mesh=_sc_mesh(),
      compiler_params=_SC_PARAMS,
      scratch_types=[
          pltpu.VMEM((ECH,), jnp.int32),
          pltpu.VMEM((ECH,), jnp.int32),
          pltpu.VMEM((ECH,), jnp.int32),
          pltpu.VMEM((ECH,), jnp.int32),
          pltpu.VMEM((ECH + CG,), jnp.int32),
          pltpu.VMEM((ECH + CG,), jnp.int32),
          pltpu.VMEM((CG,), jnp.int32),
          pltpu.VMEM((CG, DP), jnp.int32),
          pltpu.VMEM((RP + 1, D), jnp.float32),
          pltpu.SemaphoreType.DMA,
          pltpu.SemaphoreType.DMA,
          pltpu.SemaphoreType.DMA,
          pltpu.SemaphoreType.DMA,
          pltpu.SemaphoreType.DMA,
      ],
  )


MBLK = 400


def _dinv_from_partials(degp_blk):
  deg = jnp.sum(degp_blk, axis=1) + 1.0
  return lax.rsqrt(deg)


def _pack_rows(a):
  h = a.shape[1] // 2
  a16 = a.astype(jnp.bfloat16)
  lo = lax.bitcast_convert_type(a16[:, :h], jnp.uint16).astype(jnp.uint32)
  hi = lax.bitcast_convert_type(a16[:, h:], jnp.uint16).astype(jnp.uint32)
  return lax.bitcast_convert_type(lo | (hi << 16), jnp.int32)


def _scale_body(x_ref, degp_ref, o_ref, p_ref):
  dinv = _dinv_from_partials(degp_ref[...])
  y = x_ref[...] * dinv[:, None]
  o_ref[...] = y
  p_ref[...] = _pack_rows(y)


def _mm12_body(agg_ref, y_ref, degp_ref, b_ref, w1_ref, w2_ref, o_ref,
               p_ref):
  dinv = _dinv_from_partials(degp_ref[...])
  h1 = jnp.dot(agg_ref[...] + y_ref[...], w1_ref[...],
               preferred_element_type=jnp.float32)
  z = jnp.maximum(dinv[:, None] * h1 + b_ref[...], 0.0)
  h2 = jnp.dot(z, w2_ref[...], preferred_element_type=jnp.float32)
  h2 = h2 * dinv[:, None]
  o_ref[...] = h2
  p_ref[...] = _pack_rows(h2)


def _final_body(agg_ref, h_ref, degp_ref, b_ref, o_ref):
  dinv = _dinv_from_partials(degp_ref[...])
  o = dinv[:, None] * (agg_ref[...] + h_ref[...]) + b_ref[...]
  o = o - jnp.max(o, axis=1, keepdims=True)
  e = jnp.exp(o)
  o_ref[...] = e / jnp.sum(e, axis=1, keepdims=True)


def _scale(x, degp):
  d_in = x.shape[1]
  return pl.pallas_call(
      _scale_body,
      grid=(N // MBLK,),
      in_specs=[
          pl.BlockSpec((MBLK, d_in), lambda i: (i, 0)),
          pl.BlockSpec((MBLK, NC * NS), lambda i: (i, 0)),
      ],
      out_specs=[
          pl.BlockSpec((MBLK, d_in), lambda i: (i, 0)),
          pl.BlockSpec((MBLK, d_in // 2), lambda i: (i, 0)),
      ],
      out_shape=[
          jax.ShapeDtypeStruct((N, d_in), jnp.float32),
          jax.ShapeDtypeStruct((N, d_in // 2), jnp.int32),
      ],
  )(x, degp)


def _mm12(aggx, y, degp, b1, w1, w2):
  d_in, d_hid = w1.shape
  d_out = w2.shape[1]
  return pl.pallas_call(
      _mm12_body,
      grid=(N // MBLK,),
      in_specs=[
          pl.BlockSpec((MBLK, d_in), lambda i: (i, 0)),
          pl.BlockSpec((MBLK, d_in), lambda i: (i, 0)),
          pl.BlockSpec((MBLK, NC * NS), lambda i: (i, 0)),
          pl.BlockSpec((1, d_hid), lambda i: (0, 0)),
          pl.BlockSpec((d_in, d_hid), lambda i: (0, 0)),
          pl.BlockSpec((d_hid, d_out), lambda i: (0, 0)),
      ],
      out_specs=[
          pl.BlockSpec((MBLK, d_out), lambda i: (i, 0)),
          pl.BlockSpec((MBLK, d_out // 2), lambda i: (i, 0)),
      ],
      out_shape=[
          jax.ShapeDtypeStruct((N, d_out), jnp.float32),
          jax.ShapeDtypeStruct((N, d_out // 2), jnp.int32),
      ],
  )(aggx, y, degp, b1, w1, w2)


def _final(agg2, h2p, degp, b2):
  d_out = h2p.shape[1]
  return pl.pallas_call(
      _final_body,
      grid=(N // MBLK,),
      in_specs=[
          pl.BlockSpec((MBLK, d_out), lambda i: (i, 0)),
          pl.BlockSpec((MBLK, d_out), lambda i: (i, 0)),
          pl.BlockSpec((MBLK, NC * NS), lambda i: (i, 0)),
          pl.BlockSpec((1, d_out), lambda i: (0, 0)),
      ],
      out_specs=pl.BlockSpec((MBLK, d_out), lambda i: (i, 0)),
      out_shape=jax.ShapeDtypeStruct((N, d_out), jnp.float32),
  )(agg2, h2p, degp, b2)


_agg_256 = _make_agg(256, 1)


@jax.jit
def kernel(x, edge_index, W1, b1, W2, b2):
  src = edge_index[0]
  dst = edge_index[1]

  degp = _deg_kernel(dst).T[:N]

  y, ypack = _scale(x, degp)
  aggx = _agg_256(src, dst, ypack)[:N]
  h2p, hpack = _mm12(aggx, y, degp, b1.reshape(1, -1), W1, W2)
  agg2 = _agg_256(src, dst, hpack)[:N]
  return _final(agg2, h2p, degp, b2.reshape(1, -1))

# --- scband reference (transcript-rebuilt; emitter-appended) ---
"""Pipeline reference for scband-gcn-89850715832719 (READ-ONLY COPY).

The authoritative reference and input builder live on the scoring server;
editing this copy changes nothing except your own understanding.
"""

import jax, jax.numpy as jnp
import numpy as np

N = 10000
E = 160000
D_IN = 256
D_HID = 512
D_OUT = 256


def setup_inputs(seed: int = 0) -> dict:
    key = jax.random.key(seed)
    ks = jax.random.split(key, 6)
    x = jax.random.normal(ks[0], (N, D_IN), dtype=jnp.float32)
    edge_index = jax.random.randint(ks[1], (2, E), 0, N, dtype=jnp.int32)
    W1 = jax.random.normal(ks[2], (D_IN, D_HID), dtype=jnp.float32) * (1.0 / np.sqrt(D_IN))
    b1 = jnp.zeros((D_HID,), dtype=jnp.float32)
    W2 = jax.random.normal(ks[3], (D_HID, D_OUT), dtype=jnp.float32) * (1.0 / np.sqrt(D_HID))
    b2 = jnp.zeros((D_OUT,), dtype=jnp.float32)
    return {"x": x, "edge_index": edge_index, "W1": W1, "b1": b1, "W2": W2, "b2": b2}


def gcn_conv(x, edge_index, W, b):
    # Faithful PyG GCNConv: add self-loops, symmetric D^-1/2 (A+I) D^-1/2 normalization,
    # linear transform first, then scatter-add aggregation, then bias.
    src = edge_index[0]
    dst = edge_index[1]
    loop = jnp.arange(N, dtype=edge_index.dtype)
    src = jnp.concatenate([src, loop])
    dst = jnp.concatenate([dst, loop])
    deg = jnp.zeros((N,), dtype=x.dtype).at[dst].add(1.0)
    dinv = jnp.where(deg > 0, jax.lax.rsqrt(jnp.maximum(deg, 1e-12)), 0.0)
    norm = dinv[src] * dinv[dst]
    h = x @ W
    msg = h[src] * norm[:, None]
    out = jax.ops.segment_sum(msg, dst, num_segments=N)
    return out + b


def reference(x, edge_index, W1, b1, W2, b2):
    h = gcn_conv(x, edge_index, W1, b1)
    h = jax.nn.relu(h)
    # dropout p=0 is a no-op
    out = gcn_conv(h, edge_index, W2, b2)
    return jax.nn.softmax(out, axis=1)

if __name__ == "__main__":
    import jax
    _d = setup_inputs()
    print(jax.jit(kernel)(*tuple(_d.values())))

</pallas_src>

<mosaic_0001>
#map = affine_map<(d0, d1) -> (0)>
#map1 = affine_map<(d0, d1) -> (0, 0)>
module attributes {stable_mosaic.version = 14 : i64} {
  func.func @body(%arg0: i32, %arg1: i32, %arg2: memref<160000xi32, #tpu.memory_space<hbm>>, %arg3: memref<160000xi32, #tpu.memory_space<hbm>>, %arg4: memref<10000x128xi32, #tpu.memory_space<hbm>>, %arg5: memref<10240x256xf32, #tpu.memory_space<hbm>>, %arg6: memref<4000xi32, #tpu.memory_space<vmem>>, %arg7: memref<4000xi32, #tpu.memory_space<vmem>>, %arg8: memref<4000xi32, #tpu.memory_space<vmem>>, %arg9: memref<4000xi32, #tpu.memory_space<vmem>>, %arg10: memref<4064xi32, #tpu.memory_space<vmem>>, %arg11: memref<4064xi32, #tpu.memory_space<vmem>>, %arg12: memref<64xi32, #tpu.memory_space<vmem>>, %arg13: memref<64x128xi32, #tpu.memory_space<vmem>>, %arg14: memref<321x256xf32, #tpu.memory_space<vmem>>, %arg15: memref<!tpu.dma_semaphore, #tpu.memory_space<semaphore_mem>>, %arg16: memref<!tpu.dma_semaphore, #tpu.memory_space<semaphore_mem>>, %arg17: memref<!tpu.dma_semaphore, #tpu.memory_space<semaphore_mem>>, %arg18: memref<!tpu.dma_semaphore, #tpu.memory_space<semaphore_mem>>, %arg19: memref<!tpu.dma_semaphore, #tpu.memory_space<semaphore_mem>>) attributes {dimension_semantics = [#tpu.dimension_semantics<core_parallel>, #tpu.dimension_semantics<subcore_parallel>], iteration_bounds = array<i64: 2, 16>, scalar_prefetch = 0 : i64, scratch_operands = 14 : i64, tpu.core_type = #tpu.core_type<sc_vector_subcore>, window_params = [{transform_indices = #map}, {transform_indices = #map}, {transform_indices = #map1}, {transform_indices = #map1}]} {
    %mul3A = arith.constant 16 : i32
    %mul3A_0 = arith.muli %arg0, %mul3A : i32
    %add3A = arith.addi %mul3A_0, %arg1 : i32
    %iota3A = tpu.iota {dimensions = array<i32: 0>} : vector<16xi32>
    %mul3A_1 = arith.constant 320 : i32
    %mul3A_2 = arith.muli %add3A, %mul3A_1 : i32
    %add3A_3 = arith.constant 0 : i32
    %add3A_4 = arith.addi %mul3A_2, %add3A_3 : i32
    %scan3A = arith.constant 0 : i32
    %scan3A_5 = arith.constant 0 : i32
    %scan3A_6 = arith.constant 5136 : i32
    %scan3A_7 = arith.addi %scan3A_5, %scan3A_6 : i32
    %scan3A_8 = arith.constant 1 : i32
    scf.for %scan3A_30 = %scan3A_5 to %scan3A_7 step %scan3A_8  : i32 {
      %broadcast_in_dim3A = arith.constant 0.000000e+00 : f32
      %broadcast_in_dim3A_31 = vector.broadcast %broadcast_in_dim3A : f32 to vector<16xf32>
      %jit3A = arith.constant 16 : i32
      %div3A = arith.divsi %scan3A_30, %jit3A : i32
      %sign3A = arith.constant 0 : i32
      %sign3A_32 = arith.cmpi sgt, %scan3A_30, %sign3A : i32
      %sign3A_33 = arith.extui %sign3A_32 : i1 to i32
      %sign3A_34 = arith.constant 0 : i32
      %sign3A_35 = arith.cmpi slt, %scan3A_30, %sign3A_34 : i32
      %sign3A_36 = arith.extui %sign3A_35 : i1 to i32
      %sign3A_37 = arith.subi %sign3A_33, %sign3A_36 : i32
      %sign3A_38 = arith.constant 0 : i32
      %sign3A_39 = arith.cmpi sgt, %jit3A, %sign3A_38 : i32
      %sign3A_40 = arith.extui %sign3A_39 : i1 to i32
      %sign3A_41 = arith.constant 0 : i32
      %sign3A_42 = arith.cmpi slt, %jit3A, %sign3A_41 : i32
      %sign3A_43 = arith.extui %sign3A_42 : i1 to i32
      %sign3A_44 = arith.subi %sign3A_40, %sign3A_43 : i32
      %ne3A = arith.cmpi ne, %sign3A_37, %sign3A_44 : i32
      %rem3A = arith.remsi %scan3A_30, %jit3A : i32
      %ne3A_45 = arith.constant 0 : i32
      %ne3A_46 = arith.cmpi ne, %rem3A, %ne3A_45 : i32
      %and3A = arith.andi %ne3A, %ne3A_46 : i1
      %sub3A = arith.constant 1 : i32
      %sub3A_47 = arith.subi %div3A, %sub3A : i32
      %select_n3A = arith.select %and3A, %sub3A_47, %div3A : i32
      %jit3A_48 = arith.constant 16 : i32
      %eq3A = arith.constant 0 : i32
      %eq3A_49 = arith.cmpi eq, %jit3A_48, %eq3A : i32
      %jit3A_50 = arith.constant 1 : i32
      %select_n3A_51 = arith.select %eq3A_49, %jit3A_50, %jit3A_48 : i32
      %rem3A_52 = arith.remsi %scan3A_30, %select_n3A_51 : i32
      %ne3A_53 = arith.constant 0 : i32
      %ne3A_54 = arith.cmpi ne, %rem3A_52, %ne3A_53 : i32
      %lt3A = arith.constant 0 : i32
      %lt3A_55 = arith.cmpi slt, %rem3A_52, %lt3A : i32
      %lt3A_56 = arith.constant 0 : i32
      %lt3A_57 = arith.cmpi slt, %select_n3A_51, %lt3A_56 : i32
      %ne3A_58 = arith.xori %lt3A_55, %lt3A_57 : i1
      %and3A_59 = arith.andi %ne3A_58, %ne3A_54 : i1
      %add3A_60 = arith.addi %rem3A_52, %select_n3A_51 : i32
      %select_n3A_61 = arith.select %and3A_59, %add3A_60, %rem3A_52 : i32
      %mul3A_62 = arith.constant 16 : i32
      %mul3A_63 = arith.muli %select_n3A_61, %mul3A_62 : i32
      %swap3A = arith.index_cast %select_n3A : i32 to index
      %swap3A_64 = arith.index_cast %mul3A_63 : i32 to index
      %swap3A_65 = tpu.vector_load %arg14[%swap3A, %swap3A_64] {strides = array<i32>} : memref<321x256xf32, #tpu.memory_space<vmem>>, vector<16xf32>,
      tpu.vector_store %arg14[%swap3A, %swap3A_64], %broadcast_in_dim3A_31 {strides = array<i32>} : memref<321x256xf32, #tpu.memory_space<vmem>>, vector<16xf32>,
    }
    %scan3A_9 = arith.constant 5136 : i32
    %dma_start3A = arith.constant 0 : i32
    %dma_start3A_10 = tpu.memref_slice %arg2[%dma_start3A] : memref<160000xi32, #tpu.memory_space<hbm>> -> memref<4000xi32, #tpu.memory_space<hbm>>
    %dma_start3A_11 = arith.constant 0 : i32
    %dma_start3A_12 = tpu.memref_slice %arg2[%dma_start3A_11] : memref<160000xi32, #tpu.memory_space<hbm>> -> memref<4000xi32, #tpu.memory_space<hbm>>
    tpu.enqueue_dma source(%dma_start3A_12 : memref<4000xi32, #tpu.memory_space<hbm>>) target(%arg6 : memref<4000xi32, #tpu.memory_space<vmem>>) target_semaphore(%arg15 : memref<!tpu.dma_semaphore, #tpu.memory_space<semaphore_mem>>)
    %dma_start3A_13 = arith.constant 0 : i32
    %dma_start3A_14 = tpu.memref_slice %arg3[%dma_start3A_13] : memref<160000xi32, #tpu.memory_space<hbm>> -> memref<4000xi32, #tpu.memory_space<hbm>>
    %dma_start3A_15 = arith.constant 0 : i32
    %dma_start3A_16 = tpu.memref_slice %arg3[%dma_start3A_15] : memref<160000xi32, #tpu.memory_space<hbm>> -> memref<4000xi32, #tpu.memory_space<hbm>>
    tpu.enqueue_dma source(%dma_start3A_16 : memref<4000xi32, #tpu.memory_space<hbm>>) target(%arg7 : memref<4000xi32, #tpu.memory_space<vmem>>) target_semaphore(%arg16 : memref<!tpu.dma_semaphore, #tpu.memory_space<semaphore_mem>>)
    %scan3A_17 = arith.constant 0 : i32
    %scan3A_18 = arith.constant 0 : i32
    %scan3A_19 = arith.constant 20 : i32
    %scan3A_20 = arith.addi %scan3A_18, %scan3A_19 : i32
    %scan3A_21 = arith.constant 1 : i32
    scf.for %scan3A_30 = %scan3A_18 to %scan3A_20 step %scan3A_21  : i32 {
      %mul3A_31 = arith.constant 2 : i32
      %mul3A_32 = arith.muli %mul3A_31, %scan3A_30 : i32
      %add3A_33 = arith.constant 1 : i32
      %add3A_34 = arith.addi %mul3A_32, %add3A_33 : i32
      %mul3A_35 = arith.constant 4000 : i32
      %mul3A_36 = arith.muli %add3A_34, %mul3A_35 : i32
      %dma_start3A_37 = tpu.memref_slice %arg2[%mul3A_36] : memref<160000xi32, #tpu.memory_space<hbm>> -> memref<4000xi32, #tpu.memory_space<hbm>>
      %dma_start3A_38 = tpu.memref_slice %arg2[%mul3A_36] : memref<160000xi32, #tpu.memory_space<hbm>> -> memref<4000xi32, #tpu.memory_space<hbm>>
      tpu.enqueue_dma source(%dma_start3A_38 : memref<4000xi32, #tpu.memory_space<hbm>>) target(%arg8 : memref<4000xi32, #tpu.memory_space<vmem>>) target_semaphore(%arg17 : memref<!tpu.dma_semaphore, #tpu.memory_space<semaphore_mem>>)
      %mul3A_39 = arith.constant 4000 : i32
      %mul3A_40 = arith.muli %add3A_34, %mul3A_39 : i32
      %dma_start3A_41 = tpu.memref_slice %arg3[%mul3A_40] : memref<160000xi32, #tpu.memory_space<hbm>> -> memref<4000xi32, #tpu.memory_space<hbm>>
      %dma_start3A_42 = tpu.memref_slice %arg3[%mul3A_40] : memref<160000xi32, #tpu.memory_space<hbm>> -> memref<4000xi32, #tpu.memory_space<hbm>>
      tpu.enqueue_dma source(%dma_start3A_42 : memref<4000xi32, #tpu.memory_space<hbm>>) target(%arg9 : memref<4000xi32, #tpu.memory_space<vmem>>) target_semaphore(%arg18 : memref<!tpu.dma_semaphore, #tpu.memory_space<semaphore_mem>>)
      %mul3A_43 = arith.constant 4000 : i32
      %mul3A_44 = arith.muli %mul3A_32, %mul3A_43 : i32
      %dma_wait3A_45 = tpu.memref_slice %arg2[%mul3A_44] : memref<160000xi32, #tpu.memory_space<hbm>> -> memref<4000xi32, #tpu.memory_space<hbm>>
      %dma_wait3A_46 = tpu.memref_slice %arg2[%mul3A_44] : memref<160000xi32, #tpu.memory_space<hbm>> -> memref<4000xi32, #tpu.memory_space<hbm>>
      tpu.wait_dma2 semaphore(%arg15 : memref<!tpu.dma_semaphore, #tpu.memory_space<semaphore_mem>>) src(%dma_wait3A_46 : memref<4000xi32, #tpu.memory_space<hbm>>) dst(%arg6 : memref<4000xi32, #tpu.memory_space<vmem>>)
      %mul3A_47 = arith.constant 4000 : i32
      %mul3A_48 = arith.muli %mul3A_32, %mul3A_47 : i32
      %dma_wait3A_49 = tpu.memref_slice %arg3[%mul3A_48] : memref<160000xi32, #tpu.memory_space<hbm>> -> memref<4000xi32, #tpu.memory_space<hbm>>
      %dma_wait3A_50 = tpu.memref_slice %arg3[%mul3A_48] : memref<160000xi32, #tpu.memory_space<hbm>> -> memref<4000xi32, #tpu.memory_space<hbm>>
      tpu.wait_dma2 semaphore(%arg16 : memref<!tpu.dma_semaphore, #tpu.memory_space<semaphore_mem>>) src(%dma_wait3A_50 : memref<4000xi32, #tpu.memory_space<hbm>>) dst(%arg7 : memref<4000xi32, #tpu.memory_space<vmem>>)
      %scan3A_51 = arith.constant 0 : i32
      %scan3A_52 = arith.constant 0 : i32
      %scan3A_53 = arith.constant 250 : i32
      %scan3A_54 = arith.addi %scan3A_52, %scan3A_53 : i32
      %scan3A_55 = arith.constant 1 : i32
      %scan3A_56 = scf.for %scan3A_248 = %scan3A_52 to %scan3A_54 step %scan3A_55 iter_args(%scan3A_249 = %scan3A_51) -> (i32)  : i32 {
        %mul3A_250 = arith.constant 16 : i32
        %mul3A_251 = arith.muli %scan3A_248, %mul3A_250 : i32
        %get3A = arith.index_cast %mul3A_251 : i32 to index
        %get3A_252 = tpu.vector_load %arg6[%get3A] {strides = array<i32>} : memref<4000xi32, #tpu.memory_space<vmem>>, vector<16xi32>,
        %mul3A_253 = arith.constant 16 : i32
        %mul3A_254 = arith.muli %scan3A_248, %mul3A_253 : i32
        %get3A_255 = arith.index_cast %mul3A_254 : i32 to index
        %get3A_256 = tpu.vector_load %arg7[%get3A_255] {strides = array<i32>} : memref<4000xi32, #tpu.memory_space<vmem>>, vector<16xi32>,
        %sub3A_257 = vector.broadcast %add3A_4 : i32 to vector<16xi32>
        %sub3A_258 = arith.subi %get3A_256, %sub3A_257 : vector<16xi32>
        %ge3A = arith.constant 0 : i32
        %ge3A_259 = vector.broadcast %ge3A : i32 to vector<16xi32>
        %ge3A_260 = arith.cmpi sge, %sub3A_258, %ge3A_259 : vector<16xi32>
        %lt3A = arith.constant 320 : i32
        %lt3A_261 = vector.broadcast %lt3A : i32 to vector<16xi32>
        %lt3A_262 = arith.cmpi slt, %sub3A_258, %lt3A_261 : vector<16xi32>
        %and3A_263 = arith.andi %ge3A_260, %lt3A_262 : vector<16xi1>
        %convert_element_type3A = arith.extui %and3A_263 : vector<16xi1> to vector<16xi32>
        %broadcast_in_dim3A_264 = arith.constant true
        %broadcast_in_dim3A_265 = vector.broadcast %broadcast_in_dim3A_264 : i1 to vector<16xi1>
        %masked_cumsum3A = tpu.scan <sum>, %convert_element_type3A masked %broadcast_in_dim3A_265 : vector<16xi32>, vector<16xi1> -> vector<16xi32>
        %add3A_266 = vector.broadcast %scan3A_249 : i32 to vector<16xi32>
        %add3A_267 = arith.addi %add3A_266, %masked_cumsum3A : vector<16xi32>
        %sub3A_268 = arith.constant 1 : i32
        %sub3A_269 = vector.broadcast %sub3A_268 : i32 to vector<16xi32>
        %sub3A_270 = arith.subi %add3A_267, %sub3A_269 : vector<16xi32>
        tpu.vector_store_idx %arg10[%sub3A_270], %get3A_252 masked %and3A_263 : memref<4064xi32, #tpu.memory_space<vmem>>[vector<16xi32>], vector<16xi32>, vector<16xi1>
        tpu.vector_store_idx %arg11[%sub3A_270], %sub3A_258 masked %and3A_263 : memref<4064xi32, #tpu.memory_space<vmem>>[vector<16xi32>], vector<16xi32>, vector<16xi1>
        %reduce_sum3A = arith.constant true
        %reduce_sum3A_271 = vector.broadcast %reduce_sum3A : i1 to vector<16xi1>
        %reduce_sum3A_272 = tpu.scan <sum>, %convert_element_type3A masked %reduce_sum3A_271 : vector<16xi32>, vector<16xi1> -> vector<16xi32>
        %reduce_sum3A_273 = vector.extract %reduce_sum3A_272[15] : i32 from vector<16xi32>
        %add3A_274 = arith.addi %scan3A_249, %reduce_sum3A_273 : i32
        scf.yield %add3A_274 : i32
      }
      %scan3A_57 = arith.constant 250 : i32
      %broadcast_in_dim3A = arith.constant 0 : i32
      %broadcast_in_dim3A_58 = vector.broadcast %broadcast_in_dim3A : i32 to vector<16xi32>
      %add3A_59 = arith.constant 0 : i32
      %add3A_60 = arith.addi %scan3A_56, %add3A_59 : i32
      %swap3A = arith.index_cast %add3A_60 : i32 to index
      %swap3A_61 = tpu.vector_load %arg10[%swap3A] {strides = array<i32>} : memref<4064xi32, #tpu.memory_space<vmem>>, vector<16xi32>,
      tpu.vector_store %arg10[%swap3A], %broadcast_in_dim3A_58 {strides = array<i32>} : memref<4064xi32, #tpu.memory_space<vmem>>, vector<16xi32>,
      %broadcast_in_dim3A_62 = arith.constant 320 : i32
      %broadcast_in_dim3A_63 = vector.broadcast %broadcast_in_dim3A_62 : i32 to vector<16xi32>
      %add3A_64 = arith.constant 0 : i32
      %add3A_65 = arith.addi %scan3A_56, %add3A_64 : i32
      %swap3A_66 = arith.index_cast %add3A_65 : i32 to index
      %swap3A_67 = tpu.vector_load %arg11[%swap3A_66] {strides = array<i32>} : memref<4064xi32, #tpu.memory_space<vmem>>, vector<16xi32>,
      tpu.vector_store %arg11[%swap3A_66], %broadcast_in_dim3A_63 {strides = array<i32>} : memref<4064xi32, #tpu.memory_space<vmem>>, vector<16xi32>,
      %broadcast_in_dim3A_68 = arith.constant 0 : i32
      %broadcast_in_dim3A_69 = vector.broadcast %broadcast_in_dim3A_68 : i32 to vector<16xi32>
      %add3A_70 = arith.constant 16 : i32
      %add3A_71 = arith.addi %scan3A_56, %add3A_70 : i32
      %swap3A_72 = arith.index_cast %add3A_71 : i32 to index
      %swap3A_73 = tpu.vector_load %arg10[%swap3A_72] {strides = array<i32>} : memref<4064xi32, #tpu.memory_space<vmem>>, vector<16xi32>,
      tpu.vector_store %arg10[%swap3A_72], %broadcast_in_dim3A_69 {strides = array<i32>} : memref<4064xi32, #tpu.memory_space<vmem>>, vector<16xi32>,
      %broadcast_in_dim3A_74 = arith.constant 320 : i32
      %broadcast_in_dim3A_75 = vector.broadcast %broadcast_in_dim3A_74 : i32 to vector<16xi32>
      %add3A_76 = arith.constant 16 : i32
      %add3A_77 = arith.addi %scan3A_56, %add3A_76 : i32
      %swap3A_78 = arith.index_cast %add3A_77 : i32 to index
      %swap3A_79 = tpu.vector_load %arg11[%swap3A_78] {strides = array<i32>} : memref<4064xi32, #tpu.memory_space<vmem>>, vector<16xi32>,
      tpu.vector_store %arg11[%swap3A_78], %broadcast_in_dim3A_75 {strides = array<i32>} : memref<4064xi32, #tpu.memory_space<vmem>>, vector<16xi32>,
      %broadcast_in_dim3A_80 = arith.constant 0 : i32
      %broadcast_in_dim3A_81 = vector.broadcast %broadcast_in_dim3A_80 : i32 to vector<16xi32>
      %add3A_82 = arith.constant 32 : i32
      %add3A_83 = arith.addi %scan3A_56, %add3A_82 : i32
      %swap3A_84 = arith.index_cast %add3A_83 : i32 to index
      %swap3A_85 = tpu.vector_load %arg10[%swap3A_84] {strides = array<i32>} : memref<4064xi32, #tpu.memory_space<vmem>>, vector<16xi32>,
      tpu.vector_store %arg10[%swap3A_84], %broadcast_in_dim3A_81 {strides = array<i32>} : memref<4064xi32, #tpu.memory_space<vmem>>, vector<16xi32>,
      %broadcast_in_dim3A_86 = arith.constant 320 : i32
      %broadcast_in_dim3A_87 = vector.broadcast %broadcast_in_dim3A_86 : i32 to vector<16xi32>
      %add3A_88 = arith.constant 32 : i32
      %add3A_89 = arith.addi %scan3A_56, %add3A_88 : i32
      %swap3A_90 = arith.index_cast %add3A_89 : i32 to index
      %swap3A_91 = tpu.vector_load %arg11[%swap3A_90] {strides = array<i32>} : memref<4064xi32, #tpu.memory_space<vmem>>, vector<16xi32>,
      tpu.vector_store %arg11[%swap3A_90], %broadcast_in_dim3A_87 {strides = array<i32>} : memref<4064xi32, #tpu.memory_space<vmem>>, vector<16xi32>,
      %broadcast_in_dim3A_92 = arith.constant 0 : i32
      %broadcast_in_dim3A_93 = vector.broadcast %broadcast_in_dim3A_92 : i32 to vector<16xi32>
      %add3A_94 = arith.constant 48 : i32
      %add3A_95 = arith.addi %scan3A_56, %add3A_94 : i32
      %swap3A_96 = arith.index_cast %add3A_95 : i32 to index
      %swap3A_97 = tpu.vector_load %arg10[%swap3A_96] {strides = array<i32>} : memref<4064xi32, #tpu.memory_space<vmem>>, vector<16xi32>,
      tpu.vector_store %arg10[%swap3A_96], %broadcast_in_dim3A_93 {strides = array<i32>} : memref<4064xi32, #tpu.memory_space<vmem>>, vector<16xi32>,
      %broadcast_in_dim3A_98 = arith.constant 320 : i32
      %broadcast_in_dim3A_99 = vector.broadcast %broadcast_in_dim3A_98 : i32 to vector<16xi32>
      %add3A_100 = arith.constant 48 : i32
      %add3A_101 = arith.addi %scan3A_56, %add3A_100 : i32
      %swap3A_102 = arith.index_cast %add3A_101 : i32 to index
      %swap3A_103 = tpu.vector_load %arg11[%swap3A_102] {strides = array<i32>} : memref<4064xi32, #tpu.memory_space<vmem>>, vector<16xi32>,
      tpu.vector_store %arg11[%swap3A_102], %broadcast_in_dim3A_99 {strides = array<i32>} : memref<4064xi32, #tpu.memory_space<vmem>>, vector<16xi32>,
      %add3A_104 = arith.constant 64 : i32
      %add3A_105 = arith.addi %scan3A_56, %add3A_104 : i32
      %sub3A = arith.constant 1 : i32
      %sub3A_106 = arith.subi %add3A_105, %sub3A : i32
      %jit3A = arith.constant 64 : i32
      %div3A = arith.divsi %sub3A_106, %jit3A : i32
      %sign3A = arith.constant 0 : i32
      %sign3A_107 = arith.cmpi sgt, %sub3A_106, %sign3A : i32
      %sign3A_108 = arith.extui %sign3A_107 : i1 to i32
      %sign3A_109 = arith.constant 0 : i32
      %sign3A_110 = arith.cmpi slt, %sub3A_106, %sign3A_109 : i32
      %sign3A_111 = arith.extui %sign3A_110 : i1 to i32
      %sign3A_112 = arith.subi %sign3A_108, %sign3A_111 : i32
      %sign3A_113 = arith.constant 0 : i32
      %sign3A_114 = arith.cmpi sgt, %jit3A, %sign3A_113 : i32
      %sign3A_115 = arith.extui %sign3A_114 : i1 to i32
      %sign3A_116 = arith.constant 0 : i32
      %sign3A_117 = arith.cmpi slt, %jit3A, %sign3A_116 : i32
      %sign3A_118 = arith.extui %sign3A_117 : i1 to i32
      %sign3A_119 = arith.subi %sign3A_115, %sign3A_118 : i32
      %ne3A = arith.cmpi ne, %sign3A_112, %sign3A_119 : i32
      %rem3A = arith.remsi %sub3A_106, %jit3A : i32
      %ne3A_120 = arith.constant 0 : i32
      %ne3A_121 = arith.cmpi ne, %rem3A, %ne3A_120 : i32
      %and3A = arith.andi %ne3A, %ne3A_121 : i1
      %sub3A_122 = arith.constant 1 : i32
      %sub3A_123 = arith.subi %div3A, %sub3A_122 : i32
      %select_n3A = arith.select %and3A, %sub3A_123, %div3A : i32
      %while3A = arith.constant 0 : i32
      %while3A_124 = arith.constant 0 : i32
      %while3A_125 = arith.subi %select_n3A, %while3A_124 : i32
      %while3A_126 = arith.addi %while3A_124, %while3A_125 : i32
      %while3A_127 = arith.constant 1 : i32
      %while3A_128 = arith.divsi %while3A_125, %while3A_127 : i32
      %while3A_129 = arith.muli %while3A_128, %while3A_127 : i32
      %while3A_130 = arith.addi %while3A_124, %while3A_129 : i32
      %while3A_131 = arith.constant 1 : i32
      scf.for %while3A_248 = %while3A_124 to %while3A_130 step %while3A_131  : i32 {
        %mul3A_249 = arith.constant 64 : i32
        %mul3A_250 = arith.muli %while3A_248, %mul3A_249 : i32
        %add3A_251 = arith.constant 0 : i32
        %add3A_252 = arith.addi %mul3A_250, %add3A_251 : i32
        %get3A = arith.index_cast %add3A_252 : i32 to index
        %get3A_253 = tpu.vector_load %arg10[%get3A] {strides = array<i32>} : memref<4064xi32, #tpu.memory_space<vmem>>, vector<16xi32>,
        %swap3A_254 = arith.constant 0 : index
        %swap3A_255 = tpu.vector_load %arg12[%swap3A_254] {strides = array<i32>} : memref<64xi32, #tpu.memory_space<vmem>>, vector<16xi32>,
        tpu.vector_store %arg12[%swap3A_254], %get3A_253 {strides = array<i32>} : memref<64xi32, #tpu.memory_space<vmem>>, vector<16xi32>,
        %mul3A_256 = arith.constant 64 : i32
        %mul3A_257 = arith.muli %while3A_248, %mul3A_256 : i32
        %add3A_258 = arith.constant 16 : i32
        %add3A_259 = arith.addi %mul3A_257, %add3A_258 : i32
        %get3A_260 = arith.index_cast %add3A_259 : i32 to index
        %get3A_261 = tpu.vector_load %arg10[%get3A_260] {strides = array<i32>} : memref<4064xi32, #tpu.memory_space<vmem>>, vector<16xi32>,
        %swap3A_262 = arith.constant 16 : index
        %swap3A_263 = tpu.vector_load %arg12[%swap3A_262] {strides = array<i32>} : memref<64xi32, #tpu.memory_space<vmem>>, vector<16xi32>,
        tpu.vector_store %arg12[%swap3A_262], %get3A_261 {strides = array<i32>} : memref<64xi32, #tpu.memory_space<vmem>>, vector<16xi32>,
        %mul3A_264 = arith.constant 64 : i32
        %mul3A_265 = arith.muli %while3A_248, %mul3A_264 : i32
        %add3A_266 = arith.constant 32 : i32
        %add3A_267 = arith.addi %mul3A_265, %add3A_266 : i32
        %get3A_268 = arith.index_cast %add3A_267 : i32 to index
        %get3A_269 = tpu.vector_load %arg10[%get3A_268] {strides = array<i32>} : memref<4064xi32, #tpu.memory_space<vmem>>, vector<16xi32>,
        %swap3A_270 = arith.constant 32 : index
        %swap3A_271 = tpu.vector_load %arg12[%swap3A_270] {strides = array<i32>} : memref<64xi32, #tpu.memory_space<vmem>>, vector<16xi32>,
        tpu.vector_store %arg12[%swap3A_270], %get3A_269 {strides = array<i32>} : memref<64xi32, #tpu.memory_space<vmem>>, vector<16xi32>,
        %mul3A_272 = arith.constant 64 : i32
        %mul3A_273 = arith.muli %while3A_248, %mul3A_272 : i32
        %add3A_274 = arith.constant 48 : i32
        %add3A_275 = arith.addi %mul3A_273, %add3A_274 : i32
        %get3A_276 = arith.index_cast %add3A_275 : i32 to index
        %get3A_277 = tpu.vector_load %arg10[%get3A_276] {strides = array<i32>} : memref<4064xi32, #tpu.memory_space<vmem>>, vector<16xi32>,
        %swap3A_278 = arith.constant 48 : index
        %swap3A_279 = tpu.vector_load %arg12[%swap3A_278] {strides = array<i32>} : memref<64xi32, #tpu.memory_space<vmem>>, vector<16xi32>,
        tpu.vector_store %arg12[%swap3A_278], %get3A_277 {strides = array<i32>} : memref<64xi32, #tpu.memory_space<vmem>>, vector<16xi32>,
        %dma_start3A_280 = arith.constant 0 : i32
        %dma_start3A_281 = arith.constant 0 : i32
        %dma_start3A_282 = tpu.memref_slice %arg4[%dma_start3A_280, %dma_start3A_281] : memref<10000x128xi32, #tpu.memory_space<hbm>> -> memref<10000x128xi32, #tpu.memory_space<hbm>>
        tpu.enqueue_indirect_dma source(%dma_start3A_282 : memref<10000x128xi32, #tpu.memory_space<hbm>>) target(%arg13 : memref<64x128xi32, #tpu.memory_space<vmem>>) offsets(%arg12 : memref<64xi32, #tpu.memory_space<vmem>>) semaphore(%arg19 : memref<!tpu.dma_semaphore, #tpu.memory_space<semaphore_mem>>)
        %dma_wait3A_283 = arith.constant 0 : i32
        %dma_wait3A_284 = arith.constant 0 : i32
        %dma_wait3A_285 = tpu.memref_slice %arg4[%dma_wait3A_283, %dma_wait3A_284] : memref<10000x128xi32, #tpu.memory_space<hbm>> -> memref<10000x128xi32, #tpu.memory_space<hbm>>
        tpu.wait_indirect_dma semaphore(%arg19 : memref<!tpu.dma_semaphore, #tpu.memory_space<semaphore_mem>>) src(%dma_wait3A_285 : memref<10000x128xi32, #tpu.memory_space<hbm>>) dst(%arg13 : memref<64x128xi32, #tpu.memory_space<vmem>>)
        %scan3A_286 = arith.constant 0 : i32
        %scan3A_287 = arith.constant 0 : i32
        %scan3A_288 = arith.constant 64 : i32
        %scan3A_289 = arith.addi %scan3A_287, %scan3A_288 : i32
        %scan3A_290 = arith.constant 1 : i32
        scf.for %scan3A_292 = %scan3A_287 to %scan3A_289 step %scan3A_290  : i32 {
          %mul3A_293 = arith.constant 64 : i32
          %mul3A_294 = arith.muli %while3A_248, %mul3A_293 : i32
          %add3A_295 = arith.addi %mul3A_294, %scan3A_292 : i32
          %get3A_296 = arith.index_cast %add3A_295 : i32 to index
          %get3A_297 = tpu.vector_load %arg11[%get3A_296] {strides = array<i32>} : memref<4064xi32, #tpu.memory_space<vmem>>, vector<16xi32>,
          %eq3A = arith.constant 0 : i32
          %eq3A_298 = vector.broadcast %eq3A : i32 to vector<16xi32>
          %eq3A_299 = arith.cmpi eq, %iota3A, %eq3A_298 : vector<16xi32>
          %jit3A_300 = arith.constant 0 : i32
          %broadcast_in_dim3A_301 = vector.broadcast %jit3A_300 : i32 to vector<16xi32>
          %select_n3A_302 = arith.select %eq3A_299, %get3A_297, %broadcast_in_dim3A_301 : vector<16xi1>, vector<16xi32>
          %reduce_sum3A = arith.constant true
          %reduce_sum3A_303 = vector.broadcast %reduce_sum3A : i1 to vector<16xi1>
          %reduce_sum3A_304 = tpu.scan <sum>, %select_n3A_302 masked %reduce_sum3A_303 : vector<16xi32>, vector<16xi1> -> vector<16xi32>
          %reduce_sum3A_305 = vector.extract %reduce_sum3A_304[15] : i32 from vector<16xi32>
          %get3A_306 = arith.index_cast %scan3A_292 : i32 to index
          %get3A_307 = arith.constant 0 : index
          %get3A_308 = tpu.vector_load %arg13[%get3A_306, %get3A_307] {strides = array<i32>} : memref<64x128xi32, #tpu.memory_space<vmem>>, vector<16xi32>,
          %shift_left3A = arith.constant 16 : i32
          %shift_left3A_309 = vector.broadcast %shift_left3A : i32 to vector<16xi32>
          %shift_left3A_310 = arith.shli %get3A_308, %shift_left3A_309 : vector<16xi32>
          %bitcast_convert_type3A = tpu.bitcast %shift_left3A_310 : vector<16xi32> -> vector<16xf32>
          %and3A_311 = arith.constant -65536 : i32
          %and3A_312 = vector.broadcast %and3A_311 : i32 to vector<16xi32>
          %and3A_313 = arith.andi %get3A_308, %and3A_312 : vector<16xi32>
          %bitcast_convert_type3A_314 = tpu.bitcast %and3A_313 : vector<16xi32> -> vector<16xf32>
          %swap3A_315 = arith.index_cast %reduce_sum3A_305 : i32 to index
          %swap3A_316 = arith.constant 0 : index
          %swap3A_317 = tpu.vector_load %arg14[%swap3A_315, %swap3A_316] {strides = array<i32>} : memref<321x256xf32, #tpu.memory_space<vmem>>, vector<16xf32>,
          tpu.vector_store %arg14[%swap3A_315, %swap3A_316], %bitcast_convert_type3A {add = true, strides = array<i32>} : memref<321x256xf32, #tpu.memory_space<vmem>>, vector<16xf32>,
          %swap3A_318 = arith.index_cast %reduce_sum3A_305 : i32 to index
          %swap3A_319 = arith.constant 128 : index
          %swap3A_320 = tpu.vector_load %arg14[%swap3A_318, %swap3A_319] {strides = array<i32>} : memref<321x256xf32, #tpu.memory_space<vmem>>, vector<16xf32>,
          tpu.vector_store %arg14[%swap3A_318, %swap3A_319], %bitcast_convert_type3A_314 {add = true, strides = array<i32>} : memref<321x256xf32, #tpu.memory_space<vmem>>, vector<16xf32>,
          %get3A_321 = arith.index_cast %scan3A_292 : i32 to index
          %get3A_322 = arith.constant 16 : index
          %get3A_323 = tpu.vector_load %arg13[%get3A_321, %get3A_322] {strides = array<i32>} : memref<64x128xi32, #tpu.memory_space<vmem>>, vector<16xi32>,
          %shift_left3A_324 = arith.constant 16 : i32
          %shift_left3A_325 = vector.broadcast %shift_left3A_324 : i32 to vector<16xi32>
          %shift_left3A_326 = arith.shli %get3A_323, %shift_left3A_325 : vector<16xi32>
          %bitcast_convert_type3A_327 = tpu.bitcast %shift_left3A_326 : vector<16xi32> -> vector<16xf32>
          %and3A_328 = arith.constant -65536 : i32
          %and3A_329 = vector.broadcast %and3A_328 : i32 to vector<16xi32>
          %and3A_330 = arith.andi %get3A_323, %and3A_329 : vector<16xi32>
          %bitcast_convert_type3A_331 = tpu.bitcast %and3A_330 : vector<16xi32> -> vector<16xf32>
          %swap3A_332 = arith.index_cast %reduce_sum3A_305 : i32 to index
          %swap3A_333 = arith.constant 16 : index
          %swap3A_334 = tpu.vector_load %arg14[%swap3A_332, %swap3A_333] {strides = array<i32>} : memref<321x256xf32, #tpu.memory_space<vmem>>, vector<16xf32>,
          tpu.vector_store %arg14[%swap3A_332, %swap3A_333], %bitcast_convert_type3A_327 {add = true, strides = array<i32>} : memref<321x256xf32, #tpu.memory_space<vmem>>, vector<16xf32>,
          %swap3A_335 = arith.index_cast %reduce_sum3A_305 : i32 to index
          %swap3A_336 = arith.constant 144 : index
          %swap3A_337 = tpu.vector_load %arg14[%swap3A_335, %swap3A_336] {strides = array<i32>} : memref<321x256xf32, #tpu.memory_space<vmem>>, vector<16xf32>,
          tpu.vector_store %arg14[%swap3A_335, %swap3A_336], %bitcast_convert_type3A_331 {add = true, strides = array<i32>} : memref<321x256xf32, #tpu.memory_space<vmem>>, vector<16xf32>,
          %get3A_338 = arith.index_cast %scan3A_292 : i32 to index
          %get3A_339 = arith.constant 32 : index
          %get3A_340 = tpu.vector_load %arg13[%get3A_338, %get3A_339] {strides = array<i32>} : memref<64x128xi32, #tpu.memory_space<vmem>>, vector<16xi32>,
          %shift_left3A_341 = arith.constant 16 : i32
          %shift_left3A_342 = vector.broadcast %shift_left3A_341 : i32 to vector<16xi32>
          %shift_left3A_343 = arith.shli %get3A_340, %shift_left3A_342 : vector<16xi32>
          %bitcast_convert_type3A_344 = tpu.bitcast %shift_left3A_343 : vector<16xi32> -> vector<16xf32>
          %and3A_345 = arith.constant -65536 : i32
          %and3A_346 = vector.broadcast %and3A_345 : i32 to vector<16xi32>
          %and3A_347 = arith.andi %get3A_340, %and3A_346 : vector<16xi32>
          %bitcast_convert_type3A_348 = tpu.bitcast %and3A_347 : vector<16xi32> -> vector<16xf32>
          %swap3A_349 = arith.index_cast %reduce_sum3A_305 : i32 to index
          %swap3A_350 = arith.constant 32 : index
          %swap3A_351 = tpu.vector_load %arg14[%swap3A_349, %swap3A_350] {strides = array<i32>} : memref<321x256xf32, #tpu.memory_space<vmem>>, vector<16xf32>,
          tpu.vector_store %arg14[%swap3A_349, %swap3A_350], %bitcast_convert_type3A_344 {add = true, strides = array<i32>} : memref<321x256xf32, #tpu.memory_space<vmem>>, vector<16xf32>,
          %swap3A_352 = arith.index_cast %reduce_sum3A_305 : i32 to index
          %swap3A_353 = arith.constant 160 : index
          %swap3A_354 = tpu.vector_load %arg14[%swap3A_352, %swap3A_353] {strides = array<i32>} : memref<321x256xf32, #tpu.memory_space<vmem>>, vector<16xf32>,
          tpu.vector_store %arg14[%swap3A_352, %swap3A_353], %bitcast_convert_type3A_348 {add = true, strides = array<i32>} : memref<321x256xf32, #tpu.memory_space<vmem>>, vector<16xf32>,
          %get3A_355 = arith.index_cast %scan3A_292 : i32 to index
          %get3A_356 = arith.constant 48 : index
          %get3A_357 = tpu.vector_load %arg13[%get3A_355, %get3A_356] {strides = array<i32>} : memref<64x128xi32, #tpu.memory_space<vmem>>, vector<16xi32>,
          %shift_left3A_358 = arith.constant 16 : i32
          %shift_left3A_359 = vector.broadcast %shift_left3A_358 : i32 to vector<16xi32>
          %shift_left3A_360 = arith.shli %get3A_357, %shift_left3A_359 : vector<16xi32>
          %bitcast_convert_type3A_361 = tpu.bitcast %shift_left3A_360 : vector<16xi32> -> vector<16xf32>
          %and3A_362 = arith.constant -65536 : i32
          %and3A_363 = vector.broadcast %and3A_362 : i32 to vector<16xi32>
          %and3A_364 = arith.andi %get3A_357, %and3A_363 : vector<16xi32>
          %bitcast_convert_type3A_365 = tpu.bitcast %and3A_364 : vector<16xi32> -> vector<16xf32>
          %swap3A_366 = arith.index_cast %reduce_sum3A_305 : i32 to index
          %swap3A_367 = arith.constant 48 : index
          %swap3A_368 = tpu.vector_load %arg14[%swap3A_366, %swap3A_367] {strides = array<i32>} : memref<321x256xf32, #tpu.memory_space<vmem>>, vector<16xf32>,
          tpu.vector_store %arg14[%swap3A_366, %swap3A_367], %bitcast_convert_type3A_361 {add = true, strides = array<i32>} : memref<321x256xf32, #tpu.memory_space<vmem>>, vector<16xf32>,
          %swap3A_369 = arith.index_cast %reduce_sum3A_305 : i32 to index
          %swap3A_370 = arith.constant 176 : index
          %swap3A_371 = tpu.vector_load %arg14[%swap3A_369, %swap3A_370] {strides = array<i32>} : memref<321x256xf32, #tpu.memory_space<vmem>>, vector<16xf32>,
          tpu.vector_store %arg14[%swap3A_369, %swap3A_370], %bitcast_convert_type3A_365 {add = true, strides = array<i32>} : memref<321x256xf32, #tpu.memory_space<vmem>>, vector<16xf32>,
          %get3A_372 = arith.index_cast %scan3A_292 : i32 to index
          %get3A_373 = arith.constant 64 : index
          %get3A_374 = tpu.vector_load %arg13[%get3A_372, %get3A_373] {strides = array<i32>} : memref<64x128xi32, #tpu.memory_space<vmem>>, vector<16xi32>,
          %shift_left3A_375 = arith.constant 16 : i32
          %shift_left3A_376 = vector.broadcast %shift_left3A_375 : i32 to vector<16xi32>
          %shift_left3A_377 = arith.shli %get3A_374, %shift_left3A_376 : vector<16xi32>
          %bitcast_convert_type3A_378 = tpu.bitcast %shift_left3A_377 : vector<16xi32> -> vector<16xf32>
          %and3A_379 = arith.constant -65536 : i32
          %and3A_380 = vector.broadcast %and3A_379 : i32 to vector<16xi32>
          %and3A_381 = arith.andi %get3A_374, %and3A_380 : vector<16xi32>
          %bitcast_convert_type3A_382 = tpu.bitcast %and3A_381 : vector<16xi32> -> vector<16xf32>
          %swap3A_383 = arith.index_cast %reduce_sum3A_305 : i32 to index
          %swap3A_384 = arith.constant 64 : index
          %swap3A_385 = tpu.vector_load %arg14[%swap3A_383, %swap3A_384] {strides = array<i32>} : memref<321x256xf32, #tpu.memory_space<vmem>>, vector<16xf32>,
          tpu.vector_store %arg14[%swap3A_383, %swap3A_384], %bitcast_convert_type3A_378 {add = true, strides = array<i32>} : memref<321x256xf32, #tpu.memory_space<vmem>>, vector<16xf32>,
          %swap3A_386 = arith.index_cast %reduce_sum3A_305 : i32 to index
          %swap3A_387 = arith.constant 192 : index
          %swap3A_388 = tpu.vector_load %arg14[%swap3A_386, %swap3A_387] {strides = array<i32>} : memref<321x256xf32, #tpu.memory_space<vmem>>, vector<16xf32>,
          tpu.vector_store %arg14[%swap3A_386, %swap3A_387], %bitcast_convert_type3A_382 {add = true, strides = array<i32>} : memref<321x256xf32, #tpu.memory_space<vmem>>, vector<16xf32>,
          %get3A_389 = arith.index_cast %scan3A_292 : i32 to index
          %get3A_390 = arith.constant 80 : index
          %get3A_391 = tpu.vector_load %arg13[%get3A_389, %get3A_390] {strides = array<i32>} : memref<64x128xi32, #tpu.memory_space<vmem>>, vector<16xi32>,
          %shift_left3A_392 = arith.constant 16 : i32
          %shift_left3A_393 = vector.broadcast %shift_left3A_392 : i32 to vector<16xi32>
          %shift_left3A_394 = arith.shli %get3A_391, %shift_left3A_393 : vector<16xi32>
          %bitcast_convert_type3A_395 = tpu.bitcast %shift_left3A_394 : vector<16xi32> -> vector<16xf32>
          %and3A_396 = arith.constant -65536 : i32
          %and3A_397 = vector.broadcast %and3A_396 : i32 to vector<16xi32>
          %and3A_398 = arith.andi %get3A_391, %and3A_397 : vector<16xi32>
          %bitcast_convert_type3A_399 = tpu.bitcast %and3A_398 : vector<16xi32> -> vector<16xf32>
          %swap3A_400 = arith.index_cast %reduce_sum3A_305 : i32 to index
          %swap3A_401 = arith.constant 80 : index
          %swap3A_402 = tpu.vector_load %arg14[%swap3A_400, %swap3A_401] {strides = array<i32>} : memref<321x256xf32, #tpu.memory_space<vmem>>, vector<16xf32>,
          tpu.vector_store %arg14[%swap3A_400, %swap3A_401], %bitcast_convert_type3A_395 {add = true, strides = array<i32>} : memref<321x256xf32, #tpu.memory_space<vmem>>, vector<16xf32>,
          %swap3A_403 = arith.index_cast %reduce_sum3A_305 : i32 to index
          %swap3A_404 = arith.constant 208 : index
          %swap3A_405 = tpu.vector_load %arg14[%swap3A_403, %swap3A_404] {strides = array<i32>} : memref<321x256xf32, #tpu.memory_space<vmem>>, vector<16xf32>,
          tpu.vector_store %arg14[%swap3A_403, %swap3A_404], %bitcast_convert_type3A_399 {add = true, strides = array<i32>} : memref<321x256xf32, #tpu.memory_space<vmem>>, vector<16xf32>,
          %get3A_406 = arith.index_cast %scan3A_292 : i32 to index
          %get3A_407 = arith.constant 96 : index
          %get3A_408 = tpu.vector_load %arg13[%get3A_406, %get3A_407] {strides = array<i32>} : memref<64x128xi32, #tpu.memory_space<vmem>>, vector<16xi32>,
          %shift_left3A_409 = arith.constant 16 : i32
          %shift_left3A_410 = vector.broadcast %shift_left3A_409 : i32 to vector<16xi32>
          %shift_left3A_411 = arith.shli %get3A_408, %shift_left3A_410 : vector<16xi32>
          %bitcast_convert_type3A_412 = tpu.bitcast %shift_left3A_411 : vector<16xi32> -> vector<16xf32>
          %and3A_413 = arith.constant -65536 : i32
          %and3A_414 = vector.broadcast %and3A_413 : i32 to vector<16xi32>
          %and3A_415 = arith.andi %get3A_408, %and3A_414 : vector<16xi32>
          %bitcast_convert_type3A_416 = tpu.bitcast %and3A_415 : vector<16xi32> -> vector<16xf32>
          %swap3A_417 = arith.index_cast %reduce_sum3A_305 : i32 to index
          %swap3A_418 = arith.constant 96 : index
          %swap3A_419 = tpu.vector_load %arg14[%swap3A_417, %swap3A_418] {strides = array<i32>} : memref<321x256xf32, #tpu.memory_space<vmem>>, vector<16xf32>,
          tpu.vector_store %arg14[%swap3A_417, %swap3A_418], %bitcast_convert_type3A_412 {add = true, strides = array<i32>} : memref<321x256xf32, #tpu.memory_space<vmem>>, vector<16xf32>,
          %swap3A_420 = arith.index_cast %reduce_sum3A_305 : i32 to index
          %swap3A_421 = arith.constant 224 : index
          %swap3A_422 = tpu.vector_load %arg14[%swap3A_420, %swap3A_421] {strides = array<i32>} : memref<321x256xf32, #tpu.memory_space<vmem>>, vector<16xf32>,
          tpu.vector_store %arg14[%swap3A_420, %swap3A_421], %bitcast_convert_type3A_416 {add = true, strides = array<i32>} : memref<321x256xf32, #tpu.memory_space<vmem>>, vector<16xf32>,
          %get3A_423 = arith.index_cast %scan3A_292 : i32 to index
          %get3A_424 = arith.constant 112 : index
          %get3A_425 = tpu.vector_load %arg13[%get3A_423, %get3A_424] {strides = array<i32>} : memref<64x128xi32, #tpu.memory_space<vmem>>, vector<16xi32>,
          %shift_left3A_426 = arith.constant 16 : i32
          %shift_left3A_427 = vector.broadcast %shift_left3A_426 : i32 to vector<16xi32>
          %shift_left3A_428 = arith.shli %get3A_425, %shift_left3A_427 : vector<16xi32>
          %bitcast_convert_type3A_429 = tpu.bitcast %shift_left3A_428 : vector<16xi32> -> vector<16xf32>
          %and3A_430 = arith.constant -65536 : i32
          %and3A_431 = vector.broadcast %and3A_430 : i32 to vector<16xi32>
          %and3A_432 = arith.andi %get3A_425, %and3A_431 : vector<16xi32>
          %bitcast_convert_type3A_433 = tpu.bitcast %and3A_432 : vector<16xi32> -> vector<16xf32>
          %swap3A_434 = arith.index_cast %reduce_sum3A_305 : i32 to index
          %swap3A_435 = arith.constant 112 : index
          %swap3A_436 = tpu.vector_load %arg14[%swap3A_434, %swap3A_435] {strides = array<i32>} : memref<321x256xf32, #tpu.memory_space<vmem>>, vector<16xf32>,
          tpu.vector_store %arg14[%swap3A_434, %swap3A_435], %bitcast_convert_type3A_429 {add = true, strides = array<i32>} : memref<321x256xf32, #tpu.memory_space<vmem>>, vector<16xf32>,
          %swap3A_437 = arith.index_cast %reduce_sum3A_305 : i32 to index
          %swap3A_438 = arith.constant 240 : index
          %swap3A_439 = tpu.vector_load %arg14[%swap3A_437, %swap3A_438] {strides = array<i32>} : memref<321x256xf32, #tpu.memory_space<vmem>>, vector<16xf32>,
          tpu.vector_store %arg14[%swap3A_437, %swap3A_438], %bitcast_convert_type3A_433 {add = true, strides = array<i32>} : memref<321x256xf32, #tpu.memory_space<vmem>>, vector<16xf32>,
        }
        %scan3A_291 = arith.constant 64 : i32
      }
      %while3A_132 = arith.constant 1 : i32
      scf.for %while3A_248 = %while3A_130 to %while3A_126 step %while3A_132  : i32 {
        %mul3A_249 = arith.constant 64 : i32
        %mul3A_250 = arith.muli %while3A_248, %mul3A_249 : i32
        %add3A_251 = arith.constant 0 : i32
        %add3A_252 = arith.addi %mul3A_250, %add3A_251 : i32
        %get3A = arith.index_cast %add3A_252 : i32 to index
        %get3A_253 = tpu.vector_load %arg10[%get3A] {strides = array<i32>} : memref<4064xi32, #tpu.memory_space<vmem>>, vector<16xi32>,
        %swap3A_254 = arith.constant 0 : index
        %swap3A_255 = tpu.vector_load %arg12[%swap3A_254] {strides = array<i32>} : memref<64xi32, #tpu.memory_space<vmem>>, vector<16xi32>,
        tpu.vector_store %arg12[%swap3A_254], %get3A_253 {strides = array<i32>} : memref<64xi32, #tpu.memory_space<vmem>>, vector<16xi32>,
        %mul3A_256 = arith.constant 64 : i32
        %mul3A_257 = arith.muli %while3A_248, %mul3A_256 : i32
        %add3A_258 = arith.constant 16 : i32
        %add3A_259 = arith.addi %mul3A_257, %add3A_258 : i32
        %get3A_260 = arith.index_cast %add3A_259 : i32 to index
        %get3A_261 = tpu.vector_load %arg10[%get3A_260] {strides = array<i32>} : memref<4064xi32, #tpu.memory_space<vmem>>, vector<16xi32>,
        %swap3A_262 = arith.constant 16 : index
        %swap3A_263 = tpu.vector_load %arg12[%swap3A_262] {strides = array<i32>} : memref<64xi32, #tpu.memory_space<vmem>>, vector<16xi32>,
        tpu.vector_store %arg12[%swap3A_262], %get3A_261 {strides = array<i32>} : memref<64xi32, #tpu.memory_space<vmem>>, vector<16xi32>,
        %mul3A_264 = arith.constant 64 : i32
        %mul3A_265 = arith.muli %while3A_248, %mul3A_264 : i32
        %add3A_266 = arith.constant 32 : i32
        %add3A_267 = arith.addi %mul3A_265, %add3A_266 : i32
        %get3A_268 = arith.index_cast %add3A_267 : i32 to index
        %get3A_269 = tpu.vector_load %arg10[%get3A_268] {strides = array<i32>} : memref<4064xi32, #tpu.memory_space<vmem>>, vector<16xi32>,
        %swap3A_270 = arith.constant 32 : index
        %swap3A_271 = tpu.vector_load %arg12[%swap3A_270] {strides = array<i32>} : memref<64xi32, #tpu.memory_space<vmem>>, vector<16xi32>,
        tpu.vector_store %arg12[%swap3A_270], %get3A_269 {strides = array<i32>} : memref<64xi32, #tpu.memory_space<vmem>>, vector<16xi32>,
        %mul3A_272 = arith.constant 64 : i32
        %mul3A_273 = arith.muli %while3A_248, %mul3A_272 : i32
        %add3A_274 = arith.constant 48 : i32
        %add3A_275 = arith.addi %mul3A_273, %add3A_274 : i32
        %get3A_276 = arith.index_cast %add3A_275 : i32 to index
        %get3A_277 = tpu.vector_load %arg10[%get3A_276] {strides = array<i32>} : memref<4064xi32, #tpu.memory_space<vmem>>, vector<16xi32>,
        %swap3A_278 = arith.constant 48 : index
        %swap3A_279 = tpu.vector_load %arg12[%swap3A_278] {strides = array<i32>} : memref<64xi32, #tpu.memory_space<vmem>>, vector<16xi32>,
        tpu.vector_store %arg12[%swap3A_278], %get3A_277 {strides = array<i32>} : memref<64xi32, #tpu.memory_space<vmem>>, vector<16xi32>,
        %dma_start3A_280 = arith.constant 0 : i32
        %dma_start3A_281 = arith.constant 0 : i32
        %dma_start3A_282 = tpu.memref_slice %arg4[%dma_start3A_280, %dma_start3A_281] : memref<10000x128xi32, #tpu.memory_space<hbm>> -> memref<10000x128xi32, #tpu.memory_space<hbm>>
        tpu.enqueue_indirect_dma source(%dma_start3A_282 : memref<10000x128xi32, #tpu.memory_space<hbm>>) target(%arg13 : memref<64x128xi32, #tpu.memory_space<vmem>>) offsets(%arg12 : memref<64xi32, #tpu.memory_space<vmem>>) semaphore(%arg19 : memref<!tpu.dma_semaphore, #tpu.memory_space<semaphore_mem>>)
        %dma_wait3A_283 = arith.constant 0 : i32
        %dma_wait3A_284 = arith.constant 0 : i32
        %dma_wait3A_285 = tpu.memref_slice %arg4[%dma_wait3A_283, %dma_wait3A_284] : memref<10000x128xi32, #tpu.memory_space<hbm>> -> memref<10000x128xi32, #tpu.memory_space<hbm>>
        tpu.wait_indirect_dma semaphore(%arg19 : memref<!tpu.dma_semaphore, #tpu.memory_space<semaphore_mem>>) src(%dma_wait3A_285 : memref<10000x128xi32, #tpu.memory_space<hbm>>) dst(%arg13 : memref<64x128xi32, #tpu.memory_space<vmem>>)
        %scan3A_286 = arith.constant 0 : i32
        %scan3A_287 = arith.constant 0 : i32
        %scan3A_288 = arith.constant 64 : i32
        %scan3A_289 = arith.addi %scan3A_287, %scan3A_288 : i32
        %scan3A_290 = arith.constant 1 : i32
        scf.for %scan3A_292 = %scan3A_287 to %scan3A_289 step %scan3A_290  : i32 {
          %mul3A_293 = arith.constant 64 : i32
          %mul3A_294 = arith.muli %while3A_248, %mul3A_293 : i32
          %add3A_295 = arith.addi %mul3A_294, %scan3A_292 : i32
          %get3A_296 = arith.index_cast %add3A_295 : i32 to index
          %get3A_297 = tpu.vector_load %arg11[%get3A_296] {strides = array<i32>} : memref<4064xi32, #tpu.memory_space<vmem>>, vector<16xi32>,
          %eq3A = arith.constant 0 : i32
          %eq3A_298 = vector.broadcast %eq3A : i32 to vector<16xi32>
          %eq3A_299 = arith.cmpi eq, %iota3A, %eq3A_298 : vector<16xi32>
          %jit3A_300 = arith.constant 0 : i32
          %broadcast_in_dim3A_301 = vector.broadcast %jit3A_300 : i32 to vector<16xi32>
          %select_n3A_302 = arith.select %eq3A_299, %get3A_297, %broadcast_in_dim3A_301 : vector<16xi1>, vector<16xi32>
          %reduce_sum3A = arith.constant true
          %reduce_sum3A_303 = vector.broadcast %reduce_sum3A : i1 to vector<16xi1>
          %reduce_sum3A_304 = tpu.scan <sum>, %select_n3A_302 masked %reduce_sum3A_303 : vector<16xi32>, vector<16xi1> -> vector<16xi32>
          %reduce_sum3A_305 = vector.extract %reduce_sum3A_304[15] : i32 from vector<16xi32>
          %get3A_306 = arith.index_cast %scan3A_292 : i32 to index
          %get3A_307 = arith.constant 0 : index
          %get3A_308 = tpu.vector_load %arg13[%get3A_306, %get3A_307] {strides = array<i32>} : memref<64x128xi32, #tpu.memory_space<vmem>>, vector<16xi32>,
          %shift_left3A = arith.constant 16 : i32
          %shift_left3A_309 = vector.broadcast %shift_left3A : i32 to vector<16xi32>
          %shift_left3A_310 = arith.shli %get3A_308, %shift_left3A_309 : vector<16xi32>
          %bitcast_convert_type3A = tpu.bitcast %shift_left3A_310 : vector<16xi32> -> vector<16xf32>
          %and3A_311 = arith.constant -65536 : i32
          %and3A_312 = vector.broadcast %and3A_311 : i32 to vector<16xi32>
          %and3A_313 = arith.andi %get3A_308, %and3A_312 : vector<16xi32>
          %bitcast_convert_type3A_314 = tpu.bitcast %and3A_313 : vector<16xi32> -> vector<16xf32>
          %swap3A_315 = arith.index_cast %reduce_sum3A_305 : i32 to index
          %swap3A_316 = arith.constant 0 : index
          %swap3A_317 = tpu.vector_load %arg14[%swap3A_315, %swap3A_316] {strides = array<i32>} : memref<321x256xf32, #tpu.memory_space<vmem>>, vector<16xf32>,
          tpu.vector_store %arg14[%swap3A_315, %swap3A_316], %bitcast_convert_type3A {add = true, strides = array<i32>} : memref<321x256xf32, #tpu.memory_space<vmem>>, vector<16xf32>,
          %swap3A_318 = arith.index_cast %reduce_sum3A_305 : i32 to index
          %swap3A_319 = arith.constant 128 : index
          %swap3A_320 = tpu.vector_load %arg14[%swap3A_318, %swap3A_319] {strides = array<i32>} : memref<321x256xf32, #tpu.memory_space<vmem>>, vector<16xf32>,
          tpu.vector_store %arg14[%swap3A_318, %swap3A_319], %bitcast_convert_type3A_314 {add = true, strides = array<i32>} : memref<321x256xf32, #tpu.memory_space<vmem>>, vector<16xf32>,
          %get3A_321 = arith.index_cast %scan3A_292 : i32 to index
          %get3A_322 = arith.constant 16 : index
          %get3A_323 = tpu.vector_load %arg13[%get3A_321, %get3A_322] {strides = array<i32>} : memref<64x128xi32, #tpu.memory_space<vmem>>, vector<16xi32>,
          %shift_left3A_324 = arith.constant 16 : i32
          %shift_left3A_325 = vector.broadcast %shift_left3A_324 : i32 to vector<16xi32>
          %shift_left3A_326 = arith.shli %get3A_323, %shift_left3A_325 : vector<16xi32>
          %bitcast_convert_type3A_327 = tpu.bitcast %shift_left3A_326 : vector<16xi32> -> vector<16xf32>
          %and3A_328 = arith.constant -65536 : i32
          %and3A_329 = vector.broadcast %and3A_328 : i32 to vector<16xi32>
          %and3A_330 = arith.andi %get3A_323, %and3A_329 : vector<16xi32>
          %bitcast_convert_type3A_331 = tpu.bitcast %and3A_330 : vector<16xi32> -> vector<16xf32>
          %swap3A_332 = arith.index_cast %reduce_sum3A_305 : i32 to index
          %swap3A_333 = arith.constant 16 : index
          %swap3A_334 = tpu.vector_load %arg14[%swap3A_332, %swap3A_333] {strides = array<i32>} : memref<321x256xf32, #tpu.memory_space<vmem>>, vector<16xf32>,
          tpu.vector_store %arg14[%swap3A_332, %swap3A_333], %bitcast_convert_type3A_327 {add = true, strides = array<i32>} : memref<321x256xf32, #tpu.memory_space<vmem>>, vector<16xf32>,
          %swap3A_335 = arith.index_cast %reduce_sum3A_305 : i32 to index
          %swap3A_336 = arith.constant 144 : index
          %swap3A_337 = tpu.vector_load %arg14[%swap3A_335, %swap3A_336] {strides = array<i32>} : memref<321x256xf32, #tpu.memory_space<vmem>>, vector<16xf32>,
          tpu.vector_store %arg14[%swap3A_335, %swap3A_336], %bitcast_convert_type3A_331 {add = true, strides = array<i32>} : memref<321x256xf32, #tpu.memory_space<vmem>>, vector<16xf32>,
          %get3A_338 = arith.index_cast %scan3A_292 : i32 to index
          %get3A_339 = arith.constant 32 : index
          %get3A_340 = tpu.vector_load %arg13[%get3A_338, %get3A_339] {strides = array<i32>} : memref<64x128xi32, #tpu.memory_space<vmem>>, vector<16xi32>,
          %shift_left3A_341 = arith.constant 16 : i32
          %shift_left3A_342 = vector.broadcast %shift_left3A_341 : i32 to vector<16xi32>
          %shift_left3A_343 = arith.shli %get3A_340, %shift_left3A_342 : vector<16xi32>
          %bitcast_convert_type3A_344 = tpu.bitcast %shift_left3A_343 : vector<16xi32> -> vector<16xf32>
          %and3A_345 = arith.constant -65536 : i32
          %and3A_346 = vector.broadcast %and3A_345 : i32 to vector<16xi32>
          %and3A_347 = arith.andi %get3A_340, %and3A_346 : vector<16xi32>
          %bitcast_convert_type3A_348 = tpu.bitcast %and3A_347 : vector<16xi32> -> vector<16xf32>
          %swap3A_349 = arith.index_cast %reduce_sum3A_305 : i32 to index
          %swap3A_350 = arith.constant 32 : index
          %swap3A_351 = tpu.vector_load %arg14[%swap3A_349, %swap3A_350] {strides = array<i32>} : memref<321x256xf32, #tpu.memory_space<vmem>>, vector<16xf32>,
          tpu.vector_store %arg14[%swap3A_349, %swap3A_350], %bitcast_convert_type3A_344 {add = true, strides = array<i32>} : memref<321x256xf32, #tpu.memory_space<vmem>>, vector<16xf32>,
          %swap3A_352 = arith.index_cast %reduce_sum3A_305 : i32 to index
          %swap3A_353 = arith.constant 160 : index
          %swap3A_354 = tpu.vector_load %arg14[%swap3A_352, %swap3A_353] {strides = array<i32>} : memref<321x256xf32, #tpu.memory_space<vmem>>, vector<16xf32>,
          tpu.vector_store %arg14[%swap3A_352, %swap3A_353], %bitcast_convert_type3A_348 {add = true, strides = array<i32>} : memref<321x256xf32, #tpu.memory_space<vmem>>, vector<16xf32>,
          %get3A_355 = arith.index_cast %scan3A_292 : i32 to index
          %get3A_356 = arith.constant 48 : index
          %get3A_357 = tpu.vector_load %arg13[%get3A_355, %get3A_356] {strides = array<i32>} : memref<64x128xi32, #tpu.memory_space<vmem>>, vector<16xi32>,
          %shift_left3A_358 = arith.constant 16 : i32
          %shift_left3A_359 = vector.broadcast %shift_left3A_358 : i32 to vector<16xi32>
          %shift_left3A_360 = arith.shli %get3A_357, %shift_left3A_359 : vector<16xi32>
          %bitcast_convert_type3A_361 = tpu.bitcast %shift_left3A_360 : vector<16xi32> -> vector<16xf32>
          %and3A_362 = arith.constant -65536 : i32
          %and3A_363 = vector.broadcast %and3A_362 : i32 to vector<16xi32>
          %and3A_364 = arith.andi %get3A_357, %and3A_363 : vector<16xi32>
          %bitcast_convert_type3A_365 = tpu.bitcast %and3A_364 : vector<16xi32> -> vector<16xf32>
          %swap3A_366 = arith.index_cast %reduce_sum3A_305 : i32 to index
          %swap3A_367 = arith.constant 48 : index
          %swap3A_368 = tpu.vector_load %arg14[%swap3A_366, %swap3A_367] {strides = array<i32>} : memref<321x256xf32, #tpu.memory_space<vmem>>, vector<16xf32>,
          tpu.vector_store %arg14[%swap3A_366, %swap3A_367], %bitcast_convert_type3A_361 {add = true, strides = array<i32>} : memref<321x256xf32, #tpu.memory_space<vmem>>, vector<16xf32>,
          %swap3A_369 = arith.index_cast %reduce_sum3A_305 : i32 to index
          %swap3A_370 = arith.constant 176 : index
          %swap3A_371 = tpu.vector_load %arg14[%swap3A_369, %swap3A_370] {strides = array<i32>} : memref<321x256xf32, #tpu.memory_space<vmem>>, vector<16xf32>,
          tpu.vector_store %arg14[%swap3A_369, %swap3A_370], %bitcast_convert_type3A_365 {add = true, strides = array<i32>} : memref<321x256xf32, #tpu.memory_space<vmem>>, vector<16xf32>,
          %get3A_372 = arith.index_cast %scan3A_292 : i32 to index
          %get3A_373 = arith.constant 64 : index
          %get3A_374 = tpu.vector_load %arg13[%get3A_372, %get3A_373] {strides = array<i32>} : memref<64x128xi32, #tpu.memory_space<vmem>>, vector<16xi32>,
          %shift_left3A_375 = arith.constant 16 : i32
          %shift_left3A_376 = vector.broadcast %shift_left3A_375 : i32 to vector<16xi32>
          %shift_left3A_377 = arith.shli %get3A_374, %shift_left3A_376 : vector<16xi32>
          %bitcast_convert_type3A_378 = tpu.bitcast %shift_left3A_377 : vector<16xi32> -> vector<16xf32>
          %and3A_379 = arith.constant -65536 : i32
          %and3A_380 = vector.broadcast %and3A_379 : i32 to vector<16xi32>
          %and3A_381 = arith.andi %get3A_374, %and3A_380 : vector<16xi32>
          %bitcast_convert_type3A_382 = tpu.bitcast %and3A_381 : vector<16xi32> -> vector<16xf32>
          %swap3A_383 = arith.index_cast %reduce_sum3A_305 : i32 to index
          %swap3A_384 = arith.constant 64 : index
          %swap3A_385 = tpu.vector_load %arg14[%swap3A_383, %swap3A_384] {strides = array<i32>} : memref<321x256xf32, #tpu.memory_space<vmem>>, vector<16xf32>,
          tpu.vector_store %arg14[%swap3A_383, %swap3A_384], %bitcast_convert_type3A_378 {add = true, strides = array<i32>} : memref<321x256xf32, #tpu.memory_space<vmem>>, vector<16xf32>,
          %swap3A_386 = arith.index_cast %reduce_sum3A_305 : i32 to index
          %swap3A_387 = arith.constant 192 : index
          %swap3A_388 = tpu.vector_load %arg14[%swap3A_386, %swap3A_387] {strides = array<i32>} : memref<321x256xf32, #tpu.memory_space<vmem>>, vector<16xf32>,
          tpu.vector_store %arg14[%swap3A_386, %swap3A_387], %bitcast_convert_type3A_382 {add = true, strides = array<i32>} : memref<321x256xf32, #tpu.memory_space<vmem>>, vector<16xf32>,
          %get3A_389 = arith.index_cast %scan3A_292 : i32 to index
          %get3A_390 = arith.constant 80 : index
          %get3A_391 = tpu.vector_load %arg13[%get3A_389, %get3A_390] {strides = array<i32>} : memref<64x128xi32, #tpu.memory_space<vmem>>, vector<16xi32>,
          %shift_left3A_392 = arith.constant 16 : i32
          %shift_left3A_393 = vector.broadcast %shift_left3A_392 : i32 to vector<16xi32>
          %shift_left3A_394 = arith.shli %get3A_391, %shift_left3A_393 : vector<16xi32>
          %bitcast_convert_type3A_395 = tpu.bitcast %shift_left3A_394 : vector<16xi32> -> vector<16xf32>
          %and3A_396 = arith.constant -65536 : i32
          %and3A_397 = vector.broadcast %and3A_396 : i32 to vector<16xi32>
          %and3A_398 = arith.andi %get3A_391, %and3A_397 : vector<16xi32>
          %bitcast_convert_type3A_399 = tpu.bitcast %and3A_398 : vector<16xi32> -> vector<16xf32>
          %swap3A_400 = arith.index_cast %reduce_sum3A_305 : i32 to index
          %swap3A_401 = arith.constant 80 : index
          %swap3A_402 = tpu.vector_load %arg14[%swap3A_400, %swap3A_401] {strides = array<i32>} : memref<321x256xf32, #tpu.memory_space<vmem>>, vector<16xf32>,
          tpu.vector_store %arg14[%swap3A_400, %swap3A_401], %bitcast_convert_type3A_395 {add = true, strides = array<i32>} : memref<321x256xf32, #tpu.memory_space<vmem>>, vector<16xf32>,
          %swap3A_403 = arith.index_cast %reduce_sum3A_305 : i32 to index
          %swap3A_404 = arith.constant 208 : index
          %swap3A_405 = tpu.vector_load %arg14[%swap3A_403, %swap3A_404] {strides = array<i32>} : memref<321x256xf32, #tpu.memory_space<vmem>>, vector<16xf32>,
          tpu.vector_store %arg14[%swap3A_403, %swap3A_404], %bitcast_convert_type3A_399 {add = true, strides = array<i32>} : memref<321x256xf32, #tpu.memory_space<vmem>>, vector<16xf32>,
          %get3A_406 = arith.index_cast %scan3A_292 : i32 to index
          %get3A_407 = arith.constant 96 : index
          %get3A_408 = tpu.vector_load %arg13[%get3A_406, %get3A_407] {strides = array<i32>} : memref<64x128xi32, #tpu.memory_space<vmem>>, vector<16xi32>,
          %shift_left3A_409 = arith.constant 16 : i32
          %shift_left3A_410 = vector.broadcast %shift_left3A_409 : i32 to vector<16xi32>
          %shift_left3A_411 = arith.shli %get3A_408, %shift_left3A_410 : vector<16xi32>
          %bitcast_convert_type3A_412 = tpu.bitcast %shift_left3A_411 : vector<16xi32> -> vector<16xf32>
          %and3A_413 = arith.constant -65536 : i32
          %and3A_414 = vector.broadcast %and3A_413 : i32 to vector<16xi32>
          %and3A_415 = arith.andi %get3A_408, %and3A_414 : vector<16xi32>
          %bitcast_convert_type3A_416 = tpu.bitcast %and3A_415 : vector<16xi32> -> vector<16xf32>
          %swap3A_417 = arith.index_cast %reduce_sum3A_305 : i32 to index
          %swap3A_418 = arith.constant 96 : index
          %swap3A_419 = tpu.vector_load %arg14[%swap3A_417, %swap3A_418] {strides = array<i32>} : memref<321x256xf32, #tpu.memory_space<vmem>>, vector<16xf32>,
          tpu.vector_store %arg14[%swap3A_417, %swap3A_418], %bitcast_convert_type3A_412 {add = true, strides = array<i32>} : memref<321x256xf32, #tpu.memory_space<vmem>>, vector<16xf32>,
          %swap3A_420 = arith.index_cast %reduce_sum3A_305 : i32 to index
          %swap3A_421 = arith.constant 224 : index
          %swap3A_422 = tpu.vector_load %arg14[%swap3A_420, %swap3A_421] {strides = array<i32>} : memref<321x256xf32, #tpu.memory_space<vmem>>, vector<16xf32>,
          tpu.vector_store %arg14[%swap3A_420, %swap3A_421], %bitcast_convert_type3A_416 {add = true, strides = array<i32>} : memref<321x256xf32, #tpu.memory_space<vmem>>, vector<16xf32>,
          %get3A_423 = arith.index_cast %scan3A_292 : i32 to index
          %get3A_424 = arith.constant 112 : index
          %get3A_425 = tpu.vector_load %arg13[%get3A_423, %get3A_424] {strides = array<i32>} : memref<64x128xi32, #tpu.memory_space<vmem>>, vector<16xi32>,
          %shift_left3A_426 = arith.constant 16 : i32
          %shift_left3A_427 = vector.broadcast %shift_left3A_426 : i32 to vector<16xi32>
          %shift_left3A_428 = arith.shli %get3A_425, %shift_left3A_427 : vector<16xi32>
          %bitcast_convert_type3A_429 = tpu.bitcast %shift_left3A_428 : vector<16xi32> -> vector<16xf32>
          %and3A_430 = arith.constant -65536 : i32
          %and3A_431 = vector.broadcast %and3A_430 : i32 to vector<16xi32>
          %and3A_432 = arith.andi %get3A_425, %and3A_431 : vector<16xi32>
          %bitcast_convert_type3A_433 = tpu.bitcast %and3A_432 : vector<16xi32> -> vector<16xf32>
          %swap3A_434 = arith.index_cast %reduce_sum3A_305 : i32 to index
          %swap3A_435 = arith.constant 112 : index
          %swap3A_436 = tpu.vector_load %arg14[%swap3A_434, %swap3A_435] {strides = array<i32>} : memref<321x256xf32, #tpu.memory_space<vmem>>, vector<16xf32>,
          tpu.vector_store %arg14[%swap3A_434, %swap3A_435], %bitcast_convert_type3A_429 {add = true, strides = array<i32>} : memref<321x256xf32, #tpu.memory_space<vmem>>, vector<16xf32>,
          %swap3A_437 = arith.index_cast %reduce_sum3A_305 : i32 to index
          %swap3A_438 = arith.constant 240 : index
          %swap3A_439 = tpu.vector_load %arg14[%swap3A_437, %swap3A_438] {strides = array<i32>} : memref<321x256xf32, #tpu.memory_space<vmem>>, vector<16xf32>,
          tpu.vector_store %arg14[%swap3A_437, %swap3A_438], %bitcast_convert_type3A_433 {add = true, strides = array<i32>} : memref<321x256xf32, #tpu.memory_space<vmem>>, vector<16xf32>,
        }
        %scan3A_291 = arith.constant 64 : i32
      }
      %add3A_133 = arith.constant 2 : i32
      %add3A_134 = arith.addi %mul3A_32, %add3A_133 : i32
      %rem3A_135 = arith.constant 40 : i32
      %rem3A_136 = arith.remsi %add3A_134, %rem3A_135 : i32
      %mul3A_137 = arith.constant 4000 : i32
      %mul3A_138 = arith.muli %rem3A_136, %mul3A_137 : i32
      %dma_start3A_139 = tpu.memref_slice %arg2[%mul3A_138] : memref<160000xi32, #tpu.memory_space<hbm>> -> memref<4000xi32, #tpu.memory_space<hbm>>
      %dma_start3A_140 = tpu.memref_slice %arg2[%mul3A_138] : memref<160000xi32, #tpu.memory_space<hbm>> -> memref<4000xi32, #tpu.memory_space<hbm>>
      tpu.enqueue_dma source(%dma_start3A_140 : memref<4000xi32, #tpu.memory_space<hbm>>) target(%arg6 : memref<4000xi32, #tpu.memory_space<vmem>>) target_semaphore(%arg15 : memref<!tpu.dma_semaphore, #tpu.memory_space<semaphore_mem>>)
      %mul3A_141 = arith.constant 4000 : i32
      %mul3A_142 = arith.muli %rem3A_136, %mul3A_141 : i32
      %dma_start3A_143 = tpu.memref_slice %arg3[%mul3A_142] : memref<160000xi32, #tpu.memory_space<hbm>> -> memref<4000xi32, #tpu.memory_space<hbm>>
      %dma_start3A_144 = tpu.memref_slice %arg3[%mul3A_142] : memref<160000xi32, #tpu.memory_space<hbm>> -> memref<4000xi32, #tpu.memory_space<hbm>>
      tpu.enqueue_dma source(%dma_start3A_144 : memref<4000xi32, #tpu.memory_space<hbm>>) target(%arg7 : memref<4000xi32, #tpu.memory_space<vmem>>) target_semaphore(%arg16 : memref<!tpu.dma_semaphore, #tpu.memory_space<semaphore_mem>>)
      %add3A_145 = arith.constant 1 : i32
      %add3A_146 = arith.addi %mul3A_32, %add3A_145 : i32
      %mul3A_147 = arith.constant 4000 : i32
      %mul3A_148 = arith.muli %add3A_146, %mul3A_147 : i32
      %dma_wait3A_149 = tpu.memref_slice %arg2[%mul3A_148] : memref<160000xi32, #tpu.memory_space<hbm>> -> memref<4000xi32, #tpu.memory_space<hbm>>
      %dma_wait3A_150 = tpu.memref_slice %arg2[%mul3A_148] : memref<160000xi32, #tpu.memory_space<hbm>> -> memref<4000xi32, #tpu.memory_space<hbm>>
      tpu.wait_dma2 semaphore(%arg17 : memref<!tpu.dma_semaphore, #tpu.memory_space<semaphore_mem>>) src(%dma_wait3A_150 : memref<4000xi32, #tpu.memory_space<hbm>>) dst(%arg8 : memref<4000xi32, #tpu.memory_space<vmem>>)
      %mul3A_151 = arith.constant 4000 : i32
      %mul3A_152 = arith.muli %add3A_146, %mul3A_151 : i32
      %dma_wait3A_153 = tpu.memref_slice %arg3[%mul3A_152] : memref<160000xi32, #tpu.memory_space<hbm>> -> memref<4000xi32, #tpu.memory_space<hbm>>
      %dma_wait3A_154 = tpu.memref_slice %arg3[%mul3A_152] : memref<160000xi32, #tpu.memory_space<hbm>> -> memref<4000xi32, #tpu.memory_space<hbm>>
      tpu.wait_dma2 semaphore(%arg18 : memref<!tpu.dma_semaphore, #tpu.memory_space<semaphore_mem>>) src(%dma_wait3A_154 : memref<4000xi32, #tpu.memory_space<hbm>>) dst(%arg9 : memref<4000xi32, #tpu.memory_space<vmem>>)
      %scan3A_155 = arith.constant 0 : i32
      %scan3A_156 = arith.constant 0 : i32
      %scan3A_157 = arith.constant 250 : i32
      %scan3A_158 = arith.addi %scan3A_156, %scan3A_157 : i32
      %scan3A_159 = arith.constant 1 : i32
      %scan3A_160 = scf.for %scan3A_248 = %scan3A_156 to %scan3A_158 step %scan3A_159 iter_args(%scan3A_249 = %scan3A_155) -> (i32)  : i32 {
        %mul3A_250 = arith.constant 16 : i32
        %mul3A_251 = arith.muli %scan3A_248, %mul3A_250 : i32
        %get3A = arith.index_cast %mul3A_251 : i32 to index
        %get3A_252 = tpu.vector_load %arg8[%get3A] {strides = array<i32>} : memref<4000xi32, #tpu.memory_space<vmem>>, vector<16xi32>,
        %mul3A_253 = arith.constant 16 : i32
        %mul3A_254 = arith.muli %scan3A_248, %mul3A_253 : i32
        %get3A_255 = arith.index_cast %mul3A_254 : i32 to index
        %get3A_256 = tpu.vector_load %arg9[%get3A_255] {strides = array<i32>} : memref<4000xi32, #tpu.memory_space<vmem>>, vector<16xi32>,
        %sub3A_257 = vector.broadcast %add3A_4 : i32 to vector<16xi32>
        %sub3A_258 = arith.subi %get3A_256, %sub3A_257 : vector<16xi32>
        %ge3A = arith.constant 0 : i32
        %ge3A_259 = vector.broadcast %ge3A : i32 to vector<16xi32>
        %ge3A_260 = arith.cmpi sge, %sub3A_258, %ge3A_259 : vector<16xi32>
        %lt3A = arith.constant 320 : i32
        %lt3A_261 = vector.broadcast %lt3A : i32 to vector<16xi32>
        %lt3A_262 = arith.cmpi slt, %sub3A_258, %lt3A_261 : vector<16xi32>
        %and3A_263 = arith.andi %ge3A_260, %lt3A_262 : vector<16xi1>
        %convert_element_type3A = arith.extui %and3A_263 : vector<16xi1> to vector<16xi32>
        %broadcast_in_dim3A_264 = arith.constant true
        %broadcast_in_dim3A_265 = vector.broadcast %broadcast_in_dim3A_264 : i1 to vector<16xi1>
        %masked_cumsum3A = tpu.scan <sum>, %convert_element_type3A masked %broadcast_in_dim3A_265 : vector<16xi32>, vector<16xi1> -> vector<16xi32>
        %add3A_266 = vector.broadcast %scan3A_249 : i32 to vector<16xi32>
        %add3A_267 = arith.addi %add3A_266, %masked_cumsum3A : vector<16xi32>
        %sub3A_268 = arith.constant 1 : i32
        %sub3A_269 = vector.broadcast %sub3A_268 : i32 to vector<16xi32>
        %sub3A_270 = arith.subi %add3A_267, %sub3A_269 : vector<16xi32>
        tpu.vector_store_idx %arg10[%sub3A_270], %get3A_252 masked %and3A_263 : memref<4064xi32, #tpu.memory_space<vmem>>[vector<16xi32>], vector<16xi32>, vector<16xi1>
        tpu.vector_store_idx %arg11[%sub3A_270], %sub3A_258 masked %and3A_263 : memref<4064xi32, #tpu.memory_space<vmem>>[vector<16xi32>], vector<16xi32>, vector<16xi1>
        %reduce_sum3A = arith.constant true
        %reduce_sum3A_271 = vector.broadcast %reduce_sum3A : i1 to vector<16xi1>
        %reduce_sum3A_272 = tpu.scan <sum>, %convert_element_type3A masked %reduce_sum3A_271 : vector<16xi32>, vector<16xi1> -> vector<16xi32>
        %reduce_sum3A_273 = vector.extract %reduce_sum3A_272[15] : i32 from vector<16xi32>
        %add3A_274 = arith.addi %scan3A_249, %reduce_sum3A_273 : i32
        scf.yield %add3A_274 : i32
      }
      %scan3A_161 = arith.constant 250 : i32
      %broadcast_in_dim3A_162 = arith.constant 0 : i32
      %broadcast_in_dim3A_163 = vector.broadcast %broadcast_in_dim3A_162 : i32 to vector<16xi32>
      %add3A_164 = arith.constant 0 : i32
      %add3A_165 = arith.addi %scan3A_160, %add3A_164 : i32
      %swap3A_166 = arith.index_cast %add3A_165 : i32 to index
      %swap3A_167 = tpu.vector_load %arg10[%swap3A_166] {strides = array<i32>} : memref<4064xi32, #tpu.memory_space<vmem>>, vector<16xi32>,
      tpu.vector_store %arg10[%swap3A_166], %broadcast_in_dim3A_163 {strides = array<i32>} : memref<4064xi32, #tpu.memory_space<vmem>>, vector<16xi32>,
      %broadcast_in_dim3A_168 = arith.constant 320 : i32
      %broadcast_in_dim3A_169 = vector.broadcast %broadcast_in_dim3A_168 : i32 to vector<16xi32>
      %add3A_170 = arith.constant 0 : i32
      %add3A_171 = arith.addi %scan3A_160, %add3A_170 : i32
      %swap3A_172 = arith.index_cast %add3A_171 : i32 to index
      %swap3A_173 = tpu.vector_load %arg11[%swap3A_172] {strides = array<i32>} : memref<4064xi32, #tpu.memory_space<vmem>>, vector<16xi32>,
      tpu.vector_store %arg11[%swap3A_172], %broadcast_in_dim3A_169 {strides = array<i32>} : memref<4064xi32, #tpu.memory_space<vmem>>, vector<16xi32>,
      %broadcast_in_dim3A_174 = arith.constant 0 : i32
      %broadcast_in_dim3A_175 = vector.broadcast %broadcast_in_dim3A_174 : i32 to vector<16xi32>
      %add3A_176 = arith.constant 16 : i32
      %add3A_177 = arith.addi %scan3A_160, %add3A_176 : i32
      %swap3A_178 = arith.index_cast %add3A_177 : i32 to index
      %swap3A_179 = tpu.vector_load %arg10[%swap3A_178] {strides = array<i32>} : memref<4064xi32, #tpu.memory_space<vmem>>, vector<16xi32>,
      tpu.vector_store %arg10[%swap3A_178], %broadcast_in_dim3A_175 {strides = array<i32>} : memref<4064xi32, #tpu.memory_space<vmem>>, vector<16xi32>,
      %broadcast_in_dim3A_180 = arith.constant 320 : i32
      %broadcast_in_dim3A_181 = vector.broadcast %broadcast_in_dim3A_180 : i32 to vector<16xi32>
      %add3A_182 = arith.constant 16 : i32
      %add3A_183 = arith.addi %scan3A_160, %add3A_182 : i32
      %swap3A_184 = arith.index_cast %add3A_183 : i32 to index
      %swap3A_185 = tpu.vector_load %arg11[%swap3A_184] {strides = array<i32>} : memref<4064xi32, #tpu.memory_space<vmem>>, vector<16xi32>,
      tpu.vector_store %arg11[%swap3A_184], %broadcast_in_dim3A_181 {strides = array<i32>} : memref<4064xi32, #tpu.memory_space<vmem>>, vector<16xi32>,
      %broadcast_in_dim3A_186 = arith.constant 0 : i32
      %broadcast_in_dim3A_187 = vector.broadcast %broadcast_in_dim3A_186 : i32 to vector<16xi32>
      %add3A_188 = arith.constant 32 : i32
      %add3A_189 = arith.addi %scan3A_160, %add3A_188 : i32
      %swap3A_190 = arith.index_cast %add3A_189 : i32 to index
      %swap3A_191 = tpu.vector_load %arg10[%swap3A_190] {strides = array<i32>} : memref<4064xi32, #tpu.memory_space<vmem>>, vector<16xi32>,
      tpu.vector_store %arg10[%swap3A_190], %broadcast_in_dim3A_187 {strides = array<i32>} : memref<4064xi32, #tpu.memory_space<vmem>>, vector<16xi32>,
      %broadcast_in_dim3A_192 = arith.constant 320 : i32
      %broadcast_in_dim3A_193 = vector.broadcast %broadcast_in_dim3A_192 : i32 to vector<16xi32>
      %add3A_194 = arith.constant 32 : i32
      %add3A_195 = arith.addi %scan3A_160, %add3A_194 : i32
      %swap3A_196 = arith.index_cast %add3A_195 : i32 to index
      %swap3A_197 = tpu.vector_load %arg11[%swap3A_196] {strides = array<i32>} : memref<4064xi32, #tpu.memory_space<vmem>>, vector<16xi32>,
      tpu.vector_store %arg11[%swap3A_196], %broadcast_in_dim3A_193 {strides = array<i32>} : memref<4064xi32, #tpu.memory_space<vmem>>, vector<16xi32>,
      %broadcast_in_dim3A_198 = arith.constant 0 : i32
      %broadcast_in_dim3A_199 = vector.broadcast %broadcast_in_dim3A_198 : i32 to vector<16xi32>
      %add3A_200 = arith.constant 48 : i32
      %add3A_201 = arith.addi %scan3A_160, %add3A_200 : i32
      %swap3A_202 = arith.index_cast %add3A_201 : i32 to index
      %swap3A_203 = tpu.vector_load %arg10[%swap3A_202] {strides = array<i32>} : memref<4064xi32, #tpu.memory_space<vmem>>, vector<16xi32>,
      tpu.vector_store %arg10[%swap3A_202], %broadcast_in_dim3A_199 {strides = array<i32>} : memref<4064xi32, #tpu.memory_space<vmem>>, vector<16xi32>,
      %broadcast_in_dim3A_204 = arith.constant 320 : i32
      %broadcast_in_dim3A_205 = vector.broadcast %broadcast_in_dim3A_204 : i32 to vector<16xi32>
      %add3A_206 = arith.constant 48 : i32
      %add3A_207 = arith.addi %scan3A_160, %add3A_206 : i32
      %swap3A_208 = arith.index_cast %add3A_207 : i32 to index
      %swap3A_209 = tpu.vector_load %arg11[%swap3A_208] {strides = array<i32>} : memref<4064xi32, #tpu.memory_space<vmem>>, vector<16xi32>,
      tpu.vector_store %arg11[%swap3A_208], %broadcast_in_dim3A_205 {strides = array<i32>} : memref<4064xi32, #tpu.memory_space<vmem>>, vector<16xi32>,
      %add3A_210 = arith.constant 64 : i32
      %add3A_211 = arith.addi %scan3A_160, %add3A_210 : i32
      %sub3A_212 = arith.constant 1 : i32
      %sub3A_213 = arith.subi %add3A_211, %sub3A_212 : i32
      %jit3A_214 = arith.constant 64 : i32
      %div3A_215 = arith.divsi %sub3A_213, %jit3A_214 : i32
      %sign3A_216 = arith.constant 0 : i32
      %sign3A_217 = arith.cmpi sgt, %sub3A_213, %sign3A_216 : i32
      %sign3A_218 = arith.extui %sign3A_217 : i1 to i32
      %sign3A_219 = arith.constant 0 : i32
      %sign3A_220 = arith.cmpi slt, %sub3A_213, %sign3A_219 : i32
      %sign3A_221 = arith.extui %sign3A_220 : i1 to i32
      %sign3A_222 = arith.subi %sign3A_218, %sign3A_221 : i32
      %sign3A_223 = arith.constant 0 : i32
      %sign3A_224 = arith.cmpi sgt, %jit3A_214, %sign3A_223 : i32
      %sign3A_225 = arith.extui %sign3A_224 : i1 to i32
      %sign3A_226 = arith.constant 0 : i32
      %sign3A_227 = arith.cmpi slt, %jit3A_214, %sign3A_226 : i32
      %sign3A_228 = arith.extui %sign3A_227 : i1 to i32
      %sign3A_229 = arith.subi %sign3A_225, %sign3A_228 : i32
      %ne3A_230 = arith.cmpi ne, %sign3A_222, %sign3A_229 : i32
      %rem3A_231 = arith.remsi %sub3A_213, %jit3A_214 : i32
      %ne3A_232 = arith.constant 0 : i32
      %ne3A_233 = arith.cmpi ne, %rem3A_231, %ne3A_232 : i32
      %and3A_234 = arith.andi %ne3A_230, %ne3A_233 : i1
      %sub3A_235 = arith.constant 1 : i32
      %sub3A_236 = arith.subi %div3A_215, %sub3A_235 : i32
      %select_n3A_237 = arith.select %and3A_234, %sub3A_236, %div3A_215 : i32
      %while3A_238 = arith.constant 0 : i32
      %while3A_239 = arith.constant 0 : i32
      %while3A_240 = arith.subi %select_n3A_237, %while3A_239 : i32
      %while3A_241 = arith.addi %while3A_239, %while3A_240 : i32
      %while3A_242 = arith.constant 1 : i32
      %while3A_243 = arith.divsi %while3A_240, %while3A_242 : i32
      %while3A_244 = arith.muli %while3A_243, %while3A_242 : i32
      %while3A_245 = arith.addi %while3A_239, %while3A_244 : i32
      %while3A_246 = arith.constant 1 : i32
      scf.for %while3A_248 = %while3A_239 to %while3A_245 step %while3A_246  : i32 {
        %mul3A_249 = arith.constant 64 : i32
        %mul3A_250 = arith.muli %while3A_248, %mul3A_249 : i32
        %add3A_251 = arith.constant 0 : i32
        %add3A_252 = arith.addi %mul3A_250, %add3A_251 : i32
        %get3A = arith.index_cast %add3A_252 : i32 to index
        %get3A_253 = tpu.vector_load %arg10[%get3A] {strides = array<i32>} : memref<4064xi32, #tpu.memory_space<vmem>>, vector<16xi32>,
        %swap3A_254 = arith.constant 0 : index
        %swap3A_255 = tpu.vector_load %arg12[%swap3A_254] {strides = array<i32>} : memref<64xi32, #tpu.memory_space<vmem>>, vector<16xi32>,
        tpu.vector_store %arg12[%swap3A_254], %get3A_253 {strides = array<i32>} : memref<64xi32, #tpu.memory_space<vmem>>, vector<16xi32>,
        %mul3A_256 = arith.constant 64 : i32
        %mul3A_257 = arith.muli %while3A_248, %mul3A_256 : i32
        %add3A_258 = arith.constant 16 : i32
        %add3A_259 = arith.addi %mul3A_257, %add3A_258 : i32
        %get3A_260 = arith.index_cast %add3A_259 : i32 to index
        %get3A_261 = tpu.vector_load %arg10[%get3A_260] {strides = array<i32>} : memref<4064xi32, #tpu.memory_space<vmem>>, vector<16xi32>,
        %swap3A_262 = arith.constant 16 : index
        %swap3A_263 = tpu.vector_load %arg12[%swap3A_262] {strides = array<i32>} : memref<64xi32, #tpu.memory_space<vmem>>, vector<16xi32>,
        tpu.vector_store %arg12[%swap3A_262], %get3A_261 {strides = array<i32>} : memref<64xi32, #tpu.memory_space<vmem>>, vector<16xi32>,
        %mul3A_264 = arith.constant 64 : i32
        %mul3A_265 = arith.muli %while3A_248, %mul3A_264 : i32
        %add3A_266 = arith.constant 32 : i32
        %add3A_267 = arith.addi %mul3A_265, %add3A_266 : i32
        %get3A_268 = arith.index_cast %add3A_267 : i32 to index
        %get3A_269 = tpu.vector_load %arg10[%get3A_268] {strides = array<i32>} : memref<4064xi32, #tpu.memory_space<vmem>>, vector<16xi32>,
        %swap3A_270 = arith.constant 32 : index
        %swap3A_271 = tpu.vector_load %arg12[%swap3A_270] {strides = array<i32>} : memref<64xi32, #tpu.memory_space<vmem>>, vector<16xi32>,
        tpu.vector_store %arg12[%swap3A_270], %get3A_269 {strides = array<i32>} : memref<64xi32, #tpu.memory_space<vmem>>, vector<16xi32>,
        %mul3A_272 = arith.constant 64 : i32
        %mul3A_273 = arith.muli %while3A_248, %mul3A_272 : i32
        %add3A_274 = arith.constant 48 : i32
        %add3A_275 = arith.addi %mul3A_273, %add3A_274 : i32
        %get3A_276 = arith.index_cast %add3A_275 : i32 to index
        %get3A_277 = tpu.vector_load %arg10[%get3A_276] {strides = array<i32>} : memref<4064xi32, #tpu.memory_space<vmem>>, vector<16xi32>,
        %swap3A_278 = arith.constant 48 : index
        %swap3A_279 = tpu.vector_load %arg12[%swap3A_278] {strides = array<i32>} : memref<64xi32, #tpu.memory_space<vmem>>, vector<16xi32>,
        tpu.vector_store %arg12[%swap3A_278], %get3A_277 {strides = array<i32>} : memref<64xi32, #tpu.memory_space<vmem>>, vector<16xi32>,
        %dma_start3A_280 = arith.constant 0 : i32
        %dma_start3A_281 = arith.constant 0 : i32
        %dma_start3A_282 = tpu.memref_slice %arg4[%dma_start3A_280, %dma_start3A_281] : memref<10000x128xi32, #tpu.memory_space<hbm>> -> memref<10000x128xi32, #tpu.memory_space<hbm>>
        tpu.enqueue_indirect_dma source(%dma_start3A_282 : memref<10000x128xi32, #tpu.memory_space<hbm>>) target(%arg13 : memref<64x128xi32, #tpu.memory_space<vmem>>) offsets(%arg12 : memref<64xi32, #tpu.memory_space<vmem>>) semaphore(%arg19 : memref<!tpu.dma_semaphore, #tpu.memory_space<semaphore_mem>>)
        %dma_wait3A_283 = arith.constant 0 : i32
        %dma_wait3A_284 = arith.constant 0 : i32
        %dma_wait3A_285 = tpu.memref_slice %arg4[%dma_wait3A_283, %dma_wait3A_284] : memref<10000x128xi32, #tpu.memory_space<hbm>> -> memref<10000x128xi32, #tpu.memory_space<hbm>>
        tpu.wait_indirect_dma semaphore(%arg19 : memref<!tpu.dma_semaphore, #tpu.memory_space<semaphore_mem>>) src(%dma_wait3A_285 : memref<10000x128xi32, #tpu.memory_space<hbm>>) dst(%arg13 : memref<64x128xi32, #tpu.memory_space<vmem>>)
        %scan3A_286 = arith.constant 0 : i32
        %scan3A_287 = arith.constant 0 : i32
        %scan3A_288 = arith.constant 64 : i32
        %scan3A_289 = arith.addi %scan3A_287, %scan3A_288 : i32
        %scan3A_290 = arith.constant 1 : i32
        scf.for %scan3A_292 = %scan3A_287 to %scan3A_289 step %scan3A_290  : i32 {
          %mul3A_293 = arith.constant 64 : i32
          %mul3A_294 = arith.muli %while3A_248, %mul3A_293 : i32
          %add3A_295 = arith.addi %mul3A_294, %scan3A_292 : i32
          %get3A_296 = arith.index_cast %add3A_295 : i32 to index
          %get3A_297 = tpu.vector_load %arg11[%get3A_296] {strides = array<i32>} : memref<4064xi32, #tpu.memory_space<vmem>>, vector<16xi32>,
          %eq3A = arith.constant 0 : i32
          %eq3A_298 = vector.broadcast %eq3A : i32 to vector<16xi32>
          %eq3A_299 = arith.cmpi eq, %iota3A, %eq3A_298 : vector<16xi32>
          %jit3A_300 = arith.constant 0 : i32
          %broadcast_in_dim3A_301 = vector.broadcast %jit3A_300 : i32 to vector<16xi32>
          %select_n3A_302 = arith.select %eq3A_299, %get3A_297, %broadcast_in_dim3A_301 : vector<16xi1>, vector<16xi32>
          %reduce_sum3A = arith.constant true
          %reduce_sum3A_303 = vector.broadcast %reduce_sum3A : i1 to vector<16xi1>
          %reduce_sum3A_304 = tpu.scan <sum>, %select_n3A_302 masked %reduce_sum3A_303 : vector<16xi32>, vector<16xi1> -> vector<16xi32>
          %reduce_sum3A_305 = vector.extract %reduce_sum3A_304[15] : i32 from vector<16xi32>
          %get3A_306 = arith.index_cast %scan3A_292 : i32 to index
          %get3A_307 = arith.constant 0 : index
          %get3A_308 = tpu.vector_load %arg13[%get3A_306, %get3A_307] {strides = array<i32>} : memref<64x128xi32, #tpu.memory_space<vmem>>, vector<16xi32>,
          %shift_left3A = arith.constant 16 : i32
          %shift_left3A_309 = vector.broadcast %shift_left3A : i32 to vector<16xi32>
          %shift_left3A_310 = arith.shli %get3A_308, %shift_left3A_309 : vector<16xi32>
          %bitcast_convert_type3A = tpu.bitcast %shift_left3A_310 : vector<16xi32> -> vector<16xf32>
          %and3A_311 = arith.constant -65536 : i32
          %and3A_312 = vector.broadcast %and3A_311 : i32 to vector<16xi32>
          %and3A_313 = arith.andi %get3A_308, %and3A_312 : vector<16xi32>
          %bitcast_convert_type3A_314 = tpu.bitcast %and3A_313 : vector<16xi32> -> vector<16xf32>
          %swap3A_315 = arith.index_cast %reduce_sum3A_305 : i32 to index
          %swap3A_316 = arith.constant 0 : index
          %swap3A_317 = tpu.vector_load %arg14[%swap3A_315, %swap3A_316] {strides = array<i32>} : memref<321x256xf32, #tpu.memory_space<vmem>>, vector<16xf32>,
          tpu.vector_store %arg14[%swap3A_315, %swap3A_316], %bitcast_convert_type3A {add = true, strides = array<i32>} : memref<321x256xf32, #tpu.memory_space<vmem>>, vector<16xf32>,
          %swap3A_318 = arith.index_cast %reduce_sum3A_305 : i32 to index
          %swap3A_319 = arith.constant 128 : index
          %swap3A_320 = tpu.vector_load %arg14[%swap3A_318, %swap3A_319] {strides = array<i32>} : memref<321x256xf32, #tpu.memory_space<vmem>>, vector<16xf32>,
          tpu.vector_store %arg14[%swap3A_318, %swap3A_319], %bitcast_convert_type3A_314 {add = true, strides = array<i32>} : memref<321x256xf32, #tpu.memory_space<vmem>>, vector<16xf32>,
          %get3A_321 = arith.index_cast %scan3A_292 : i32 to index
          %get3A_322 = arith.constant 16 : index
          %get3A_323 = tpu.vector_load %arg13[%get3A_321, %get3A_322] {strides = array<i32>} : memref<64x128xi32, #tpu.memory_space<vmem>>, vector<16xi32>,
          %shift_left3A_324 = arith.constant 16 : i32
          %shift_left3A_325 = vector.broadcast %shift_left3A_324 : i32 to vector<16xi32>
          %shift_left3A_326 = arith.shli %get3A_323, %shift_left3A_325 : vector<16xi32>
          %bitcast_convert_type3A_327 = tpu.bitcast %shift_left3A_326 : vector<16xi32> -> vector<16xf32>
          %and3A_328 = arith.constant -65536 : i32
          %and3A_329 = vector.broadcast %and3A_328 : i32 to vector<16xi32>
          %and3A_330 = arith.andi %get3A_323, %and3A_329 : vector<16xi32>
          %bitcast_convert_type3A_331 = tpu.bitcast %and3A_330 : vector<16xi32> -> vector<16xf32>
          %swap3A_332 = arith.index_cast %reduce_sum3A_305 : i32 to index
          %swap3A_333 = arith.constant 16 : index
          %swap3A_334 = tpu.vector_load %arg14[%swap3A_332, %swap3A_333] {strides = array<i32>} : memref<321x256xf32, #tpu.memory_space<vmem>>, vector<16xf32>,
          tpu.vector_store %arg14[%swap3A_332, %swap3A_333], %bitcast_convert_type3A_327 {add = true, strides = array<i32>} : memref<321x256xf32, #tpu.memory_space<vmem>>, vector<16xf32>,
          %swap3A_335 = arith.index_cast %reduce_sum3A_305 : i32 to index
          %swap3A_336 = arith.constant 144 : index
          %swap3A_337 = tpu.vector_load %arg14[%swap3A_335, %swap3A_336] {strides = array<i32>} : memref<321x256xf32, #tpu.memory_space<vmem>>, vector<16xf32>,
          tpu.vector_store %arg14[%swap3A_335, %swap3A_336], %bitcast_convert_type3A_331 {add = true, strides = array<i32>} : memref<321x256xf32, #tpu.memory_space<vmem>>, vector<16xf32>,
          %get3A_338 = arith.index_cast %scan3A_292 : i32 to index
          %get3A_339 = arith.constant 32 : index
          %get3A_340 = tpu.vector_load %arg13[%get3A_338, %get3A_339] {strides = array<i32>} : memref<64x128xi32, #tpu.memory_space<vmem>>, vector<16xi32>,
          %shift_left3A_341 = arith.constant 16 : i32
          %shift_left3A_342 = vector.broadcast %shift_left3A_341 : i32 to vector<16xi32>
          %shift_left3A_343 = arith.shli %get3A_340, %shift_left3A_342 : vector<16xi32>
          %bitcast_convert_type3A_344 = tpu.bitcast %shift_left3A_343 : vector<16xi32> -> vector<16xf32>
          %and3A_345 = arith.constant -65536 : i32
          %and3A_346 = vector.broadcast %and3A_345 : i32 to vector<16xi32>
          %and3A_347 = arith.andi %get3A_340, %and3A_346 : vector<16xi32>
          %bitcast_convert_type3A_348 = tpu.bitcast %and3A_347 : vector<16xi32> -> vector<16xf32>
          %swap3A_349 = arith.index_cast %reduce_sum3A_305 : i32 to index
          %swap3A_350 = arith.constant 32 : index
          %swap3A_351 = tpu.vector_load %arg14[%swap3A_349, %swap3A_350] {strides = array<i32>} : memref<321x256xf32, #tpu.memory_space<vmem>>, vector<16xf32>,
          tpu.vector_store %arg14[%swap3A_349, %swap3A_350], %bitcast_convert_type3A_344 {add = true, strides = array<i32>} : memref<321x256xf32, #tpu.memory_space<vmem>>, vector<16xf32>,
          %swap3A_352 = arith.index_cast %reduce_sum3A_305 : i32 to index
          %swap3A_353 = arith.constant 160 : index
          %swap3A_354 = tpu.vector_load %arg14[%swap3A_352, %swap3A_353] {strides = array<i32>} : memref<321x256xf32, #tpu.memory_space<vmem>>, vector<16xf32>,
          tpu.vector_store %arg14[%swap3A_352, %swap3A_353], %bitcast_convert_type3A_348 {add = true, strides = array<i32>} : memref<321x256xf32, #tpu.memory_space<vmem>>, vector<16xf32>,
          %get3A_355 = arith.index_cast %scan3A_292 : i32 to index
          %get3A_356 = arith.constant 48 : index
          %get3A_357 = tpu.vector_load %arg13[%get3A_355, %get3A_356] {strides = array<i32>} : memref<64x128xi32, #tpu.memory_space<vmem>>, vector<16xi32>,
          %shift_left3A_358 = arith.constant 16 : i32
          %shift_left3A_359 = vector.broadcast %shift_left3A_358 : i32 to vector<16xi32>
          %shift_left3A_360 = arith.shli %get3A_357, %shift_left3A_359 : vector<16xi32>
          %bitcast_convert_type3A_361 = tpu.bitcast %shift_left3A_360 : vector<16xi32> -> vector<16xf32>
          %and3A_362 = arith.constant -65536 : i32
          %and3A_363 = vector.broadcast %and3A_362 : i32 to vector<16xi32>
          %and3A_364 = arith.andi %get3A_357, %and3A_363 : vector<16xi32>
          %bitcast_convert_type3A_365 = tpu.bitcast %and3A_364 : vector<16xi32> -> vector<16xf32>
          %swap3A_366 = arith.index_cast %reduce_sum3A_305 : i32 to index
          %swap3A_367 = arith.constant 48 : index
          %swap3A_368 = tpu.vector_load %arg14[%swap3A_366, %swap3A_367] {strides = array<i32>} : memref<321x256xf32, #tpu.memory_space<vmem>>, vector<16xf32>,
          tpu.vector_store %arg14[%swap3A_366, %swap3A_367], %bitcast_convert_type3A_361 {add = true, strides = array<i32>} : memref<321x256xf32, #tpu.memory_space<vmem>>, vector<16xf32>,
          %swap3A_369 = arith.index_cast %reduce_sum3A_305 : i32 to index
          %swap3A_370 = arith.constant 176 : index
          %swap3A_371 = tpu.vector_load %arg14[%swap3A_369, %swap3A_370] {strides = array<i32>} : memref<321x256xf32, #tpu.memory_space<vmem>>, vector<16xf32>,
          tpu.vector_store %arg14[%swap3A_369, %swap3A_370], %bitcast_convert_type3A_365 {add = true, strides = array<i32>} : memref<321x256xf32, #tpu.memory_space<vmem>>, vector<16xf32>,
          %get3A_372 = arith.index_cast %scan3A_292 : i32 to index
          %get3A_373 = arith.constant 64 : index
          %get3A_374 = tpu.vector_load %arg13[%get3A_372, %get3A_373] {strides = array<i32>} : memref<64x128xi32, #tpu.memory_space<vmem>>, vector<16xi32>,
          %shift_left3A_375 = arith.constant 16 : i32
          %shift_left3A_376 = vector.broadcast %shift_left3A_375 : i32 to vector<16xi32>
          %shift_left3A_377 = arith.shli %get3A_374, %shift_left3A_376 : vector<16xi32>
          %bitcast_convert_type3A_378 = tpu.bitcast %shift_left3A_377 : vector<16xi32> -> vector<16xf32>
          %and3A_379 = arith.constant -65536 : i32
          %and3A_380 = vector.broadcast %and3A_379 : i32 to vector<16xi32>
          %and3A_381 = arith.andi %get3A_374, %and3A_380 : vector<16xi32>
          %bitcast_convert_type3A_382 = tpu.bitcast %and3A_381 : vector<16xi32> -> vector<16xf32>
          %swap3A_383 = arith.index_cast %reduce_sum3A_305 : i32 to index
          %swap3A_384 = arith.constant 64 : index
          %swap3A_385 = tpu.vector_load %arg14[%swap3A_383, %swap3A_384] {strides = array<i32>} : memref<321x256xf32, #tpu.memory_space<vmem>>, vector<16xf32>,
          tpu.vector_store %arg14[%swap3A_383, %swap3A_384], %bitcast_convert_type3A_378 {add = true, strides = array<i32>} : memref<321x256xf32, #tpu.memory_space<vmem>>, vector<16xf32>,
          %swap3A_386 = arith.index_cast %reduce_sum3A_305 : i32 to index
          %swap3A_387 = arith.constant 192 : index
          %swap3A_388 = tpu.vector_load %arg14[%swap3A_386, %swap3A_387] {strides = array<i32>} : memref<321x256xf32, #tpu.memory_space<vmem>>, vector<16xf32>,
          tpu.vector_store %arg14[%swap3A_386, %swap3A_387], %bitcast_convert_type3A_382 {add = true, strides = array<i32>} : memref<321x256xf32, #tpu.memory_space<vmem>>, vector<16xf32>,
          %get3A_389 = arith.index_cast %scan3A_292 : i32 to index
          %get3A_390 = arith.constant 80 : index
          %get3A_391 = tpu.vector_load %arg13[%get3A_389, %get3A_390] {strides = array<i32>} : memref<64x128xi32, #tpu.memory_space<vmem>>, vector<16xi32>,
          %shift_left3A_392 = arith.constant 16 : i32
          %shift_left3A_393 = vector.broadcast %shift_left3A_392 : i32 to vector<16xi32>
          %shift_left3A_394 = arith.shli %get3A_391, %shift_left3A_393 : vector<16xi32>
          %bitcast_convert_type3A_395 = tpu.bitcast %shift_left3A_394 : vector<16xi32> -> vector<16xf32>
          %and3A_396 = arith.constant -65536 : i32
          %and3A_397 = vector.broadcast %and3A_396 : i32 to vector<16xi32>
          %and3A_398 = arith.andi %get3A_391, %and3A_397 : vector<16xi32>
          %bitcast_convert_type3A_399 = tpu.bitcast %and3A_398 : vector<16xi32> -> vector<16xf32>
          %swap3A_400 = arith.index_cast %reduce_sum3A_305 : i32 to index
          %swap3A_401 = arith.constant 80 : index
          %swap3A_402 = tpu.vector_load %arg14[%swap3A_400, %swap3A_401] {strides = array<i32>} : memref<321x256xf32, #tpu.memory_space<vmem>>, vector<16xf32>,
          tpu.vector_store %arg14[%swap3A_400, %swap3A_401], %bitcast_convert_type3A_395 {add = true, strides = array<i32>} : memref<321x256xf32, #tpu.memory_space<vmem>>, vector<16xf32>,
          %swap3A_403 = arith.index_cast %reduce_sum3A_305 : i32 to index
          %swap3A_404 = arith.constant 208 : index
          %swap3A_405 = tpu.vector_load %arg14[%swap3A_403, %swap3A_404] {strides = array<i32>} : memref<321x256xf32, #tpu.memory_space<vmem>>, vector<16xf32>,
          tpu.vector_store %arg14[%swap3A_403, %swap3A_404], %bitcast_convert_type3A_399 {add = true, strides = array<i32>} : memref<321x256xf32, #tpu.memory_space<vmem>>, vector<16xf32>,
          %get3A_406 = arith.index_cast %scan3A_292 : i32 to index
          %get3A_407 = arith.constant 96 : index
          %get3A_408 = tpu.vector_load %arg13[%get3A_406, %get3A_407] {strides = array<i32>} : memref<64x128xi32, #tpu.memory_space<vmem>>, vector<16xi32>,
          %shift_left3A_409 = arith.constant 16 : i32
          %shift_left3A_410 = vector.broadcast %shift_left3A_409 : i32 to vector<16xi32>
          %shift_left3A_411 = arith.shli %get3A_408, %shift_left3A_410 : vector<16xi32>
          %bitcast_convert_type3A_412 = tpu.bitcast %shift_left3A_411 : vector<16xi32> -> vector<16xf32>
          %and3A_413 = arith.constant -65536 : i32
          %and3A_414 = vector.broadcast %and3A_413 : i32 to vector<16xi32>
          %and3A_415 = arith.andi %get3A_408, %and3A_414 : vector<16xi32>
          %bitcast_convert_type3A_416 = tpu.bitcast %and3A_415 : vector<16xi32> -> vector<16xf32>
          %swap3A_417 = arith.index_cast %reduce_sum3A_305 : i32 to index
          %swap3A_418 = arith.constant 96 : index
          %swap3A_419 = tpu.vector_load %arg14[%swap3A_417, %swap3A_418] {strides = array<i32>} : memref<321x256xf32, #tpu.memory_space<vmem>>, vector<16xf32>,
          tpu.vector_store %arg14[%swap3A_417, %swap3A_418], %bitcast_convert_type3A_412 {add = true, strides = array<i32>} : memref<321x256xf32, #tpu.memory_space<vmem>>, vector<16xf32>,
          %swap3A_420 = arith.index_cast %reduce_sum3A_305 : i32 to index
          %swap3A_421 = arith.constant 224 : index
          %swap3A_422 = tpu.vector_load %arg14[%swap3A_420, %swap3A_421] {strides = array<i32>} : memref<321x256xf32, #tpu.memory_space<vmem>>, vector<16xf32>,
          tpu.vector_store %arg14[%swap3A_420, %swap3A_421], %bitcast_convert_type3A_416 {add = true, strides = array<i32>} : memref<321x256xf32, #tpu.memory_space<vmem>>, vector<16xf32>,
          %get3A_423 = arith.index_cast %scan3A_292 : i32 to index
          %get3A_424 = arith.constant 112 : index
          %get3A_425 = tpu.vector_load %arg13[%get3A_423, %get3A_424] {strides = array<i32>} : memref<64x128xi32, #tpu.memory_space<vmem>>, vector<16xi32>,
          %shift_left3A_426 = arith.constant 16 : i32
          %shift_left3A_427 = vector.broadcast %shift_left3A_426 : i32 to vector<16xi32>
          %shift_left3A_428 = arith.shli %get3A_425, %shift_left3A_427 : vector<16xi32>
          %bitcast_convert_type3A_429 = tpu.bitcast %shift_left3A_428 : vector<16xi32> -> vector<16xf32>
          %and3A_430 = arith.constant -65536 : i32
          %and3A_431 = vector.broadcast %and3A_430 : i32 to vector<16xi32>
          %and3A_432 = arith.andi %get3A_425, %and3A_431 : vector<16xi32>
          %bitcast_convert_type3A_433 = tpu.bitcast %and3A_432 : vector<16xi32> -> vector<16xf32>
          %swap3A_434 = arith.index_cast %reduce_sum3A_305 : i32 to index
          %swap3A_435 = arith.constant 112 : index
          %swap3A_436 = tpu.vector_load %arg14[%swap3A_434, %swap3A_435] {strides = array<i32>} : memref<321x256xf32, #tpu.memory_space<vmem>>, vector<16xf32>,
          tpu.vector_store %arg14[%swap3A_434, %swap3A_435], %bitcast_convert_type3A_429 {add = true, strides = array<i32>} : memref<321x256xf32, #tpu.memory_space<vmem>>, vector<16xf32>,
          %swap3A_437 = arith.index_cast %reduce_sum3A_305 : i32 to index
          %swap3A_438 = arith.constant 240 : index
          %swap3A_439 = tpu.vector_load %arg14[%swap3A_437, %swap3A_438] {strides = array<i32>} : memref<321x256xf32, #tpu.memory_space<vmem>>, vector<16xf32>,
          tpu.vector_store %arg14[%swap3A_437, %swap3A_438], %bitcast_convert_type3A_433 {add = true, strides = array<i32>} : memref<321x256xf32, #tpu.memory_space<vmem>>, vector<16xf32>,
        }
        %scan3A_291 = arith.constant 64 : i32
      }
      %while3A_247 = arith.constant 1 : i32
      scf.for %while3A_248 = %while3A_245 to %while3A_241 step %while3A_247  : i32 {
        %mul3A_249 = arith.constant 64 : i32
        %mul3A_250 = arith.muli %while3A_248, %mul3A_249 : i32
        %add3A_251 = arith.constant 0 : i32
        %add3A_252 = arith.addi %mul3A_250, %add3A_251 : i32
        %get3A = arith.index_cast %add3A_252 : i32 to index
        %get3A_253 = tpu.vector_load %arg10[%get3A] {strides = array<i32>} : memref<4064xi32, #tpu.memory_space<vmem>>, vector<16xi32>,
        %swap3A_254 = arith.constant 0 : index
        %swap3A_255 = tpu.vector_load %arg12[%swap3A_254] {strides = array<i32>} : memref<64xi32, #tpu.memory_space<vmem>>, vector<16xi32>,
        tpu.vector_store %arg12[%swap3A_254], %get3A_253 {strides = array<i32>} : memref<64xi32, #tpu.memory_space<vmem>>, vector<16xi32>,
        %mul3A_256 = arith.constant 64 : i32
        %mul3A_257 = arith.muli %while3A_248, %mul3A_256 : i32
        %add3A_258 = arith.constant 16 : i32
        %add3A_259 = arith.addi %mul3A_257, %add3A_258 : i32
        %get3A_260 = arith.index_cast %add3A_259 : i32 to index
        %get3A_261 = tpu.vector_load %arg10[%get3A_260] {strides = array<i32>} : memref<4064xi32, #tpu.memory_space<vmem>>, vector<16xi32>,
        %swap3A_262 = arith.constant 16 : index
        %swap3A_263 = tpu.vector_load %arg12[%swap3A_262] {strides = array<i32>} : memref<64xi32, #tpu.memory_space<vmem>>, vector<16xi32>,
        tpu.vector_store %arg12[%swap3A_262], %get3A_261 {strides = array<i32>} : memref<64xi32, #tpu.memory_space<vmem>>, vector<16xi32>,
        %mul3A_264 = arith.constant 64 : i32
        %mul3A_265 = arith.muli %while3A_248, %mul3A_264 : i32
        %add3A_266 = arith.constant 32 : i32
        %add3A_267 = arith.addi %mul3A_265, %add3A_266 : i32
        %get3A_268 = arith.index_cast %add3A_267 : i32 to index
        %get3A_269 = tpu.vector_load %arg10[%get3A_268] {strides = array<i32>} : memref<4064xi32, #tpu.memory_space<vmem>>, vector<16xi32>,
        %swap3A_270 = arith.constant 32 : index
        %swap3A_271 = tpu.vector_load %arg12[%swap3A_270] {strides = array<i32>} : memref<64xi32, #tpu.memory_space<vmem>>, vector<16xi32>,
        tpu.vector_store %arg12[%swap3A_270], %get3A_269 {strides = array<i32>} : memref<64xi32, #tpu.memory_space<vmem>>, vector<16xi32>,
        %mul3A_272 = arith.constant 64 : i32
        %mul3A_273 = arith.muli %while3A_248, %mul3A_272 : i32
        %add3A_274 = arith.constant 48 : i32
        %add3A_275 = arith.addi %mul3A_273, %add3A_274 : i32
        %get3A_276 = arith.index_cast %add3A_275 : i32 to index
        %get3A_277 = tpu.vector_load %arg10[%get3A_276] {strides = array<i32>} : memref<4064xi32, #tpu.memory_space<vmem>>, vector<16xi32>,
        %swap3A_278 = arith.constant 48 : index
        %swap3A_279 = tpu.vector_load %arg12[%swap3A_278] {strides = array<i32>} : memref<64xi32, #tpu.memory_space<vmem>>, vector<16xi32>,
        tpu.vector_store %arg12[%swap3A_278], %get3A_277 {strides = array<i32>} : memref<64xi32, #tpu.memory_space<vmem>>, vector<16xi32>,
        %dma_start3A_280 = arith.constant 0 : i32
        %dma_start3A_281 = arith.constant 0 : i32
        %dma_start3A_282 = tpu.memref_slice %arg4[%dma_start3A_280, %dma_start3A_281] : memref<10000x128xi32, #tpu.memory_space<hbm>> -> memref<10000x128xi32, #tpu.memory_space<hbm>>
        tpu.enqueue_indirect_dma source(%dma_start3A_282 : memref<10000x128xi32, #tpu.memory_space<hbm>>) target(%arg13 : memref<64x128xi32, #tpu.memory_space<vmem>>) offsets(%arg12 : memref<64xi32, #tpu.memory_space<vmem>>) semaphore(%arg19 : memref<!tpu.dma_semaphore, #tpu.memory_space<semaphore_mem>>)
        %dma_wait3A_283 = arith.constant 0 : i32
        %dma_wait3A_284 = arith.constant 0 : i32
        %dma_wait3A_285 = tpu.memref_slice %arg4[%dma_wait3A_283, %dma_wait3A_284] : memref<10000x128xi32, #tpu.memory_space<hbm>> -> memref<10000x128xi32, #tpu.memory_space<hbm>>
        tpu.wait_indirect_dma semaphore(%arg19 : memref<!tpu.dma_semaphore, #tpu.memory_space<semaphore_mem>>) src(%dma_wait3A_285 : memref<10000x128xi32, #tpu.memory_space<hbm>>) dst(%arg13 : memref<64x128xi32, #tpu.memory_space<vmem>>)
        %scan3A_286 = arith.constant 0 : i32
        %scan3A_287 = arith.constant 0 : i32
        %scan3A_288 = arith.constant 64 : i32
        %scan3A_289 = arith.addi %scan3A_287, %scan3A_288 : i32
        %scan3A_290 = arith.constant 1 : i32
        scf.for %scan3A_292 = %scan3A_287 to %scan3A_289 step %scan3A_290  : i32 {
          %mul3A_293 = arith.constant 64 : i32
          %mul3A_294 = arith.muli %while3A_248, %mul3A_293 : i32
          %add3A_295 = arith.addi %mul3A_294, %scan3A_292 : i32
          %get3A_296 = arith.index_cast %add3A_295 : i32 to index
          %get3A_297 = tpu.vector_load %arg11[%get3A_296] {strides = array<i32>} : memref<4064xi32, #tpu.memory_space<vmem>>, vector<16xi32>,
          %eq3A = arith.constant 0 : i32
          %eq3A_298 = vector.broadcast %eq3A : i32 to vector<16xi32>
          %eq3A_299 = arith.cmpi eq, %iota3A, %eq3A_298 : vector<16xi32>
          %jit3A_300 = arith.constant 0 : i32
          %broadcast_in_dim3A_301 = vector.broadcast %jit3A_300 : i32 to vector<16xi32>
          %select_n3A_302 = arith.select %eq3A_299, %get3A_297, %broadcast_in_dim3A_301 : vector<16xi1>, vector<16xi32>
          %reduce_sum3A = arith.constant true
          %reduce_sum3A_303 = vector.broadcast %reduce_sum3A : i1 to vector<16xi1>
          %reduce_sum3A_304 = tpu.scan <sum>, %select_n3A_302 masked %reduce_sum3A_303 : vector<16xi32>, vector<16xi1> -> vector<16xi32>
          %reduce_sum3A_305 = vector.extract %reduce_sum3A_304[15] : i32 from vector<16xi32>
          %get3A_306 = arith.index_cast %scan3A_292 : i32 to index
          %get3A_307 = arith.constant 0 : index
          %get3A_308 = tpu.vector_load %arg13[%get3A_306, %get3A_307] {strides = array<i32>} : memref<64x128xi32, #tpu.memory_space<vmem>>, vector<16xi32>,
          %shift_left3A = arith.constant 16 : i32
          %shift_left3A_309 = vector.broadcast %shift_left3A : i32 to vector<16xi32>
          %shift_left3A_310 = arith.shli %get3A_308, %shift_left3A_309 : vector<16xi32>
          %bitcast_convert_type3A = tpu.bitcast %shift_left3A_310 : vector<16xi32> -> vector<16xf32>
          %and3A_311 = arith.constant -65536 : i32
          %and3A_312 = vector.broadcast %and3A_311 : i32 to vector<16xi32>
          %and3A_313 = arith.andi %get3A_308, %and3A_312 : vector<16xi32>
          %bitcast_convert_type3A_314 = tpu.bitcast %and3A_313 : vector<16xi32> -> vector<16xf32>
          %swap3A_315 = arith.index_cast %reduce_sum3A_305 : i32 to index
          %swap3A_316 = arith.constant 0 : index
          %swap3A_317 = tpu.vector_load %arg14[%swap3A_315, %swap3A_316] {strides = array<i32>} : memref<321x256xf32, #tpu.memory_space<vmem>>, vector<16xf32>,
          tpu.vector_store %arg14[%swap3A_315, %swap3A_316], %bitcast_convert_type3A {add = true, strides = array<i32>} : memref<321x256xf32, #tpu.memory_space<vmem>>, vector<16xf32>,
          %swap3A_318 = arith.index_cast %reduce_sum3A_305 : i32 to index
          %swap3A_319 = arith.constant 128 : index
          %swap3A_320 = tpu.vector_load %arg14[%swap3A_318, %swap3A_319] {strides = array<i32>} : memref<321x256xf32, #tpu.memory_space<vmem>>, vector<16xf32>,
          tpu.vector_store %arg14[%swap3A_318, %swap3A_319], %bitcast_convert_type3A_314 {add = true, strides = array<i32>} : memref<321x256xf32, #tpu.memory_space<vmem>>, vector<16xf32>,
          %get3A_321 = arith.index_cast %scan3A_292 : i32 to index
          %get3A_322 = arith.constant 16 : index
          %get3A_323 = tpu.vector_load %arg13[%get3A_321, %get3A_322] {strides = array<i32>} : memref<64x128xi32, #tpu.memory_space<vmem>>, vector<16xi32>,
          %shift_left3A_324 = arith.constant 16 : i32
          %shift_left3A_325 = vector.broadcast %shift_left3A_324 : i32 to vector<16xi32>
          %shift_left3A_326 = arith.shli %get3A_323, %shift_left3A_325 : vector<16xi32>
          %bitcast_convert_type3A_327 = tpu.bitcast %shift_left3A_326 : vector<16xi32> -> vector<16xf32>
          %and3A_328 = arith.constant -65536 : i32
          %and3A_329 = vector.broadcast %and3A_328 : i32 to vector<16xi32>
          %and3A_330 = arith.andi %get3A_323, %and3A_329 : vector<16xi32>
          %bitcast_convert_type3A_331 = tpu.bitcast %and3A_330 : vector<16xi32> -> vector<16xf32>
          %swap3A_332 = arith.index_cast %reduce_sum3A_305 : i32 to index
          %swap3A_333 = arith.constant 16 : index
          %swap3A_334 = tpu.vector_load %arg14[%swap3A_332, %swap3A_333] {strides = array<i32>} : memref<321x256xf32, #tpu.memory_space<vmem>>, vector<16xf32>,
          tpu.vector_store %arg14[%swap3A_332, %swap3A_333], %bitcast_convert_type3A_327 {add = true, strides = array<i32>} : memref<321x256xf32, #tpu.memory_space<vmem>>, vector<16xf32>,
          %swap3A_335 = arith.index_cast %reduce_sum3A_305 : i32 to index
          %swap3A_336 = arith.constant 144 : index
          %swap3A_337 = tpu.vector_load %arg14[%swap3A_335, %swap3A_336] {strides = array<i32>} : memref<321x256xf32, #tpu.memory_space<vmem>>, vector<16xf32>,
          tpu.vector_store %arg14[%swap3A_335, %swap3A_336], %bitcast_convert_type3A_331 {add = true, strides = array<i32>} : memref<321x256xf32, #tpu.memory_space<vmem>>, vector<16xf32>,
          %get3A_338 = arith.index_cast %scan3A_292 : i32 to index
          %get3A_339 = arith.constant 32 : index
          %get3A_340 = tpu.vector_load %arg13[%get3A_338, %get3A_339] {strides = array<i32>} : memref<64x128xi32, #tpu.memory_space<vmem>>, vector<16xi32>,
          %shift_left3A_341 = arith.constant 16 : i32
          %shift_left3A_342 = vector.broadcast %shift_left3A_341 : i32 to vector<16xi32>
          %shift_left3A_343 = arith.shli %get3A_340, %shift_left3A_342 : vector<16xi32>
          %bitcast_convert_type3A_344 = tpu.bitcast %shift_left3A_343 : vector<16xi32> -> vector<16xf32>
          %and3A_345 = arith.constant -65536 : i32
          %and3A_346 = vector.broadcast %and3A_345 : i32 to vector<16xi32>
          %and3A_347 = arith.andi %get3A_340, %and3A_346 : vector<16xi32>
          %bitcast_convert_type3A_348 = tpu.bitcast %and3A_347 : vector<16xi32> -> vector<16xf32>
          %swap3A_349 = arith.index_cast %reduce_sum3A_305 : i32 to index
          %swap3A_350 = arith.constant 32 : index
          %swap3A_351 = tpu.vector_load %arg14[%swap3A_349, %swap3A_350] {strides = array<i32>} : memref<321x256xf32, #tpu.memory_space<vmem>>, vector<16xf32>,
          tpu.vector_store %arg14[%swap3A_349, %swap3A_350], %bitcast_convert_type3A_344 {add = true, strides = array<i32>} : memref<321x256xf32, #tpu.memory_space<vmem>>, vector<16xf32>,
          %swap3A_352 = arith.index_cast %reduce_sum3A_305 : i32 to index
          %swap3A_353 = arith.constant 160 : index
          %swap3A_354 = tpu.vector_load %arg14[%swap3A_352, %swap3A_353] {strides = array<i32>} : memref<321x256xf32, #tpu.memory_space<vmem>>, vector<16xf32>,
          tpu.vector_store %arg14[%swap3A_352, %swap3A_353], %bitcast_convert_type3A_348 {add = true, strides = array<i32>} : memref<321x256xf32, #tpu.memory_space<vmem>>, vector<16xf32>,
          %get3A_355 = arith.index_cast %scan3A_292 : i32 to index
          %get3A_356 = arith.constant 48 : index
          %get3A_357 = tpu.vector_load %arg13[%get3A_355, %get3A_356] {strides = array<i32>} : memref<64x128xi32, #tpu.memory_space<vmem>>, vector<16xi32>,
          %shift_left3A_358 = arith.constant 16 : i32
          %shift_left3A_359 = vector.broadcast %shift_left3A_358 : i32 to vector<16xi32>
          %shift_left3A_360 = arith.shli %get3A_357, %shift_left3A_359 : vector<16xi32>
          %bitcast_convert_type3A_361 = tpu.bitcast %shift_left3A_360 : vector<16xi32> -> vector<16xf32>
          %and3A_362 = arith.constant -65536 : i32
          %and3A_363 = vector.broadcast %and3A_362 : i32 to vector<16xi32>
          %and3A_364 = arith.andi %get3A_357, %and3A_363 : vector<16xi32>
          %bitcast_convert_type3A_365 = tpu.bitcast %and3A_364 : vector<16xi32> -> vector<16xf32>
          %swap3A_366 = arith.index_cast %reduce_sum3A_305 : i32 to index
          %swap3A_367 = arith.constant 48 : index
          %swap3A_368 = tpu.vector_load %arg14[%swap3A_366, %swap3A_367] {strides = array<i32>} : memref<321x256xf32, #tpu.memory_space<vmem>>, vector<16xf32>,
          tpu.vector_store %arg14[%swap3A_366, %swap3A_367], %bitcast_convert_type3A_361 {add = true, strides = array<i32>} : memref<321x256xf32, #tpu.memory_space<vmem>>, vector<16xf32>,
          %swap3A_369 = arith.index_cast %reduce_sum3A_305 : i32 to index
          %swap3A_370 = arith.constant 176 : index
          %swap3A_371 = tpu.vector_load %arg14[%swap3A_369, %swap3A_370] {strides = array<i32>} : memref<321x256xf32, #tpu.memory_space<vmem>>, vector<16xf32>,
          tpu.vector_store %arg14[%swap3A_369, %swap3A_370], %bitcast_convert_type3A_365 {add = true, strides = array<i32>} : memref<321x256xf32, #tpu.memory_space<vmem>>, vector<16xf32>,
          %get3A_372 = arith.index_cast %scan3A_292 : i32 to index
          %get3A_373 = arith.constant 64 : index
          %get3A_374 = tpu.vector_load %arg13[%get3A_372, %get3A_373] {strides = array<i32>} : memref<64x128xi32, #tpu.memory_space<vmem>>, vector<16xi32>,
          %shift_left3A_375 = arith.constant 16 : i32
          %shift_left3A_376 = vector.broadcast %shift_left3A_375 : i32 to vector<16xi32>
          %shift_left3A_377 = arith.shli %get3A_374, %shift_left3A_376 : vector<16xi32>
          %bitcast_convert_type3A_378 = tpu.bitcast %shift_left3A_377 : vector<16xi32> -> vector<16xf32>
          %and3A_379 = arith.constant -65536 : i32
          %and3A_380 = vector.broadcast %and3A_379 : i32 to vector<16xi32>
          %and3A_381 = arith.andi %get3A_374, %and3A_380 : vector<16xi32>
          %bitcast_convert_type3A_382 = tpu.bitcast %and3A_381 : vector<16xi32> -> vector<16xf32>
          %swap3A_383 = arith.index_cast %reduce_sum3A_305 : i32 to index
          %swap3A_384 = arith.constant 64 : index
          %swap3A_385 = tpu.vector_load %arg14[%swap3A_383, %swap3A_384] {strides = array<i32>} : memref<321x256xf32, #tpu.memory_space<vmem>>, vector<16xf32>,
          tpu.vector_store %arg14[%swap3A_383, %swap3A_384], %bitcast_convert_type3A_378 {add = true, strides = array<i32>} : memref<321x256xf32, #tpu.memory_space<vmem>>, vector<16xf32>,
          %swap3A_386 = arith.index_cast %reduce_sum3A_305 : i32 to index
          %swap3A_387 = arith.constant 192 : index
          %swap3A_388 = tpu.vector_load %arg14[%swap3A_386, %swap3A_387] {strides = array<i32>} : memref<321x256xf32, #tpu.memory_space<vmem>>, vector<16xf32>,
          tpu.vector_store %arg14[%swap3A_386, %swap3A_387], %bitcast_convert_type3A_382 {add = true, strides = array<i32>} : memref<321x256xf32, #tpu.memory_space<vmem>>, vector<16xf32>,
          %get3A_389 = arith.index_cast %scan3A_292 : i32 to index
          %get3A_390 = arith.constant 80 : index
          %get3A_391 = tpu.vector_load %arg13[%get3A_389, %get3A_390] {strides = array<i32>} : memref<64x128xi32, #tpu.memory_space<vmem>>, vector<16xi32>,
          %shift_left3A_392 = arith.constant 16 : i32
          %shift_left3A_393 = vector.broadcast %shift_left3A_392 : i32 to vector<16xi32>
          %shift_left3A_394 = arith.shli %get3A_391, %shift_left3A_393 : vector<16xi32>
          %bitcast_convert_type3A_395 = tpu.bitcast %shift_left3A_394 : vector<16xi32> -> vector<16xf32>
          %and3A_396 = arith.constant -65536 : i32
          %and3A_397 = vector.broadcast %and3A_396 : i32 to vector<16xi32>
          %and3A_398 = arith.andi %get3A_391, %and3A_397 : vector<16xi32>
          %bitcast_convert_type3A_399 = tpu.bitcast %and3A_398 : vector<16xi32> -> vector<16xf32>
          %swap3A_400 = arith.index_cast %reduce_sum3A_305 : i32 to index
          %swap3A_401 = arith.constant 80 : index
          %swap3A_402 = tpu.vector_load %arg14[%swap3A_400, %swap3A_401] {strides = array<i32>} : memref<321x256xf32, #tpu.memory_space<vmem>>, vector<16xf32>,
          tpu.vector_store %arg14[%swap3A_400, %swap3A_401], %bitcast_convert_type3A_395 {add = true, strides = array<i32>} : memref<321x256xf32, #tpu.memory_space<vmem>>, vector<16xf32>,
          %swap3A_403 = arith.index_cast %reduce_sum3A_305 : i32 to index
          %swap3A_404 = arith.constant 208 : index
          %swap3A_405 = tpu.vector_load %arg14[%swap3A_403, %swap3A_404] {strides = array<i32>} : memref<321x256xf32, #tpu.memory_space<vmem>>, vector<16xf32>,
          tpu.vector_store %arg14[%swap3A_403, %swap3A_404], %bitcast_convert_type3A_399 {add = true, strides = array<i32>} : memref<321x256xf32, #tpu.memory_space<vmem>>, vector<16xf32>,
          %get3A_406 = arith.index_cast %scan3A_292 : i32 to index
          %get3A_407 = arith.constant 96 : index
          %get3A_408 = tpu.vector_load %arg13[%get3A_406, %get3A_407] {strides = array<i32>} : memref<64x128xi32, #tpu.memory_space<vmem>>, vector<16xi32>,
          %shift_left3A_409 = arith.constant 16 : i32
          %shift_left3A_410 = vector.broadcast %shift_left3A_409 : i32 to vector<16xi32>
          %shift_left3A_411 = arith.shli %get3A_408, %shift_left3A_410 : vector<16xi32>
          %bitcast_convert_type3A_412 = tpu.bitcast %shift_left3A_411 : vector<16xi32> -> vector<16xf32>
          %and3A_413 = arith.constant -65536 : i32
          %and3A_414 = vector.broadcast %and3A_413 : i32 to vector<16xi32>
          %and3A_415 = arith.andi %get3A_408, %and3A_414 : vector<16xi32>
          %bitcast_convert_type3A_416 = tpu.bitcast %and3A_415 : vector<16xi32> -> vector<16xf32>
          %swap3A_417 = arith.index_cast %reduce_sum3A_305 : i32 to index
          %swap3A_418 = arith.constant 96 : index
          %swap3A_419 = tpu.vector_load %arg14[%swap3A_417, %swap3A_418] {strides = array<i32>} : memref<321x256xf32, #tpu.memory_space<vmem>>, vector<16xf32>,
          tpu.vector_store %arg14[%swap3A_417, %swap3A_418], %bitcast_convert_type3A_412 {add = true, strides = array<i32>} : memref<321x256xf32, #tpu.memory_space<vmem>>, vector<16xf32>,
          %swap3A_420 = arith.index_cast %reduce_sum3A_305 : i32 to index
          %swap3A_421 = arith.constant 224 : index
          %swap3A_422 = tpu.vector_load %arg14[%swap3A_420, %swap3A_421] {strides = array<i32>} : memref<321x256xf32, #tpu.memory_space<vmem>>, vector<16xf32>,
          tpu.vector_store %arg14[%swap3A_420, %swap3A_421], %bitcast_convert_type3A_416 {add = true, strides = array<i32>} : memref<321x256xf32, #tpu.memory_space<vmem>>, vector<16xf32>,
          %get3A_423 = arith.index_cast %scan3A_292 : i32 to index
          %get3A_424 = arith.constant 112 : index
          %get3A_425 = tpu.vector_load %arg13[%get3A_423, %get3A_424] {strides = array<i32>} : memref<64x128xi32, #tpu.memory_space<vmem>>, vector<16xi32>,
          %shift_left3A_426 = arith.constant 16 : i32
          %shift_left3A_427 = vector.broadcast %shift_left3A_426 : i32 to vector<16xi32>
          %shift_left3A_428 = arith.shli %get3A_425, %shift_left3A_427 : vector<16xi32>
          %bitcast_convert_type3A_429 = tpu.bitcast %shift_left3A_428 : vector<16xi32> -> vector<16xf32>
          %and3A_430 = arith.constant -65536 : i32
          %and3A_431 = vector.broadcast %and3A_430 : i32 to vector<16xi32>
          %and3A_432 = arith.andi %get3A_425, %and3A_431 : vector<16xi32>
          %bitcast_convert_type3A_433 = tpu.bitcast %and3A_432 : vector<16xi32> -> vector<16xf32>
          %swap3A_434 = arith.index_cast %reduce_sum3A_305 : i32 to index
          %swap3A_435 = arith.constant 112 : index
          %swap3A_436 = tpu.vector_load %arg14[%swap3A_434, %swap3A_435] {strides = array<i32>} : memref<321x256xf32, #tpu.memory_space<vmem>>, vector<16xf32>,
          tpu.vector_store %arg14[%swap3A_434, %swap3A_435], %bitcast_convert_type3A_429 {add = true, strides = array<i32>} : memref<321x256xf32, #tpu.memory_space<vmem>>, vector<16xf32>,
          %swap3A_437 = arith.index_cast %reduce_sum3A_305 : i32 to index
          %swap3A_438 = arith.constant 240 : index
          %swap3A_439 = tpu.vector_load %arg14[%swap3A_437, %swap3A_438] {strides = array<i32>} : memref<321x256xf32, #tpu.memory_space<vmem>>, vector<16xf32>,
          tpu.vector_store %arg14[%swap3A_437, %swap3A_438], %bitcast_convert_type3A_433 {add = true, strides = array<i32>} : memref<321x256xf32, #tpu.memory_space<vmem>>, vector<16xf32>,
        }
        %scan3A_291 = arith.constant 64 : i32
      }
    }
    %scan3A_22 = arith.constant 20 : i32
    %dma_wait3A = arith.constant 0 : i32
    %dma_wait3A_23 = tpu.memref_slice %arg2[%dma_wait3A] : memref<160000xi32, #tpu.memory_space<hbm>> -> memref<4000xi32, #tpu.memory_space<hbm>>
    %dma_wait3A_24 = arith.constant 0 : i32
    %dma_wait3A_25 = tpu.memref_slice %arg2[%dma_wait3A_24] : memref<160000xi32, #tpu.memory_space<hbm>> -> memref<4000xi32, #tpu.memory_space<hbm>>
    tpu.wait_dma2 semaphore(%arg15 : memref<!tpu.dma_semaphore, #tpu.memory_space<semaphore_mem>>) src(%dma_wait3A_25 : memref<4000xi32, #tpu.memory_space<hbm>>) dst(%arg6 : memref<4000xi32, #tpu.memory_space<vmem>>)
    %dma_wait3A_26 = arith.constant 0 : i32
    %dma_wait3A_27 = tpu.memref_slice %arg3[%dma_wait3A_26] : memref<160000xi32, #tpu.memory_space<hbm>> -> memref<4000xi32, #tpu.memory_space<hbm>>
    %dma_wait3A_28 = arith.constant 0 : i32
    %dma_wait3A_29 = tpu.memref_slice %arg3[%dma_wait3A_28] : memref<160000xi32, #tpu.memory_space<hbm>> -> memref<4000xi32, #tpu.memory_space<hbm>>
    tpu.wait_dma2 semaphore(%arg16 : memref<!tpu.dma_semaphore, #tpu.memory_space<semaphore_mem>>) src(%dma_wait3A_29 : memref<4000xi32, #tpu.memory_space<hbm>>) dst(%arg7 : memref<4000xi32, #tpu.memory_space<vmem>>)
    "tpu.region"() ({
      %run_scoped3A = tpu.sem_alloc : memref<!tpu.dma_semaphore, #tpu.memory_space<semaphore_mem>>
      %dma_start3A_30 = arith.constant 0 : i32
      %dma_start3A_31 = arith.constant 0 : i32
      %dma_start3A_32 = tpu.memref_slice %arg14[%dma_start3A_30, %dma_start3A_31] : memref<321x256xf32, #tpu.memory_space<vmem>> -> memref<320x256xf32, #tpu.memory_space<vmem>>
      %dma_start3A_33 = arith.constant 0 : i32
      %dma_start3A_34 = tpu.memref_slice %arg5[%add3A_4, %dma_start3A_33] : memref<10240x256xf32, #tpu.memory_space<hbm>> -> memref<320x256xf32, #tpu.memory_space<hbm>>
      %dma_start3A_35 = arith.constant 0 : i32
      %dma_start3A_36 = tpu.memref_slice %arg5[%add3A_4, %dma_start3A_35] : memref<10240x256xf32, #tpu.memory_space<hbm>> -> memref<320x256xf32, #tpu.memory_space<hbm>>
      %dma_start3A_37 = arith.constant 0 : i32
      %dma_start3A_38 = arith.constant 0 : i32
      %dma_start3A_39 = tpu.memref_slice %arg14[%dma_start3A_37, %dma_start3A_38] : memref<321x256xf32, #tpu.memory_space<vmem>> -> memref<320x256xf32, #tpu.memory_space<vmem>>
      tpu.enqueue_dma source(%dma_start3A_39 : memref<320x256xf32, #tpu.memory_space<vmem>>) target(%dma_start3A_36 : memref<320x256xf32, #tpu.memory_space<hbm>>) target_semaphore(%run_scoped3A : memref<!tpu.dma_semaphore, #tpu.memory_space<semaphore_mem>>)
      %dma_wait3A_40 = arith.constant 0 : i32
      %dma_wait3A_41 = arith.constant 0 : i32
      %dma_wait3A_42 = tpu.memref_slice %arg14[%dma_wait3A_40, %dma_wait3A_41] : memref<321x256xf32, #tpu.memory_space<vmem>> -> memref<320x256xf32, #tpu.memory_space<vmem>>
      %dma_wait3A_43 = arith.constant 0 : i32
      %dma_wait3A_44 = tpu.memref_slice %arg5[%add3A_4, %dma_wait3A_43] : memref<10240x256xf32, #tpu.memory_space<hbm>> -> memref<320x256xf32, #tpu.memory_space<hbm>>
      %dma_wait3A_45 = arith.constant 0 : i32
      %dma_wait3A_46 = tpu.memref_slice %arg5[%add3A_4, %dma_wait3A_45] : memref<10240x256xf32, #tpu.memory_space<hbm>> -> memref<320x256xf32, #tpu.memory_space<hbm>>
      %dma_wait3A_47 = arith.constant 0 : i32
      %dma_wait3A_48 = arith.constant 0 : i32
      %dma_wait3A_49 = tpu.memref_slice %arg14[%dma_wait3A_47, %dma_wait3A_48] : memref<321x256xf32, #tpu.memory_space<vmem>> -> memref<320x256xf32, #tpu.memory_space<vmem>>
      tpu.wait_dma2 semaphore(%run_scoped3A : memref<!tpu.dma_semaphore, #tpu.memory_space<semaphore_mem>>) src(%dma_wait3A_49 : memref<320x256xf32, #tpu.memory_space<vmem>>) dst(%dma_wait3A_46 : memref<320x256xf32, #tpu.memory_space<hbm>>)
      tpu.yield
    }) : () -> ()
    return
  }
}

#map = affine_map<(d0, d1) -> (0)>
#map1 = affine_map<(d0, d1) -> (0, 0)>
module attributes {stable_mosaic.version = 14 : i64} {
  func.func @_deg_body(%arg0: i32, %arg1: i32, %arg2: memref<160000xi32, #tpu.memory_space<hbm>>, %arg3: memref<32x10240xf32, #tpu.memory_space<hbm>>, %arg4: memref<5016xi32, #tpu.memory_space<vmem>>, %arg5: memref<10240xf32, #tpu.memory_space<vmem>>) attributes {dimension_semantics = [#tpu.dimension_semantics<core_parallel>, #tpu.dimension_semantics<subcore_parallel>], iteration_bounds = array<i64: 2, 16>, scalar_prefetch = 0 : i64, scratch_operands = 2 : i64, tpu.core_type = #tpu.core_type<sc_vector_subcore>, window_params = [{transform_indices = #map}, {transform_indices = #map1}]} {
    %mul3A = arith.constant 16 : i32
    %mul3A_0 = arith.muli %arg0, %mul3A : i32
    %add3A = arith.addi %mul3A_0, %arg1 : i32
    %mul3A_1 = arith.constant 5000 : i32
    %mul3A_2 = arith.muli %add3A, %mul3A_1 : i32
    "tpu.region"() ({
      %run_scoped3A = tpu.sem_alloc : memref<!tpu.dma_semaphore, #tpu.memory_space<semaphore_mem>>
      %dma_start3A = arith.constant 0 : i32
      %dma_start3A_19 = tpu.memref_slice %arg4[%dma_start3A] : memref<5016xi32, #tpu.memory_space<vmem>> -> memref<5000xi32, #tpu.memory_space<vmem>>
      %dma_start3A_20 = tpu.memref_slice %arg2[%mul3A_2] : memref<160000xi32, #tpu.memory_space<hbm>> -> memref<5000xi32, #tpu.memory_space<hbm>>
      %dma_start3A_21 = arith.constant 0 : i32
      %dma_start3A_22 = tpu.memref_slice %arg4[%dma_start3A_21] : memref<5016xi32, #tpu.memory_space<vmem>> -> memref<5000xi32, #tpu.memory_space<vmem>>
      %dma_start3A_23 = tpu.memref_slice %arg2[%mul3A_2] : memref<160000xi32, #tpu.memory_space<hbm>> -> memref<5000xi32, #tpu.memory_space<hbm>>
      tpu.enqueue_dma source(%dma_start3A_23 : memref<5000xi32, #tpu.memory_space<hbm>>) target(%dma_start3A_22 : memref<5000xi32, #tpu.memory_space<vmem>>) target_semaphore(%run_scoped3A : memref<!tpu.dma_semaphore, #tpu.memory_space<semaphore_mem>>)
      %dma_wait3A = arith.constant 0 : i32
      %dma_wait3A_24 = tpu.memref_slice %arg4[%dma_wait3A] : memref<5016xi32, #tpu.memory_space<vmem>> -> memref<5000xi32, #tpu.memory_space<vmem>>
      %dma_wait3A_25 = tpu.memref_slice %arg2[%mul3A_2] : memref<160000xi32, #tpu.memory_space<hbm>> -> memref<5000xi32, #tpu.memory_space<hbm>>
      %dma_wait3A_26 = arith.constant 0 : i32
      %dma_wait3A_27 = tpu.memref_slice %arg4[%dma_wait3A_26] : memref<5016xi32, #tpu.memory_space<vmem>> -> memref<5000xi32, #tpu.memory_space<vmem>>
      %dma_wait3A_28 = tpu.memref_slice %arg2[%mul3A_2] : memref<160000xi32, #tpu.memory_space<hbm>> -> memref<5000xi32, #tpu.memory_space<hbm>>
      tpu.wait_dma2 semaphore(%run_scoped3A : memref<!tpu.dma_semaphore, #tpu.memory_space<semaphore_mem>>) src(%dma_wait3A_28 : memref<5000xi32, #tpu.memory_space<hbm>>) dst(%dma_wait3A_27 : memref<5000xi32, #tpu.memory_space<vmem>>)
      tpu.yield
    }) : () -> ()
    %scan3A = arith.constant 0 : i32
    %scan3A_3 = arith.constant 0 : i32
    %scan3A_4 = arith.constant 640 : i32
    %scan3A_5 = arith.addi %scan3A_3, %scan3A_4 : i32
    %scan3A_6 = arith.constant 1 : i32
    scf.for %scan3A_19 = %scan3A_3 to %scan3A_5 step %scan3A_6  : i32 {
      %broadcast_in_dim3A_20 = arith.constant 0.000000e+00 : f32
      %broadcast_in_dim3A_21 = vector.broadcast %broadcast_in_dim3A_20 : f32 to vector<16xf32>
      %mul3A_22 = arith.constant 16 : i32
      %mul3A_23 = arith.muli %scan3A_19, %mul3A_22 : i32
      %swap3A = arith.index_cast %mul3A_23 : i32 to index
      %swap3A_24 = tpu.vector_load %arg5[%swap3A] {strides = array<i32>} : memref<10240xf32, #tpu.memory_space<vmem>>, vector<16xf32>,
      tpu.vector_store %arg5[%swap3A], %broadcast_in_dim3A_21 {strides = array<i32>} : memref<10240xf32, #tpu.memory_space<vmem>>, vector<16xf32>,
    }
    %scan3A_7 = arith.constant 640 : i32
    %broadcast_in_dim3A = arith.constant 1.000000e+00 : f32
    %broadcast_in_dim3A_8 = vector.broadcast %broadcast_in_dim3A : f32 to vector<16xf32>
    %scan3A_9 = arith.constant 0 : i32
    %scan3A_10 = arith.constant 0 : i32
    %scan3A_11 = arith.constant 312 : i32
    %scan3A_12 = arith.addi %scan3A_10, %scan3A_11 : i32
    %scan3A_13 = arith.constant 1 : i32
    scf.for %scan3A_19 = %scan3A_10 to %scan3A_12 step %scan3A_13  : i32 {
      %mul3A_20 = arith.constant 16 : i32
      %mul3A_21 = arith.muli %scan3A_19, %mul3A_20 : i32
      %get3A_22 = arith.index_cast %mul3A_21 : i32 to index
      %get3A_23 = tpu.vector_load %arg4[%get3A_22] {strides = array<i32>} : memref<5016xi32, #tpu.memory_space<vmem>>, vector<16xi32>,
      tpu.vector_store_idx %arg5[%get3A_23], %broadcast_in_dim3A_8 {add = true} : memref<10240xf32, #tpu.memory_space<vmem>>[vector<16xi32>], vector<16xf32>,
    }
    %scan3A_14 = arith.constant 312 : i32
    %get3A = arith.constant 4992 : index
    %get3A_15 = tpu.vector_load %arg4[%get3A] {strides = array<i32>} : memref<5016xi32, #tpu.memory_space<vmem>>, vector<16xi32>,
    %iota3A = tpu.iota {dimensions = array<i32: 0>} : vector<16xi32>
    %lt3A = arith.constant 8 : i32
    %lt3A_16 = vector.broadcast %lt3A : i32 to vector<16xi32>
    %lt3A_17 = arith.cmpi slt, %iota3A, %lt3A_16 : vector<16xi32>
    %jit3A = arith.constant 0 : i32
    %broadcast_in_dim3A_18 = vector.broadcast %jit3A : i32 to vector<16xi32>
    %select_n3A = arith.select %lt3A_17, %get3A_15, %broadcast_in_dim3A_18 : vector<16xi1>, vector<16xi32>
    tpu.vector_store_idx %arg5[%select_n3A], %broadcast_in_dim3A_8 masked %lt3A_17 {add = true} : memref<10240xf32, #tpu.memory_space<vmem>>[vector<16xi32>], vector<16xf32>, vector<16xi1>
    "tpu.region"() ({
      %run_scoped3A = tpu.sem_alloc : memref<!tpu.dma_semaphore, #tpu.memory_space<semaphore_mem>>
      %dma_start3A = arith.constant 0 : i32
      %dma_start3A_19 = tpu.memref_slice %arg3[%add3A, %dma_start3A] : memref<32x10240xf32, #tpu.memory_space<hbm>> -> memref<1x10240xf32, #tpu.memory_space<hbm>>
      %dma_start3A_20 = tpu.memref_squeeze %dma_start3A_19 : memref<1x10240xf32, #tpu.memory_space<hbm>> -> memref<10240xf32, #tpu.memory_space<hbm>>
      %dma_start3A_21 = arith.constant 0 : i32
      %dma_start3A_22 = tpu.memref_slice %arg3[%add3A, %dma_start3A_21] : memref<32x10240xf32, #tpu.memory_space<hbm>> -> memref<1x10240xf32, #tpu.memory_space<hbm>>
      %dma_start3A_23 = tpu.memref_squeeze %dma_start3A_22 : memref<1x10240xf32, #tpu.memory_space<hbm>> -> memref<10240xf32, #tpu.memory_space<hbm>>
      tpu.enqueue_dma source(%arg5 : memref<10240xf32, #tpu.memory_space<vmem>>) target(%dma_start3A_23 : memref<10240xf32, #tpu.memory_space<hbm>>) target_semaphore(%run_scoped3A : memref<!tpu.dma_semaphore, #tpu.memory_space<semaphore_mem>>)
      %dma_wait3A = arith.constant 0 : i32
      %dma_wait3A_24 = tpu.memref_slice %arg3[%add3A, %dma_wait3A] : memref<32x10240xf32, #tpu.memory_space<hbm>> -> memref<1x10240xf32, #tpu.memory_space<hbm>>
      %dma_wait3A_25 = tpu.memref_squeeze %dma_wait3A_24 : memref<1x10240xf32, #tpu.memory_space<hbm>> -> memref<10240xf32, #tpu.memory_space<hbm>>
      %dma_wait3A_26 = arith.constant 0 : i32
      %dma_wait3A_27 = tpu.memref_slice %arg3[%add3A, %dma_wait3A_26] : memref<32x10240xf32, #tpu.memory_space<hbm>> -> memref<1x10240xf32, #tpu.memory_space<hbm>>
      %dma_wait3A_28 = tpu.memref_squeeze %dma_wait3A_27 : memref<1x10240xf32, #tpu.memory_space<hbm>> -> memref<10240xf32, #tpu.memory_space<hbm>>
      tpu.wait_dma2 semaphore(%run_scoped3A : memref<!tpu.dma_semaphore, #tpu.memory_space<semaphore_mem>>) src(%arg5 : memref<10240xf32, #tpu.memory_space<vmem>>) dst(%dma_wait3A_28 : memref<10240xf32, #tpu.memory_space<hbm>>)
      tpu.yield
    }) : () -> ()
    return
  }
}

#map = affine_map<(d0, d1) -> (0)>
#map1 = affine_map<(d0, d1) -> (0, 0)>
module attributes {stable_mosaic.version = 14 : i64} {
  func.func @body(%arg0: i32, %arg1: i32, %arg2: memref<160000xi32, #tpu.memory_space<hbm>>, %arg3: memref<160000xi32, #tpu.memory_space<hbm>>, %arg4: memref<10000x128xi32, #tpu.memory_space<hbm>>, %arg5: memref<10240x256xf32, #tpu.memory_space<hbm>>, %arg6: memref<4000xi32, #tpu.memory_space<vmem>>, %arg7: memref<4000xi32, #tpu.memory_space<vmem>>, %arg8: memref<4000xi32, #tpu.memory_space<vmem>>, %arg9: memref<4000xi32, #tpu.memory_space<vmem>>, %arg10: memref<4064xi32, #tpu.memory_space<vmem>>, %arg11: memref<4064xi32, #tpu.memory_space<vmem>>, %arg12: memref<64xi32, #tpu.memory_space<vmem>>, %arg13: memref<64x128xi32, #tpu.memory_space<vmem>>, %arg14: memref<321x256xf32, #tpu.memory_space<vmem>>, %arg15: memref<!tpu.dma_semaphore, #tpu.memory_space<semaphore_mem>>, %arg16: memref<!tpu.dma_semaphore, #tpu.memory_space<semaphore_mem>>, %arg17: memref<!tpu.dma_semaphore, #tpu.memory_space<semaphore_mem>>, %arg18: memref<!tpu.dma_semaphore, #tpu.memory_space<semaphore_mem>>, %arg19: memref<!tpu.dma_semaphore, #tpu.memory_space<semaphore_mem>>) attributes {dimension_semantics = [#tpu.dimension_semantics<core_parallel>, #tpu.dimension_semantics<subcore_parallel>], iteration_bounds = array<i64: 2, 16>, scalar_prefetch = 0 : i64, scratch_operands = 14 : i64, tpu.core_type = #tpu.core_type<sc_vector_subcore>, window_params = [{transform_indices = #map}, {transform_indices = #map}, {transform_indices = #map1}, {transform_indices = #map1}]} {
    %mul3A = arith.constant 16 : i32
    %mul3A_0 = arith.muli %arg0, %mul3A : i32
    %add3A = arith.addi %mul3A_0, %arg1 : i32
    %iota3A = tpu.iota {dimensions = array<i32: 0>} : vector<16xi32>
    %mul3A_1 = arith.constant 320 : i32
    %mul3A_2 = arith.muli %add3A, %mul3A_1 : i32
    %add3A_3 = arith.constant 0 : i32
    %add3A_4 = arith.addi %mul3A_2, %add3A_3 : i32
    %scan3A = arith.constant 0 : i32
    %scan3A_5 = arith.constant 0 : i32
    %scan3A_6 = arith.constant 5136 : i32
    %scan3A_7 = arith.addi %scan3A_5, %scan3A_6 : i32
    %scan3A_8 = arith.constant 1 : i32
    scf.for %scan3A_30 = %scan3A_5 to %scan3A_7 step %scan3A_8  : i32 {
      %broadcast_in_dim3A = arith.constant 0.000000e+00 : f32
      %broadcast_in_dim3A_31 = vector.broadcast %broadcast_in_dim3A : f32 to vector<16xf32>
      %jit3A = arith.constant 16 : i32
      %div3A = arith.divsi %scan3A_30, %jit3A : i32
      %sign3A = arith.constant 0 : i32
      %sign3A_32 = arith.cmpi sgt, %scan3A_30, %sign3A : i32
      %sign3A_33 = arith.extui %sign3A_32 : i1 to i32
      %sign3A_34 = arith.constant 0 : i32
      %sign3A_35 = arith.cmpi slt, %scan3A_30, %sign3A_34 : i32
      %sign3A_36 = arith.extui %sign3A_35 : i1 to i32
      %sign3A_37 = arith.subi %sign3A_33, %sign3A_36 : i32
      %sign3A_38 = arith.constant 0 : i32
      %sign3A_39 = arith.cmpi sgt, %jit3A, %sign3A_38 : i32
      %sign3A_40 = arith.extui %sign3A_39 : i1 to i32
      %sign3A_41 = arith.constant 0 : i32
      %sign3A_42 = arith.cmpi slt, %jit3A, %sign3A_41 : i32
      %sign3A_43 = arith.extui %sign3A_42 : i1 to i32
      %sign3A_44 = arith.subi %sign3A_40, %sign3A_43 : i32
      %ne3A = arith.cmpi ne, %sign3A_37, %sign3A_44 : i32
      %rem3A = arith.remsi %scan3A_30, %jit3A : i32
      %ne3A_45 = arith.constant 0 : i32
      %ne3A_46 = arith.cmpi ne, %rem3A, %ne3A_45 : i32
      %and3A = arith.andi %ne3A, %ne3A_46 : i1
      %sub3A = arith.constant 1 : i32
      %sub3A_47 = arith.subi %div3A, %sub3A : i32
      %select_n3A = arith.select %and3A, %sub3A_47, %div3A : i32
      %jit3A_48 = arith.constant 16 : i32
      %eq3A = arith.constant 0 : i32
      %eq3A_49 = arith.cmpi eq, %jit3A_48, %eq3A : i32
      %jit3A_50 = arith.constant 1 : i32
      %select_n3A_51 = arith.select %eq3A_49, %jit3A_50, %jit3A_48 : i32
      %rem3A_52 = arith.remsi %scan3A_30, %select_n3A_51 : i32
      %ne3A_53 = arith.constant 0 : i32
      %ne3A_54 = arith.cmpi ne, %rem3A_52, %ne3A_53 : i32
      %lt3A = arith.constant 0 : i32
      %lt3A_55 = arith.cmpi slt, %rem3A_52, %lt3A : i32
      %lt3A_56 = arith.constant 0 : i32
      %lt3A_57 = arith.cmpi slt, %select_n3A_51, %lt3A_56 : i32
      %ne3A_58 = arith.xori %lt3A_55, %lt3A_57 : i1
      %and3A_59 = arith.andi %ne3A_58, %ne3A_54 : i1
      %add3A_60 = arith.addi %rem3A_52, %select_n3A_51 : i32
      %select_n3A_61 = arith.select %and3A_59, %add3A_60, %rem3A_52 : i32
      %mul3A_62 = arith.constant 16 : i32
      %mul3A_63 = arith.muli %select_n3A_61, %mul3A_62 : i32
      %swap3A = arith.index_cast %select_n3A : i32 to index
      %swap3A_64 = arith.index_cast %mul3A_63 : i32 to index
      %swap3A_65 = tpu.vector_load %arg14[%swap3A, %swap3A_64] {strides = array<i32>} : memref<321x256xf32, #tpu.memory_space<vmem>>, vector<16xf32>,
      tpu.vector_store %arg14[%swap3A, %swap3A_64], %broadcast_in_dim3A_31 {strides = array<i32>} : memref<321x256xf32, #tpu.memory_space<vmem>>, vector<16xf32>,
    }
    %scan3A_9 = arith.constant 5136 : i32
    %dma_start3A = arith.constant 0 : i32
    %dma_start3A_10 = tpu.memref_slice %arg2[%dma_start3A] : memref<160000xi32, #tpu.memory_space<hbm>> -> memref<4000xi32, #tpu.memory_space<hbm>>
    %dma_start3A_11 = arith.constant 0 : i32
    %dma_start3A_12 = tpu.memref_slice %arg2[%dma_start3A_11] : memref<160000xi32, #tpu.memory_space<hbm>> -> memref<4000xi32, #tpu.memory_space<hbm>>
    tpu.enqueue_dma source(%dma_start3A_12 : memref<4000xi32, #tpu.memory_space<hbm>>) target(%arg6 : memref<4000xi32, #tpu.memory_space<vmem>>) target_semaphore(%arg15 : memref<!tpu.dma_semaphore, #tpu.memory_space<semaphore_mem>>)
    %dma_start3A_13 = arith.constant 0 : i32
    %dma_start3A_14 = tpu.memref_slice %arg3[%dma_start3A_13] : memref<160000xi32, #tpu.memory_space<hbm>> -> memref<4000xi32, #tpu.memory_space<hbm>>
    %dma_start3A_15 = arith.constant 0 : i32
    %dma_start3A_16 = tpu.memref_slice %arg3[%dma_start3A_15] : memref<160000xi32, #tpu.memory_space<hbm>> -> memref<4000xi32, #tpu.memory_space<hbm>>
    tpu.enqueue_dma source(%dma_start3A_16 : memref<4000xi32, #tpu.memory_space<hbm>>) target(%arg7 : memref<4000xi32, #tpu.memory_space<vmem>>) target_semaphore(%arg16 : memref<!tpu.dma_semaphore, #tpu.memory_space<semaphore_mem>>)
    %scan3A_17 = arith.constant 0 : i32
    %scan3A_18 = arith.constant 0 : i32
    %scan3A_19 = arith.constant 20 : i32
    %scan3A_20 = arith.addi %scan3A_18, %scan3A_19 : i32
    %scan3A_21 = arith.constant 1 : i32
    scf.for %scan3A_30 = %scan3A_18 to %scan3A_20 step %scan3A_21  : i32 {
      %mul3A_31 = arith.constant 2 : i32
      %mul3A_32 = arith.muli %mul3A_31, %scan3A_30 : i32
      %add3A_33 = arith.constant 1 : i32
      %add3A_34 = arith.addi %mul3A_32, %add3A_33 : i32
      %mul3A_35 = arith.constant 4000 : i32
      %mul3A_36 = arith.muli %add3A_34, %mul3A_35 : i32
      %dma_start3A_37 = tpu.memref_slice %arg2[%mul3A_36] : memref<160000xi32, #tpu.memory_space<hbm>> -> memref<4000xi32, #tpu.memory_space<hbm>>
      %dma_start3A_38 = tpu.memref_slice %arg2[%mul3A_36] : memref<160000xi32, #tpu.memory_space<hbm>> -> memref<4000xi32, #tpu.memory_space<hbm>>
      tpu.enqueue_dma source(%dma_start3A_38 : memref<4000xi32, #tpu.memory_space<hbm>>) target(%arg8 : memref<4000xi32, #tpu.memory_space<vmem>>) target_semaphore(%arg17 : memref<!tpu.dma_semaphore, #tpu.memory_space<semaphore_mem>>)
      %mul3A_39 = arith.constant 4000 : i32
      %mul3A_40 = arith.muli %add3A_34, %mul3A_39 : i32
      %dma_start3A_41 = tpu.memref_slice %arg3[%mul3A_40] : memref<160000xi32, #tpu.memory_space<hbm>> -> memref<4000xi32, #tpu.memory_space<hbm>>
      %dma_start3A_42 = tpu.memref_slice %arg3[%mul3A_40] : memref<160000xi32, #tpu.memory_space<hbm>> -> memref<4000xi32, #tpu.memory_space<hbm>>
      tpu.enqueue_dma source(%dma_start3A_42 : memref<4000xi32, #tpu.memory_space<hbm>>) target(%arg9 : memref<4000xi32, #tpu.memory_space<vmem>>) target_semaphore(%arg18 : memref<!tpu.dma_semaphore, #tpu.memory_space<semaphore_mem>>)
      %mul3A_43 = arith.constant 4000 : i32
      %mul3A_44 = arith.muli %mul3A_32, %mul3A_43 : i32
      %dma_wait3A_45 = tpu.memref_slice %arg2[%mul3A_44] : memref<160000xi32, #tpu.memory_space<hbm>> -> memref<4000xi32, #tpu.memory_space<hbm>>
      %dma_wait3A_46 = tpu.memref_slice %arg2[%mul3A_44] : memref<160000xi32, #tpu.memory_space<hbm>> -> memref<4000xi32, #tpu.memory_space<hbm>>
      tpu.wait_dma2 semaphore(%arg15 : memref<!tpu.dma_semaphore, #tpu.memory_space<semaphore_mem>>) src(%dma_wait3A_46 : memref<4000xi32, #tpu.memory_space<hbm>>) dst(%arg6 : memref<4000xi32, #tpu.memory_space<vmem>>)
      %mul3A_47 = arith.constant 4000 : i32
      %mul3A_48 = arith.muli %mul3A_32, %mul3A_47 : i32
      %dma_wait3A_49 = tpu.memref_slice %arg3[%mul3A_48] : memref<160000xi32, #tpu.memory_space<hbm>> -> memref<4000xi32, #tpu.memory_space<hbm>>
      %dma_wait3A_50 = tpu.memref_slice %arg3[%mul3A_48] : memref<160000xi32, #tpu.memory_space<hbm>> -> memref<4000xi32, #tpu.memory_space<hbm>>
      tpu.wait_dma2 semaphore(%arg16 : memref<!tpu.dma_semaphore, #tpu.memory_space<semaphore_mem>>) src(%dma_wait3A_50 : memref<4000xi32, #tpu.memory_space<hbm>>) dst(%arg7 : memref<4000xi32, #tpu.memory_space<vmem>>)
      %scan3A_51 = arith.constant 0 : i32
      %scan3A_52 = arith.constant 0 : i32
      %scan3A_53 = arith.constant 250 : i32
      %scan3A_54 = arith.addi %scan3A_52, %scan3A_53 : i32
      %scan3A_55 = arith.constant 1 : i32
      %scan3A_56 = scf.for %scan3A_248 = %scan3A_52 to %scan3A_54 step %scan3A_55 iter_args(%scan3A_249 = %scan3A_51) -> (i32)  : i32 {
        %mul3A_250 = arith.constant 16 : i32
        %mul3A_251 = arith.muli %scan3A_248, %mul3A_250 : i32
        %get3A = arith.index_cast %mul3A_251 : i32 to index
        %get3A_252 = tpu.vector_load %arg6[%get3A] {strides = array<i32>} : memref<4000xi32, #tpu.memory_space<vmem>>, vector<16xi32>,
        %mul3A_253 = arith.constant 16 : i32
        %mul3A_254 = arith.muli %scan3A_248, %mul3A_253 : i32
        %get3A_255 = arith.index_cast %mul3A_254 : i32 to index
        %get3A_256 = tpu.vector_load %arg7[%get3A_255] {strides = array<i32>} : memref<4000xi32, #tpu.memory_space<vmem>>, vector<16xi32>,
        %sub3A_257 = vector.broadcast %add3A_4 : i32 to vector<16xi32>
        %sub3A_258 = arith.subi %get3A_256, %sub3A_257 : vector<16xi32>
        %ge3A = arith.constant 0 : i32
        %ge3A_259 = vector.broadcast %ge3A : i32 to vector<16xi32>
        %ge3A_260 = arith.cmpi sge, %sub3A_258, %ge3A_259 : vector<16xi32>
        %lt3A = arith.constant 320 : i32
        %lt3A_261 = vector.broadcast %lt3A : i32 to vector<16xi32>
        %lt3A_262 = arith.cmpi slt, %sub3A_258, %lt3A_261 : vector<16xi32>
        %and3A_263 = arith.andi %ge3A_260, %lt3A_262 : vector<16xi1>
        %convert_element_type3A = arith.extui %and3A_263 : vector<16xi1> to vector<16xi32>
        %broadcast_in_dim3A_264 = arith.constant true
        %broadcast_in_dim3A_265 = vector.broadcast %broadcast_in_dim3A_264 : i1 to vector<16xi1>
        %masked_cumsum3A = tpu.scan <sum>, %convert_element_type3A masked %broadcast_in_dim3A_265 : vector<16xi32>, vector<16xi1> -> vector<16xi32>
        %add3A_266 = vector.broadcast %scan3A_249 : i32 to vector<16xi32>
        %add3A_267 = arith.addi %add3A_266, %masked_cumsum3A : vector<16xi32>
        %sub3A_268 = arith.constant 1 : i32
        %sub3A_269 = vector.broadcast %sub3A_268 : i32 to vector<16xi32>
        %sub3A_270 = arith.subi %add3A_267, %sub3A_269 : vector<16xi32>
        tpu.vector_store_idx %arg10[%sub3A_270], %get3A_252 masked %and3A_263 : memref<4064xi32, #tpu.memory_space<vmem>>[vector<16xi32>], vector<16xi32>, vector<16xi1>
        tpu.vector_store_idx %arg11[%sub3A_270], %sub3A_258 masked %and3A_263 : memref<4064xi32, #tpu.memory_space<vmem>>[vector<16xi32>], vector<16xi32>, vector<16xi1>
        %reduce_sum3A = arith.constant true
        %reduce_sum3A_271 = vector.broadcast %reduce_sum3A : i1 to vector<16xi1>
        %reduce_sum3A_272 = tpu.scan <sum>, %convert_element_type3A masked %reduce_sum3A_271 : vector<16xi32>, vector<16xi1> -> vector<16xi32>
        %reduce_sum3A_273 = vector.extract %reduce_sum3A_272[15] : i32 from vector<16xi32>
        %add3A_274 = arith.addi %scan3A_249, %reduce_sum3A_273 : i32
        scf.yield %add3A_274 : i32
      }
      %scan3A_57 = arith.constant 250 : i32
      %broadcast_in_dim3A = arith.constant 0 : i32
      %broadcast_in_dim3A_58 = vector.broadcast %broadcast_in_dim3A : i32 to vector<16xi32>
      %add3A_59 = arith.constant 0 : i32
      %add3A_60 = arith.addi %scan3A_56, %add3A_59 : i32
      %swap3A = arith.index_cast %add3A_60 : i32 to index
      %swap3A_61 = tpu.vector_load %arg10[%swap3A] {strides = array<i32>} : memref<4064xi32, #tpu.memory_space<vmem>>, vector<16xi32>,
      tpu.vector_store %arg10[%swap3A], %broadcast_in_dim3A_58 {strides = array<i32>} : memref<4064xi32, #tpu.memory_space<vmem>>, vector<16xi32>,
      %broadcast_in_dim3A_62 = arith.constant 320 : i32
      %broadcast_in_dim3A_63 = vector.broadcast %broadcast_in_dim3A_62 : i32 to vector<16xi32>
      %add3A_64 = arith.constant 0 : i32
      %add3A_65 = arith.addi %scan3A_56, %add3A_64 : i32
      %swap3A_66 = arith.index_cast %add3A_65 : i32 to index
      %swap3A_67 = tpu.vector_load %arg11[%swap3A_66] {strides = array<i32>} : memref<4064xi32, #tpu.memory_space<vmem>>, vector<16xi32>,
      tpu.vector_store %arg11[%swap3A_66], %broadcast_in_dim3A_63 {strides = array<i32>} : memref<4064xi32, #tpu.memory_space<vmem>>, vector<16xi32>,
      %broadcast_in_dim3A_68 = arith.constant 0 : i32
      %broadcast_in_dim3A_69 = vector.broadcast %broadcast_in_dim3A_68 : i32 to vector<16xi32>
      %add3A_70 = arith.constant 16 : i32
      %add3A_71 = arith.addi %scan3A_56, %add3A_70 : i32
      %swap3A_72 = arith.index_cast %add3A_71 : i32 to index
      %swap3A_73 = tpu.vector_load %arg10[%swap3A_72] {strides = array<i32>} : memref<4064xi32, #tpu.memory_space<vmem>>, vector<16xi32>,
      tpu.vector_store %arg10[%swap3A_72], %broadcast_in_dim3A_69 {strides = array<i32>} : memref<4064xi32, #tpu.memory_space<vmem>>, vector<16xi32>,
      %broadcast_in_dim3A_74 = arith.constant 320 : i32
      %broadcast_in_dim3A_75 = vector.broadcast %broadcast_in_dim3A_74 : i32 to vector<16xi32>
      %add3A_76 = arith.constant 16 : i32
      %add3A_77 = arith.addi %scan3A_56, %add3A_76 : i32
      %swap3A_78 = arith.index_cast %add3A_77 : i32 to index
      %swap3A_79 = tpu.vector_load %arg11[%swap3A_78] {strides = array<i32>} : memref<4064xi32, #tpu.memory_space<vmem>>, vector<16xi32>,
      tpu.vector_store %arg11[%swap3A_78], %broadcast_in_dim3A_75 {strides = array<i32>} : memref<4064xi32, #tpu.memory_space<vmem>>, vector<16xi32>,
      %broadcast_in_dim3A_80 = arith.constant 0 : i32
      %broadcast_in_dim3A_81 = vector.broadcast %broadcast_in_dim3A_80 : i32 to vector<16xi32>
      %add3A_82 = arith.constant 32 : i32
      %add3A_83 = arith.addi %scan3A_56, %add3A_82 : i32
      %swap3A_84 = arith.index_cast %add3A_83 : i32 to index
      %swap3A_85 = tpu.vector_load %arg10[%swap3A_84] {strides = array<i32>} : memref<4064xi32, #tpu.memory_space<vmem>>, vector<16xi32>,
      tpu.vector_store %arg10[%swap3A_84], %broadcast_in_dim3A_81 {strides = array<i32>} : memref<4064xi32, #tpu.memory_space<vmem>>, vector<16xi32>,
      %broadcast_in_dim3A_86 = arith.constant 320 : i32
      %broadcast_in_dim3A_87 = vector.broadcast %broadcast_in_dim3A_86 : i32 to vector<16xi32>
      %add3A_88 = arith.constant 32 : i32
      %add3A_89 = arith.addi %scan3A_56, %add3A_88 : i32
      %swap3A_90 = arith.index_cast %add3A_89 : i32 to index
      %swap3A_91 = tpu.vector_load %arg11[%swap3A_90] {strides = array<i32>} : memref<4064xi32, #tpu.memory_space<vmem>>, vector<16xi32>,
      tpu.vector_store %arg11[%swap3A_90], %broadcast_in_dim3A_87 {strides = array<i32>} : memref<4064xi32, #tpu.memory_space<vmem>>, vector<16xi32>,
      %broadcast_in_dim3A_92 = arith.constant 0 : i32
      %broadcast_in_dim3A_93 = vector.broadcast %broadcast_in_dim3A_92 : i32 to vector<16xi32>
      %add3A_94 = arith.constant 48 : i32
      %add3A_95 = arith.addi %scan3A_56, %add3A_94 : i32
      %swap3A_96 = arith.index_cast %add3A_95 : i32 to index
      %swap3A_97 = tpu.vector_load %arg10[%swap3A_96] {strides = array<i32>} : memref<4064xi32, #tpu.memory_space<vmem>>, vector<16xi32>,
      tpu.vector_store %arg10[%swap3A_96], %broadcast_in_dim3A_93 {strides = array<i32>} : memref<4064xi32, #tpu.memory_space<vmem>>, vector<16xi32>,
      %broadcast_in_dim3A_98 = arith.constant 320 : i32
      %broadcast_in_dim3A_99 = vector.broadcast %broadcast_in_dim3A_98 : i32 to vector<16xi32>
      %add3A_100 = arith.constant 48 : i32
      %add3A_101 = arith.addi %scan3A_56, %add3A_100 : i32
      %swap3A_102 = arith.index_cast %add3A_101 : i32 to index
      %swap3A_103 = tpu.vector_load %arg11[%swap3A_102] {strides = array<i32>} : memref<4064xi32, #tpu.memory_space<vmem>>, vector<16xi32>,
      tpu.vector_store %arg11[%swap3A_102], %broadcast_in_dim3A_99 {strides = array<i32>} : memref<4064xi32, #tpu.memory_space<vmem>>, vector<16xi32>,
      %add3A_104 = arith.constant 64 : i32
      %add3A_105 = arith.addi %scan3A_56, %add3A_104 : i32
      %sub3A = arith.constant 1 : i32
      %sub3A_106 = arith.subi %add3A_105, %sub3A : i32
      %jit3A = arith.constant 64 : i32
      %div3A = arith.divsi %sub3A_106, %jit3A : i32
      %sign3A = arith.constant 0 : i32
      %sign3A_107 = arith.cmpi sgt, %sub3A_106, %sign3A : i32
      %sign3A_108 = arith.extui %sign3A_107 : i1 to i32
      %sign3A_109 = arith.constant 0 : i32
      %sign3A_110 = arith.cmpi slt, %sub3A_106, %sign3A_109 : i32
      %sign3A_111 = arith.extui %sign3A_110 : i1 to i32
      %sign3A_112 = arith.subi %sign3A_108, %sign3A_111 : i32
      %sign3A_113 = arith.constant 0 : i32
      %sign3A_114 = arith.cmpi sgt, %jit3A, %sign3A_113 : i32
      %sign3A_115 = arith.extui %sign3A_114 : i1 to i32
      %sign3A_116 = arith.constant 0 : i32
      %sign3A_117 = arith.cmpi slt, %jit3A, %sign3A_116 : i32
      %sign3A_118 = arith.extui %sign3A_117 : i1 to i32
      %sign3A_119 = arith.subi %sign3A_115, %sign3A_118 : i32
      %ne3A = arith.cmpi ne, %sign3A_112, %sign3A_119 : i32
      %rem3A = arith.remsi %sub3A_106, %jit3A : i32
      %ne3A_120 = arith.constant 0 : i32
      %ne3A_121 = arith.cmpi ne, %rem3A, %ne3A_120 : i32
      %and3A = arith.andi %ne3A, %ne3A_121 : i1
      %sub3A_122 = arith.constant 1 : i32
      %sub3A_123 = arith.subi %div3A, %sub3A_122 : i32
      %select_n3A = arith.select %and3A, %sub3A_123, %div3A : i32
      %while3A = arith.constant 0 : i32
      %while3A_124 = arith.constant 0 : i32
      %while3A_125 = arith.subi %select_n3A, %while3A_124 : i32
      %while3A_126 = arith.addi %while3A_124, %while3A_125 : i32
      %while3A_127 = arith.constant 1 : i32
      %while3A_128 = arith.divsi %while3A_125, %while3A_127 : i32
      %while3A_129 = arith.muli %while3A_128, %while3A_127 : i32
      %while3A_130 = arith.addi %while3A_124, %while3A_129 : i32
      %while3A_131 = arith.constant 1 : i32
      scf.for %while3A_248 = %while3A_124 to %while3A_130 step %while3A_131  : i32 {
        %mul3A_249 = arith.constant 64 : i32
        %mul3A_250 = arith.muli %while3A_248, %mul3A_249 : i32
        %add3A_251 = arith.constant 0 : i32
        %add3A_252 = arith.addi %mul3A_250, %add3A_251 : i32
        %get3A = arith.index_cast %add3A_252 : i32 to index
        %get3A_253 = tpu.vector_load %arg10[%get3A] {strides = array<i32>} : memref<4064xi32, #tpu.memory_space<vmem>>, vector<16xi32>,
        %swap3A_254 = arith.constant 0 : index
        %swap3A_255 = tpu.vector_load %arg12[%swap3A_254] {strides = array<i32>} : memref<64xi32, #tpu.memory_space<vmem>>, vector<16xi32>,
        tpu.vector_store %arg12[%swap3A_254], %get3A_253 {strides = array<i32>} : memref<64xi32, #tpu.memory_space<vmem>>, vector<16xi32>,
        %mul3A_256 = arith.constant 64 : i32
        %mul3A_257 = arith.muli %while3A_248, %mul3A_256 : i32
        %add3A_258 = arith.constant 16 : i32
        %add3A_259 = arith.addi %mul3A_257, %add3A_258 : i32
        %get3A_260 = arith.index_cast %add3A_259 : i32 to index
        %get3A_261 = tpu.vector_load %arg10[%get3A_260] {strides = array<i32>} : memref<4064xi32, #tpu.memory_space<vmem>>, vector<16xi32>,
        %swap3A_262 = arith.constant 16 : index
        %swap3A_263 = tpu.vector_load %arg12[%swap3A_262] {strides = array<i32>} : memref<64xi32, #tpu.memory_space<vmem>>, vector<16xi32>,
        tpu.vector_store %arg12[%swap3A_262], %get3A_261 {strides = array<i32>} : memref<64xi32, #tpu.memory_space<vmem>>, vector<16xi32>,
        %mul3A_264 = arith.constant 64 : i32
        %mul3A_265 = arith.muli %while3A_248, %mul3A_264 : i32
        %add3A_266 = arith.constant 32 : i32
        %add3A_267 = arith.addi %mul3A_265, %add3A_266 : i32
        %get3A_268 = arith.index_cast %add3A_267 : i32 to index
        %get3A_269 = tpu.vector_load %arg10[%get3A_268] {strides = array<i32>} : memref<4064xi32, #tpu.memory_space<vmem>>, vector<16xi32>,
        %swap3A_270 = arith.constant 32 : index
        %swap3A_271 = tpu.vector_load %arg12[%swap3A_270] {strides = array<i32>} : memref<64xi32, #tpu.memory_space<vmem>>, vector<16xi32>,
        tpu.vector_store %arg12[%swap3A_270], %get3A_269 {strides = array<i32>} : memref<64xi32, #tpu.memory_space<vmem>>, vector<16xi32>,
        %mul3A_272 = arith.constant 64 : i32
        %mul3A_273 = arith.muli %while3A_248, %mul3A_272 : i32
        %add3A_274 = arith.constant 48 : i32
        %add3A_275 = arith.addi %mul3A_273, %add3A_274 : i32
        %get3A_276 = arith.index_cast %add3A_275 : i32 to index
        %get3A_277 = tpu.vector_load %arg10[%get3A_276] {strides = array<i32>} : memref<4064xi32, #tpu.memory_space<vmem>>, vector<16xi32>,
        %swap3A_278 = arith.constant 48 : index
        %swap3A_279 = tpu.vector_load %arg12[%swap3A_278] {strides = array<i32>} : memref<64xi32, #tpu.memory_space<vmem>>, vector<16xi32>,
        tpu.vector_store %arg12[%swap3A_278], %get3A_277 {strides = array<i32>} : memref<64xi32, #tpu.memory_space<vmem>>, vector<16xi32>,
        %dma_start3A_280 = arith.constant 0 : i32
        %dma_start3A_281 = arith.constant 0 : i32
        %dma_start3A_282 = tpu.memref_slice %arg4[%dma_start3A_280, %dma_start3A_281] : memref<10000x128xi32, #tpu.memory_space<hbm>> -> memref<10000x128xi32, #tpu.memory_space<hbm>>
        tpu.enqueue_indirect_dma source(%dma_start3A_282 : memref<10000x128xi32, #tpu.memory_space<hbm>>) target(%arg13 : memref<64x128xi32, #tpu.memory_space<vmem>>) offsets(%arg12 : memref<64xi32, #tpu.memory_space<vmem>>) semaphore(%arg19 : memref<!tpu.dma_semaphore, #tpu.memory_space<semaphore_mem>>)
        %dma_wait3A_283 = arith.constant 0 : i32
        %dma_wait3A_284 = arith.constant 0 : i32
        %dma_wait3A_285 = tpu.memref_slice %arg4[%dma_wait3A_283, %dma_wait3A_284] : memref<10000x128xi32, #tpu.memory_space<hbm>> -> memref<10000x128xi32, #tpu.memory_space<hbm>>
        tpu.wait_indirect_dma semaphore(%arg19 : memref<!tpu.dma_semaphore, #tpu.memory_space<semaphore_mem>>) src(%dma_wait3A_285 : memref<10000x128xi32, #tpu.memory_space<hbm>>) dst(%arg13 : memref<64x128xi32, #tpu.memory_space<vmem>>)
        %scan3A_286 = arith.constant 0 : i32
        %scan3A_287 = arith.constant 0 : i32
        %scan3A_288 = arith.constant 64 : i32
        %scan3A_289 = arith.addi %scan3A_287, %scan3A_288 : i32
        %scan3A_290 = arith.constant 1 : i32
        scf.for %scan3A_292 = %scan3A_287 to %scan3A_289 step %scan3A_290  : i32 {
          %mul3A_293 = arith.constant 64 : i32
          %mul3A_294 = arith.muli %while3A_248, %mul3A_293 : i32
          %add3A_295 = arith.addi %mul3A_294, %scan3A_292 : i32
          %get3A_296 = arith.index_cast %add3A_295 : i32 to index
          %get3A_297 = tpu.vector_load %arg11[%get3A_296] {strides = array<i32>} : memref<4064xi32, #tpu.memory_space<vmem>>, vector<16xi32>,
          %eq3A = arith.constant 0 : i32
          %eq3A_298 = vector.broadcast %eq3A : i32 to vector<16xi32>
          %eq3A_299 = arith.cmpi eq, %iota3A, %eq3A_298 : vector<16xi32>
          %jit3A_300 = arith.constant 0 : i32
          %broadcast_in_dim3A_301 = vector.broadcast %jit3A_300 : i32 to vector<16xi32>
          %select_n3A_302 = arith.select %eq3A_299, %get3A_297, %broadcast_in_dim3A_301 : vector<16xi1>, vector<16xi32>
          %reduce_sum3A = arith.constant true
          %reduce_sum3A_303 = vector.broadcast %reduce_sum3A : i1 to vector<16xi1>
          %reduce_sum3A_304 = tpu.scan <sum>, %select_n3A_302 masked %reduce_sum3A_303 : vector<16xi32>, vector<16xi1> -> vector<16xi32>
          %reduce_sum3A_305 = vector.extract %reduce_sum3A_304[15] : i32 from vector<16xi32>
          %get3A_306 = arith.index_cast %scan3A_292 : i32 to index
          %get3A_307 = arith.constant 0 : index
          %get3A_308 = tpu.vector_load %arg13[%get3A_306, %get3A_307] {strides = array<i32>} : memref<64x128xi32, #tpu.memory_space<vmem>>, vector<16xi32>,
          %shift_left3A = arith.constant 16 : i32
          %shift_left3A_309 = vector.broadcast %shift_left3A : i32 to vector<16xi32>
          %shift_left3A_310 = arith.shli %get3A_308, %shift_left3A_309 : vector<16xi32>
          %bitcast_convert_type3A = tpu.bitcast %shift_left3A_310 : vector<16xi32> -> vector<16xf32>
          %and3A_311 = arith.constant -65536 : i32
          %and3A_312 = vector.broadcast %and3A_311 : i32 to vector<16xi32>
          %and3A_313 = arith.andi %get3A_308, %and3A_312 : vector<16xi32>
          %bitcast_convert_type3A_314 = tpu.bitcast %and3A_313 : vector<16xi32> -> vector<16xf32>
          %swap3A_315 = arith.index_cast %reduce_sum3A_305 : i32 to index
          %swap3A_316 = arith.constant 0 : index
          %swap3A_317 = tpu.vector_load %arg14[%swap3A_315, %swap3A_316] {strides = array<i32>} : memref<321x256xf32, #tpu.memory_space<vmem>>, vector<16xf32>,
          tpu.vector_store %arg14[%swap3A_315, %swap3A_316], %bitcast_convert_type3A {add = true, strides = array<i32>} : memref<321x256xf32, #tpu.memory_space<vmem>>, vector<16xf32>,
          %swap3A_318 = arith.index_cast %reduce_sum3A_305 : i32 to index
          %swap3A_319 = arith.constant 128 : index
          %swap3A_320 = tpu.vector_load %arg14[%swap3A_318, %swap3A_319] {strides = array<i32>} : memref<321x256xf32, #tpu.memory_space<vmem>>, vector<16xf32>,
          tpu.vector_store %arg14[%swap3A_318, %swap3A_319], %bitcast_convert_type3A_314 {add = true, strides = array<i32>} : memref<321x256xf32, #tpu.memory_space<vmem>>, vector<16xf32>,
          %get3A_321 = arith.index_cast %scan3A_292 : i32 to index
          %get3A_322 = arith.constant 16 : index
          %get3A_323 = tpu.vector_load %arg13[%get3A_321, %get3A_322] {strides = array<i32>} : memref<64x128xi32, #tpu.memory_space<vmem>>, vector<16xi32>,
          %shift_left3A_324 = arith.constant 16 : i32
          %shift_left3A_325 = vector.broadcast %shift_left3A_324 : i32 to vector<16xi32>
          %shift_left3A_326 = arith.shli %get3A_323, %shift_left3A_325 : vector<16xi32>
          %bitcast_convert_type3A_327 = tpu.bitcast %shift_left3A_326 : vector<16xi32> -> vector<16xf32>
          %and3A_328 = arith.constant -65536 : i32
          %and3A_329 = vector.broadcast %and3A_328 : i32 to vector<16xi32>
          %and3A_330 = arith.andi %get3A_323, %and3A_329 : vector<16xi32>
          %bitcast_convert_type3A_331 = tpu.bitcast %and3A_330 : vector<16xi32> -> vector<16xf32>
          %swap3A_332 = arith.index_cast %reduce_sum3A_305 : i32 to index
          %swap3A_333 = arith.constant 16 : index
          %swap3A_334 = tpu.vector_load %arg14[%swap3A_332, %swap3A_333] {strides = array<i32>} : memref<321x256xf32, #tpu.memory_space<vmem>>, vector<16xf32>,
          tpu.vector_store %arg14[%swap3A_332, %swap3A_333], %bitcast_convert_type3A_327 {add = true, strides = array<i32>} : memref<321x256xf32, #tpu.memory_space<vmem>>, vector<16xf32>,
          %swap3A_335 = arith.index_cast %reduce_sum3A_305 : i32 to index
          %swap3A_336 = arith.constant 144 : index
          %swap3A_337 = tpu.vector_load %arg14[%swap3A_335, %swap3A_336] {strides = array<i32>} : memref<321x256xf32, #tpu.memory_space<vmem>>, vector<16xf32>,
          tpu.vector_store %arg14[%swap3A_335, %swap3A_336], %bitcast_convert_type3A_331 {add = true, strides = array<i32>} : memref<321x256xf32, #tpu.memory_space<vmem>>, vector<16xf32>,
          %get3A_338 = arith.index_cast %scan3A_292 : i32 to index
          %get3A_339 = arith.constant 32 : index
          %get3A_340 = tpu.vector_load %arg13[%get3A_338, %get3A_339] {strides = array<i32>} : memref<64x128xi32, #tpu.memory_space<vmem>>, vector<16xi32>,
          %shift_left3A_341 = arith.constant 16 : i32
          %shift_left3A_342 = vector.broadcast %shift_left3A_341 : i32 to vector<16xi32>
          %shift_left3A_343 = arith.shli %get3A_340, %shift_left3A_342 : vector<16xi32>
          %bitcast_convert_type3A_344 = tpu.bitcast %shift_left3A_343 : vector<16xi32> -> vector<16xf32>
          %and3A_345 = arith.constant -65536 : i32
          %and3A_346 = vector.broadcast %and3A_345 : i32 to vector<16xi32>
          %and3A_347 = arith.andi %get3A_340, %and3A_346 : vector<16xi32>
          %bitcast_convert_type3A_348 = tpu.bitcast %and3A_347 : vector<16xi32> -> vector<16xf32>
          %swap3A_349 = arith.index_cast %reduce_sum3A_305 : i32 to index
          %swap3A_350 = arith.constant 32 : index
          %swap3A_351 = tpu.vector_load %arg14[%swap3A_349, %swap3A_350] {strides = array<i32>} : memref<321x256xf32, #tpu.memory_space<vmem>>, vector<16xf32>,
          tpu.vector_store %arg14[%swap3A_349, %swap3A_350], %bitcast_convert_type3A_344 {add = true, strides = array<i32>} : memref<321x256xf32, #tpu.memory_space<vmem>>, vector<16xf32>,
          %swap3A_352 = arith.index_cast %reduce_sum3A_305 : i32 to index
          %swap3A_353 = arith.constant 160 : index
          %swap3A_354 = tpu.vector_load %arg14[%swap3A_352, %swap3A_353] {strides = array<i32>} : memref<321x256xf32, #tpu.memory_space<vmem>>, vector<16xf32>,
          tpu.vector_store %arg14[%swap3A_352, %swap3A_353], %bitcast_convert_type3A_348 {add = true, strides = array<i32>} : memref<321x256xf32, #tpu.memory_space<vmem>>, vector<16xf32>,
          %get3A_355 = arith.index_cast %scan3A_292 : i32 to index
          %get3A_356 = arith.constant 48 : index
          %get3A_357 = tpu.vector_load %arg13[%get3A_355, %get3A_356] {strides = array<i32>} : memref<64x128xi32, #tpu.memory_space<vmem>>, vector<16xi32>,
          %shift_left3A_358 = arith.constant 16 : i32
          %shift_left3A_359 = vector.broadcast %shift_left3A_358 : i32 to vector<16xi32>
          %shift_left3A_360 = arith.shli %get3A_357, %shift_left3A_359 : vector<16xi32>
          %bitcast_convert_type3A_361 = tpu.bitcast %shift_left3A_360 : vector<16xi32> -> vector<16xf32>
          %and3A_362 = arith.constant -65536 : i32
          %and3A_363 = vector.broadcast %and3A_362 : i32 to vector<16xi32>
          %and3A_364 = arith.andi %get3A_357, %and3A_363 : vector<16xi32>
          %bitcast_convert_type3A_365 = tpu.bitcast %and3A_364 : vector<16xi32> -> vector<16xf32>
          %swap3A_366 = arith.index_cast %reduce_sum3A_305 : i32 to index
          %swap3A_367 = arith.constant 48 : index
          %swap3A_368 = tpu.vector_load %arg14[%swap3A_366, %swap3A_367] {strides = array<i32>} : memref<321x256xf32, #tpu.memory_space<vmem>>, vector<16xf32>,
          tpu.vector_store %arg14[%swap3A_366, %swap3A_367], %bitcast_convert_type3A_361 {add = true, strides = array<i32>} : memref<321x256xf32, #tpu.memory_space<vmem>>, vector<16xf32>,
          %swap3A_369 = arith.index_cast %reduce_sum3A_305 : i32 to index
          %swap3A_370 = arith.constant 176 : index
          %swap3A_371 = tpu.vector_load %arg14[%swap3A_369, %swap3A_370] {strides = array<i32>} : memref<321x256xf32, #tpu.memory_space<vmem>>, vector<16xf32>,
          tpu.vector_store %arg14[%swap3A_369, %swap3A_370], %bitcast_convert_type3A_365 {add = true, strides = array<i32>} : memref<321x256xf32, #tpu.memory_space<vmem>>, vector<16xf32>,
          %get3A_372 = arith.index_cast %scan3A_292 : i32 to index
          %get3A_373 = arith.constant 64 : index
          %get3A_374 = tpu.vector_load %arg13[%get3A_372, %get3A_373] {strides = array<i32>} : memref<64x128xi32, #tpu.memory_space<vmem>>, vector<16xi32>,
          %shift_left3A_375 = arith.constant 16 : i32
          %shift_left3A_376 = vector.broadcast %shift_left3A_375 : i32 to vector<16xi32>
          %shift_left3A_377 = arith.shli %get3A_374, %shift_left3A_376 : vector<16xi32>
          %bitcast_convert_type3A_378 = tpu.bitcast %shift_left3A_377 : vector<16xi32> -> vector<16xf32>
          %and3A_379 = arith.constant -65536 : i32
          %and3A_380 = vector.broadcast %and3A_379 : i32 to vector<16xi32>
          %and3A_381 = arith.andi %get3A_374, %and3A_380 : vector<16xi32>
          %bitcast_convert_type3A_382 = tpu.bitcast %and3A_381 : vector<16xi32> -> vector<16xf32>
          %swap3A_383 = arith.index_cast %reduce_sum3A_305 : i32 to index
          %swap3A_384 = arith.constant 64 : index
          %swap3A_385 = tpu.vector_load %arg14[%swap3A_383, %swap3A_384] {strides = array<i32>} : memref<321x256xf32, #tpu.memory_space<vmem>>, vector<16xf32>,
          tpu.vector_store %arg14[%swap3A_383, %swap3A_384], %bitcast_convert_type3A_378 {add = true, strides = array<i32>} : memref<321x256xf32, #tpu.memory_space<vmem>>, vector<16xf32>,
          %swap3A_386 = arith.index_cast %reduce_sum3A_305 : i32 to index
          %swap3A_387 = arith.constant 192 : index
          %swap3A_388 = tpu.vector_load %arg14[%swap3A_386, %swap3A_387] {strides = array<i32>} : memref<321x256xf32, #tpu.memory_space<vmem>>, vector<16xf32>,
          tpu.vector_store %arg14[%swap3A_386, %swap3A_387], %bitcast_convert_type3A_382 {add = true, strides = array<i32>} : memref<321x256xf32, #tpu.memory_space<vmem>>, vector<16xf32>,
          %get3A_389 = arith.index_cast %scan3A_292 : i32 to index
          %get3A_390 = arith.constant 80 : index
          %get3A_391 = tpu.vector_load %arg13[%get3A_389, %get3A_390] {strides = array<i32>} : memref<64x128xi32, #tpu.memory_space<vmem>>, vector<16xi32>,
          %shift_left3A_392 = arith.constant 16 : i32
          %shift_left3A_393 = vector.broadcast %shift_left3A_392 : i32 to vector<16xi32>
          %shift_left3A_394 = arith.shli %get3A_391, %shift_left3A_393 : vector<16xi32>
          %bitcast_convert_type3A_395 = tpu.bitcast %shift_left3A_394 : vector<16xi32> -> vector<16xf32>
          %and3A_396 = arith.constant -65536 : i32
          %and3A_397 = vector.broadcast %and3A_396 : i32 to vector<16xi32>
          %and3A_398 = arith.andi %get3A_391, %and3A_397 : vector<16xi32>
          %bitcast_convert_type3A_399 = tpu.bitcast %and3A_398 : vector<16xi32> -> vector<16xf32>
          %swap3A_400 = arith.index_cast %reduce_sum3A_305 : i32 to index
          %swap3A_401 = arith.constant 80 : index
          %swap3A_402 = tpu.vector_load %arg14[%swap3A_400, %swap3A_401] {strides = array<i32>} : memref<321x256xf32, #tpu.memory_space<vmem>>, vector<16xf32>,
          tpu.vector_store %arg14[%swap3A_400, %swap3A_401], %bitcast_convert_type3A_395 {add = true, strides = array<i32>} : memref<321x256xf32, #tpu.memory_space<vmem>>, vector<16xf32>,
          %swap3A_403 = arith.index_cast %reduce_sum3A_305 : i32 to index
          %swap3A_404 = arith.constant 208 : index
          %swap3A_405 = tpu.vector_load %arg14[%swap3A_403, %swap3A_404] {strides = array<i32>} : memref<321x256xf32, #tpu.memory_space<vmem>>, vector<16xf32>,
          tpu.vector_store %arg14[%swap3A_403, %swap3A_404], %bitcast_convert_type3A_399 {add = true, strides = array<i32>} : memref<321x256xf32, #tpu.memory_space<vmem>>, vector<16xf32>,
          %get3A_406 = arith.index_cast %scan3A_292 : i32 to index
          %get3A_407 = arith.constant 96 : index
          %get3A_408 = tpu.vector_load %arg13[%get3A_406, %get3A_407] {strides = array<i32>} : memref<64x128xi32, #tpu.memory_space<vmem>>, vector<16xi32>,
          %shift_left3A_409 = arith.constant 16 : i32
          %shift_left3A_410 = vector.broadcast %shift_left3A_409 : i32 to vector<16xi32>
          %shift_left3A_411 = arith.shli %get3A_408, %shift_left3A_410 : vector<16xi32>
          %bitcast_convert_type3A_412 = tpu.bitcast %shift_left3A_411 : vector<16xi32> -> vector<16xf32>
          %and3A_413 = arith.constant -65536 : i32
          %and3A_414 = vector.broadcast %and3A_413 : i32 to vector<16xi32>
          %and3A_415 = arith.andi %get3A_408, %and3A_414 : vector<16xi32>
          %bitcast_convert_type3A_416 = tpu.bitcast %and3A_415 : vector<16xi32> -> vector<16xf32>
          %swap3A_417 = arith.index_cast %reduce_sum3A_305 : i32 to index
          %swap3A_418 = arith.constant 96 : index
          %swap3A_419 = tpu.vector_load %arg14[%swap3A_417, %swap3A_418] {strides = array<i32>} : memref<321x256xf32, #tpu.memory_space<vmem>>, vector<16xf32>,
          tpu.vector_store %arg14[%swap3A_417, %swap3A_418], %bitcast_convert_type3A_412 {add = true, strides = array<i32>} : memref<321x256xf32, #tpu.memory_space<vmem>>, vector<16xf32>,
          %swap3A_420 = arith.index_cast %reduce_sum3A_305 : i32 to index
          %swap3A_421 = arith.constant 224 : index
          %swap3A_422 = tpu.vector_load %arg14[%swap3A_420, %swap3A_421] {strides = array<i32>} : memref<321x256xf32, #tpu.memory_space<vmem>>, vector<16xf32>,
          tpu.vector_store %arg14[%swap3A_420, %swap3A_421], %bitcast_convert_type3A_416 {add = true, strides = array<i32>} : memref<321x256xf32, #tpu.memory_space<vmem>>, vector<16xf32>,
          %get3A_423 = arith.index_cast %scan3A_292 : i32 to index
          %get3A_424 = arith.constant 112 : index
          %get3A_425 = tpu.vector_load %arg13[%get3A_423, %get3A_424] {strides = array<i32>} : memref<64x128xi32, #tpu.memory_space<vmem>>, vector<16xi32>,
          %shift_left3A_426 = arith.constant 16 : i32
          %shift_left3A_427 = vector.broadcast %shift_left3A_426 : i32 to vector<16xi32>
          %shift_left3A_428 = arith.shli %get3A_425, %shift_left3A_427 : vector<16xi32>
          %bitcast_convert_type3A_429 = tpu.bitcast %shift_left3A_428 : vector<16xi32> -> vector<16xf32>
          %and3A_430 = arith.constant -65536 : i32
          %and3A_431 = vector.broadcast %and3A_430 : i32 to vector<16xi32>
          %and3A_432 = arith.andi %get3A_425, %and3A_431 : vector<16xi32>
          %bitcast_convert_type3A_433 = tpu.bitcast %and3A_432 : vector<16xi32> -> vector<16xf32>
          %swap3A_434 = arith.index_cast %reduce_sum3A_305 : i32 to index
          %swap3A_435 = arith.constant 112 : index
          %swap3A_436 = tpu.vector_load %arg14[%swap3A_434, %swap3A_435] {strides = array<i32>} : memref<321x256xf32, #tpu.memory_space<vmem>>, vector<16xf32>,
          tpu.vector_store %arg14[%swap3A_434, %swap3A_435], %bitcast_convert_type3A_429 {add = true, strides = array<i32>} : memref<321x256xf32, #tpu.memory_space<vmem>>, vector<16xf32>,
          %swap3A_437 = arith.index_cast %reduce_sum3A_305 : i32 to index
          %swap3A_438 = arith.constant 240 : index
          %swap3A_439 = tpu.vector_load %arg14[%swap3A_437, %swap3A_438] {strides = array<i32>} : memref<321x256xf32, #tpu.memory_space<vmem>>, vector<16xf32>,
          tpu.vector_store %arg14[%swap3A_437, %swap3A_438], %bitcast_convert_type3A_433 {add = true, strides = array<i32>} : memref<321x256xf32, #tpu.memory_space<vmem>>, vector<16xf32>,
        }
        %scan3A_291 = arith.constant 64 : i32
      }
      %while3A_132 = arith.constant 1 : i32
      scf.for %while3A_248 = %while3A_130 to %while3A_126 step %while3A_132  : i32 {
        %mul3A_249 = arith.constant 64 : i32
        %mul3A_250 = arith.muli %while3A_248, %mul3A_249 : i32
        %add3A_251 = arith.constant 0 : i32
        %add3A_252 = arith.addi %mul3A_250, %add3A_251 : i32
        %get3A = arith.index_cast %add3A_252 : i32 to index
        %get3A_253 = tpu.vector_load %arg10[%get3A] {strides = array<i32>} : memref<4064xi32, #tpu.memory_space<vmem>>, vector<16xi32>,
        %swap3A_254 = arith.constant 0 : index
        %swap3A_255 = tpu.vector_load %arg12[%swap3A_254] {strides = array<i32>} : memref<64xi32, #tpu.memory_space<vmem>>, vector<16xi32>,
        tpu.vector_store %arg12[%swap3A_254], %get3A_253 {strides = array<i32>} : memref<64xi32, #tpu.memory_space<vmem>>, vector<16xi32>,
        %mul3A_256 = arith.constant 64 : i32
        %mul3A_257 = arith.muli %while3A_248, %mul3A_256 : i32
        %add3A_258 = arith.constant 16 : i32
        %add3A_259 = arith.addi %mul3A_257, %add3A_258 : i32
        %get3A_260 = arith.index_cast %add3A_259 : i32 to index
        %get3A_261 = tpu.vector_load %arg10[%get3A_260] {strides = array<i32>} : memref<4064xi32, #tpu.memory_space<vmem>>, vector<16xi32>,
        %swap3A_262 = arith.constant 16 : index
        %swap3A_263 = tpu.vector_load %arg12[%swap3A_262] {strides = array<i32>} : memref<64xi32, #tpu.memory_space<vmem>>, vector<16xi32>,
        tpu.vector_store %arg12[%swap3A_262], %get3A_261 {strides = array<i32>} : memref<64xi32, #tpu.memory_space<vmem>>, vector<16xi32>,
        %mul3A_264 = arith.constant 64 : i32
        %mul3A_265 = arith.muli %while3A_248, %mul3A_264 : i32
        %add3A_266 = arith.constant 32 : i32
        %add3A_267 = arith.addi %mul3A_265, %add3A_266 : i32
        %get3A_268 = arith.index_cast %add3A_267 : i32 to index
        %get3A_269 = tpu.vector_load %arg10[%get3A_268] {strides = array<i32>} : memref<4064xi32, #tpu.memory_space<vmem>>, vector<16xi32>,
        %swap3A_270 = arith.constant 32 : index
        %swap3A_271 = tpu.vector_load %arg12[%swap3A_270] {strides = array<i32>} : memref<64xi32, #tpu.memory_space<vmem>>, vector<16xi32>,
        tpu.vector_store %arg12[%swap3A_270], %get3A_269 {strides = array<i32>} : memref<64xi32, #tpu.memory_space<vmem>>, vector<16xi32>,
        %mul3A_272 = arith.constant 64 : i32
        %mul3A_273 = arith.muli %while3A_248, %mul3A_272 : i32
        %add3A_274 = arith.constant 48 : i32
        %add3A_275 = arith.addi %mul3A_273, %add3A_274 : i32
        %get3A_276 = arith.index_cast %add3A_275 : i32 to index
        %get3A_277 = tpu.vector_load %arg10[%get3A_276] {strides = array<i32>} : memref<4064xi32, #tpu.memory_space<vmem>>, vector<16xi32>,
        %swap3A_278 = arith.constant 48 : index
        %swap3A_279 = tpu.vector_load %arg12[%swap3A_278] {strides = array<i32>} : memref<64xi32, #tpu.memory_space<vmem>>, vector<16xi32>,
        tpu.vector_store %arg12[%swap3A_278], %get3A_277 {strides = array<i32>} : memref<64xi32, #tpu.memory_space<vmem>>, vector<16xi32>,
        %dma_start3A_280 = arith.constant 0 : i32
        %dma_start3A_281 = arith.constant 0 : i32
        %dma_start3A_282 = tpu.memref_slice %arg4[%dma_start3A_280, %dma_start3A_281] : memref<10000x128xi32, #tpu.memory_space<hbm>> -> memref<10000x128xi32, #tpu.memory_space<hbm>>
        tpu.enqueue_indirect_dma source(%dma_start3A_282 : memref<10000x128xi32, #tpu.memory_space<hbm>>) target(%arg13 : memref<64x128xi32, #tpu.memory_space<vmem>>) offsets(%arg12 : memref<64xi32, #tpu.memory_space<vmem>>) semaphore(%arg19 : memref<!tpu.dma_semaphore, #tpu.memory_space<semaphore_mem>>)
        %dma_wait3A_283 = arith.constant 0 : i32
        %dma_wait3A_284 = arith.constant 0 : i32
        %dma_wait3A_285 = tpu.memref_slice %arg4[%dma_wait3A_283, %dma_wait3A_284] : memref<10000x128xi32, #tpu.memory_space<hbm>> -> memref<10000x128xi32, #tpu.memory_space<hbm>>
        tpu.wait_indirect_dma semaphore(%arg19 : memref<!tpu.dma_semaphore, #tpu.memory_space<semaphore_mem>>) src(%dma_wait3A_285 : memref<10000x128xi32, #tpu.memory_space<hbm>>) dst(%arg13 : memref<64x128xi32, #tpu.memory_space<vmem>>)
        %scan3A_286 = arith.constant 0 : i32
        %scan3A_287 = arith.constant 0 : i32
        %scan3A_288 = arith.constant 64 : i32
        %scan3A_289 = arith.addi %scan3A_287, %scan3A_288 : i32
        %scan3A_290 = arith.constant 1 : i32
        scf.for %scan3A_292 = %scan3A_287 to %scan3A_289 step %scan3A_290  : i32 {
          %mul3A_293 = arith.constant 64 : i32
          %mul3A_294 = arith.muli %while3A_248, %mul3A_293 : i32
          %add3A_295 = arith.addi %mul3A_294, %scan3A_292 : i32
          %get3A_296 = arith.index_cast %add3A_295 : i32 to index
          %get3A_297 = tpu.vector_load %arg11[%get3A_296] {strides = array<i32>} : memref<4064xi32, #tpu.memory_space<vmem>>, vector<16xi32>,
          %eq3A = arith.constant 0 : i32
          %eq3A_298 = vector.broadcast %eq3A : i32 to vector<16xi32>
          %eq3A_299 = arith.cmpi eq, %iota3A, %eq3A_298 : vector<16xi32>
          %jit3A_300 = arith.constant 0 : i32
          %broadcast_in_dim3A_301 = vector.broadcast %jit3A_300 : i32 to vector<16xi32>
          %select_n3A_302 = arith.select %eq3A_299, %get3A_297, %broadcast_in_dim3A_301 : vector<16xi1>, vector<16xi32>
          %reduce_sum3A = arith.constant true
          %reduce_sum3A_303 = vector.broadcast %reduce_sum3A : i1 to vector<16xi1>
          %reduce_sum3A_304 = tpu.scan <sum>, %select_n3A_302 masked %reduce_sum3A_303 : vector<16xi32>, vector<16xi1> -> vector<16xi32>
          %reduce_sum3A_305 = vector.extract %reduce_sum3A_304[15] : i32 from vector<16xi32>
          %get3A_306 = arith.index_cast %scan3A_292 : i32 to index
          %get3A_307 = arith.constant 0 : index
          %get3A_308 = tpu.vector_load %arg13[%get3A_306, %get3A_307] {strides = array<i32>} : memref<64x128xi32, #tpu.memory_space<vmem>>, vector<16xi32>,
          %shift_left3A = arith.constant 16 : i32
          %shift_left3A_309 = vector.broadcast %shift_left3A : i32 to vector<16xi32>
          %shift_left3A_310 = arith.shli %get3A_308, %shift_left3A_309 : vector<16xi32>
          %bitcast_convert_type3A = tpu.bitcast %shift_left3A_310 : vector<16xi32> -> vector<16xf32>
          %and3A_311 = arith.constant -65536 : i32
          %and3A_312 = vector.broadcast %and3A_311 : i32 to vector<16xi32>
          %and3A_313 = arith.andi %get3A_308, %and3A_312 : vector<16xi32>
          %bitcast_convert_type3A_314 = tpu.bitcast %and3A_313 : vector<16xi32> -> vector<16xf32>
          %swap3A_315 = arith.index_cast %reduce_sum3A_305 : i32 to index
          %swap3A_316 = arith.constant 0 : index
          %swap3A_317 = tpu.vector_load %arg14[%swap3A_315, %swap3A_316] {strides = array<i32>} : memref<321x256xf32, #tpu.memory_space<vmem>>, vector<16xf32>,
          tpu.vector_store %arg14[%swap3A_315, %swap3A_316], %bitcast_convert_type3A {add = true, strides = array<i32>} : memref<321x256xf32, #tpu.memory_space<vmem>>, vector<16xf32>,
          %swap3A_318 = arith.index_cast %reduce_sum3A_305 : i32 to index
          %swap3A_319 = arith.constant 128 : index
          %swap3A_320 = tpu.vector_load %arg14[%swap3A_318, %swap3A_319] {strides = array<i32>} : memref<321x256xf32, #tpu.memory_space<vmem>>, vector<16xf32>,
          tpu.vector_store %arg14[%swap3A_318, %swap3A_319], %bitcast_convert_type3A_314 {add = true, strides = array<i32>} : memref<321x256xf32, #tpu.memory_space<vmem>>, vector<16xf32>,
          %get3A_321 = arith.index_cast %scan3A_292 : i32 to index
          %get3A_322 = arith.constant 16 : index
          %get3A_323 = tpu.vector_load %arg13[%get3A_321, %get3A_322] {strides = array<i32>} : memref<64x128xi32, #tpu.memory_space<vmem>>, vector<16xi32>,
          %shift_left3A_324 = arith.constant 16 : i32
          %shift_left3A_325 = vector.broadcast %shift_left3A_324 : i32 to vector<16xi32>
          %shift_left3A_326 = arith.shli %get3A_323, %shift_left3A_325 : vector<16xi32>
          %bitcast_convert_type3A_327 = tpu.bitcast %shift_left3A_326 : vector<16xi32> -> vector<16xf32>
          %and3A_328 = arith.constant -65536 : i32
          %and3A_329 = vector.broadcast %and3A_328 : i32 to vector<16xi32>
          %and3A_330 = arith.andi %get3A_323, %and3A_329 : vector<16xi32>
          %bitcast_convert_type3A_331 = tpu.bitcast %and3A_330 : vector<16xi32> -> vector<16xf32>
          %swap3A_332 = arith.index_cast %reduce_sum3A_305 : i32 to index
          %swap3A_333 = arith.constant 16 : index
          %swap3A_334 = tpu.vector_load %arg14[%swap3A_332, %swap3A_333] {strides = array<i32>} : memref<321x256xf32, #tpu.memory_space<vmem>>, vector<16xf32>,
          tpu.vector_store %arg14[%swap3A_332, %swap3A_333], %bitcast_convert_type3A_327 {add = true, strides = array<i32>} : memref<321x256xf32, #tpu.memory_space<vmem>>, vector<16xf32>,
          %swap3A_335 = arith.index_cast %reduce_sum3A_305 : i32 to index
          %swap3A_336 = arith.constant 144 : index
          %swap3A_337 = tpu.vector_load %arg14[%swap3A_335, %swap3A_336] {strides = array<i32>} : memref<321x256xf32, #tpu.memory_space<vmem>>, vector<16xf32>,
          tpu.vector_store %arg14[%swap3A_335, %swap3A_336], %bitcast_convert_type3A_331 {add = true, strides = array<i32>} : memref<321x256xf32, #tpu.memory_space<vmem>>, vector<16xf32>,
          %get3A_338 = arith.index_cast %scan3A_292 : i32 to index
          %get3A_339 = arith.constant 32 : index
          %get3A_340 = tpu.vector_load %arg13[%get3A_338, %get3A_339] {strides = array<i32>} : memref<64x128xi32, #tpu.memory_space<vmem>>, vector<16xi32>,
          %shift_left3A_341 = arith.constant 16 : i32
          %shift_left3A_342 = vector.broadcast %shift_left3A_341 : i32 to vector<16xi32>
          %shift_left3A_343 = arith.shli %get3A_340, %shift_left3A_342 : vector<16xi32>
          %bitcast_convert_type3A_344 = tpu.bitcast %shift_left3A_343 : vector<16xi32> -> vector<16xf32>
          %and3A_345 = arith.constant -65536 : i32
          %and3A_346 = vector.broadcast %and3A_345 : i32 to vector<16xi32>
          %and3A_347 = arith.andi %get3A_340, %and3A_346 : vector<16xi32>
          %bitcast_convert_type3A_348 = tpu.bitcast %and3A_347 : vector<16xi32> -> vector<16xf32>
          %swap3A_349 = arith.index_cast %reduce_sum3A_305 : i32 to index
          %swap3A_350 = arith.constant 32 : index
          %swap3A_351 = tpu.vector_load %arg14[%swap3A_349, %swap3A_350] {strides = array<i32>} : memref<321x256xf32, #tpu.memory_space<vmem>>, vector<16xf32>,
          tpu.vector_store %arg14[%swap3A_349, %swap3A_350], %bitcast_convert_type3A_344 {add = true, strides = array<i32>} : memref<321x256xf32, #tpu.memory_space<vmem>>, vector<16xf32>,
          %swap3A_352 = arith.index_cast %reduce_sum3A_305 : i32 to index
          %swap3A_353 = arith.constant 160 : index
          %swap3A_354 = tpu.vector_load %arg14[%swap3A_352, %swap3A_353] {strides = array<i32>} : memref<321x256xf32, #tpu.memory_space<vmem>>, vector<16xf32>,
          tpu.vector_store %arg14[%swap3A_352, %swap3A_353], %bitcast_convert_type3A_348 {add = true, strides = array<i32>} : memref<321x256xf32, #tpu.memory_space<vmem>>, vector<16xf32>,
          %get3A_355 = arith.index_cast %scan3A_292 : i32 to index
          %get3A_356 = arith.constant 48 : index
          %get3A_357 = tpu.vector_load %arg13[%get3A_355, %get3A_356] {strides = array<i32>} : memref<64x128xi32, #tpu.memory_space<vmem>>, vector<16xi32>,
          %shift_left3A_358 = arith.constant 16 : i32
          %shift_left3A_359 = vector.broadcast %shift_left3A_358 : i32 to vector<16xi32>
          %shift_left3A_360 = arith.shli %get3A_357, %shift_left3A_359 : vector<16xi32>
          %bitcast_convert_type3A_361 = tpu.bitcast %shift_left3A_360 : vector<16xi32> -> vector<16xf32>
          %and3A_362 = arith.constant -65536 : i32
          %and3A_363 = vector.broadcast %and3A_362 : i32 to vector<16xi32>
          %and3A_364 = arith.andi %get3A_357, %and3A_363 : vector<16xi32>
          %bitcast_convert_type3A_365 = tpu.bitcast %and3A_364 : vector<16xi32> -> vector<16xf32>
          %swap3A_366 = arith.index_cast %reduce_sum3A_305 : i32 to index
          %swap3A_367 = arith.constant 48 : index
          %swap3A_368 = tpu.vector_load %arg14[%swap3A_366, %swap3A_367] {strides = array<i32>} : memref<321x256xf32, #tpu.memory_space<vmem>>, vector<16xf32>,
          tpu.vector_store %arg14[%swap3A_366, %swap3A_367], %bitcast_convert_type3A_361 {add = true, strides = array<i32>} : memref<321x256xf32, #tpu.memory_space<vmem>>, vector<16xf32>,
          %swap3A_369 = arith.index_cast %reduce_sum3A_305 : i32 to index
          %swap3A_370 = arith.constant 176 : index
          %swap3A_371 = tpu.vector_load %arg14[%swap3A_369, %swap3A_370] {strides = array<i32>} : memref<321x256xf32, #tpu.memory_space<vmem>>, vector<16xf32>,
          tpu.vector_store %arg14[%swap3A_369, %swap3A_370], %bitcast_convert_type3A_365 {add = true, strides = array<i32>} : memref<321x256xf32, #tpu.memory_space<vmem>>, vector<16xf32>,
          %get3A_372 = arith.index_cast %scan3A_292 : i32 to index
          %get3A_373 = arith.constant 64 : index
          %get3A_374 = tpu.vector_load %arg13[%get3A_372, %get3A_373] {strides = array<i32>} : memref<64x128xi32, #tpu.memory_space<vmem>>, vector<16xi32>,
          %shift_left3A_375 = arith.constant 16 : i32
          %shift_left3A_376 = vector.broadcast %shift_left3A_375 : i32 to vector<16xi32>
          %shift_left3A_377 = arith.shli %get3A_374, %shift_left3A_376 : vector<16xi32>
          %bitcast_convert_type3A_378 = tpu.bitcast %shift_left3A_377 : vector<16xi32> -> vector<16xf32>
          %and3A_379 = arith.constant -65536 : i32
          %and3A_380 = vector.broadcast %and3A_379 : i32 to vector<16xi32>
          %and3A_381 = arith.andi %get3A_374, %and3A_380 : vector<16xi32>
          %bitcast_convert_type3A_382 = tpu.bitcast %and3A_381 : vector<16xi32> -> vector<16xf32>
          %swap3A_383 = arith.index_cast %reduce_sum3A_305 : i32 to index
          %swap3A_384 = arith.constant 64 : index
          %swap3A_385 = tpu.vector_load %arg14[%swap3A_383, %swap3A_384] {strides = array<i32>} : memref<321x256xf32, #tpu.memory_space<vmem>>, vector<16xf32>,
          tpu.vector_store %arg14[%swap3A_383, %swap3A_384], %bitcast_convert_type3A_378 {add = true, strides = array<i32>} : memref<321x256xf32, #tpu.memory_space<vmem>>, vector<16xf32>,
          %swap3A_386 = arith.index_cast %reduce_sum3A_305 : i32 to index
          %swap3A_387 = arith.constant 192 : index
          %swap3A_388 = tpu.vector_load %arg14[%swap3A_386, %swap3A_387] {strides = array<i32>} : memref<321x256xf32, #tpu.memory_space<vmem>>, vector<16xf32>,
          tpu.vector_store %arg14[%swap3A_386, %swap3A_387], %bitcast_convert_type3A_382 {add = true, strides = array<i32>} : memref<321x256xf32, #tpu.memory_space<vmem>>, vector<16xf32>,
          %get3A_389 = arith.index_cast %scan3A_292 : i32 to index
          %get3A_390 = arith.constant 80 : index
          %get3A_391 = tpu.vector_load %arg13[%get3A_389, %get3A_390] {strides = array<i32>} : memref<64x128xi32, #tpu.memory_space<vmem>>, vector<16xi32>,
          %shift_left3A_392 = arith.constant 16 : i32
          %shift_left3A_393 = vector.broadcast %shift_left3A_392 : i32 to vector<16xi32>
          %shift_left3A_394 = arith.shli %get3A_391, %shift_left3A_393 : vector<16xi32>
          %bitcast_convert_type3A_395 = tpu.bitcast %shift_left3A_394 : vector<16xi32> -> vector<16xf32>
          %and3A_396 = arith.constant -65536 : i32
          %and3A_397 = vector.broadcast %and3A_396 : i32 to vector<16xi32>
          %and3A_398 = arith.andi %get3A_391, %and3A_397 : vector<16xi32>
          %bitcast_convert_type3A_399 = tpu.bitcast %and3A_398 : vector<16xi32> -> vector<16xf32>
          %swap3A_400 = arith.index_cast %reduce_sum3A_305 : i32 to index
          %swap3A_401 = arith.constant 80 : index
          %swap3A_402 = tpu.vector_load %arg14[%swap3A_400, %swap3A_401] {strides = array<i32>} : memref<321x256xf32, #tpu.memory_space<vmem>>, vector<16xf32>,
          tpu.vector_store %arg14[%swap3A_400, %swap3A_401], %bitcast_convert_type3A_395 {add = true, strides = array<i32>} : memref<321x256xf32, #tpu.memory_space<vmem>>, vector<16xf32>,
          %swap3A_403 = arith.index_cast %reduce_sum3A_305 : i32 to index
          %swap3A_404 = arith.constant 208 : index
          %swap3A_405 = tpu.vector_load %arg14[%swap3A_403, %swap3A_404] {strides = array<i32>} : memref<321x256xf32, #tpu.memory_space<vmem>>, vector<16xf32>,
          tpu.vector_store %arg14[%swap3A_403, %swap3A_404], %bitcast_convert_type3A_399 {add = true, strides = array<i32>} : memref<321x256xf32, #tpu.memory_space<vmem>>, vector<16xf32>,
          %get3A_406 = arith.index_cast %scan3A_292 : i32 to index
          %get3A_407 = arith.constant 96 : index
          %get3A_408 = tpu.vector_load %arg13[%get3A_406, %get3A_407] {strides = array<i32>} : memref<64x128xi32, #tpu.memory_space<vmem>>, vector<16xi32>,
          %shift_left3A_409 = arith.constant 16 : i32
          %shift_left3A_410 = vector.broadcast %shift_left3A_409 : i32 to vector<16xi32>
          %shift_left3A_411 = arith.shli %get3A_408, %shift_left3A_410 : vector<16xi32>
          %bitcast_convert_type3A_412 = tpu.bitcast %shift_left3A_411 : vector<16xi32> -> vector<16xf32>
          %and3A_413 = arith.constant -65536 : i32
          %and3A_414 = vector.broadcast %and3A_413 : i32 to vector<16xi32>
          %and3A_415 = arith.andi %get3A_408, %and3A_414 : vector<16xi32>
          %bitcast_convert_type3A_416 = tpu.bitcast %and3A_415 : vector<16xi32> -> vector<16xf32>
          %swap3A_417 = arith.index_cast %reduce_sum3A_305 : i32 to index
          %swap3A_418 = arith.constant 96 : index
          %swap3A_419 = tpu.vector_load %arg14[%swap3A_417, %swap3A_418] {strides = array<i32>} : memref<321x256xf32, #tpu.memory_space<vmem>>, vector<16xf32>,
          tpu.vector_store %arg14[%swap3A_417, %swap3A_418], %bitcast_convert_type3A_412 {add = true, strides = array<i32>} : memref<321x256xf32, #tpu.memory_space<vmem>>, vector<16xf32>,
          %swap3A_420 = arith.index_cast %reduce_sum3A_305 : i32 to index
          %swap3A_421 = arith.constant 224 : index
          %swap3A_422 = tpu.vector_load %arg14[%swap3A_420, %swap3A_421] {strides = array<i32>} : memref<321x256xf32, #tpu.memory_space<vmem>>, vector<16xf32>,
          tpu.vector_store %arg14[%swap3A_420, %swap3A_421], %bitcast_convert_type3A_416 {add = true, strides = array<i32>} : memref<321x256xf32, #tpu.memory_space<vmem>>, vector<16xf32>,
          %get3A_423 = arith.index_cast %scan3A_292 : i32 to index
          %get3A_424 = arith.constant 112 : index
          %get3A_425 = tpu.vector_load %arg13[%get3A_423, %get3A_424] {strides = array<i32>} : memref<64x128xi32, #tpu.memory_space<vmem>>, vector<16xi32>,
          %shift_left3A_426 = arith.constant 16 : i32
          %shift_left3A_427 = vector.broadcast %shift_left3A_426 : i32 to vector<16xi32>
          %shift_left3A_428 = arith.shli %get3A_425, %shift_left3A_427 : vector<16xi32>
          %bitcast_convert_type3A_429 = tpu.bitcast %shift_left3A_428 : vector<16xi32> -> vector<16xf32>
          %and3A_430 = arith.constant -65536 : i32
          %and3A_431 = vector.broadcast %and3A_430 : i32 to vector<16xi32>
          %and3A_432 = arith.andi %get3A_425, %and3A_431 : vector<16xi32>
          %bitcast_convert_type3A_433 = tpu.bitcast %and3A_432 : vector<16xi32> -> vector<16xf32>
          %swap3A_434 = arith.index_cast %reduce_sum3A_305 : i32 to index
          %swap3A_435 = arith.constant 112 : index
          %swap3A_436 = tpu.vector_load %arg14[%swap3A_434, %swap3A_435] {strides = array<i32>} : memref<321x256xf32, #tpu.memory_space<vmem>>, vector<16xf32>,
          tpu.vector_store %arg14[%swap3A_434, %swap3A_435], %bitcast_convert_type3A_429 {add = true, strides = array<i32>} : memref<321x256xf32, #tpu.memory_space<vmem>>, vector<16xf32>,
          %swap3A_437 = arith.index_cast %reduce_sum3A_305 : i32 to index
          %swap3A_438 = arith.constant 240 : index
          %swap3A_439 = tpu.vector_load %arg14[%swap3A_437, %swap3A_438] {strides = array<i32>} : memref<321x256xf32, #tpu.memory_space<vmem>>, vector<16xf32>,
          tpu.vector_store %arg14[%swap3A_437, %swap3A_438], %bitcast_convert_type3A_433 {add = true, strides = array<i32>} : memref<321x256xf32, #tpu.memory_space<vmem>>, vector<16xf32>,
        }
        %scan3A_291 = arith.constant 64 : i32
      }
      %add3A_133 = arith.constant 2 : i32
      %add3A_134 = arith.addi %mul3A_32, %add3A_133 : i32
      %rem3A_135 = arith.constant 40 : i32
      %rem3A_136 = arith.remsi %add3A_134, %rem3A_135 : i32
      %mul3A_137 = arith.constant 4000 : i32
      %mul3A_138 = arith.muli %rem3A_136, %mul3A_137 : i32
      %dma_start3A_139 = tpu.memref_slice %arg2[%mul3A_138] : memref<160000xi32, #tpu.memory_space<hbm>> -> memref<4000xi32, #tpu.memory_space<hbm>>
      %dma_start3A_140 = tpu.memref_slice %arg2[%mul3A_138] : memref<160000xi32, #tpu.memory_space<hbm>> -> memref<4000xi32, #tpu.memory_space<hbm>>
      tpu.enqueue_dma source(%dma_start3A_140 : memref<4000xi32, #tpu.memory_space<hbm>>) target(%arg6 : memref<4000xi32, #tpu.memory_space<vmem>>) target_semaphore(%arg15 : memref<!tpu.dma_semaphore, #tpu.memory_space<semaphore_mem>>)
      %mul3A_141 = arith.constant 4000 : i32
      %mul3A_142 = arith.muli %rem3A_136, %mul3A_141 : i32
      %dma_start3A_143 = tpu.memref_slice %arg3[%mul3A_142] : memref<160000xi32, #tpu.memory_space<hbm>> -> memref<4000xi32, #tpu.memory_space<hbm>>
      %dma_start3A_144 = tpu.memref_slice %arg3[%mul3A_142] : memref<160000xi32, #tpu.memory_space<hbm>> -> memref<4000xi32, #tpu.memory_space<hbm>>
      tpu.enqueue_dma source(%dma_start3A_144 : memref<4000xi32, #tpu.memory_space<hbm>>) target(%arg7 : memref<4000xi32, #tpu.memory_space<vmem>>) target_semaphore(%arg16 : memref<!tpu.dma_semaphore, #tpu.memory_space<semaphore_mem>>)
      %add3A_145 = arith.constant 1 : i32
      %add3A_146 = arith.addi %mul3A_32, %add3A_145 : i32
      %mul3A_147 = arith.constant 4000 : i32
      %mul3A_148 = arith.muli %add3A_146, %mul3A_147 : i32
      %dma_wait3A_149 = tpu.memref_slice %arg2[%mul3A_148] : memref<160000xi32, #tpu.memory_space<hbm>> -> memref<4000xi32, #tpu.memory_space<hbm>>
      %dma_wait3A_150 = tpu.memref_slice %arg2[%mul3A_148] : memref<160000xi32, #tpu.memory_space<hbm>> -> memref<4000xi32, #tpu.memory_space<hbm>>
      tpu.wait_dma2 semaphore(%arg17 : memref<!tpu.dma_semaphore, #tpu.memory_space<semaphore_mem>>) src(%dma_wait3A_150 : memref<4000xi32, #tpu.memory_space<hbm>>) dst(%arg8 : memref<4000xi32, #tpu.memory_space<vmem>>)
      %mul3A_151 = arith.constant 4000 : i32
      %mul3A_152 = arith.muli %add3A_146, %mul3A_151 : i32
      %dma_wait3A_153 = tpu.memref_slice %arg3[%mul3A_152] : memref<160000xi32, #tpu.memory_space<hbm>> -> memref<4000xi32, #tpu.memory_space<hbm>>
      %dma_wait3A_154 = tpu.memref_slice %arg3[%mul3A_152] : memref<160000xi32, #tpu.memory_space<hbm>> -> memref<4000xi32, #tpu.memory_space<hbm>>
      tpu.wait_dma2 semaphore(%arg18 : memref<!tpu.dma_semaphore, #tpu.memory_space<semaphore_mem>>) src(%dma_wait3A_154 : memref<4000xi32, #tpu.memory_space<hbm>>) dst(%arg9 : memref<4000xi32, #tpu.memory_space<vmem>>)
      %scan3A_155 = arith.constant 0 : i32
      %scan3A_156 = arith.constant 0 : i32
      %scan3A_157 = arith.constant 250 : i32
      %scan3A_158 = arith.addi %scan3A_156, %scan3A_157 : i32
      %scan3A_159 = arith.constant 1 : i32
      %scan3A_160 = scf.for %scan3A_248 = %scan3A_156 to %scan3A_158 step %scan3A_159 iter_args(%scan3A_249 = %scan3A_155) -> (i32)  : i32 {
        %mul3A_250 = arith.constant 16 : i32
        %mul3A_251 = arith.muli %scan3A_248, %mul3A_250 : i32
        %get3A = arith.index_cast %mul3A_251 : i32 to index
        %get3A_252 = tpu.vector_load %arg8[%get3A] {strides = array<i32>} : memref<4000xi32, #tpu.memory_space<vmem>>, vector<16xi32>,
        %mul3A_253 = arith.constant 16 : i32
        %mul3A_254 = arith.muli %scan3A_248, %mul3A_253 : i32
        %get3A_255 = arith.index_cast %mul3A_254 : i32 to index
        %get3A_256 = tpu.vector_load %arg9[%get3A_255] {strides = array<i32>} : memref<4000xi32, #tpu.memory_space<vmem>>, vector<16xi32>,
        %sub3A_257 = vector.broadcast %add3A_4 : i32 to vector<16xi32>
        %sub3A_258 = arith.subi %get3A_256, %sub3A_257 : vector<16xi32>
        %ge3A = arith.constant 0 : i32
        %ge3A_259 = vector.broadcast %ge3A : i32 to vector<16xi32>
        %ge3A_260 = arith.cmpi sge, %sub3A_258, %ge3A_259 : vector<16xi32>
        %lt3A = arith.constant 320 : i32
        %lt3A_261 = vector.broadcast %lt3A : i32 to vector<16xi32>
        %lt3A_262 = arith.cmpi slt, %sub3A_258, %lt3A_261 : vector<16xi32>
        %and3A_263 = arith.andi %ge3A_260, %lt3A_262 : vector<16xi1>
        %convert_element_type3A = arith.extui %and3A_263 : vector<16xi1> to vector<16xi32>
        %broadcast_in_dim3A_264 = arith.constant true
        %broadcast_in_dim3A_265 = vector.broadcast %broadcast_in_dim3A_264 : i1 to vector<16xi1>
        %masked_cumsum3A = tpu.scan <sum>, %convert_element_type3A masked %broadcast_in_dim3A_265 : vector<16xi32>, vector<16xi1> -> vector<16xi32>
        %add3A_266 = vector.broadcast %scan3A_249 : i32 to vector<16xi32>
        %add3A_267 = arith.addi %add3A_266, %masked_cumsum3A : vector<16xi32>
        %sub3A_268 = arith.constant 1 : i32
        %sub3A_269 = vector.broadcast %sub3A_268 : i32 to vector<16xi32>
        %sub3A_270 = arith.subi %add3A_267, %sub3A_269 : vector<16xi32>
        tpu.vector_store_idx %arg10[%sub3A_270], %get3A_252 masked %and3A_263 : memref<4064xi32, #tpu.memory_space<vmem>>[vector<16xi32>], vector<16xi32>, vector<16xi1>
        tpu.vector_store_idx %arg11[%sub3A_270], %sub3A_258 masked %and3A_263 : memref<4064xi32, #tpu.memory_space<vmem>>[vector<16xi32>], vector<16xi32>, vector<16xi1>
        %reduce_sum3A = arith.constant true
        %reduce_sum3A_271 = vector.broadcast %reduce_sum3A : i1 to vector<16xi1>
        %reduce_sum3A_272 = tpu.scan <sum>, %convert_element_type3A masked %reduce_sum3A_271 : vector<16xi32>, vector<16xi1> -> vector<16xi32>
        %reduce_sum3A_273 = vector.extract %reduce_sum3A_272[15] : i32 from vector<16xi32>
        %add3A_274 = arith.addi %scan3A_249, %reduce_sum3A_273 : i32
        scf.yield %add3A_274 : i32
      }
      %scan3A_161 = arith.constant 250 : i32
      %broadcast_in_dim3A_162 = arith.constant 0 : i32
      %broadcast_in_dim3A_163 = vector.broadcast %broadcast_in_dim3A_162 : i32 to vector<16xi32>
      %add3A_164 = arith.constant 0 : i32
      %add3A_165 = arith.addi %scan3A_160, %add3A_164 : i32
      %swap3A_166 = arith.index_cast %add3A_165 : i32 to index
      %swap3A_167 = tpu.vector_load %arg10[%swap3A_166] {strides = array<i32>} : memref<4064xi32, #tpu.memory_space<vmem>>, vector<16xi32>,
      tpu.vector_store %arg10[%swap3A_166], %broadcast_in_dim3A_163 {strides = array<i32>} : memref<4064xi32, #tpu.memory_space<vmem>>, vector<16xi32>,
      %broadcast_in_dim3A_168 = arith.constant 320 : i32
      %broadcast_in_dim3A_169 = vector.broadcast %broadcast_in_dim3A_168 : i32 to vector<16xi32>
      %add3A_170 = arith.constant 0 : i32
      %add3A_171 = arith.addi %scan3A_160, %add3A_170 : i32
      %swap3A_172 = arith.index_cast %add3A_171 : i32 to index
      %swap3A_173 = tpu.vector_load %arg11[%swap3A_172] {strides = array<i32>} : memref<4064xi32, #tpu.memory_space<vmem>>, vector<16xi32>,
      tpu.vector_store %arg11[%swap3A_172], %broadcast_in_dim3A_169 {strides = array<i32>} : memref<4064xi32, #tpu.memory_space<vmem>>, vector<16xi32>,
      %broadcast_in_dim3A_174 = arith.constant 0 : i32
      %broadcast_in_dim3A_175 = vector.broadcast %broadcast_in_dim3A_174 : i32 to vector<16xi32>
      %add3A_176 = arith.constant 16 : i32
      %add3A_177 = arith.addi %scan3A_160, %add3A_176 : i32
      %swap3A_178 = arith.index_cast %add3A_177 : i32 to index
      %swap3A_179 = tpu.vector_load %arg10[%swap3A_178] {strides = array<i32>} : memref<4064xi32, #tpu.memory_space<vmem>>, vector<16xi32>,
      tpu.vector_store %arg10[%swap3A_178], %broadcast_in_dim3A_175 {strides = array<i32>} : memref<4064xi32, #tpu.memory_space<vmem>>, vector<16xi32>,
      %broadcast_in_dim3A_180 = arith.constant 320 : i32
      %broadcast_in_dim3A_181 = vector.broadcast %broadcast_in_dim3A_180 : i32 to vector<16xi32>
      %add3A_182 = arith.constant 16 : i32
      %add3A_183 = arith.addi %scan3A_160, %add3A_182 : i32
      %swap3A_184 = arith.index_cast %add3A_183 : i32 to index
      %swap3A_185 = tpu.vector_load %arg11[%swap3A_184] {strides = array<i32>} : memref<4064xi32, #tpu.memory_space<vmem>>, vector<16xi32>,
      tpu.vector_store %arg11[%swap3A_184], %broadcast_in_dim3A_181 {strides = array<i32>} : memref<4064xi32, #tpu.memory_space<vmem>>, vector<16xi32>,
      %broadcast_in_dim3A_186 = arith.constant 0 : i32
      %broadcast_in_dim3A_187 = vector.broadcast %broadcast_in_dim3A_186 : i32 to vector<16xi32>
      %add3A_188 = arith.constant 32 : i32
      %add3A_189 = arith.addi %scan3A_160, %add3A_188 : i32
      %swap3A_190 = arith.index_cast %add3A_189 : i32 to index
      %swap3A_191 = tpu.vector_load %arg10[%swap3A_190] {strides = array<i32>} : memref<4064xi32, #tpu.memory_space<vmem>>, vector<16xi32>,
      tpu.vector_store %arg10[%swap3A_190], %broadcast_in_dim3A_187 {strides = array<i32>} : memref<4064xi32, #tpu.memory_space<vmem>>, vector<16xi32>,
      %broadcast_in_dim3A_192 = arith.constant 320 : i32
      %broadcast_in_dim3A_193 = vector.broadcast %broadcast_in_dim3A_192 : i32 to vector<16xi32>
      %add3A_194 = arith.constant 32 : i32
      %add3A_195 = arith.addi %scan3A_160, %add3A_194 : i32
      %swap3A_196 = arith.index_cast %add3A_195 : i32 to index
      %swap3A_197 = tpu.vector_load %arg11[%swap3A_196] {strides = array<i32>} : memref<4064xi32, #tpu.memory_space<vmem>>, vector<16xi32>,
      tpu.vector_store %arg11[%swap3A_196], %broadcast_in_dim3A_193 {strides = array<i32>} : memref<4064xi32, #tpu.memory_space<vmem>>, vector<16xi32>,
      %broadcast_in_dim3A_198 = arith.constant 0 : i32
      %broadcast_in_dim3A_199 = vector.broadcast %broadcast_in_dim3A_198 : i32 to vector<16xi32>
      %add3A_200 = arith.constant 48 : i32
      %add3A_201 = arith.addi %scan3A_160, %add3A_200 : i32
      %swap3A_202 = arith.index_cast %add3A_201 : i32 to index
      %swap3A_203 = tpu.vector_load %arg10[%swap3A_202] {strides = array<i32>} : memref<4064xi32, #tpu.memory_space<vmem>>, vector<16xi32>,
      tpu.vector_store %arg10[%swap3A_202], %broadcast_in_dim3A_199 {strides = array<i32>} : memref<4064xi32, #tpu.memory_space<vmem>>, vector<16xi32>,
      %broadcast_in_dim3A_204 = arith.constant 320 : i32
      %broadcast_in_dim3A_205 = vector.broadcast %broadcast_in_dim3A_204 : i32 to vector<16xi32>
      %add3A_206 = arith.constant 48 : i32
      %add3A_207 = arith.addi %scan3A_160, %add3A_206 : i32
      %swap3A_208 = arith.index_cast %add3A_207 : i32 to index
      %swap3A_209 = tpu.vector_load %arg11[%swap3A_208] {strides = array<i32>} : memref<4064xi32, #tpu.memory_space<vmem>>, vector<16xi32>,
      tpu.vector_store %arg11[%swap3A_208], %broadcast_in_dim3A_205 {strides = array<i32>} : memref<4064xi32, #tpu.memory_space<vmem>>, vector<16xi32>,
      %add3A_210 = arith.constant 64 : i32
      %add3A_211 = arith.addi %scan3A_160, %add3A_210 : i32
      %sub3A_212 = arith.constant 1 : i32
      %sub3A_213 = arith.subi %add3A_211, %sub3A_212 : i32
      %jit3A_214 = arith.constant 64 : i32
      %div3A_215 = arith.divsi %sub3A_213, %jit3A_214 : i32
      %sign3A_216 = arith.constant 0 : i32
      %sign3A_217 = arith.cmpi sgt, %sub3A_213, %sign3A_216 : i32
      %sign3A_218 = arith.extui %sign3A_217 : i1 to i32
      %sign3A_219 = arith.constant 0 : i32
      %sign3A_220 = arith.cmpi slt, %sub3A_213, %sign3A_219 : i32
      %sign3A_221 = arith.extui %sign3A_220 : i1 to i32
      %sign3A_222 = arith.subi %sign3A_218, %sign3A_221 : i32
      %sign3A_223 = arith.constant 0 : i32
      %sign3A_224 = arith.cmpi sgt, %jit3A_214, %sign3A_223 : i32
      %sign3A_225 = arith.extui %sign3A_224 : i1 to i32
      %sign3A_226 = arith.constant 0 : i32
      %sign3A_227 = arith.cmpi slt, %jit3A_214, %sign3A_226 : i32
      %sign3A_228 = arith.extui %sign3A_227 : i1 to i32
      %sign3A_229 = arith.subi %sign3A_225, %sign3A_228 : i32
      %ne3A_230 = arith.cmpi ne, %sign3A_222, %sign3A_229 : i32
      %rem3A_231 = arith.remsi %sub3A_213, %jit3A_214 : i32
      %ne3A_232 = arith.constant 0 : i32
      %ne3A_233 = arith.cmpi ne, %rem3A_231, %ne3A_232 : i32
      %and3A_234 = arith.andi %ne3A_230, %ne3A_233 : i1
      %sub3A_235 = arith.constant 1 : i32
      %sub3A_236 = arith.subi %div3A_215, %sub3A_235 : i32
      %select_n3A_237 = arith.select %and3A_234, %sub3A_236, %div3A_215 : i32
      %while3A_238 = arith.constant 0 : i32
      %while3A_239 = arith.constant 0 : i32
      %while3A_240 = arith.subi %select_n3A_237, %while3A_239 : i32
      %while3A_241 = arith.addi %while3A_239, %while3A_240 : i32
      %while3A_242 = arith.constant 1 : i32
      %while3A_243 = arith.divsi %while3A_240, %while3A_242 : i32
      %while3A_244 = arith.muli %while3A_243, %while3A_242 : i32
      %while3A_245 = arith.addi %while3A_239, %while3A_244 : i32
      %while3A_246 = arith.constant 1 : i32
      scf.for %while3A_248 = %while3A_239 to %while3A_245 step %while3A_246  : i32 {
        %mul3A_249 = arith.constant 64 : i32
        %mul3A_250 = arith.muli %while3A_248, %mul3A_249 : i32
        %add3A_251 = arith.constant 0 : i32
        %add3A_252 = arith.addi %mul3A_250, %add3A_251 : i32
        %get3A = arith.index_cast %add3A_252 : i32 to index
        %get3A_253 = tpu.vector_load %arg10[%get3A] {strides = array<i32>} : memref<4064xi32, #tpu.memory_space<vmem>>, vector<16xi32>,
        %swap3A_254 = arith.constant 0 : index
        %swap3A_255 = tpu.vector_load %arg12[%swap3A_254] {strides = array<i32>} : memref<64xi32, #tpu.memory_space<vmem>>, vector<16xi32>,
        tpu.vector_store %arg12[%swap3A_254], %get3A_253 {strides = array<i32>} : memref<64xi32, #tpu.memory_space<vmem>>, vector<16xi32>,
        %mul3A_256 = arith.constant 64 : i32
        %mul3A_257 = arith.muli %while3A_248, %mul3A_256 : i32
        %add3A_258 = arith.constant 16 : i32
        %add3A_259 = arith.addi %mul3A_257, %add3A_258 : i32
        %get3A_260 = arith.index_cast %add3A_259 : i32 to index
        %get3A_261 = tpu.vector_load %arg10[%get3A_260] {strides = array<i32>} : memref<4064xi32, #tpu.memory_space<vmem>>, vector<16xi32>,
        %swap3A_262 = arith.constant 16 : index
        %swap3A_263 = tpu.vector_load %arg12[%swap3A_262] {strides = array<i32>} : memref<64xi32, #tpu.memory_space<vmem>>, vector<16xi32>,
        tpu.vector_store %arg12[%swap3A_262], %get3A_261 {strides = array<i32>} : memref<64xi32, #tpu.memory_space<vmem>>, vector<16xi32>,
        %mul3A_264 = arith.constant 64 : i32
        %mul3A_265 = arith.muli %while3A_248, %mul3A_264 : i32
        %add3A_266 = arith.constant 32 : i32
        %add3A_267 = arith.addi %mul3A_265, %add3A_266 : i32
        %get3A_268 = arith.index_cast %add3A_267 : i32 to index
        %get3A_269 = tpu.vector_load %arg10[%get3A_268] {strides = array<i32>} : memref<4064xi32, #tpu.memory_space<vmem>>, vector<16xi32>,
        %swap3A_270 = arith.constant 32 : index
        %swap3A_271 = tpu.vector_load %arg12[%swap3A_270] {strides = array<i32>} : memref<64xi32, #tpu.memory_space<vmem>>, vector<16xi32>,
        tpu.vector_store %arg12[%swap3A_270], %get3A_269 {strides = array<i32>} : memref<64xi32, #tpu.memory_space<vmem>>, vector<16xi32>,
        %mul3A_272 = arith.constant 64 : i32
        %mul3A_273 = arith.muli %while3A_248, %mul3A_272 : i32
        %add3A_274 = arith.constant 48 : i32
        %add3A_275 = arith.addi %mul3A_273, %add3A_274 : i32
        %get3A_276 = arith.index_cast %add3A_275 : i32 to index
        %get3A_277 = tpu.vector_load %arg10[%get3A_276] {strides = array<i32>} : memref<4064xi32, #tpu.memory_space<vmem>>, vector<16xi32>,
        %swap3A_278 = arith.constant 48 : index
        %swap3A_279 = tpu.vector_load %arg12[%swap3A_278] {strides = array<i32>} : memref<64xi32, #tpu.memory_space<vmem>>, vector<16xi32>,
        tpu.vector_store %arg12[%swap3A_278], %get3A_277 {strides = array<i32>} : memref<64xi32, #tpu.memory_space<vmem>>, vector<16xi32>,
        %dma_start3A_280 = arith.constant 0 : i32
        %dma_start3A_281 = arith.constant 0 : i32
        %dma_start3A_282 = tpu.memref_slice %arg4[%dma_start3A_280, %dma_start3A_281] : memref<10000x128xi32, #tpu.memory_space<hbm>> -> memref<10000x128xi32, #tpu.memory_space<hbm>>
        tpu.enqueue_indirect_dma source(%dma_start3A_282 : memref<10000x128xi32, #tpu.memory_space<hbm>>) target(%arg13 : memref<64x128xi32, #tpu.memory_space<vmem>>) offsets(%arg12 : memref<64xi32, #tpu.memory_space<vmem>>) semaphore(%arg19 : memref<!tpu.dma_semaphore, #tpu.memory_space<semaphore_mem>>)
        %dma_wait3A_283 = arith.constant 0 : i32
        %dma_wait3A_284 = arith.constant 0 : i32
        %dma_wait3A_285 = tpu.memref_slice %arg4[%dma_wait3A_283, %dma_wait3A_284] : memref<10000x128xi32, #tpu.memory_space<hbm>> -> memref<10000x128xi32, #tpu.memory_space<hbm>>
        tpu.wait_indirect_dma semaphore(%arg19 : memref<!tpu.dma_semaphore, #tpu.memory_space<semaphore_mem>>) src(%dma_wait3A_285 : memref<10000x128xi32, #tpu.memory_space<hbm>>) dst(%arg13 : memref<64x128xi32, #tpu.memory_space<vmem>>)
        %scan3A_286 = arith.constant 0 : i32
        %scan3A_287 = arith.constant 0 : i32
        %scan3A_288 = arith.constant 64 : i32
        %scan3A_289 = arith.addi %scan3A_287, %scan3A_288 : i32
        %scan3A_290 = arith.constant 1 : i32
        scf.for %scan3A_292 = %scan3A_287 to %scan3A_289 step %scan3A_290  : i32 {
          %mul3A_293 = arith.constant 64 : i32
          %mul3A_294 = arith.muli %while3A_248, %mul3A_293 : i32
          %add3A_295 = arith.addi %mul3A_294, %scan3A_292 : i32
          %get3A_296 = arith.index_cast %add3A_295 : i32 to index
          %get3A_297 = tpu.vector_load %arg11[%get3A_296] {strides = array<i32>} : memref<4064xi32, #tpu.memory_space<vmem>>, vector<16xi32>,
          %eq3A = arith.constant 0 : i32
          %eq3A_298 = vector.broadcast %eq3A : i32 to vector<16xi32>
          %eq3A_299 = arith.cmpi eq, %iota3A, %eq3A_298 : vector<16xi32>
          %jit3A_300 = arith.constant 0 : i32
          %broadcast_in_dim3A_301 = vector.broadcast %jit3A_300 : i32 to vector<16xi32>
          %select_n3A_302 = arith.select %eq3A_299, %get3A_297, %broadcast_in_dim3A_301 : vector<16xi1>, vector<16xi32>
          %reduce_sum3A = arith.constant true
          %reduce_sum3A_303 = vector.broadcast %reduce_sum3A : i1 to vector<16xi1>
          %reduce_sum3A_304 = tpu.scan <sum>, %select_n3A_302 masked %reduce_sum3A_303 : vector<16xi32>, vector<16xi1> -> vector<16xi32>
          %reduce_sum3A_305 = vector.extract %reduce_sum3A_304[15] : i32 from vector<16xi32>
          %get3A_306 = arith.index_cast %scan3A_292 : i32 to index
          %get3A_307 = arith.constant 0 : index
          %get3A_308 = tpu.vector_load %arg13[%get3A_306, %get3A_307] {strides = array<i32>} : memref<64x128xi32, #tpu.memory_space<vmem>>, vector<16xi32>,
          %shift_left3A = arith.constant 16 : i32
          %shift_left3A_309 = vector.broadcast %shift_left3A : i32 to vector<16xi32>
          %shift_left3A_310 = arith.shli %get3A_308, %shift_left3A_309 : vector<16xi32>
          %bitcast_convert_type3A = tpu.bitcast %shift_left3A_310 : vector<16xi32> -> vector<16xf32>
          %and3A_311 = arith.constant -65536 : i32
          %and3A_312 = vector.broadcast %and3A_311 : i32 to vector<16xi32>
          %and3A_313 = arith.andi %get3A_308, %and3A_312 : vector<16xi32>
          %bitcast_convert_type3A_314 = tpu.bitcast %and3A_313 : vector<16xi32> -> vector<16xf32>
          %swap3A_315 = arith.index_cast %reduce_sum3A_305 : i32 to index
          %swap3A_316 = arith.constant 0 : index
          %swap3A_317 = tpu.vector_load %arg14[%swap3A_315, %swap3A_316] {strides = array<i32>} : memref<321x256xf32, #tpu.memory_space<vmem>>, vector<16xf32>,
          tpu.vector_store %arg14[%swap3A_315, %swap3A_316], %bitcast_convert_type3A {add = true, strides = array<i32>} : memref<321x256xf32, #tpu.memory_space<vmem>>, vector<16xf32>,
          %swap3A_318 = arith.index_cast %reduce_sum3A_305 : i32 to index
          %swap3A_319 = arith.constant 128 : index
          %swap3A_320 = tpu.vector_load %arg14[%swap3A_318, %swap3A_319] {strides = array<i32>} : memref<321x256xf32, #tpu.memory_space<vmem>>, vector<16xf32>,
          tpu.vector_store %arg14[%swap3A_318, %swap3A_319], %bitcast_convert_type3A_314 {add = true, strides = array<i32>} : memref<321x256xf32, #tpu.memory_space<vmem>>, vector<16xf32>,
          %get3A_321 = arith.index_cast %scan3A_292 : i32 to index
          %get3A_322 = arith.constant 16 : index
          %get3A_323 = tpu.vector_load %arg13[%get3A_321, %get3A_322] {strides = array<i32>} : memref<64x128xi32, #tpu.memory_space<vmem>>, vector<16xi32>,
          %shift_left3A_324 = arith.constant 16 : i32
          %shift_left3A_325 = vector.broadcast %shift_left3A_324 : i32 to vector<16xi32>
          %shift_left3A_326 = arith.shli %get3A_323, %shift_left3A_325 : vector<16xi32>
          %bitcast_convert_type3A_327 = tpu.bitcast %shift_left3A_326 : vector<16xi32> -> vector<16xf32>
          %and3A_328 = arith.constant -65536 : i32
          %and3A_329 = vector.broadcast %and3A_328 : i32 to vector<16xi32>
          %and3A_330 = arith.andi %get3A_323, %and3A_329 : vector<16xi32>
          %bitcast_convert_type3A_331 = tpu.bitcast %and3A_330 : vector<16xi32> -> vector<16xf32>
          %swap3A_332 = arith.index_cast %reduce_sum3A_305 : i32 to index
          %swap3A_333 = arith.constant 16 : index
          %swap3A_334 = tpu.vector_load %arg14[%swap3A_332, %swap3A_333] {strides = array<i32>} : memref<321x256xf32, #tpu.memory_space<vmem>>, vector<16xf32>,
          tpu.vector_store %arg14[%swap3A_332, %swap3A_333], %bitcast_convert_type3A_327 {add = true, strides = array<i32>} : memref<321x256xf32, #tpu.memory_space<vmem>>, vector<16xf32>,
          %swap3A_335 = arith.index_cast %reduce_sum3A_305 : i32 to index
          %swap3A_336 = arith.constant 144 : index
          %swap3A_337 = tpu.vector_load %arg14[%swap3A_335, %swap3A_336] {strides = array<i32>} : memref<321x256xf32, #tpu.memory_space<vmem>>, vector<16xf32>,
          tpu.vector_store %arg14[%swap3A_335, %swap3A_336], %bitcast_convert_type3A_331 {add = true, strides = array<i32>} : memref<321x256xf32, #tpu.memory_space<vmem>>, vector<16xf32>,
          %get3A_338 = arith.index_cast %scan3A_292 : i32 to index
          %get3A_339 = arith.constant 32 : index
          %get3A_340 = tpu.vector_load %arg13[%get3A_338, %get3A_339] {strides = array<i32>} : memref<64x128xi32, #tpu.memory_space<vmem>>, vector<16xi32>,
          %shift_left3A_341 = arith.constant 16 : i32
          %shift_left3A_342 = vector.broadcast %shift_left3A_341 : i32 to vector<16xi32>
          %shift_left3A_343 = arith.shli %get3A_340, %shift_left3A_342 : vector<16xi32>
          %bitcast_convert_type3A_344 = tpu.bitcast %shift_left3A_343 : vector<16xi32> -> vector<16xf32>
          %and3A_345 = arith.constant -65536 : i32
          %and3A_346 = vector.broadcast %and3A_345 : i32 to vector<16xi32>
          %and3A_347 = arith.andi %get3A_340, %and3A_346 : vector<16xi32>
          %bitcast_convert_type3A_348 = tpu.bitcast %and3A_347 : vector<16xi32> -> vector<16xf32>
          %swap3A_349 = arith.index_cast %reduce_sum3A_305 : i32 to index
          %swap3A_350 = arith.constant 32 : index
          %swap3A_351 = tpu.vector_load %arg14[%swap3A_349, %swap3A_350] {strides = array<i32>} : memref<321x256xf32, #tpu.memory_space<vmem>>, vector<16xf32>,
          tpu.vector_store %arg14[%swap3A_349, %swap3A_350], %bitcast_convert_type3A_344 {add = true, strides = array<i32>} : memref<321x256xf32, #tpu.memory_space<vmem>>, vector<16xf32>,
          %swap3A_352 = arith.index_cast %reduce_sum3A_305 : i32 to index
          %swap3A_353 = arith.constant 160 : index
          %swap3A_354 = tpu.vector_load %arg14[%swap3A_352, %swap3A_353] {strides = array<i32>} : memref<321x256xf32, #tpu.memory_space<vmem>>, vector<16xf32>,
          tpu.vector_store %arg14[%swap3A_352, %swap3A_353], %bitcast_convert_type3A_348 {add = true, strides = array<i32>} : memref<321x256xf32, #tpu.memory_space<vmem>>, vector<16xf32>,
          %get3A_355 = arith.index_cast %scan3A_292 : i32 to index
          %get3A_356 = arith.constant 48 : index
          %get3A_357 = tpu.vector_load %arg13[%get3A_355, %get3A_356] {strides = array<i32>} : memref<64x128xi32, #tpu.memory_space<vmem>>, vector<16xi32>,
          %shift_left3A_358 = arith.constant 16 : i32
          %shift_left3A_359 = vector.broadcast %shift_left3A_358 : i32 to vector<16xi32>
          %shift_left3A_360 = arith.shli %get3A_357, %shift_left3A_359 : vector<16xi32>
          %bitcast_convert_type3A_361 = tpu.bitcast %shift_left3A_360 : vector<16xi32> -> vector<16xf32>
          %and3A_362 = arith.constant -65536 : i32
          %and3A_363 = vector.broadcast %and3A_362 : i32 to vector<16xi32>
          %and3A_364 = arith.andi %get3A_357, %and3A_363 : vector<16xi32>
          %bitcast_convert_type3A_365 = tpu.bitcast %and3A_364 : vector<16xi32> -> vector<16xf32>
          %swap3A_366 = arith.index_cast %reduce_sum3A_305 : i32 to index
          %swap3A_367 = arith.constant 48 : index
          %swap3A_368 = tpu.vector_load %arg14[%swap3A_366, %swap3A_367] {strides = array<i32>} : memref<321x256xf32, #tpu.memory_space<vmem>>, vector<16xf32>,
          tpu.vector_store %arg14[%swap3A_366, %swap3A_367], %bitcast_convert_type3A_361 {add = true, strides = array<i32>} : memref<321x256xf32, #tpu.memory_space<vmem>>, vector<16xf32>,
          %swap3A_369 = arith.index_cast %reduce_sum3A_305 : i32 to index
          %swap3A_370 = arith.constant 176 : index
          %swap3A_371 = tpu.vector_load %arg14[%swap3A_369, %swap3A_370] {strides = array<i32>} : memref<321x256xf32, #tpu.memory_space<vmem>>, vector<16xf32>,
          tpu.vector_store %arg14[%swap3A_369, %swap3A_370], %bitcast_convert_type3A_365 {add = true, strides = array<i32>} : memref<321x256xf32, #tpu.memory_space<vmem>>, vector<16xf32>,
          %get3A_372 = arith.index_cast %scan3A_292 : i32 to index
          %get3A_373 = arith.constant 64 : index
          %get3A_374 = tpu.vector_load %arg13[%get3A_372, %get3A_373] {strides = array<i32>} : memref<64x128xi32, #tpu.memory_space<vmem>>, vector<16xi32>,
          %shift_left3A_375 = arith.constant 16 : i32
          %shift_left3A_376 = vector.broadcast %shift_left3A_375 : i32 to vector<16xi32>
          %shift_left3A_377 = arith.shli %get3A_374, %shift_left3A_376 : vector<16xi32>
          %bitcast_convert_type3A_378 = tpu.bitcast %shift_left3A_377 : vector<16xi32> -> vector<16xf32>
          %and3A_379 = arith.constant -65536 : i32
          %and3A_380 = vector.broadcast %and3A_379 : i32 to vector<16xi32>
          %and3A_381 = arith.andi %get3A_374, %and3A_380 : vector<16xi32>
          %bitcast_convert_type3A_382 = tpu.bitcast %and3A_381 : vector<16xi32> -> vector<16xf32>
          %swap3A_383 = arith.index_cast %reduce_sum3A_305 : i32 to index
          %swap3A_384 = arith.constant 64 : index
          %swap3A_385 = tpu.vector_load %arg14[%swap3A_383, %swap3A_384] {strides = array<i32>} : memref<321x256xf32, #tpu.memory_space<vmem>>, vector<16xf32>,
          tpu.vector_store %arg14[%swap3A_383, %swap3A_384], %bitcast_convert_type3A_378 {add = true, strides = array<i32>} : memref<321x256xf32, #tpu.memory_space<vmem>>, vector<16xf32>,
          %swap3A_386 = arith.index_cast %reduce_sum3A_305 : i32 to index
          %swap3A_387 = arith.constant 192 : index
          %swap3A_388 = tpu.vector_load %arg14[%swap3A_386, %swap3A_387] {strides = array<i32>} : memref<321x256xf32, #tpu.memory_space<vmem>>, vector<16xf32>,
          tpu.vector_store %arg14[%swap3A_386, %swap3A_387], %bitcast_convert_type3A_382 {add = true, strides = array<i32>} : memref<321x256xf32, #tpu.memory_space<vmem>>, vector<16xf32>,
          %get3A_389 = arith.index_cast %scan3A_292 : i32 to index
          %get3A_390 = arith.constant 80 : index
          %get3A_391 = tpu.vector_load %arg13[%get3A_389, %get3A_390] {strides = array<i32>} : memref<64x128xi32, #tpu.memory_space<vmem>>, vector<16xi32>,
          %shift_left3A_392 = arith.constant 16 : i32
          %shift_left3A_393 = vector.broadcast %shift_left3A_392 : i32 to vector<16xi32>
          %shift_left3A_394 = arith.shli %get3A_391, %shift_left3A_393 : vector<16xi32>
          %bitcast_convert_type3A_395 = tpu.bitcast %shift_left3A_394 : vector<16xi32> -> vector<16xf32>
          %and3A_396 = arith.constant -65536 : i32
          %and3A_397 = vector.broadcast %and3A_396 : i32 to vector<16xi32>
          %and3A_398 = arith.andi %get3A_391, %and3A_397 : vector<16xi32>
          %bitcast_convert_type3A_399 = tpu.bitcast %and3A_398 : vector<16xi32> -> vector<16xf32>
          %swap3A_400 = arith.index_cast %reduce_sum3A_305 : i32 to index
          %swap3A_401 = arith.constant 80 : index
          %swap3A_402 = tpu.vector_load %arg14[%swap3A_400, %swap3A_401] {strides = array<i32>} : memref<321x256xf32, #tpu.memory_space<vmem>>, vector<16xf32>,
          tpu.vector_store %arg14[%swap3A_400, %swap3A_401], %bitcast_convert_type3A_395 {add = true, strides = array<i32>} : memref<321x256xf32, #tpu.memory_space<vmem>>, vector<16xf32>,
          %swap3A_403 = arith.index_cast %reduce_sum3A_305 : i32 to index
          %swap3A_404 = arith.constant 208 : index
          %swap3A_405 = tpu.vector_load %arg14[%swap3A_403, %swap3A_404] {strides = array<i32>} : memref<321x256xf32, #tpu.memory_space<vmem>>, vector<16xf32>,
          tpu.vector_store %arg14[%swap3A_403, %swap3A_404], %bitcast_convert_type3A_399 {add = true, strides = array<i32>} : memref<321x256xf32, #tpu.memory_space<vmem>>, vector<16xf32>,
          %get3A_406 = arith.index_cast %scan3A_292 : i32 to index
          %get3A_407 = arith.constant 96 : index
          %get3A_408 = tpu.vector_load %arg13[%get3A_406, %get3A_407] {strides = array<i32>} : memref<64x128xi32, #tpu.memory_space<vmem>>, vector<16xi32>,
          %shift_left3A_409 = arith.constant 16 : i32
          %shift_left3A_410 = vector.broadcast %shift_left3A_409 : i32 to vector<16xi32>
          %shift_left3A_411 = arith.shli %get3A_408, %shift_left3A_410 : vector<16xi32>
          %bitcast_convert_type3A_412 = tpu.bitcast %shift_left3A_411 : vector<16xi32> -> vector<16xf32>
          %and3A_413 = arith.constant -65536 : i32
          %and3A_414 = vector.broadcast %and3A_413 : i32 to vector<16xi32>
          %and3A_415 = arith.andi %get3A_408, %and3A_414 : vector<16xi32>
          %bitcast_convert_type3A_416 = tpu.bitcast %and3A_415 : vector<16xi32> -> vector<16xf32>
          %swap3A_417 = arith.index_cast %reduce_sum3A_305 : i32 to index
          %swap3A_418 = arith.constant 96 : index
          %swap3A_419 = tpu.vector_load %arg14[%swap3A_417, %swap3A_418] {strides = array<i32>} : memref<321x256xf32, #tpu.memory_space<vmem>>, vector<16xf32>,
          tpu.vector_store %arg14[%swap3A_417, %swap3A_418], %bitcast_convert_type3A_412 {add = true, strides = array<i32>} : memref<321x256xf32, #tpu.memory_space<vmem>>, vector<16xf32>,
          %swap3A_420 = arith.index_cast %reduce_sum3A_305 : i32 to index
          %swap3A_421 = arith.constant 224 : index
          %swap3A_422 = tpu.vector_load %arg14[%swap3A_420, %swap3A_421] {strides = array<i32>} : memref<321x256xf32, #tpu.memory_space<vmem>>, vector<16xf32>,
          tpu.vector_store %arg14[%swap3A_420, %swap3A_421], %bitcast_convert_type3A_416 {add = true, strides = array<i32>} : memref<321x256xf32, #tpu.memory_space<vmem>>, vector<16xf32>,
          %get3A_423 = arith.index_cast %scan3A_292 : i32 to index
          %get3A_424 = arith.constant 112 : index
          %get3A_425 = tpu.vector_load %arg13[%get3A_423, %get3A_424] {strides = array<i32>} : memref<64x128xi32, #tpu.memory_space<vmem>>, vector<16xi32>,
          %shift_left3A_426 = arith.constant 16 : i32
          %shift_left3A_427 = vector.broadcast %shift_left3A_426 : i32 to vector<16xi32>
          %shift_left3A_428 = arith.shli %get3A_425, %shift_left3A_427 : vector<16xi32>
          %bitcast_convert_type3A_429 = tpu.bitcast %shift_left3A_428 : vector<16xi32> -> vector<16xf32>
          %and3A_430 = arith.constant -65536 : i32
          %and3A_431 = vector.broadcast %and3A_430 : i32 to vector<16xi32>
          %and3A_432 = arith.andi %get3A_425, %and3A_431 : vector<16xi32>
          %bitcast_convert_type3A_433 = tpu.bitcast %and3A_432 : vector<16xi32> -> vector<16xf32>
          %swap3A_434 = arith.index_cast %reduce_sum3A_305 : i32 to index
          %swap3A_435 = arith.constant 112 : index
          %swap3A_436 = tpu.vector_load %arg14[%swap3A_434, %swap3A_435] {strides = array<i32>} : memref<321x256xf32, #tpu.memory_space<vmem>>, vector<16xf32>,
          tpu.vector_store %arg14[%swap3A_434, %swap3A_435], %bitcast_convert_type3A_429 {add = true, strides = array<i32>} : memref<321x256xf32, #tpu.memory_space<vmem>>, vector<16xf32>,
          %swap3A_437 = arith.index_cast %reduce_sum3A_305 : i32 to index
          %swap3A_438 = arith.constant 240 : index
          %swap3A_439 = tpu.vector_load %arg14[%swap3A_437, %swap3A_438] {strides = array<i32>} : memref<321x256xf32, #tpu.memory_space<vmem>>, vector<16xf32>,
          tpu.vector_store %arg14[%swap3A_437, %swap3A_438], %bitcast_convert_type3A_433 {add = true, strides = array<i32>} : memref<321x256xf32, #tpu.memory_space<vmem>>, vector<16xf32>,
        }
        %scan3A_291 = arith.constant 64 : i32
      }
      %while3A_247 = arith.constant 1 : i32
      scf.for %while3A_248 = %while3A_245 to %while3A_241 step %while3A_247  : i32 {
        %mul3A_249 = arith.constant 64 : i32
        %mul3A_250 = arith.muli %while3A_248, %mul3A_249 : i32
        %add3A_251 = arith.constant 0 : i32
        %add3A_252 = arith.addi %mul3A_250, %add3A_251 : i32
        %get3A = arith.index_cast %add3A_252 : i32 to index
        %get3A_253 = tpu.vector_load %arg10[%get3A] {strides = array<i32>} : memref<4064xi32, #tpu.memory_space<vmem>>, vector<16xi32>,
        %swap3A_254 = arith.constant 0 : index
        %swap3A_255 = tpu.vector_load %arg12[%swap3A_254] {strides = array<i32>} : memref<64xi32, #tpu.memory_space<vmem>>, vector<16xi32>,
        tpu.vector_store %arg12[%swap3A_254], %get3A_253 {strides = array<i32>} : memref<64xi32, #tpu.memory_space<vmem>>, vector<16xi32>,
        %mul3A_256 = arith.constant 64 : i32
        %mul3A_257 = arith.muli %while3A_248, %mul3A_256 : i32
        %add3A_258 = arith.constant 16 : i32
        %add3A_259 = arith.addi %mul3A_257, %add3A_258 : i32
        %get3A_260 = arith.index_cast %add3A_259 : i32 to index
        %get3A_261 = tpu.vector_load %arg10[%get3A_260] {strides = array<i32>} : memref<4064xi32, #tpu.memory_space<vmem>>, vector<16xi32>,
        %swap3A_262 = arith.constant 16 : index
        %swap3A_263 = tpu.vector_load %arg12[%swap3A_262] {strides = array<i32>} : memref<64xi32, #tpu.memory_space<vmem>>, vector<16xi32>,
        tpu.vector_store %arg12[%swap3A_262], %get3A_261 {strides = array<i32>} : memref<64xi32, #tpu.memory_space<vmem>>, vector<16xi32>,
        %mul3A_264 = arith.constant 64 : i32
        %mul3A_265 = arith.muli %while3A_248, %mul3A_264 : i32
        %add3A_266 = arith.constant 32 : i32
        %add3A_267 = arith.addi %mul3A_265, %add3A_266 : i32
        %get3A_268 = arith.index_cast %add3A_267 : i32 to index
        %get3A_269 = tpu.vector_load %arg10[%get3A_268] {strides = array<i32>} : memref<4064xi32, #tpu.memory_space<vmem>>, vector<16xi32>,
        %swap3A_270 = arith.constant 32 : index
        %swap3A_271 = tpu.vector_load %arg12[%swap3A_270] {strides = array<i32>} : memref<64xi32, #tpu.memory_space<vmem>>, vector<16xi32>,
        tpu.vector_store %arg12[%swap3A_270], %get3A_269 {strides = array<i32>} : memref<64xi32, #tpu.memory_space<vmem>>, vector<16xi32>,
        %mul3A_272 = arith.constant 64 : i32
        %mul3A_273 = arith.muli %while3A_248, %mul3A_272 : i32
        %add3A_274 = arith.constant 48 : i32
        %add3A_275 = arith.addi %mul3A_273, %add3A_274 : i32
        %get3A_276 = arith.index_cast %add3A_275 : i32 to index
        %get3A_277 = tpu.vector_load %arg10[%get3A_276] {strides = array<i32>} : memref<4064xi32, #tpu.memory_space<vmem>>, vector<16xi32>,
        %swap3A_278 = arith.constant 48 : index
        %swap3A_279 = tpu.vector_load %arg12[%swap3A_278] {strides = array<i32>} : memref<64xi32, #tpu.memory_space<vmem>>, vector<16xi32>,
        tpu.vector_store %arg12[%swap3A_278], %get3A_277 {strides = array<i32>} : memref<64xi32, #tpu.memory_space<vmem>>, vector<16xi32>,
        %dma_start3A_280 = arith.constant 0 : i32
        %dma_start3A_281 = arith.constant 0 : i32
        %dma_start3A_282 = tpu.memref_slice %arg4[%dma_start3A_280, %dma_start3A_281] : memref<10000x128xi32, #tpu.memory_space<hbm>> -> memref<10000x128xi32, #tpu.memory_space<hbm>>
        tpu.enqueue_indirect_dma source(%dma_start3A_282 : memref<10000x128xi32, #tpu.memory_space<hbm>>) target(%arg13 : memref<64x128xi32, #tpu.memory_space<vmem>>) offsets(%arg12 : memref<64xi32, #tpu.memory_space<vmem>>) semaphore(%arg19 : memref<!tpu.dma_semaphore, #tpu.memory_space<semaphore_mem>>)
        %dma_wait3A_283 = arith.constant 0 : i32
        %dma_wait3A_284 = arith.constant 0 : i32
        %dma_wait3A_285 = tpu.memref_slice %arg4[%dma_wait3A_283, %dma_wait3A_284] : memref<10000x128xi32, #tpu.memory_space<hbm>> -> memref<10000x128xi32, #tpu.memory_space<hbm>>
        tpu.wait_indirect_dma semaphore(%arg19 : memref<!tpu.dma_semaphore, #tpu.memory_space<semaphore_mem>>) src(%dma_wait3A_285 : memref<10000x128xi32, #tpu.memory_space<hbm>>) dst(%arg13 : memref<64x128xi32, #tpu.memory_space<vmem>>)
        %scan3A_286 = arith.constant 0 : i32
        %scan3A_287 = arith.constant 0 : i32
        %scan3A_288 = arith.constant 64 : i32
        %scan3A_289 = arith.addi %scan3A_287, %scan3A_288 : i32
        %scan3A_290 = arith.constant 1 : i32
        scf.for %scan3A_292 = %scan3A_287 to %scan3A_289 step %scan3A_290  : i32 {
          %mul3A_293 = arith.constant 64 : i32
          %mul3A_294 = arith.muli %while3A_248, %mul3A_293 : i32
          %add3A_295 = arith.addi %mul3A_294, %scan3A_292 : i32
          %get3A_296 = arith.index_cast %add3A_295 : i32 to index
          %get3A_297 = tpu.vector_load %arg11[%get3A_296] {strides = array<i32>} : memref<4064xi32, #tpu.memory_space<vmem>>, vector<16xi32>,
          %eq3A = arith.constant 0 : i32
          %eq3A_298 = vector.broadcast %eq3A : i32 to vector<16xi32>
          %eq3A_299 = arith.cmpi eq, %iota3A, %eq3A_298 : vector<16xi32>
          %jit3A_300 = arith.constant 0 : i32
          %broadcast_in_dim3A_301 = vector.broadcast %jit3A_300 : i32 to vector<16xi32>
          %select_n3A_302 = arith.select %eq3A_299, %get3A_297, %broadcast_in_dim3A_301 : vector<16xi1>, vector<16xi32>
          %reduce_sum3A = arith.constant true
          %reduce_sum3A_303 = vector.broadcast %reduce_sum3A : i1 to vector<16xi1>
          %reduce_sum3A_304 = tpu.scan <sum>, %select_n3A_302 masked %reduce_sum3A_303 : vector<16xi32>, vector<16xi1> -> vector<16xi32>
          %reduce_sum3A_305 = vector.extract %reduce_sum3A_304[15] : i32 from vector<16xi32>
          %get3A_306 = arith.index_cast %scan3A_292 : i32 to index
          %get3A_307 = arith.constant 0 : index
          %get3A_308 = tpu.vector_load %arg13[%get3A_306, %get3A_307] {strides = array<i32>} : memref<64x128xi32, #tpu.memory_space<vmem>>, vector<16xi32>,
          %shift_left3A = arith.constant 16 : i32
          %shift_left3A_309 = vector.broadcast %shift_left3A : i32 to vector<16xi32>
          %shift_left3A_310 = arith.shli %get3A_308, %shift_left3A_309 : vector<16xi32>
          %bitcast_convert_type3A = tpu.bitcast %shift_left3A_310 : vector<16xi32> -> vector<16xf32>
          %and3A_311 = arith.constant -65536 : i32
          %and3A_312 = vector.broadcast %and3A_311 : i32 to vector<16xi32>
          %and3A_313 = arith.andi %get3A_308, %and3A_312 : vector<16xi32>
          %bitcast_convert_type3A_314 = tpu.bitcast %and3A_313 : vector<16xi32> -> vector<16xf32>
          %swap3A_315 = arith.index_cast %reduce_sum3A_305 : i32 to index
          %swap3A_316 = arith.constant 0 : index
          %swap3A_317 = tpu.vector_load %arg14[%swap3A_315, %swap3A_316] {strides = array<i32>} : memref<321x256xf32, #tpu.memory_space<vmem>>, vector<16xf32>,
          tpu.vector_store %arg14[%swap3A_315, %swap3A_316], %bitcast_convert_type3A {add = true, strides = array<i32>} : memref<321x256xf32, #tpu.memory_space<vmem>>, vector<16xf32>,
          %swap3A_318 = arith.index_cast %reduce_sum3A_305 : i32 to index
          %swap3A_319 = arith.constant 128 : index
          %swap3A_320 = tpu.vector_load %arg14[%swap3A_318, %swap3A_319] {strides = array<i32>} : memref<321x256xf32, #tpu.memory_space<vmem>>, vector<16xf32>,
          tpu.vector_store %arg14[%swap3A_318, %swap3A_319], %bitcast_convert_type3A_314 {add = true, strides = array<i32>} : memref<321x256xf32, #tpu.memory_space<vmem>>, vector<16xf32>,
          %get3A_321 = arith.index_cast %scan3A_292 : i32 to index
          %get3A_322 = arith.constant 16 : index
          %get3A_323 = tpu.vector_load %arg13[%get3A_321, %get3A_322] {strides = array<i32>} : memref<64x128xi32, #tpu.memory_space<vmem>>, vector<16xi32>,
          %shift_left3A_324 = arith.constant 16 : i32
          %shift_left3A_325 = vector.broadcast %shift_left3A_324 : i32 to vector<16xi32>
          %shift_left3A_326 = arith.shli %get3A_323, %shift_left3A_325 : vector<16xi32>
          %bitcast_convert_type3A_327 = tpu.bitcast %shift_left3A_326 : vector<16xi32> -> vector<16xf32>
          %and3A_328 = arith.constant -65536 : i32
          %and3A_329 = vector.broadcast %and3A_328 : i32 to vector<16xi32>
          %and3A_330 = arith.andi %get3A_323, %and3A_329 : vector<16xi32>
          %bitcast_convert_type3A_331 = tpu.bitcast %and3A_330 : vector<16xi32> -> vector<16xf32>
          %swap3A_332 = arith.index_cast %reduce_sum3A_305 : i32 to index
          %swap3A_333 = arith.constant 16 : index
          %swap3A_334 = tpu.vector_load %arg14[%swap3A_332, %swap3A_333] {strides = array<i32>} : memref<321x256xf32, #tpu.memory_space<vmem>>, vector<16xf32>,
          tpu.vector_store %arg14[%swap3A_332, %swap3A_333], %bitcast_convert_type3A_327 {add = true, strides = array<i32>} : memref<321x256xf32, #tpu.memory_space<vmem>>, vector<16xf32>,
          %swap3A_335 = arith.index_cast %reduce_sum3A_305 : i32 to index
          %swap3A_336 = arith.constant 144 : index
          %swap3A_337 = tpu.vector_load %arg14[%swap3A_335, %swap3A_336] {strides = array<i32>} : memref<321x256xf32, #tpu.memory_space<vmem>>, vector<16xf32>,
          tpu.vector_store %arg14[%swap3A_335, %swap3A_336], %bitcast_convert_type3A_331 {add = true, strides = array<i32>} : memref<321x256xf32, #tpu.memory_space<vmem>>, vector<16xf32>,
          %get3A_338 = arith.index_cast %scan3A_292 : i32 to index
          %get3A_339 = arith.constant 32 : index
          %get3A_340 = tpu.vector_load %arg13[%get3A_338, %get3A_339] {strides = array<i32>} : memref<64x128xi32, #tpu.memory_space<vmem>>, vector<16xi32>,
          %shift_left3A_341 = arith.constant 16 : i32
          %shift_left3A_342 = vector.broadcast %shift_left3A_341 : i32 to vector<16xi32>
          %shift_left3A_343 = arith.shli %get3A_340, %shift_left3A_342 : vector<16xi32>
          %bitcast_convert_type3A_344 = tpu.bitcast %shift_left3A_343 : vector<16xi32> -> vector<16xf32>
          %and3A_345 = arith.constant -65536 : i32
          %and3A_346 = vector.broadcast %and3A_345 : i32 to vector<16xi32>
          %and3A_347 = arith.andi %get3A_340, %and3A_346 : vector<16xi32>
          %bitcast_convert_type3A_348 = tpu.bitcast %and3A_347 : vector<16xi32> -> vector<16xf32>
          %swap3A_349 = arith.index_cast %reduce_sum3A_305 : i32 to index
          %swap3A_350 = arith.constant 32 : index
          %swap3A_351 = tpu.vector_load %arg14[%swap3A_349, %swap3A_350] {strides = array<i32>} : memref<321x256xf32, #tpu.memory_space<vmem>>, vector<16xf32>,
          tpu.vector_store %arg14[%swap3A_349, %swap3A_350], %bitcast_convert_type3A_344 {add = true, strides = array<i32>} : memref<321x256xf32, #tpu.memory_space<vmem>>, vector<16xf32>,
          %swap3A_352 = arith.index_cast %reduce_sum3A_305 : i32 to index
          %swap3A_353 = arith.constant 160 : index
          %swap3A_354 = tpu.vector_load %arg14[%swap3A_352, %swap3A_353] {strides = array<i32>} : memref<321x256xf32, #tpu.memory_space<vmem>>, vector<16xf32>,
          tpu.vector_store %arg14[%swap3A_352, %swap3A_353], %bitcast_convert_type3A_348 {add = true, strides = array<i32>} : memref<321x256xf32, #tpu.memory_space<vmem>>, vector<16xf32>,
          %get3A_355 = arith.index_cast %scan3A_292 : i32 to index
          %get3A_356 = arith.constant 48 : index
          %get3A_357 = tpu.vector_load %arg13[%get3A_355, %get3A_356] {strides = array<i32>} : memref<64x128xi32, #tpu.memory_space<vmem>>, vector<16xi32>,
          %shift_left3A_358 = arith.constant 16 : i32
          %shift_left3A_359 = vector.broadcast %shift_left3A_358 : i32 to vector<16xi32>
          %shift_left3A_360 = arith.shli %get3A_357, %shift_left3A_359 : vector<16xi32>
          %bitcast_convert_type3A_361 = tpu.bitcast %shift_left3A_360 : vector<16xi32> -> vector<16xf32>
          %and3A_362 = arith.constant -65536 : i32
          %and3A_363 = vector.broadcast %and3A_362 : i32 to vector<16xi32>
          %and3A_364 = arith.andi %get3A_357, %and3A_363 : vector<16xi32>
          %bitcast_convert_type3A_365 = tpu.bitcast %and3A_364 : vector<16xi32> -> vector<16xf32>
          %swap3A_366 = arith.index_cast %reduce_sum3A_305 : i32 to index
          %swap3A_367 = arith.constant 48 : index
          %swap3A_368 = tpu.vector_load %arg14[%swap3A_366, %swap3A_367] {strides = array<i32>} : memref<321x256xf32, #tpu.memory_space<vmem>>, vector<16xf32>,
          tpu.vector_store %arg14[%swap3A_366, %swap3A_367], %bitcast_convert_type3A_361 {add = true, strides = array<i32>} : memref<321x256xf32, #tpu.memory_space<vmem>>, vector<16xf32>,
          %swap3A_369 = arith.index_cast %reduce_sum3A_305 : i32 to index
          %swap3A_370 = arith.constant 176 : index
          %swap3A_371 = tpu.vector_load %arg14[%swap3A_369, %swap3A_370] {strides = array<i32>} : memref<321x256xf32, #tpu.memory_space<vmem>>, vector<16xf32>,
          tpu.vector_store %arg14[%swap3A_369, %swap3A_370], %bitcast_convert_type3A_365 {add = true, strides = array<i32>} : memref<321x256xf32, #tpu.memory_space<vmem>>, vector<16xf32>,
          %get3A_372 = arith.index_cast %scan3A_292 : i32 to index
          %get3A_373 = arith.constant 64 : index
          %get3A_374 = tpu.vector_load %arg13[%get3A_372, %get3A_373] {strides = array<i32>} : memref<64x128xi32, #tpu.memory_space<vmem>>, vector<16xi32>,
          %shift_left3A_375 = arith.constant 16 : i32
          %shift_left3A_376 = vector.broadcast %shift_left3A_375 : i32 to vector<16xi32>
          %shift_left3A_377 = arith.shli %get3A_374, %shift_left3A_376 : vector<16xi32>
          %bitcast_convert_type3A_378 = tpu.bitcast %shift_left3A_377 : vector<16xi32> -> vector<16xf32>
          %and3A_379 = arith.constant -65536 : i32
          %and3A_380 = vector.broadcast %and3A_379 : i32 to vector<16xi32>
          %and3A_381 = arith.andi %get3A_374, %and3A_380 : vector<16xi32>
          %bitcast_convert_type3A_382 = tpu.bitcast %and3A_381 : vector<16xi32> -> vector<16xf32>
          %swap3A_383 = arith.index_cast %reduce_sum3A_305 : i32 to index
          %swap3A_384 = arith.constant 64 : index
          %swap3A_385 = tpu.vector_load %arg14[%swap3A_383, %swap3A_384] {strides = array<i32>} : memref<321x256xf32, #tpu.memory_space<vmem>>, vector<16xf32>,
          tpu.vector_store %arg14[%swap3A_383, %swap3A_384], %bitcast_convert_type3A_378 {add = true, strides = array<i32>} : memref<321x256xf32, #tpu.memory_space<vmem>>, vector<16xf32>,
          %swap3A_386 = arith.index_cast %reduce_sum3A_305 : i32 to index
          %swap3A_387 = arith.constant 192 : index
          %swap3A_388 = tpu.vector_load %arg14[%swap3A_386, %swap3A_387] {strides = array<i32>} : memref<321x256xf32, #tpu.memory_space<vmem>>, vector<16xf32>,
          tpu.vector_store %arg14[%swap3A_386, %swap3A_387], %bitcast_convert_type3A_382 {add = true, strides = array<i32>} : memref<321x256xf32, #tpu.memory_space<vmem>>, vector<16xf32>,
          %get3A_389 = arith.index_cast %scan3A_292 : i32 to index
          %get3A_390 = arith.constant 80 : index
          %get3A_391 = tpu.vector_load %arg13[%get3A_389, %get3A_390] {strides = array<i32>} : memref<64x128xi32, #tpu.memory_space<vmem>>, vector<16xi32>,
          %shift_left3A_392 = arith.constant 16 : i32
          %shift_left3A_393 = vector.broadcast %shift_left3A_392 : i32 to vector<16xi32>
          %shift_left3A_394 = arith.shli %get3A_391, %shift_left3A_393 : vector<16xi32>
          %bitcast_convert_type3A_395 = tpu.bitcast %shift_left3A_394 : vector<16xi32> -> vector<16xf32>
          %and3A_396 = arith.constant -65536 : i32
          %and3A_397 = vector.broadcast %and3A_396 : i32 to vector<16xi32>
          %and3A_398 = arith.andi %get3A_391, %and3A_397 : vector<16xi32>
          %bitcast_convert_type3A_399 = tpu.bitcast %and3A_398 : vector<16xi32> -> vector<16xf32>
          %swap3A_400 = arith.index_cast %reduce_sum3A_305 : i32 to index
          %swap3A_401 = arith.constant 80 : index
          %swap3A_402 = tpu.vector_load %arg14[%swap3A_400, %swap3A_401] {strides = array<i32>} : memref<321x256xf32, #tpu.memory_space<vmem>>, vector<16xf32>,
          tpu.vector_store %arg14[%swap3A_400, %swap3A_401], %bitcast_convert_type3A_395 {add = true, strides = array<i32>} : memref<321x256xf32, #tpu.memory_space<vmem>>, vector<16xf32>,
          %swap3A_403 = arith.index_cast %reduce_sum3A_305 : i32 to index
          %swap3A_404 = arith.constant 208 : index
          %swap3A_405 = tpu.vector_load %arg14[%swap3A_403, %swap3A_404] {strides = array<i32>} : memref<321x256xf32, #tpu.memory_space<vmem>>, vector<16xf32>,
          tpu.vector_store %arg14[%swap3A_403, %swap3A_404], %bitcast_convert_type3A_399 {add = true, strides = array<i32>} : memref<321x256xf32, #tpu.memory_space<vmem>>, vector<16xf32>,
          %get3A_406 = arith.index_cast %scan3A_292 : i32 to index
          %get3A_407 = arith.constant 96 : index
          %get3A_408 = tpu.vector_load %arg13[%get3A_406, %get3A_407] {strides = array<i32>} : memref<64x128xi32, #tpu.memory_space<vmem>>, vector<16xi32>,
          %shift_left3A_409 = arith.constant 16 : i32
          %shift_left3A_410 = vector.broadcast %shift_left3A_409 : i32 to vector<16xi32>
          %shift_left3A_411 = arith.shli %get3A_408, %shift_left3A_410 : vector<16xi32>
          %bitcast_convert_type3A_412 = tpu.bitcast %shift_left3A_411 : vector<16xi32> -> vector<16xf32>
          %and3A_413 = arith.constant -65536 : i32
          %and3A_414 = vector.broadcast %and3A_413 : i32 to vector<16xi32>
          %and3A_415 = arith.andi %get3A_408, %and3A_414 : vector<16xi32>
          %bitcast_convert_type3A_416 = tpu.bitcast %and3A_415 : vector<16xi32> -> vector<16xf32>
          %swap3A_417 = arith.index_cast %reduce_sum3A_305 : i32 to index
          %swap3A_418 = arith.constant 96 : index
          %swap3A_419 = tpu.vector_load %arg14[%swap3A_417, %swap3A_418] {strides = array<i32>} : memref<321x256xf32, #tpu.memory_space<vmem>>, vector<16xf32>,
          tpu.vector_store %arg14[%swap3A_417, %swap3A_418], %bitcast_convert_type3A_412 {add = true, strides = array<i32>} : memref<321x256xf32, #tpu.memory_space<vmem>>, vector<16xf32>,
          %swap3A_420 = arith.index_cast %reduce_sum3A_305 : i32 to index
          %swap3A_421 = arith.constant 224 : index
          %swap3A_422 = tpu.vector_load %arg14[%swap3A_420, %swap3A_421] {strides = array<i32>} : memref<321x256xf32, #tpu.memory_space<vmem>>, vector<16xf32>,
          tpu.vector_store %arg14[%swap3A_420, %swap3A_421], %bitcast_convert_type3A_416 {add = true, strides = array<i32>} : memref<321x256xf32, #tpu.memory_space<vmem>>, vector<16xf32>,
          %get3A_423 = arith.index_cast %scan3A_292 : i32 to index
          %get3A_424 = arith.constant 112 : index
          %get3A_425 = tpu.vector_load %arg13[%get3A_423, %get3A_424] {strides = array<i32>} : memref<64x128xi32, #tpu.memory_space<vmem>>, vector<16xi32>,
          %shift_left3A_426 = arith.constant 16 : i32
          %shift_left3A_427 = vector.broadcast %shift_left3A_426 : i32 to vector<16xi32>
          %shift_left3A_428 = arith.shli %get3A_425, %shift_left3A_427 : vector<16xi32>
          %bitcast_convert_type3A_429 = tpu.bitcast %shift_left3A_428 : vector<16xi32> -> vector<16xf32>
          %and3A_430 = arith.constant -65536 : i32
          %and3A_431 = vector.broadcast %and3A_430 : i32 to vector<16xi32>
          %and3A_432 = arith.andi %get3A_425, %and3A_431 : vector<16xi32>
          %bitcast_convert_type3A_433 = tpu.bitcast %and3A_432 : vector<16xi32> -> vector<16xf32>
          %swap3A_434 = arith.index_cast %reduce_sum3A_305 : i32 to index
          %swap3A_435 = arith.constant 112 : index
          %swap3A_436 = tpu.vector_load %arg14[%swap3A_434, %swap3A_435] {strides = array<i32>} : memref<321x256xf32, #tpu.memory_space<vmem>>, vector<16xf32>,
          tpu.vector_store %arg14[%swap3A_434, %swap3A_435], %bitcast_convert_type3A_429 {add = true, strides = array<i32>} : memref<321x256xf32, #tpu.memory_space<vmem>>, vector<16xf32>,
          %swap3A_437 = arith.index_cast %reduce_sum3A_305 : i32 to index
          %swap3A_438 = arith.constant 240 : index
          %swap3A_439 = tpu.vector_load %arg14[%swap3A_437, %swap3A_438] {strides = array<i32>} : memref<321x256xf32, #tpu.memory_space<vmem>>, vector<16xf32>,
          tpu.vector_store %arg14[%swap3A_437, %swap3A_438], %bitcast_convert_type3A_433 {add = true, strides = array<i32>} : memref<321x256xf32, #tpu.memory_space<vmem>>, vector<16xf32>,
        }
        %scan3A_291 = arith.constant 64 : i32
      }
    }
    %scan3A_22 = arith.constant 20 : i32
    %dma_wait3A = arith.constant 0 : i32
    %dma_wait3A_23 = tpu.memref_slice %arg2[%dma_wait3A] : memref<160000xi32, #tpu.memory_space<hbm>> -> memref<4000xi32, #tpu.memory_space<hbm>>
    %dma_wait3A_24 = arith.constant 0 : i32
    %dma_wait3A_25 = tpu.memref_slice %arg2[%dma_wait3A_24] : memref<160000xi32, #tpu.memory_space<hbm>> -> memref<4000xi32, #tpu.memory_space<hbm>>
    tpu.wait_dma2 semaphore(%arg15 : memref<!tpu.dma_semaphore, #tpu.memory_space<semaphore_mem>>) src(%dma_wait3A_25 : memref<4000xi32, #tpu.memory_space<hbm>>) dst(%arg6 : memref<4000xi32, #tpu.memory_space<vmem>>)
    %dma_wait3A_26 = arith.constant 0 : i32
    %dma_wait3A_27 = tpu.memref_slice %arg3[%dma_wait3A_26] : memref<160000xi32, #tpu.memory_space<hbm>> -> memref<4000xi32, #tpu.memory_space<hbm>>
    %dma_wait3A_28 = arith.constant 0 : i32
    %dma_wait3A_29 = tpu.memref_slice %arg3[%dma_wait3A_28] : memref<160000xi32, #tpu.memory_space<hbm>> -> memref<4000xi32, #tpu.memory_space<hbm>>
    tpu.wait_dma2 semaphore(%arg16 : memref<!tpu.dma_semaphore, #tpu.memory_space<semaphore_mem>>) src(%dma_wait3A_29 : memref<4000xi32, #tpu.memory_space<hbm>>) dst(%arg7 : memref<4000xi32, #tpu.memory_space<vmem>>)
    "tpu.region"() ({
      %run_scoped3A = tpu.sem_alloc : memref<!tpu.dma_semaphore, #tpu.memory_space<semaphore_mem>>
      %dma_start3A_30 = arith.constant 0 : i32
      %dma_start3A_31 = arith.constant 0 : i32
      %dma_start3A_32 = tpu.memref_slice %arg14[%dma_start3A_30, %dma_start3A_31] : memref<321x256xf32, #tpu.memory_space<vmem>> -> memref<320x256xf32, #tpu.memory_space<vmem>>
      %dma_start3A_33 = arith.constant 0 : i32
      %dma_start3A_34 = tpu.memref_slice %arg5[%add3A_4, %dma_start3A_33] : memref<10240x256xf32, #tpu.memory_space<hbm>> -> memref<320x256xf32, #tpu.memory_space<hbm>>
      %dma_start3A_35 = arith.constant 0 : i32
      %dma_start3A_36 = tpu.memref_slice %arg5[%add3A_4, %dma_start3A_35] : memref<10240x256xf32, #tpu.memory_space<hbm>> -> memref<320x256xf32, #tpu.memory_space<hbm>>
      %dma_start3A_37 = arith.constant 0 : i32
      %dma_start3A_38 = arith.constant 0 : i32
      %dma_start3A_39 = tpu.memref_slice %arg14[%dma_start3A_37, %dma_start3A_38] : memref<321x256xf32, #tpu.memory_space<vmem>> -> memref<320x256xf32, #tpu.memory_space<vmem>>
      tpu.enqueue_dma source(%dma_start3A_39 : memref<320x256xf32, #tpu.memory_space<vmem>>) target(%dma_start3A_36 : memref<320x256xf32, #tpu.memory_space<hbm>>) target_semaphore(%run_scoped3A : memref<!tpu.dma_semaphore, #tpu.memory_space<semaphore_mem>>)
      %dma_wait3A_40 = arith.constant 0 : i32
      %dma_wait3A_41 = arith.constant 0 : i32
      %dma_wait3A_42 = tpu.memref_slice %arg14[%dma_wait3A_40, %dma_wait3A_41] : memref<321x256xf32, #tpu.memory_space<vmem>> -> memref<320x256xf32, #tpu.memory_space<vmem>>
      %dma_wait3A_43 = arith.constant 0 : i32
      %dma_wait3A_44 = tpu.memref_slice %arg5[%add3A_4, %dma_wait3A_43] : memref<10240x256xf32, #tpu.memory_space<hbm>> -> memref<320x256xf32, #tpu.memory_space<hbm>>
      %dma_wait3A_45 = arith.constant 0 : i32
      %dma_wait3A_46 = tpu.memref_slice %arg5[%add3A_4, %dma_wait3A_45] : memref<10240x256xf32, #tpu.memory_space<hbm>> -> memref<320x256xf32, #tpu.memory_space<hbm>>
      %dma_wait3A_47 = arith.constant 0 : i32
      %dma_wait3A_48 = arith.constant 0 : i32
      %dma_wait3A_49 = tpu.memref_slice %arg14[%dma_wait3A_47, %dma_wait3A_48] : memref<321x256xf32, #tpu.memory_space<vmem>> -> memref<320x256xf32, #tpu.memory_space<vmem>>
      tpu.wait_dma2 semaphore(%run_scoped3A : memref<!tpu.dma_semaphore, #tpu.memory_space<semaphore_mem>>) src(%dma_wait3A_49 : memref<320x256xf32, #tpu.memory_space<vmem>>) dst(%dma_wait3A_46 : memref<320x256xf32, #tpu.memory_space<hbm>>)
      tpu.yield
    }) : () -> ()
    return
  }
}

module attributes {stable_mosaic.version = 14 : i64} {
  func.func @_scale_body(%arg0: i32, %arg1: memref<400x256xf32, #tpu.memory_space<vmem>>, %arg2: memref<400x32xf32, #tpu.memory_space<vmem>>, %arg3: memref<400x256xf32, #tpu.memory_space<vmem>>, %arg4: memref<400x128xi32, #tpu.memory_space<vmem>>) attributes {dimension_semantics = [#tpu.dimension_semantics<arbitrary>], iteration_bounds = array<i64: 25>, scalar_prefetch = 0 : i64, scratch_operands = 0 : i64, tpu.core_type = #tpu.core_type<tc>, window_params = [{transform_indices = @transform_0, window_bounds = array<i64: 400, 256>}, {transform_indices = @transform_1, window_bounds = array<i64: 400, 32>}, {transform_indices = @transform_2, window_bounds = array<i64: 400, 256>}, {transform_indices = @transform_3, window_bounds = array<i64: 400, 128>}]} {
    %get3A = arith.constant 0 : index
    %get3A_0 = arith.constant 0 : index
    %get3A_1 = vector.load %arg2[%get3A, %get3A_0] : memref<400x32xf32, #tpu.memory_space<vmem>>, vector<400x32xf32>
    %reduce_sum3A = arith.constant dense<0.000000e+00> : vector<400xf32>
    %reduce_sum3A_2 = vector.multi_reduction <add>, %get3A_1, %reduce_sum3A [1] : vector<400x32xf32> to vector<400xf32>
    %add3A = arith.constant 1.000000e+00 : f32
    %add3A_3 = vector.broadcast %add3A : f32 to vector<400xf32>
    %add3A_4 = arith.addf %reduce_sum3A_2, %add3A_3 : vector<400xf32>
    %rsqrt3A = math.rsqrt %add3A_4 : vector<400xf32>
    %get3A_5 = arith.constant 0 : index
    %get3A_6 = arith.constant 0 : index
    %get3A_7 = vector.load %arg1[%get3A_5, %get3A_6] : memref<400x256xf32, #tpu.memory_space<vmem>>, vector<400x256xf32>
    %broadcast_in_dim3A = vector.shape_cast %rsqrt3A : vector<400xf32> to vector<400x1xf32>
    %mul3A = vector.broadcast %broadcast_in_dim3A : vector<400x1xf32> to vector<400x256xf32>
    %mul3A_8 = arith.mulf %get3A_7, %mul3A : vector<400x256xf32>
    %swap3A = arith.constant 0 : index
    %swap3A_9 = arith.constant 0 : index
    %swap3A_10 = vector.load %arg3[%swap3A, %swap3A_9] : memref<400x256xf32, #tpu.memory_space<vmem>>, vector<400x256xf32>
    tpu.vector_store %arg3[%swap3A, %swap3A_9], %mul3A_8 {strides = array<i32>} : memref<400x256xf32, #tpu.memory_space<vmem>>, vector<400x256xf32>,
    %convert_element_type3A = arith.truncf %mul3A_8 : vector<400x256xf32> to vector<400x256xbf16>
    %slice3A = vector.extract_strided_slice %convert_element_type3A {offsets = [0, 0], sizes = [400, 128], strides = [1, 1]} : vector<400x256xbf16> to vector<400x128xbf16>
    %bitcast_convert_type3A = tpu.bitcast %slice3A : vector<400x128xbf16> -> vector<400x128xi16>
    %convert_element_type3A_11 = arith.extui %bitcast_convert_type3A : vector<400x128xi16> to vector<400x128xi32>
    %slice3A_12 = vector.extract_strided_slice %convert_element_type3A {offsets = [0, 128], sizes = [400, 128], strides = [1, 1]} : vector<400x256xbf16> to vector<400x128xbf16>
    %bitcast_convert_type3A_13 = tpu.bitcast %slice3A_12 : vector<400x128xbf16> -> vector<400x128xi16>
    %convert_element_type3A_14 = arith.extui %bitcast_convert_type3A_13 : vector<400x128xi16> to vector<400x128xi32>
    %shift_left3A = arith.constant 16 : i32
    %shift_left3A_15 = vector.broadcast %shift_left3A : i32 to vector<400x128xi32>
    %shift_left3A_16 = arith.shli %convert_element_type3A_14, %shift_left3A_15 : vector<400x128xi32>
    %or3A = arith.ori %convert_element_type3A_11, %shift_left3A_16 : vector<400x128xi32>
    %bitcast_convert_type3A_17 = tpu.bitcast %or3A : vector<400x128xi32> -> vector<400x128xi32>
    %swap3A_18 = arith.constant 0 : index
    %swap3A_19 = arith.constant 0 : index
    %swap3A_20 = vector.load %arg4[%swap3A_18, %swap3A_19] : memref<400x128xi32, #tpu.memory_space<vmem>>, vector<400x128xi32>
    tpu.vector_store %arg4[%swap3A_18, %swap3A_19], %bitcast_convert_type3A_17 {strides = array<i32>} : memref<400x128xi32, #tpu.memory_space<vmem>>, vector<400x128xi32>,
    return
  }
  func.func @transform_0(%arg0: i32) -> (i32, i32) {
    %c0_i32 = arith.constant 0 : i32
    %c0_i32_0 = arith.constant 0 : i32
    return %arg0, %c0_i32 : i32, i32
  }
  func.func @transform_1(%arg0: i32) -> (i32, i32) {
    %c0_i32 = arith.constant 0 : i32
    %c0_i32_0 = arith.constant 0 : i32
    return %arg0, %c0_i32 : i32, i32
  }
  func.func @transform_2(%arg0: i32) -> (i32, i32) {
    %c0_i32 = arith.constant 0 : i32
    %c0_i32_0 = arith.constant 0 : i32
    return %arg0, %c0_i32 : i32, i32
  }
  func.func @transform_3(%arg0: i32) -> (i32, i32) {
    %c0_i32 = arith.constant 0 : i32
    %c0_i32_0 = arith.constant 0 : i32
    return %arg0, %c0_i32 : i32, i32
  }
}

module attributes {stable_mosaic.version = 14 : i64} {
  func.func @_mm12_body(%arg0: i32, %arg1: memref<400x256xf32, #tpu.memory_space<vmem>>, %arg2: memref<400x256xf32, #tpu.memory_space<vmem>>, %arg3: memref<400x32xf32, #tpu.memory_space<vmem>>, %arg4: memref<1x512xf32, #tpu.memory_space<vmem>>, %arg5: memref<256x512xf32, #tpu.memory_space<vmem>>, %arg6: memref<512x256xf32, #tpu.memory_space<vmem>>, %arg7: memref<400x256xf32, #tpu.memory_space<vmem>>, %arg8: memref<400x128xi32, #tpu.memory_space<vmem>>) attributes {dimension_semantics = [#tpu.dimension_semantics<arbitrary>], iteration_bounds = array<i64: 25>, scalar_prefetch = 0 : i64, scratch_operands = 0 : i64, tpu.core_type = #tpu.core_type<tc>, window_params = [{transform_indices = @transform_0, window_bounds = array<i64: 400, 256>}, {transform_indices = @transform_1, window_bounds = array<i64: 400, 256>}, {transform_indices = @transform_2, window_bounds = array<i64: 400, 32>}, {pipeline_mode = #tpu.pipeline_mode<synchronous>, transform_indices = @transform_3, window_bounds = array<i64: 1, 512>}, {pipeline_mode = #tpu.pipeline_mode<synchronous>, transform_indices = @transform_4, window_bounds = array<i64: 256, 512>}, {pipeline_mode = #tpu.pipeline_mode<synchronous>, transform_indices = @transform_5, window_bounds = array<i64: 512, 256>}, {transform_indices = @transform_6, window_bounds = array<i64: 400, 256>}, {transform_indices = @transform_7, window_bounds = array<i64: 400, 128>}]} {
    %get3A = arith.constant 0 : index
    %get3A_0 = arith.constant 0 : index
    %get3A_1 = vector.load %arg3[%get3A, %get3A_0] : memref<400x32xf32, #tpu.memory_space<vmem>>, vector<400x32xf32>
    %reduce_sum3A = arith.constant dense<0.000000e+00> : vector<400xf32>
    %reduce_sum3A_2 = vector.multi_reduction <add>, %get3A_1, %reduce_sum3A [1] : vector<400x32xf32> to vector<400xf32>
    %add3A = arith.constant 1.000000e+00 : f32
    %add3A_3 = vector.broadcast %add3A : f32 to vector<400xf32>
    %add3A_4 = arith.addf %reduce_sum3A_2, %add3A_3 : vector<400xf32>
    %rsqrt3A = math.rsqrt %add3A_4 : vector<400xf32>
    %get3A_5 = arith.constant 0 : index
    %get3A_6 = arith.constant 0 : index
    %get3A_7 = vector.load %arg1[%get3A_5, %get3A_6] : memref<400x256xf32, #tpu.memory_space<vmem>>, vector<400x256xf32>
    %get3A_8 = arith.constant 0 : index
    %get3A_9 = arith.constant 0 : index
    %get3A_10 = vector.load %arg2[%get3A_8, %get3A_9] : memref<400x256xf32, #tpu.memory_space<vmem>>, vector<400x256xf32>
    %add3A_11 = arith.addf %get3A_7, %get3A_10 : vector<400x256xf32>
    %get3A_12 = arith.constant 0 : index
    %get3A_13 = arith.constant 0 : index
    %get3A_14 = vector.load %arg5[%get3A_12, %get3A_13] : memref<256x512xf32, #tpu.memory_space<vmem>>, vector<256x512xf32>
    %dot_general3A = arith.constant dense<0.000000e+00> : vector<400x512xf32>
    %dot_general3A_15 = tpu.matmul %add3A_11, %get3A_14, %dot_general3A {dimension_numbers = #tpu.dot_dimension_numbers<[1], [0], [0], [1], [0, 0, 1, 1], [], []>, transpose_lhs_hint = false} : vector<400x256xf32>, vector<256x512xf32>, vector<400x512xf32> -> vector<400x512xf32>
    %broadcast_in_dim3A = vector.shape_cast %rsqrt3A : vector<400xf32> to vector<400x1xf32>
    %mul3A = vector.broadcast %broadcast_in_dim3A : vector<400x1xf32> to vector<400x512xf32>
    %mul3A_16 = arith.mulf %mul3A, %dot_general3A_15 : vector<400x512xf32>
    %get3A_17 = arith.constant 0 : index
    %get3A_18 = arith.constant 0 : index
    %get3A_19 = vector.load %arg4[%get3A_17, %get3A_18] : memref<1x512xf32, #tpu.memory_space<vmem>>, vector<1x512xf32>
    %add3A_20 = vector.broadcast %get3A_19 : vector<1x512xf32> to vector<400x512xf32>
    %add3A_21 = arith.addf %mul3A_16, %add3A_20 : vector<400x512xf32>
    %max3A = arith.constant 0.000000e+00 : f32
    %max3A_22 = vector.broadcast %max3A : f32 to vector<400x512xf32>
    %max3A_23 = arith.maximumf %add3A_21, %max3A_22 : vector<400x512xf32>
    %get3A_24 = arith.constant 0 : index
    %get3A_25 = arith.constant 0 : index
    %get3A_26 = vector.load %arg6[%get3A_24, %get3A_25] : memref<512x256xf32, #tpu.memory_space<vmem>>, vector<512x256xf32>
    %dot_general3A_27 = arith.constant dense<0.000000e+00> : vector<400x256xf32>
    %dot_general3A_28 = tpu.matmul %max3A_23, %get3A_26, %dot_general3A_27 {dimension_numbers = #tpu.dot_dimension_numbers<[1], [0], [0], [1], [0, 0, 1, 1], [], []>, transpose_lhs_hint = false} : vector<400x512xf32>, vector<512x256xf32>, vector<400x256xf32> -> vector<400x256xf32>
    %broadcast_in_dim3A_29 = vector.shape_cast %rsqrt3A : vector<400xf32> to vector<400x1xf32>
    %mul3A_30 = vector.broadcast %broadcast_in_dim3A_29 : vector<400x1xf32> to vector<400x256xf32>
    %mul3A_31 = arith.mulf %dot_general3A_28, %mul3A_30 : vector<400x256xf32>
    %swap3A = arith.constant 0 : index
    %swap3A_32 = arith.constant 0 : index
    %swap3A_33 = vector.load %arg7[%swap3A, %swap3A_32] : memref<400x256xf32, #tpu.memory_space<vmem>>, vector<400x256xf32>
    tpu.vector_store %arg7[%swap3A, %swap3A_32], %mul3A_31 {strides = array<i32>} : memref<400x256xf32, #tpu.memory_space<vmem>>, vector<400x256xf32>,
    %convert_element_type3A = arith.truncf %mul3A_31 : vector<400x256xf32> to vector<400x256xbf16>
    %slice3A = vector.extract_strided_slice %convert_element_type3A {offsets = [0, 0], sizes = [400, 128], strides = [1, 1]} : vector<400x256xbf16> to vector<400x128xbf16>
    %bitcast_convert_type3A = tpu.bitcast %slice3A : vector<400x128xbf16> -> vector<400x128xi16>
    %convert_element_type3A_34 = arith.extui %bitcast_convert_type3A : vector<400x128xi16> to vector<400x128xi32>
    %slice3A_35 = vector.extract_strided_slice %convert_element_type3A {offsets = [0, 128], sizes = [400, 128], strides = [1, 1]} : vector<400x256xbf16> to vector<400x128xbf16>
    %bitcast_convert_type3A_36 = tpu.bitcast %slice3A_35 : vector<400x128xbf16> -> vector<400x128xi16>
    %convert_element_type3A_37 = arith.extui %bitcast_convert_type3A_36 : vector<400x128xi16> to vector<400x128xi32>
    %shift_left3A = arith.constant 16 : i32
    %shift_left3A_38 = vector.broadcast %shift_left3A : i32 to vector<400x128xi32>
    %shift_left3A_39 = arith.shli %convert_element_type3A_37, %shift_left3A_38 : vector<400x128xi32>
    %or3A = arith.ori %convert_element_type3A_34, %shift_left3A_39 : vector<400x128xi32>
    %bitcast_convert_type3A_40 = tpu.bitcast %or3A : vector<400x128xi32> -> vector<400x128xi32>
    %swap3A_41 = arith.constant 0 : index
    %swap3A_42 = arith.constant 0 : index
    %swap3A_43 = vector.load %arg8[%swap3A_41, %swap3A_42] : memref<400x128xi32, #tpu.memory_space<vmem>>, vector<400x128xi32>
    tpu.vector_store %arg8[%swap3A_41, %swap3A_42], %bitcast_convert_type3A_40 {strides = array<i32>} : memref<400x128xi32, #tpu.memory_space<vmem>>, vector<400x128xi32>,
    return
  }
  func.func @transform_0(%arg0: i32) -> (i32, i32) {
    %c0_i32 = arith.constant 0 : i32
    %c0_i32_0 = arith.constant 0 : i32
    return %arg0, %c0_i32 : i32, i32
  }
  func.func @transform_1(%arg0: i32) -> (i32, i32) {
    %c0_i32 = arith.constant 0 : i32
    %c0_i32_0 = arith.constant 0 : i32
    return %arg0, %c0_i32 : i32, i32
  }
  func.func @transform_2(%arg0: i32) -> (i32, i32) {
    %c0_i32 = arith.constant 0 : i32
    %c0_i32_0 = arith.constant 0 : i32
    return %arg0, %c0_i32 : i32, i32
  }
  func.func @transform_3(%arg0: i32) -> (i32, i32) {
    %c0_i32 = arith.constant 0 : i32
    %c0_i32_0 = arith.constant 0 : i32
    %c0_i32_1 = arith.constant 0 : i32
    return %c0_i32, %c0_i32_0 : i32, i32
  }
  func.func @transform_4(%arg0: i32) -> (i32, i32) {
    %c0_i32 = arith.constant 0 : i32
    %c0_i32_0 = arith.constant 0 : i32
    %c0_i32_1 = arith.constant 0 : i32
    return %c0_i32, %c0_i32_0 : i32, i32
  }
  func.func @transform_5(%arg0: i32) -> (i32, i32) {
    %c0_i32 = arith.constant 0 : i32
    %c0_i32_0 = arith.constant 0 : i32
    %c0_i32_1 = arith.constant 0 : i32
    return %c0_i32, %c0_i32_0 : i32, i32
  }
  func.func @transform_6(%arg0: i32) -> (i32, i32) {
    %c0_i32 = arith.constant 0 : i32
    %c0_i32_0 = arith.constant 0 : i32
    return %arg0, %c0_i32 : i32, i32
  }
  func.func @transform_7(%arg0: i32) -> (i32, i32) {
    %c0_i32 = arith.constant 0 : i32
    %c0_i32_0 = arith.constant 0 : i32
    return %arg0, %c0_i32 : i32, i32
  }
}

module attributes {stable_mosaic.version = 14 : i64} {
  func.func @_final_body(%arg0: i32, %arg1: memref<400x256xf32, #tpu.memory_space<vmem>>, %arg2: memref<400x256xf32, #tpu.memory_space<vmem>>, %arg3: memref<400x32xf32, #tpu.memory_space<vmem>>, %arg4: memref<1x256xf32, #tpu.memory_space<vmem>>, %arg5: memref<400x256xf32, #tpu.memory_space<vmem>>) attributes {dimension_semantics = [#tpu.dimension_semantics<arbitrary>], iteration_bounds = array<i64: 25>, scalar_prefetch = 0 : i64, scratch_operands = 0 : i64, tpu.core_type = #tpu.core_type<tc>, window_params = [{transform_indices = @transform_0, window_bounds = array<i64: 400, 256>}, {transform_indices = @transform_1, window_bounds = array<i64: 400, 256>}, {transform_indices = @transform_2, window_bounds = array<i64: 400, 32>}, {pipeline_mode = #tpu.pipeline_mode<synchronous>, transform_indices = @transform_3, window_bounds = array<i64: 1, 256>}, {transform_indices = @transform_4, window_bounds = array<i64: 400, 256>}]} {
    %get3A = arith.constant 0 : index
    %get3A_0 = arith.constant 0 : index
    %get3A_1 = vector.load %arg3[%get3A, %get3A_0] : memref<400x32xf32, #tpu.memory_space<vmem>>, vector<400x32xf32>
    %reduce_sum3A = arith.constant dense<0.000000e+00> : vector<400xf32>
    %reduce_sum3A_2 = vector.multi_reduction <add>, %get3A_1, %reduce_sum3A [1] : vector<400x32xf32> to vector<400xf32>
    %add3A = arith.constant 1.000000e+00 : f32
    %add3A_3 = vector.broadcast %add3A : f32 to vector<400xf32>
    %add3A_4 = arith.addf %reduce_sum3A_2, %add3A_3 : vector<400xf32>
    %rsqrt3A = math.rsqrt %add3A_4 : vector<400xf32>
    %broadcast_in_dim3A = vector.shape_cast %rsqrt3A : vector<400xf32> to vector<400x1xf32>
    %get3A_5 = arith.constant 0 : index
    %get3A_6 = arith.constant 0 : index
    %get3A_7 = vector.load %arg1[%get3A_5, %get3A_6] : memref<400x256xf32, #tpu.memory_space<vmem>>, vector<400x256xf32>
    %get3A_8 = arith.constant 0 : index
    %get3A_9 = arith.constant 0 : index
    %get3A_10 = vector.load %arg2[%get3A_8, %get3A_9] : memref<400x256xf32, #tpu.memory_space<vmem>>, vector<400x256xf32>
    %add3A_11 = arith.addf %get3A_7, %get3A_10 : vector<400x256xf32>
    %mul3A = vector.broadcast %broadcast_in_dim3A : vector<400x1xf32> to vector<400x256xf32>
    %mul3A_12 = arith.mulf %mul3A, %add3A_11 : vector<400x256xf32>
    %get3A_13 = arith.constant 0 : index
    %get3A_14 = arith.constant 0 : index
    %get3A_15 = vector.load %arg4[%get3A_13, %get3A_14] : memref<1x256xf32, #tpu.memory_space<vmem>>, vector<1x256xf32>
    %add3A_16 = vector.broadcast %get3A_15 : vector<1x256xf32> to vector<400x256xf32>
    %add3A_17 = arith.addf %mul3A_12, %add3A_16 : vector<400x256xf32>
    %reduce_max3A = arith.constant dense<0xFF800000> : vector<400xf32>
    %reduce_max3A_18 = vector.multi_reduction <maximumf>, %add3A_17, %reduce_max3A [1] : vector<400x256xf32> to vector<400xf32>
    %broadcast_in_dim3A_19 = vector.shape_cast %reduce_max3A_18 : vector<400xf32> to vector<400x1xf32>
    %sub3A = vector.broadcast %broadcast_in_dim3A_19 : vector<400x1xf32> to vector<400x256xf32>
    %sub3A_20 = arith.subf %add3A_17, %sub3A : vector<400x256xf32>
    %exp3A = math.exp %sub3A_20 : vector<400x256xf32>
    %reduce_sum3A_21 = arith.constant dense<0.000000e+00> : vector<400xf32>
    %reduce_sum3A_22 = vector.multi_reduction <add>, %exp3A, %reduce_sum3A_21 [1] : vector<400x256xf32> to vector<400xf32>
    %broadcast_in_dim3A_23 = vector.shape_cast %reduce_sum3A_22 : vector<400xf32> to vector<400x1xf32>
    %div3A = vector.broadcast %broadcast_in_dim3A_23 : vector<400x1xf32> to vector<400x256xf32>
    %div3A_24 = arith.divf %exp3A, %div3A : vector<400x256xf32>
    %swap3A = arith.constant 0 : index
    %swap3A_25 = arith.constant 0 : index
    %swap3A_26 = vector.load %arg5[%swap3A, %swap3A_25] : memref<400x256xf32, #tpu.memory_space<vmem>>, vector<400x256xf32>
    tpu.vector_store %arg5[%swap3A, %swap3A_25], %div3A_24 {strides = array<i32>} : memref<400x256xf32, #tpu.memory_space<vmem>>, vector<400x256xf32>,
    return
  }
  func.func @transform_0(%arg0: i32) -> (i32, i32) {
    %c0_i32 = arith.constant 0 : i32
    %c0_i32_0 = arith.constant 0 : i32
    return %arg0, %c0_i32 : i32, i32
  }
  func.func @transform_1(%arg0: i32) -> (i32, i32) {
    %c0_i32 = arith.constant 0 : i32
    %c0_i32_0 = arith.constant 0 : i32
    return %arg0, %c0_i32 : i32, i32
  }
  func.func @transform_2(%arg0: i32) -> (i32, i32) {
    %c0_i32 = arith.constant 0 : i32
    %c0_i32_0 = arith.constant 0 : i32
    return %arg0, %c0_i32 : i32, i32
  }
  func.func @transform_3(%arg0: i32) -> (i32, i32) {
    %c0_i32 = arith.constant 0 : i32
    %c0_i32_0 = arith.constant 0 : i32
    %c0_i32_1 = arith.constant 0 : i32
    return %c0_i32, %c0_i32_0 : i32, i32
  }
  func.func @transform_4(%arg0: i32) -> (i32, i32) {
    %c0_i32 = arith.constant 0 : i32
    %c0_i32_0 = arith.constant 0 : i32
    return %arg0, %c0_i32 : i32, i32
  }
}

</mosaic_0001>

<sc_bundles>
// kernel: kernel.11.cloned.1.call-start
scs
__scs_entry_jumppad:
0x0: {  	(pc) =	sbr.rel $0x88, $3  }
0x1: {  	(tag) =	ssettag $0x0;
	lr =	simm.s32 $0x1  }
0x2: {  	[smem:$0x3F9B] =	sst lr;
	_ =	strace $0xD0000000  }
0x3: {  	_ = 	snop  }
0x4: {  	_ = 	snop  }
0x5: {  	_ = 	snop  }
0x6: {  	_ = 	snop  }
0x7: {  	_ = 	snop  }
__scs_overlays_trampoline_lowered:
0x8: {  	[smem:$0x3FAA] =	sst s0  }
0x9: {  	[smem:$0x3FAB] =	sst s1  }
0xa: {  	[smem:$0x3FAC] =	sst s2  }
0xb: {  	[smem:$0x3FAD] =	sst s3  }
0xc: {  	[smem:$0x3FAE] =	sst s4  }
0xd: {  	[smem:$0x3FAF] =	sst s5  }
0xe: {  	[smem:$0x3FB0] =	sst s6  }
0xf: {  	[smem:$0x3FB1] =	sst s7  }
0x10: {  	[smem:$0x3FB2] =	sst s8  }
0x11: {  	[smem:$0x3FB3] =	sst s9;
	s0 =	simm.s32 @!p0 $0x0  }
0x12: {  	s1 =	sld [smem:$0x3F99];
	s0 =	simm.s32 @p0 $0x1  }
0x13: {  	[smem:$0x3FB4] =	sst s0;
	s0 =	simm.s32 @!p1 $0x0  }
0x14: {  	s2 =	sld [smem:$0x3F98];
	s0 =	simm.s32 @p1 $0x1  }
0x15: {  	[smem:$0x3FB5] =	sst s0;
	s0 =	simm.s32 @!p2 $0x0  }
0x16: {  	s3 =	sld [smem:$0x3FDB];
	s0 =	simm.s32 @p2 $0x1  }
0x17: {  	s4 =	simm.s32 $0x1BF5;
	[smem:$0x3FB7] =	sst s0  }
0x18: {  	s0 =	sld [smem:$0x3F9A];
	_ =	swait.ge [sflag:s4], $0x0  }
0x19: {  	s7 =	sld [smem:$0x3F9B]  }
0x1a: {  	s8 =	sadd.s32 $0xFFFFE003, lr  }
0x1b: {  	s9 =	sadd.s32 $0xFFFFFEF7, lr;
	s5 =	simm.s32 $0xFFFFFFFF;
	p2 =	slt.u32 s8, $0xFFFFF086  }
0x1c: {  	p1 =	slt.u32 s9, $0xF7A;
	s5 =	simm.s32 @!p2 $0x0  }
0x1d: {  	s5 =	simm.s32 @p1 $0x1;
	p0 =	seq.s32 s7, s2  }
0x1e: {  	s7 =	smul.u32 @!p0 $0xF7A, s2;
	p2 =	seq.s32 @!p0 s5, $0x0  }
0x1f: {  	s9 =	smul.u32 $0xF7A, s1;
	s8 =	simm.s32 @!p0 $0x1BF5;
	p2 =	por !p2, p0  }
0x20: {  	[sflag:s8] =	ssyncset.s32 @!p0 $0xFFFFF086;
	s6 =	sadd.s32 @!p0 s3, s7;
	s7 =	simm.s32 @!p0 $0x108  }
0x21: {  	s3 =	sadd.s32 s3, s9;
	s6 =	sadd.s32 @!p0 $0x88, s6;
	s7 =	simm.s32 @p2 $0x1082  }
0x22: {  	[simem:s7], [sflag:s8] =	dma.local @!p0 [hbm:s6], $0xF7A  }
0x23: {  	s9 =	sor.u32 $0xD0000000, s2;
	s6 =	simm.s32 $0x108;
	_ =	swait.ge @!p0 [sflag:s8], $0x0  }
0x24: {  	s3 =	sadd.s32 $0x88, s3;
	s6 =	simm.s32 @!p1 $0x1082;
	[sflag:s4] =	ssyncset.s32 $0xFFFFF086  }
0x25: {  	[simem:s6], [sflag:s4] =	dma.local [hbm:s3], $0xF7A  }
0x26: {  	[smem:$0x3F9B] =	sst s1;
	(tag) =	ssettag s2;
	_ =	strace s9  }
0x27: {  	s1 =	sld [smem:$0x3FAB]  }
0x28: {  	s2 =	sld [smem:$0x3FAC]  }
0x29: {  	s4 =	sld [smem:$0x3FAE]  }
0x2a: {  	p0 =	seq.s32 s5, $0x0;
	s5 =	sld [smem:$0x3FAF]  }
0x2b: {  	s6 =	sld [smem:$0x3FB0]  }
0x2c: {  	s7 =	sld [smem:$0x3FB1]  }
0x2d: {  	s3 =	simm.s32 $0x108;
	s8 =	sld [smem:$0x3FB2]  }
0x2e: {  	s3 =	simm.s32 @!p0 $0x1082;
	s9 =	sld [smem:$0x3FB3]  }
0x2f: {  	lr =	sadd.s32 s0, s3;
	s0 =	sld [smem:$0x3FAA]  }
0x30: {  	s3 =	sld [smem:$0x3FAD]  }
0x31: {  	[smem:$0x3FB6] =	sst s10  }
0x32: {  	s10 =	sld [smem:$0x3FB4];
	_ =	sdelay $0x3  }
0x33: {  	p0 =	seq.s32 s10, $0x1;
	s10 =	sld [smem:$0x3FB6];
	_ =	sdelay $0x3  }
0x34: {  	[smem:$0x3FB6] =	sst s10  }
0x35: {  	s10 =	sld [smem:$0x3FB5];
	_ =	sdelay $0x3  }
0x36: {  	p1 =	seq.s32 s10, $0x1;
	s10 =	sld [smem:$0x3FB6];
	_ =	sdelay $0x3  }
0x37: {  	[smem:$0x3FB6] =	sst s10  }
0x38: {  	s10 =	sld [smem:$0x3FB7]  }
0x39: {  	_ = 	snop;
	(pc) =	sbr.ind lr, $3  }
0x3a: {  	_ = 	snop  }
0x3b: {  	_ = 	snop  }
0x3c: {  	p2 =	seq.s32 s10, $0x1;
	s10 =	sld [smem:$0x3FB6]  }
0x3d: {  	_ =	shalt  }
0x3e: {  	_ =	shalt  }
0x3f: {  	_ =	shalt  }
0x40: {  	_ =	shalt  }
0x41: {  	_ =	shalt  }
0x42: {  	_ =	shalt  }
0x43: {  	_ =	shalt  }
0x44: {  	_ =	shalt  }
0x45: {  	_ =	shalt  }
0x46: {  	_ =	shalt  }
0x47: {  	_ =	shalt  }
0x48: {  	_ =	shalt  }
0x49: {  	_ =	shalt  }
0x4a: {  	_ =	shalt  }
0x4b: {  	_ =	shalt  }
0x4c: {  	_ =	shalt  }
0x4d: {  	_ =	shalt  }
0x4e: {  	_ =	shalt  }
0x4f: {  	_ =	shalt  }
0x50: {  	_ =	shalt  }
0x51: {  	_ =	shalt  }
0x52: {  	_ =	shalt  }
0x53: {  	_ =	shalt  }
0x54: {  	_ =	shalt  }
0x55: {  	_ =	shalt  }
0x56: {  	_ =	shalt  }
0x57: {  	_ =	shalt  }
0x58: {  	_ =	shalt  }
0x59: {  	_ =	shalt  }
0x5a: {  	_ =	shalt  }
0x5b: {  	_ =	shalt  }
0x5c: {  	_ =	shalt  }
0x5d: {  	_ =	shalt  }
0x5e: {  	_ =	shalt  }
0x5f: {  	_ =	shalt  }
0x60: {  	_ =	shalt  }
0x61: {  	_ =	shalt  }
0x62: {  	_ =	shalt  }
0x63: {  	_ =	shalt  }
0x64: {  	_ =	shalt  }
0x65: {  	_ =	shalt  }
0x66: {  	_ =	shalt  }
0x67: {  	_ =	shalt  }
0x68: {  	_ =	shalt  }
0x69: {  	_ =	shalt  }
0x6a: {  	_ =	shalt  }
0x6b: {  	_ =	shalt  }
0x6c: {  	_ =	shalt  }
0x6d: {  	_ =	shalt  }
0x6e: {  	_ =	shalt  }
0x6f: {  	_ =	shalt  }
0x70: {  	_ =	shalt  }
0x71: {  	_ =	shalt  }
0x72: {  	_ =	shalt  }
0x73: {  	_ =	shalt  }
0x74: {  	_ =	shalt  }
0x75: {  	_ =	shalt  }
0x76: {  	_ =	shalt  }
0x77: {  	_ =	shalt  }
0x78: {  	_ =	shalt  }
0x79: {  	_ =	shalt  }
0x7a: {  	_ =	shalt  }
0x7b: {  	_ =	shalt  }
0x7c: {  	_ =	shalt  }
0x7d: {  	_ =	shalt  }
0x7e: {  	_ =	shalt  }
0x7f: {  	_ =	shalt  }
0x80: {  	_ =	shalt  }
0x81: {  	_ =	shalt  }
0x82: {  	_ =	shalt  }
0x83: {  	_ =	shalt  }
0x84: {  	_ =	shalt  }
0x85: {  	_ =	shalt  }
0x86: {  	_ =	shalt  }
0x87: {  	_ =	shalt  }
.Lfunc_end0:
.L_simem_size_0:
called_computation.1_lowered:
.L_overlay_start_0:
0x88: {  	s2 =	sld [smem:$0x3FD9]  }
0x89: {  	s3 =	sld [smem:$0x3FFE];
	_ =	sdelay $0x1  }
0x8a: {  	s1 =	srdreg.scid  }
0x8b: {  	s0 =	sand.u32 $0x1, s1  }
0x8c: {  	s17 =	sshll.u32 s0, $0xA;
	s2 =	sadd.s32 s3, s2  }
0x8d: {  	s2 =	sadd.s32 s2, s17  }
0x8e: {  	[smem:$0x3FC2] =	sst s2  }
0x8f: {  	_ = 	snop  }
0x90: {  	s2 =	sld [smem:$0x3FD0];
	(tm) =	ssettm $0x1  }
0x91: {  	s18 =	sld [smem:$0x3FFB];
	_ =	sdelay $0x3  }
0x92: {  	_ =	strace s18  }
0x93: {  	s3 =	sld [smem:$0x3FFC];
	_ =	sdelay $0x3  }
0x94: {  	_ =	strace s3  }
0x95: {  	s3 =	sld [smem:$0x3FFD];
	_ =	sdelay $0x3  }
0x96: {  	_ =	strace s3  }
0x97: {  	_ =	strace $0x8FFFFFFF  }
0x98: {  	s19 =	sld [smem:$0x3FDB];
	_ =	sdelay $0x1  }
0x99: {  	s4 =	simm.s32 $_scs_section_size  }
0x9a: {  	s5 =	simm.s32 $_size__tile_overlayer_lowered;
	s6 =	simm.s32 $_tile_overlayer_lowered  }
0x9b: {  	s22 =	simm.s32 $0x1BFF;
	s21 =	sshll.u32 s6, $0x1;
	s3 =	sadd.s32 s4, s19  }
0x9c: {  	s7 =	simm.s32 $0x0;
	s20 =	sshll.u32 s5, $0x1;
	s5 =	sadd.s32 s21, s3  }
0x9d: {  	[timem:s7], [sflag:s22] =	dma.local [hbm:s5], s20  }
0x9e: {  	_ =	swait.ge [sflag:s22], s20  }
0x9f: {  	s4 =	ssub.s32 $0x0, s20;
	[sflag:s22] =	ssyncset.done $0x0  }
0xa0: {  	[sflag:s22] =	ssyncadd.s32 s4;
	_ =	sdelay $0x1  }
0xa1: {  	s23 =	simm.s32 $0x1B8B  }
0xa2: {  	_ =	swait.ge [sflag:s23], $0x1  }
0xa3: {  	[sflag:s23] =	ssyncset.done $0x0  }
0xa4: {  	s25 =	simm.s32 $0x1B8E;
	s24 =	sld [smem:$0x3FFE];
	[sflag:s23] =	ssyncadd.s32 $0xFFFFFFFF  }
0xa5: {  	s26 =	simm.s32 $execute0_lowered;
	[smem:$0x3FD2] =	sst s25  }
0xa6: {  	s5 =	sshll.u32 s26, $0x1;
	_ =	strace $0x80000049;
	[dreg:$0x1] =	wrdreg $0xFFFFFFFF  }
0xa7: {  	s28 =	simm.s32 $_size_execute0_lowered;
	s3 =	sadd.s32 s3, s5;
	[dreg:$0x0] =	wrdreg $0x0  }
0xa8: {  	s5 =	sshll.u32 s28, $0x1;
	[dreg:$0x2] =	wrdreg s3  }
0xa9: {  	[dreg:$0x3] =	wrdreg s5  }
0xaa: {  	[dreg:$0x4] =	wrdreg $0xC0  }
0xab: {  	_ =	task [dreg:s7], $0x5FFFF  }
0xac: {  	[dreg:$0x1] =	wrdreg $0xFFFFFFFF  }
0xad: {  	[dreg:$0x0] =	wrdreg $0x60  }
0xae: {  	[dreg:$0x2] =	wrdreg s24  }
0xaf: {  	[dreg:$0x3] =	wrdreg s2  }
0xb0: {  	[dreg:$0x4] =	wrdreg $0x9  }
0xb1: {  	_ =	task.clear_ibuf [dreg:s7], $0x5FFFF;
	_ =	strace $0x90000049  }
0xb2: {  	s29 =	simm.s32 $0x9;
	_ =	strace $0x8000004B  }
0xb3: {  	_ =	swait.ge [sflag:s29], $0x1  }
0xb4: {  	[sflag:s29] =	ssyncadd.s32 $0xFFFFFFFF  }
0xb5: {  	_ =	strace $0x9000004B  }
0xb6: {  	_ =	sfence  }
0xb7: {  	s30 =	sld [smem:$0x0];
	_ =	sdelay $0x2  }
0xb8: {  	s31 =	sshll.u32 s1, $0xD;
	s1 =	sshrl.u32 s1, $0x2  }
0xb9: {  	s3 =	sand.u32 $0x4000, s31;
	s1 =	sadd.s32 s1, s30  }
0xba: {  	s0 =	sor.u32 s3, s0;
	s1 =	sshll.u32 s1, $0x11  }
0xbb: {  	s0 =	sor.u32 s1, s0  }
0xbc: {  	s0 =	sadd.s32 $0x8F2B, s0  }
0xbd: {  	[sflag:s0] =	ssyncadd.remote.s32 $0x1  }
0xbe: {  	_ =	sfence.sel $0xFFFF  }
0xbf: {  	[dreg:$0x0] =	wrdreg $0xFFFFFFFF;
	(pc) =	sbr.abs _section_cstart, $3  }
0xc0: {  	[dreg:$0x1] =	wrdreg $0xFFFFFFFF  }
0xc1: {  	_ =	task.clear_ibuf [dreg:s7], $0x2FFFF;
	_ =	strace $0x9FFFFFFF  }
0xc2: {  	(tm) =	ssettm $0x7FFFFFFF  }
0xc3: {  	_ =	shalt  }
tec
execute0_lowered:
.L_overlay_start_1:
0x0: {  	(tag) =	ssettag $0x1  }
0x1: {  	s0 =	rddreg [dreg:$0x0]  }
0x2: {  	s1 =	rddreg [dreg:$0x1];
	s2 =	srdreg.scid  }
0x3: {  	s3 =	simm.s32 $0x0;
	s5 =	stileid.u32;
	s9 =	simm.s32 $0x2000  }
0x4: {  	s10 =	simm.s32 $0x3000;
	s11 =	simm.s32 $0x1;
	s12 =	simm.s32 $0x2  }
0x5: {  	s13 =	simm.s32 $0x4000;
	s14 =	simm.s32 $0x5000;
	s15 =	simm.s32 $0x40  }
0x6: {  	s16 =	simm.s32 $0x6000;
	s17 =	simm.s32 $0x6080;
	s19 =	simm.s32 $0x3  }
0x7: {  	s20 =	simm.s32 $0x4;
	s22 =	simm.s32 $0x6;
	s2 =	sand.u32 $0x1, s2  }
0x8: {  	s23 =	simm.s32 $0x0;
	[smem:$0x7FF] =	sst s3;
	s4 =	sshll.u32 s2, $0x4  }
.Ltmp0:
0x9: {  	_ =	strace $0x8000004A;
	s6 =	sor.u32 s5, s4;
	(pc) =	sbr.rel .LBB2_1-.Ltmp0, $4  }
0xa: {  	s2 =	ssub.s32 $0x2, s2;
	s4 =	sadd.s32 $0x6800, s0;
	s7 =	smul.u32 $0x2800, s6  }
0xb: {  	s5 =	sadd.s32 $0x1800, s0;
	s8 =	sshrl.u32 s2, $0x1;
	s18 =	smul.u32 $0x140, s6  }
0xc: {  	v1 =	vimm.f32 $0.0e+00;
	v2 =	vimm.s32 $0x0;
	s2 =	ssub.s32 s2, s8;
	s8 =	simm.s32 $0x1000;
	s0 =	sadd.s32 s7, s0  }
0xd: {  	v3 =	vimm.s32 $0x140;
	vm0 =	vmmov $0x1;
	s7 =	smax.u32 s2, $0x1;
	v0 =	vmov s18;
	s18 =	simm.s32 $0x5;
	s6 =	sadd.s32 $0x59A00, s0  }
.LBB2_17:
0xe: {  	_ =	swait.ge [sflag:s11], $0xFA0  }
0xf: {  	[sflag:s11] =	ssyncset.done $0x0  }
0x10: {  	[sflag:s11] =	ssyncadd.s32 $0xFFFFF060  }
0x11: {  	s23 =	sadd.s32 $0x1, s23;
	_ =	swait.ge [sflag:s12], $0xFA0  }
0x12: {  	p0 =	sne.s32 s23, s7;
	[sflag:s12] =	ssyncset.done $0x0  }
.Ltmp1:
0x13: {  	s0 =	simm.s32 $0x8080;
	[sflag:s12] =	ssyncadd.s32 $0xFFFFF060;
	(pc) =	sbr.rel @!p0 .LBB2_18-.Ltmp1, $4  }
0x14: {  	[hbm4b:s6+s3] =	stream.linear.scatter [tilespmem:s0], [sflag:$0x6], $0x14000, $0x38;
	[tilespmem:$0x1C880] =	vst v63  }
0x15: {  	_ =	swait.ge [sflag:s22], $0x14000  }
0x16: {  	[sflag:s22] =	ssyncset.done $0x0  }
0x17: {  	[sflag:s22] =	ssyncadd.s32 $0xFFFEC000  }
.LBB2_1:
0x18: {  	s0 =	simm.s32 $0x0  }
0x19: {  	s2 =	sand.u32 $0x400, s3;
	s24 =	simm.s32 $0x0;
	s0 =	sand.u32 $0x1F800, s0  }
0x1a: {  	s24 =	sand.u32 $0x380, s24;
	s0 =	sor.u32 s2, s0  }
0x1b: {  	s31 =	sand.u32 $0x70, s3;
	s0 =	sor.u32 s24, s0  }
0x1c: {  	s2 =	sor.u32 s31, s0  }
0x1d: {  	s24 =	simm.s32 $0x0;
	s0 =	simm.s32 $0x1;
	[tilespmem:s2+$0x8080] =	vst v1;
	s2 =	simm.s32 $0x80  }
.LBB2_2:
0x1e: {  	s25 =	sshll.u32 s0, $0x4;
	p0 =	sne.s32 s0, $0x140F  }
0x1f: {  	s26 =	smov.u32 s0;
	s0 =	sadd.s32 $0x1, s0;
	s28 =	sand.u32 $0x400, s2  }
.Ltmp2:
0x20: {  	s25 =	sand.u32 $0x1F800, s25;
	s26 =	sshll.u32 s26, $0x3;
	(pc) =	sbr.rel @p0 .LBB2_2-.Ltmp2, $4  }
0x21: {  	s24 =	sadd.s32 $0x10, s24;
	s26 =	sand.u32 $0x380, s26;
	s25 =	sor.u32 s28, s25  }
0x22: {  	s28 =	sand.u32 $0x70, s24;
	s25 =	sor.u32 s26, s25  }
0x23: {  	s25 =	sor.u32 s28, s25  }
0x24: {  	s2 =	sadd.s32 $0x80, s2;
	[tilespmem:s25+$0x8080] =	vst v1  }
.Ltmp3:
0x25: {  	(pc) =	sbr.rel .LBB2_4-.Ltmp3, $4  }
0x26: {  	s24 =	simm.s32 $0x0  }
0x27: {  	[tilespmem:s24], [sflag:$0x1] =	stream.linear.gather [hbm4b:s4+s24], $0xFA0, $0x38;
	[tilespmem:$0x1C880] =	vst v63  }
0x28: {  	s25 =	simm.s32 $0x0  }
0x29: {  	[tilespmem:s8], [sflag:$0x2] =	stream.linear.gather [hbm4b:s5+s24], $0xFA0, $0x38;
	[tilespmem:$0x1C880] =	vst v63  }
.LBB2_16:
0x2a: {  	s25 =	sadd.s32 $0x1, s25  }
0x2b: {  	p0 =	sne.s32 s25, $0x14  }
.Ltmp4:
0x2c: {  	_ = 	snop;
	(pc) =	sbr.rel @!p0 .LBB2_17-.Ltmp4, $1  }
0x2d: {  	_ =	sdelay $0x3  }
.LBB2_4:
0x2e: {  	s0 =	smul.u32 $0x1F40, s25;
	_ =	sdelay $0x1  }
0x2f: {  	s0 =	sshrl.u32 s0, $0x3  }
0x30: {  	s0 =	sadd.s32 $0x1F4, s0  }
0x31: {  	s2 =	sadd.s32 s4, s0  }
0x32: {  	[tilespmem:s9], [sflag:$0x3] =	stream.linear.gather [hbm4b:s2+s24], $0xFA0, $0x38;
	[tilespmem:$0x1C880] =	vst v63  }
0x33: {  	s0 =	sadd.s32 s5, s0  }
0x34: {  	[tilespmem:s10], [sflag:$0x4] =	stream.linear.gather [hbm4b:s0+s24], $0xFA0, $0x38;
	[tilespmem:$0x1C880] =	vst v63  }
0x35: {  	_ =	swait.ge [sflag:s11], $0xFA0  }
0x36: {  	[sflag:s11] =	ssyncset.done $0x0  }
0x37: {  	[sflag:s11] =	ssyncadd.s32 $0xFFFFF060  }
0x38: {  	_ =	swait.ge [sflag:s12], $0xFA0  }
0x39: {  	[sflag:s12] =	ssyncset.done $0x0  }
0x3a: {  	s31 =	simm.s32 $0x0;
	[sflag:s12] =	ssyncadd.s32 $0xFFFFF060  }
0x3b: {  	v4 =	vld [tilespmem:s31+$0x1000];
	_ =	sdelay $0x4  }
0x3c: {  	v4 =	vsub.s32 v4, v0  }
0x3d: {  	vm1 =	vlt.u32 v4, $0x140  }
0x3e: {  	v5 =	vsel vm1, $0x1, v2  }
0x3f: {  	(xrf0) =	vadd.scan.msk.s32 $0xffff, v5;
	_ =	sdelay $0x2  }
0x40: {  	v5 =	vmov s24  }
0x41: {  	v5 =	vadd.s32 $0xFFFFFFFF, v5  }
0x42: {  	v5 =	vbroadcast v5, $0x0  }
0x43: {  	v6, _, _ =	vpop (xrf0)  }
0x44: {  	v7 =	vld [tilespmem:s31+$0x0];
	v5 =	vadd.s32 v6, v5;
	(v2sf) =	vpush v6, $0xF;
	_ =	sdelay $0x4  }
0x45: {  	[tilespmem:v5+s13+$0x0] =	vst.idx.msk vm1, v7  }
0x46: {  	s26 =	simm.s32 $0x80;
	s2 =	simm.s32 $0x10;
	s0 =	simm.s32 $0x0;
	[tilespmem:v5+s14+$0x0] =	vst.idx.msk vm1, v4  }
.LBB2_5:
0x47: {  	p0 =	sne.s32 s26, $0x3E40;
	v4 =	vld [tilespmem:s2+$0x1000];
	_ =	sdelay $0x4  }
0x48: {  	v4 =	vsub.s32 v4, v0  }
0x49: {  	vm1 =	vlt.u32 v4, $0x140  }
0x4a: {  	v5 =	vsel vm1, $0x1, v2  }
0x4b: {  	(xrf0) =	vadd.scan.msk.s32 $0xffff, v5;
	s28 =	spop (v2sf)  }
0x4c: {  	s0 =	sadd.s32 s0, s28  }
0x4d: {  	v5 =	vmov s0  }
0x4e: {  	v5 =	vadd.s32 $0xFFFFFFFF, v5  }
0x4f: {  	v5 =	vbroadcast v5, $0x0;
	_ =	sdelay $0x1  }
0x50: {  	v6, _, _ =	vpop (xrf0)  }
0x51: {  	v7 =	vld [tilespmem:s2+$0x0];
	v5 =	vadd.s32 v6, v5;
	(v2sf) =	vpush v6, $0xF;
	_ =	sdelay $0x1  }
.Ltmp5:
0x52: {  	(pc) =	sbr.rel @p0 .LBB2_5-.Ltmp5, $3  }
0x53: {  	_ =	sdelay $0x1  }
0x54: {  	[tilespmem:v5+s13+$0x0] =	vst.idx.msk vm1, v7  }
0x55: {  	s2 =	sshra.s32 s26, $0x2;
	s26 =	sadd.s32 $0x40, s26;
	[tilespmem:v5+s14+$0x0] =	vst.idx.msk vm1, v4  }
0x56: {  	v4 =	vld [tilespmem:s2+$0x1000];
	_ =	sdelay $0x4  }
0x57: {  	v4 =	vsub.s32 v4, v0  }
0x58: {  	vm1 =	vlt.u32 v4, $0x140  }
0x59: {  	v5 =	vsel vm1, $0x1, v2  }
0x5a: {  	(xrf0) =	vadd.scan.msk.s32 $0xffff, v5;
	_ =	sdelay $0x5  }
0x5b: {  	v5, _, _ =	vpop (xrf0)  }
0x5c: {  	(v2sf) =	vpush v5, $0xF;
	_ =	sdelay $0x8  }
0x5d: {  	s26 =	spop (v2sf)  }
0x5e: {  	s0 =	sadd.s32 s0, s26  }
0x5f: {  	v6 =	vmov s0  }
0x60: {  	v6 =	vadd.s32 $0xFFFFFFFF, v6  }
0x61: {  	v6 =	vbroadcast v6, $0x0;
	_ =	sdelay $0x1  }
0x62: {  	v7 =	vld [tilespmem:s2+$0x0];
	v5 =	vadd.s32 v5, v6;
	s26 =	spop (v2sf)  }
0x63: {  	s0 =	sadd.s32 s0, s26  }
0x64: {  	s2 =	sadd.s32 $0x3F, s0  }
0x65: {  	s30 =	sand.u32 $0x3F, s2  }
0x66: {  	s31 =	sshra.s32 s2, $0x1F;
	p1 =	slt.s32 s2, $0x1;
	p0 =	sne.s32 s30, $0x0  }
0x67: {  	[tilespmem:v5+s13+$0x0] =	vst.idx.msk vm1, v7;
	s26 =	sshrl.u32 s31, $0x1A;
	p0 =	por !p1, !p0  }
0x68: {  	[tilespmem:v5+s14+$0x0] =	vst.idx.msk vm1, v4;
	s2 =	sadd.s32 s26, s2;
	s26 =	simm.s32 $0x1;
	p0 =	por !p0, !p0  }
0x69: {  	[tilespmem:s0+$0x4000] =	vst v2;
	s2 =	sshra.s32 s2, $0x6;
	s26 =	simm.s32 @!p0 $0x0  }
0x6a: {  	[tilespmem:s0+$0x5000] =	vst v3;
	s26 =	ssub.s32 s2, s26  }
0x6b: {  	[tilespmem:s0+$0x4010] =	vst v2;
	p0 =	slt.s32 s26, $0x1  }
.Ltmp6:
0x6c: {  	[tilespmem:s0+$0x5010] =	vst v3;
	(pc) =	sbr.rel @p0 .LBB2_10-.Ltmp6, $4  }
0x6d: {  	[tilespmem:s0+$0x4020] =	vst v2  }
0x6e: {  	[tilespmem:s0+$0x5020] =	vst v3  }
0x6f: {  	[tilespmem:s0+$0x4030] =	vst v2  }
0x70: {  	s28 =	simm.s32 $0x0;
	s29 =	simm.s32 $0x5000;
	[tilespmem:s0+$0x5030] =	vst v3  }
.LBB2_7:
0x71: {  	s0 =	sshll.u32 s28, $0x6  }
0x72: {  	v4 =	vld [tilespmem:s0+$0x4000];
	_ =	sdelay $0x4  }
0x73: {  	[tilespmem:$0x6000] =	vst v4  }
0x74: {  	v4 =	vld [tilespmem:s0+$0x4010];
	_ =	sdelay $0x4  }
0x75: {  	[tilespmem:$0x6010] =	vst v4  }
0x76: {  	v4 =	vld [tilespmem:s0+$0x4020];
	_ =	sdelay $0x4  }
0x77: {  	[tilespmem:$0x6020] =	vst v4  }
0x78: {  	v4 =	vld [tilespmem:s0+$0x4030];
	_ =	sdelay $0x4  }
0x79: {  	[tilespmem:$0x6030] =	vst v4;
	v4 =	vmov s29  }
0x7a: {  	[tilespmem:s17], [sflag:$0x5] =	stream.indirect.gather [hbm4b:s1+s15], $0x80, s16, s15, $0xb8;
	[tilespmem:$0x1C880] =	vst v63  }
0x7b: {  	_ =	swait.ge [sflag:s18], $0x2000  }
0x7c: {  	[sflag:s18] =	ssyncset.done $0x0  }
0x7d: {  	s2 =	simm.s32 $0x0;
	[sflag:s18] =	ssyncadd.s32 $0xFFFFE000  }
0x7e: {  	v5 =	vld.idx.msk [tilespmem:v4+s2+$0x0 ss:$0x1], $0xffff;
	_ =	sdelay $0x4  }
0x7f: {  	v5 =	vnsel vm0, $0x0, v5  }
0x80: {  	(xrf0) =	vadd.scan.msk.s32 $0xffff, v5;
	_ =	sdelay $0x5  }
0x81: {  	v5, _, _ =	vpop (xrf0)  }
0x82: {  	(v2sf) =	vpush v5, $0xF;
	_ =	sdelay $0xb  }
0x83: {  	s30 =	simm.s32 $0x60C0  }
0x84: {  	v5 =	vld [tilespmem:s30+$0xFFFFFFC0];
	_ =	sdelay $0x1  }
0x85: {  	s21 =	spop (v2sf)  }
0x86: {  	s2 =	sshll.u32 s21, $0x8;
	s0 =	sshll.u32 s21, $0x7  }
0x87: {  	s2 =	sand.u32 $0xFFFFF800, s2;
	s0 =	sand.u32 $0x380, s0  }
0x88: {  	v6 =	vshll.u32 v5, $0x10;
	s2 =	sor.u32 s0, s2  }
0x89: {  	v5 =	vand.u32 $0xFFFF0000, v5;
	[tilespmem:s2+$0x8080] =	vst.add.f32.msk $0xffff, v6  }
0x8a: {  	[tilespmem:s2+$0x8480] =	vst.add.f32.msk $0xffff, v5  }
0x8b: {  	v5 =	vld [tilespmem:s30+$0xFFFFFFD0];
	_ =	sdelay $0x4  }
0x8c: {  	v6 =	vshll.u32 v5, $0x10  }
0x8d: {  	v5 =	vand.u32 $0xFFFF0000, v5;
	[tilespmem:s2+$0x8090] =	vst.add.f32.msk $0xffff, v6  }
0x8e: {  	[tilespmem:s2+$0x8490] =	vst.add.f32.msk $0xffff, v5  }
0x8f: {  	v5 =	vld [tilespmem:s30+$0xFFFFFFE0];
	_ =	sdelay $0x4  }
0x90: {  	v6 =	vshll.u32 v5, $0x10  }
0x91: {  	v5 =	vand.u32 $0xFFFF0000, v5;
	[tilespmem:s2+$0x80A0] =	vst.add.f32.msk $0xffff, v6  }
0x92: {  	[tilespmem:s2+$0x84A0] =	vst.add.f32.msk $0xffff, v5  }
0x93: {  	v5 =	vld [tilespmem:s30+$0xFFFFFFF0];
	_ =	sdelay $0x4  }
0x94: {  	v6 =	vshll.u32 v5, $0x10  }
0x95: {  	v5 =	vand.u32 $0xFFFF0000, v5;
	[tilespmem:s2+$0x80B0] =	vst.add.f32.msk $0xffff, v6  }
0x96: {  	[tilespmem:s2+$0x84B0] =	vst.add.f32.msk $0xffff, v5  }
0x97: {  	v5 =	vld [tilespmem:s30+$0x0];
	_ =	sdelay $0x4  }
0x98: {  	v6 =	vshll.u32 v5, $0x10  }
0x99: {  	v5 =	vand.u32 $0xFFFF0000, v5;
	[tilespmem:s2+$0x80C0] =	vst.add.f32.msk $0xffff, v6  }
0x9a: {  	[tilespmem:s2+$0x84C0] =	vst.add.f32.msk $0xffff, v5  }
0x9b: {  	v5 =	vld [tilespmem:s30+$0x10];
	_ =	sdelay $0x4  }
0x9c: {  	v6 =	vshll.u32 v5, $0x10  }
0x9d: {  	v5 =	vand.u32 $0xFFFF0000, v5;
	[tilespmem:s2+$0x80D0] =	vst.add.f32.msk $0xffff, v6  }
0x9e: {  	[tilespmem:s2+$0x84D0] =	vst.add.f32.msk $0xffff, v5  }
0x9f: {  	v5 =	vld [tilespmem:s30+$0x20];
	_ =	sdelay $0x4  }
0xa0: {  	v6 =	vshll.u32 v5, $0x10  }
0xa1: {  	s31 =	simm.s32 $0x4;
	s0 =	simm.s32 $0x60C0;
	v5 =	vand.u32 $0xFFFF0000, v5;
	[tilespmem:s2+$0x80E0] =	vst.add.f32.msk $0xffff, v6  }
.LBB2_8:
0xa2: {  	p0 =	sne.s32 s31, $0xFC  }
0xa3: {  	[tilespmem:s2+$0x84E0] =	vst.add.f32.msk $0xffff, v5;
	s30 =	sadd.s32 $0x80, s30;
	s21 =	smov.u32 s31;
	s31 =	sadd.s32 $0x4, s31  }
0xa4: {  	v5 =	vld [tilespmem:s0+$0x30];
	s0 =	smov.u32 s30;
	_ =	sdelay $0x4  }
0xa5: {  	v6 =	vshll.u32 v5, $0x10;
	v5 =	vand.u32 $0xFFFF0000, v5  }
0xa6: {  	[tilespmem:s2+$0x80F0] =	vst.add.f32.msk $0xffff, v6  }
0xa7: {  	s21 =	sshra.s32 s21, $0x2;
	[tilespmem:s2+$0x84F0] =	vst.add.f32.msk $0xffff, v5  }
0xa8: {  	v5 =	vld.idx.msk [tilespmem:v4+s21+$0x0 ss:$0x1], $0xffff;
	_ =	sdelay $0x5  }
0xa9: {  	v5 =	vnsel vm0, $0x0, v5  }
0xaa: {  	(xrf0) =	vadd.scan.msk.s32 $0xffff, v5;
	_ =	sdelay $0x5  }
0xab: {  	v5, _, _ =	vpop (xrf0)  }
0xac: {  	(v2sf) =	vpush v5, $0xF;
	_ =	sdelay $0xc  }
0xad: {  	v5 =	vld [tilespmem:s30+$0xFFFFFFC0];
	_ =	sdelay $0x1  }
0xae: {  	s2 =	spop (v2sf)  }
0xaf: {  	s21 =	sshll.u32 s2, $0x8;
	s2 =	sshll.u32 s2, $0x7  }
0xb0: {  	s21 =	sand.u32 $0xFFFFF800, s21;
	s2 =	sand.u32 $0x380, s2  }
0xb1: {  	v6 =	vshll.u32 v5, $0x10;
	v5 =	vand.u32 $0xFFFF0000, v5;
	s2 =	sor.u32 s2, s21  }
0xb2: {  	[tilespmem:s2+$0x8080] =	vst.add.f32.msk $0xffff, v6  }
0xb3: {  	[tilespmem:s2+$0x8480] =	vst.add.f32.msk $0xffff, v5  }
0xb4: {  	v5 =	vld [tilespmem:s30+$0xFFFFFFD0];
	_ =	sdelay $0x4  }
0xb5: {  	v6 =	vshll.u32 v5, $0x10;
	v5 =	vand.u32 $0xFFFF0000, v5  }
0xb6: {  	[tilespmem:s2+$0x8090] =	vst.add.f32.msk $0xffff, v6  }
0xb7: {  	[tilespmem:s2+$0x8490] =	vst.add.f32.msk $0xffff, v5  }
0xb8: {  	v5 =	vld [tilespmem:s30+$0xFFFFFFE0];
	_ =	sdelay $0x4  }
0xb9: {  	v6 =	vshll.u32 v5, $0x10;
	v5 =	vand.u32 $0xFFFF0000, v5  }
0xba: {  	[tilespmem:s2+$0x80A0] =	vst.add.f32.msk $0xffff, v6  }
0xbb: {  	[tilespmem:s2+$0x84A0] =	vst.add.f32.msk $0xffff, v5  }
0xbc: {  	v5 =	vld [tilespmem:s30+$0xFFFFFFF0];
	_ =	sdelay $0x4  }
0xbd: {  	v6 =	vshll.u32 v5, $0x10;
	v5 =	vand.u32 $0xFFFF0000, v5  }
0xbe: {  	[tilespmem:s2+$0x80B0] =	vst.add.f32.msk $0xffff, v6  }
0xbf: {  	[tilespmem:s2+$0x84B0] =	vst.add.f32.msk $0xffff, v5  }
0xc0: {  	v5 =	vld [tilespmem:s30+$0x0];
	_ =	sdelay $0x4  }
0xc1: {  	v6 =	vshll.u32 v5, $0x10;
	v5 =	vand.u32 $0xFFFF0000, v5  }
0xc2: {  	[tilespmem:s2+$0x80C0] =	vst.add.f32.msk $0xffff, v6  }
0xc3: {  	[tilespmem:s2+$0x84C0] =	vst.add.f32.msk $0xffff, v5  }
0xc4: {  	v5 =	vld [tilespmem:s30+$0x10];
	_ =	sdelay $0x4  }
0xc5: {  	v6 =	vshll.u32 v5, $0x10;
	v5 =	vand.u32 $0xFFFF0000, v5  }
0xc6: {  	[tilespmem:s2+$0x80D0] =	vst.add.f32.msk $0xffff, v6  }
0xc7: {  	[tilespmem:s2+$0x84D0] =	vst.add.f32.msk $0xffff, v5  }
0xc8: {  	v5 =	vld [tilespmem:s30+$0x20];
	_ =	sdelay $0x1  }
.Ltmp7:
0xc9: {  	(pc) =	sbr.rel @p0 .LBB2_8-.Ltmp7, $3  }
0xca: {  	_ =	sdelay $0x1  }
0xcb: {  	v6 =	vshll.u32 v5, $0x10;
	v5 =	vand.u32 $0xFFFF0000, v5  }
0xcc: {  	[tilespmem:s2+$0x80E0] =	vst.add.f32.msk $0xffff, v6  }
0xcd: {  	[tilespmem:s2+$0x84E0] =	vst.add.f32.msk $0xffff, v5  }
0xce: {  	v4 =	vld [tilespmem:s0+$0x30]  }
0xcf: {  	s28 =	sadd.s32 $0x1, s28  }
0xd0: {  	p0 =	sne.s32 s28, s26  }
.Ltmp8:
0xd1: {  	_ = 	snop;
	(pc) =	sbr.rel @p0 .LBB2_7-.Ltmp8, $4  }
0xd2: {  	_ = 	snop  }
0xd3: {  	v5 =	vshll.u32 v4, $0x10  }
0xd4: {  	v4 =	vand.u32 $0xFFFF0000, v4;
	[tilespmem:s2+$0x80F0] =	vst.add.f32.msk $0xffff, v5  }
0xd5: {  	s29 =	sadd.s32 $0x40, s29;
	[tilespmem:s2+$0x84F0] =	vst.add.f32.msk $0xffff, v4  }
.LBB2_10:
0xd6: {  	s0 =	sshll.u32 s25, $0x1  }
0xd7: {  	s0 =	sadd.s32 $0x2, s0  }
0xd8: {  	s2 =	smul.u32 $0x1F4, s0  }
0xd9: {  	p0 =	seq.s32 s0, $0x28  }
0xda: {  	s2 =	simm.s32 @p0 $0x0  }
0xdb: {  	s0 =	simm.s32 $0x0;
	s21 =	sadd.s32 s4, s2  }
0xdc: {  	[tilespmem:s0], [sflag:$0x1] =	stream.linear.gather [hbm4b:s21+s0], $0xFA0, $0x38;
	[tilespmem:$0x1C880] =	vst v63  }
0xdd: {  	s2 =	sadd.s32 s5, s2  }
0xde: {  	[tilespmem:s8], [sflag:$0x2] =	stream.linear.gather [hbm4b:s2+s0], $0xFA0, $0x38;
	[tilespmem:$0x1C880] =	vst v63  }
0xdf: {  	_ =	swait.ge [sflag:s19], $0xFA0  }
0xe0: {  	[sflag:s19] =	ssyncset.done $0x0  }
0xe1: {  	[sflag:s19] =	ssyncadd.s32 $0xFFFFF060  }
0xe2: {  	_ =	swait.ge [sflag:s20], $0xFA0  }
0xe3: {  	[sflag:s20] =	ssyncset.done $0x0  }
0xe4: {  	s31 =	simm.s32 $0x0;
	[sflag:s20] =	ssyncadd.s32 $0xFFFFF060  }
0xe5: {  	v4 =	vld [tilespmem:s31+$0x3000];
	_ =	sdelay $0x4  }
0xe6: {  	v4 =	vsub.s32 v4, v0  }
0xe7: {  	vm1 =	vlt.u32 v4, $0x140  }
0xe8: {  	v5 =	vsel vm1, $0x1, v2  }
0xe9: {  	(xrf0) =	vadd.scan.msk.s32 $0xffff, v5;
	_ =	sdelay $0x2  }
0xea: {  	v5 =	vmov s0  }
0xeb: {  	v5 =	vadd.s32 $0xFFFFFFFF, v5  }
0xec: {  	v5 =	vbroadcast v5, $0x0  }
0xed: {  	v6, _, _ =	vpop (xrf0)  }
0xee: {  	v7 =	vld [tilespmem:s31+$0x2000];
	v5 =	vadd.s32 v6, v5;
	(v2sf) =	vpush v6, $0xF;
	_ =	sdelay $0x4  }
0xef: {  	[tilespmem:v5+s13+$0x0] =	vst.idx.msk vm1, v7  }
0xf0: {  	s26 =	simm.s32 $0x80;
	s2 =	simm.s32 $0x10;
	[tilespmem:v5+s14+$0x0] =	vst.idx.msk vm1, v4  }
.LBB2_11:
0xf1: {  	p0 =	sne.s32 s26, $0x3E40;
	v4 =	vld [tilespmem:s2+$0x3000];
	_ =	sdelay $0x4  }
0xf2: {  	v4 =	vsub.s32 v4, v0  }
0xf3: {  	vm1 =	vlt.u32 v4, $0x140  }
0xf4: {  	v5 =	vsel vm1, $0x1, v2  }
0xf5: {  	(xrf0) =	vadd.scan.msk.s32 $0xffff, v5;
	s21 =	spop (v2sf)  }
0xf6: {  	s0 =	sadd.s32 s0, s21  }
0xf7: {  	v5 =	vmov s0  }
0xf8: {  	v5 =	vadd.s32 $0xFFFFFFFF, v5  }
0xf9: {  	v5 =	vbroadcast v5, $0x0;
	_ =	sdelay $0x1  }
0xfa: {  	v6, _, _ =	vpop (xrf0)  }
0xfb: {  	v7 =	vld [tilespmem:s2+$0x2000];
	v5 =	vadd.s32 v6, v5;
	(v2sf) =	vpush v6, $0xF;
	_ =	sdelay $0x1  }
.Ltmp9:
0xfc: {  	(pc) =	sbr.rel @p0 .LBB2_11-.Ltmp9, $3  }
0xfd: {  	_ =	sdelay $0x1  }
0xfe: {  	[tilespmem:v5+s13+$0x0] =	vst.idx.msk vm1, v7  }
0xff: {  	s2 =	sshra.s32 s26, $0x2;
	s26 =	sadd.s32 $0x40, s26;
	[tilespmem:v5+s14+$0x0] =	vst.idx.msk vm1, v4  }
0x100: {  	v4 =	vld [tilespmem:s2+$0x3000];
	_ =	sdelay $0x4  }
0x101: {  	v4 =	vsub.s32 v4, v0  }
0x102: {  	vm1 =	vlt.u32 v4, $0x140  }
0x103: {  	v5 =	vsel vm1, $0x1, v2  }
0x104: {  	(xrf0) =	vadd.scan.msk.s32 $0xffff, v5;
	_ =	sdelay $0x5  }
0x105: {  	v5, _, _ =	vpop (xrf0)  }
0x106: {  	(v2sf) =	vpush v5, $0xF;
	_ =	sdelay $0x8  }
0x107: {  	s21 =	spop (v2sf)  }
0x108: {  	s0 =	sadd.s32 s0, s21  }
0x109: {  	v6 =	vmov s0  }
0x10a: {  	v6 =	vadd.s32 $0xFFFFFFFF, v6  }
0x10b: {  	v6 =	vbroadcast v6, $0x0;
	_ =	sdelay $0x1  }
0x10c: {  	v7 =	vld [tilespmem:s2+$0x2000];
	v5 =	vadd.s32 v5, v6;
	s26 =	spop (v2sf)  }
0x10d: {  	s0 =	sadd.s32 s0, s26  }
0x10e: {  	s2 =	sadd.s32 $0x3F, s0  }
0x10f: {  	s30 =	sand.u32 $0x3F, s2  }
0x110: {  	s31 =	sshra.s32 s2, $0x1F;
	p1 =	slt.s32 s2, $0x1;
	p0 =	sne.s32 s30, $0x0  }
0x111: {  	[tilespmem:v5+s13+$0x0] =	vst.idx.msk vm1, v7;
	s21 =	sshrl.u32 s31, $0x1A;
	p0 =	por !p1, !p0  }
0x112: {  	[tilespmem:v5+s14+$0x0] =	vst.idx.msk vm1, v4;
	s2 =	sadd.s32 s21, s2;
	s21 =	simm.s32 $0x1;
	p0 =	por !p0, !p0  }
0x113: {  	[tilespmem:s0+$0x4000] =	vst v2;
	s2 =	sshra.s32 s2, $0x6;
	s21 =	simm.s32 @!p0 $0x0  }
0x114: {  	[tilespmem:s0+$0x5000] =	vst v3;
	s26 =	ssub.s32 s2, s21  }
0x115: {  	[tilespmem:s0+$0x4010] =	vst v2;
	p0 =	slt.s32 s26, $0x1  }
.Ltmp10:
0x116: {  	[tilespmem:s0+$0x5010] =	vst v3;
	(pc) =	sbr.rel @p0 .LBB2_16-.Ltmp10, $4  }
0x117: {  	[tilespmem:s0+$0x4020] =	vst v2  }
0x118: {  	[tilespmem:s0+$0x5020] =	vst v3  }
0x119: {  	[tilespmem:s0+$0x4030] =	vst v2  }
0x11a: {  	s28 =	simm.s32 $0x0;
	s29 =	simm.s32 $0x5000;
	[tilespmem:s0+$0x5030] =	vst v3  }
.LBB2_13:
0x11b: {  	s0 =	sshll.u32 s28, $0x6  }
0x11c: {  	v4 =	vld [tilespmem:s0+$0x4000];
	_ =	sdelay $0x4  }
0x11d: {  	[tilespmem:$0x6000] =	vst v4  }
0x11e: {  	v4 =	vld [tilespmem:s0+$0x4010];
	_ =	sdelay $0x4  }
0x11f: {  	[tilespmem:$0x6010] =	vst v4  }
0x120: {  	v4 =	vld [tilespmem:s0+$0x4020];
	_ =	sdelay $0x4  }
0x121: {  	[tilespmem:$0x6020] =	vst v4  }
0x122: {  	v4 =	vld [tilespmem:s0+$0x4030];
	_ =	sdelay $0x4  }
0x123: {  	[tilespmem:$0x6030] =	vst v4;
	v4 =	vmov s29  }
0x124: {  	[tilespmem:s17], [sflag:$0x5] =	stream.indirect.gather [hbm4b:s1+s15], $0x80, s16, s15, $0xb8;
	[tilespmem:$0x1C880] =	vst v63  }
0x125: {  	_ =	swait.ge [sflag:s18], $0x2000  }
0x126: {  	[sflag:s18] =	ssyncset.done $0x0  }
0x127: {  	s2 =	simm.s32 $0x0;
	[sflag:s18] =	ssyncadd.s32 $0xFFFFE000  }
0x128: {  	v5 =	vld.idx.msk [tilespmem:v4+s2+$0x0 ss:$0x1], $0xffff;
	_ =	sdelay $0x4  }
0x129: {  	v5 =	vnsel vm0, $0x0, v5  }
0x12a: {  	(xrf0) =	vadd.scan.msk.s32 $0xffff, v5;
	_ =	sdelay $0x5  }
0x12b: {  	v5, _, _ =	vpop (xrf0)  }
0x12c: {  	(v2sf) =	vpush v5, $0xF;
	_ =	sdelay $0xb  }
0x12d: {  	s30 =	simm.s32 $0x60C0  }
0x12e: {  	v5 =	vld [tilespmem:s30+$0xFFFFFFC0];
	_ =	sdelay $0x1  }
0x12f: {  	s21 =	spop (v2sf)  }
0x130: {  	s2 =	sshll.u32 s21, $0x8;
	s0 =	sshll.u32 s21, $0x7  }
0x131: {  	s2 =	sand.u32 $0xFFFFF800, s2;
	s0 =	sand.u32 $0x380, s0  }
0x132: {  	v6 =	vshll.u32 v5, $0x10;
	s2 =	sor.u32 s0, s2  }
0x133: {  	v5 =	vand.u32 $0xFFFF0000, v5;
	[tilespmem:s2+$0x8080] =	vst.add.f32.msk $0xffff, v6  }
0x134: {  	[tilespmem:s2+$0x8480] =	vst.add.f32.msk $0xffff, v5  }
0x135: {  	v5 =	vld [tilespmem:s30+$0xFFFFFFD0];
	_ =	sdelay $0x4  }
0x136: {  	v6 =	vshll.u32 v5, $0x10  }
0x137: {  	v5 =	vand.u32 $0xFFFF0000, v5;
	[tilespmem:s2+$0x8090] =	vst.add.f32.msk $0xffff, v6  }
0x138: {  	[tilespmem:s2+$0x8490] =	vst.add.f32.msk $0xffff, v5  }
0x139: {  	v5 =	vld [tilespmem:s30+$0xFFFFFFE0];
	_ =	sdelay $0x4  }
0x13a: {  	v6 =	vshll.u32 v5, $0x10  }
0x13b: {  	v5 =	vand.u32 $0xFFFF0000, v5;
	[tilespmem:s2+$0x80A0] =	vst.add.f32.msk $0xffff, v6  }
0x13c: {  	[tilespmem:s2+$0x84A0] =	vst.add.f32.msk $0xffff, v5  }
0x13d: {  	v5 =	vld [tilespmem:s30+$0xFFFFFFF0];
	_ =	sdelay $0x4  }
0x13e: {  	v6 =	vshll.u32 v5, $0x10  }
0x13f: {  	v5 =	vand.u32 $0xFFFF0000, v5;
	[tilespmem:s2+$0x80B0] =	vst.add.f32.msk $0xffff, v6  }
0x140: {  	[tilespmem:s2+$0x84B0] =	vst.add.f32.msk $0xffff, v5  }
0x141: {  	v5 =	vld [tilespmem:s30+$0x0];
	_ =	sdelay $0x4  }
0x142: {  	v6 =	vshll.u32 v5, $0x10  }
0x143: {  	v5 =	vand.u32 $0xFFFF0000, v5;
	[tilespmem:s2+$0x80C0] =	vst.add.f32.msk $0xffff, v6  }
0x144: {  	[tilespmem:s2+$0x84C0] =	vst.add.f32.msk $0xffff, v5  }
0x145: {  	v5 =	vld [tilespmem:s30+$0x10];
	_ =	sdelay $0x4  }
0x146: {  	v6 =	vshll.u32 v5, $0x10  }
0x147: {  	v5 =	vand.u32 $0xFFFF0000, v5;
	[tilespmem:s2+$0x80D0] =	vst.add.f32.msk $0xffff, v6  }
0x148: {  	[tilespmem:s2+$0x84D0] =	vst.add.f32.msk $0xffff, v5  }
0x149: {  	v5 =	vld [tilespmem:s30+$0x20];
	_ =	sdelay $0x4  }
0x14a: {  	v6 =	vshll.u32 v5, $0x10  }
0x14b: {  	s31 =	simm.s32 $0x4;
	s0 =	simm.s32 $0x60C0;
	v5 =	vand.u32 $0xFFFF0000, v5;
	[tilespmem:s2+$0x80E0] =	vst.add.f32.msk $0xffff, v6  }
.LBB2_14:
0x14c: {  	p0 =	sne.s32 s31, $0xFC  }
0x14d: {  	[tilespmem:s2+$0x84E0] =	vst.add.f32.msk $0xffff, v5;
	s30 =	sadd.s32 $0x80, s30;
	s21 =	smov.u32 s31;
	s31 =	sadd.s32 $0x4, s31  }
0x14e: {  	v5 =	vld [tilespmem:s0+$0x30];
	s0 =	smov.u32 s30;
	_ =	sdelay $0x4  }
0x14f: {  	v6 =	vshll.u32 v5, $0x10;
	v5 =	vand.u32 $0xFFFF0000, v5  }
0x150: {  	[tilespmem:s2+$0x80F0] =	vst.add.f32.msk $0xffff, v6  }
0x151: {  	s21 =	sshra.s32 s21, $0x2;
	[tilespmem:s2+$0x84F0] =	vst.add.f32.msk $0xffff, v5  }
0x152: {  	v5 =	vld.idx.msk [tilespmem:v4+s21+$0x0 ss:$0x1], $0xffff;
	_ =	sdelay $0x5  }
0x153: {  	v5 =	vnsel vm0, $0x0, v5  }
0x154: {  	(xrf0) =	vadd.scan.msk.s32 $0xffff, v5;
	_ =	sdelay $0x5  }
0x155: {  	v5, _, _ =	vpop (xrf0)  }
0x156: {  	(v2sf) =	vpush v5, $0xF;
	_ =	sdelay $0xc  }
0x157: {  	v5 =	vld [tilespmem:s30+$0xFFFFFFC0];
	_ =	sdelay $0x1  }
0x158: {  	s2 =	spop (v2sf)  }
0x159: {  	s21 =	sshll.u32 s2, $0x8;
	s2 =	sshll.u32 s2, $0x7  }
0x15a: {  	s21 =	sand.u32 $0xFFFFF800, s21;
	s2 =	sand.u32 $0x380, s2  }
0x15b: {  	v6 =	vshll.u32 v5, $0x10;
	v5 =	vand.u32 $0xFFFF0000, v5;
	s2 =	sor.u32 s2, s21  }
0x15c: {  	[tilespmem:s2+$0x8080] =	vst.add.f32.msk $0xffff, v6  }
0x15d: {  	[tilespmem:s2+$0x8480] =	vst.add.f32.msk $0xffff, v5  }
0x15e: {  	v5 =	vld [tilespmem:s30+$0xFFFFFFD0];
	_ =	sdelay $0x4  }
0x15f: {  	v6 =	vshll.u32 v5, $0x10;
	v5 =	vand.u32 $0xFFFF0000, v5  }
0x160: {  	[tilespmem:s2+$0x8090] =	vst.add.f32.msk $0xffff, v6  }
0x161: {  	[tilespmem:s2+$0x8490] =	vst.add.f32.msk $0xffff, v5  }
0x162: {  	v5 =	vld [tilespmem:s30+$0xFFFFFFE0];
	_ =	sdelay $0x4  }
0x163: {  	v6 =	vshll.u32 v5, $0x10;
	v5 =	vand.u32 $0xFFFF0000, v5  }
0x164: {  	[tilespmem:s2+$0x80A0] =	vst.add.f32.msk $0xffff, v6  }
0x165: {  	[tilespmem:s2+$0x84A0] =	vst.add.f32.msk $0xffff, v5  }
0x166: {  	v5 =	vld [tilespmem:s30+$0xFFFFFFF0];
	_ =	sdelay $0x4  }
0x167: {  	v6 =	vshll.u32 v5, $0x10;
	v5 =	vand.u32 $0xFFFF0000, v5  }
0x168: {  	[tilespmem:s2+$0x80B0] =	vst.add.f32.msk $0xffff, v6  }
0x169: {  	[tilespmem:s2+$0x84B0] =	vst.add.f32.msk $0xffff, v5  }
0x16a: {  	v5 =	vld [tilespmem:s30+$0x0];
	_ =	sdelay $0x4  }
0x16b: {  	v6 =	vshll.u32 v5, $0x10;
	v5 =	vand.u32 $0xFFFF0000, v5  }
0x16c: {  	[tilespmem:s2+$0x80C0] =	vst.add.f32.msk $0xffff, v6  }
0x16d: {  	[tilespmem:s2+$0x84C0] =	vst.add.f32.msk $0xffff, v5  }
0x16e: {  	v5 =	vld [tilespmem:s30+$0x10];
	_ =	sdelay $0x4  }
0x16f: {  	v6 =	vshll.u32 v5, $0x10;
	v5 =	vand.u32 $0xFFFF0000, v5  }
0x170: {  	[tilespmem:s2+$0x80D0] =	vst.add.f32.msk $0xffff, v6  }
0x171: {  	[tilespmem:s2+$0x84D0] =	vst.add.f32.msk $0xffff, v5  }
0x172: {  	v5 =	vld [tilespmem:s30+$0x20];
	_ =	sdelay $0x1  }
.Ltmp11:
0x173: {  	(pc) =	sbr.rel @p0 .LBB2_14-.Ltmp11, $3  }
0x174: {  	_ =	sdelay $0x1  }
0x175: {  	v6 =	vshll.u32 v5, $0x10;
	v5 =	vand.u32 $0xFFFF0000, v5  }
0x176: {  	[tilespmem:s2+$0x80E0] =	vst.add.f32.msk $0xffff, v6  }
0x177: {  	[tilespmem:s2+$0x84E0] =	vst.add.f32.msk $0xffff, v5  }
0x178: {  	v4 =	vld [tilespmem:s0+$0x30]  }
0x179: {  	s28 =	sadd.s32 $0x1, s28  }
0x17a: {  	p0 =	sne.s32 s28, s26  }
.Ltmp12:
0x17b: {  	_ = 	snop;
	(pc) =	sbr.rel @p0 .LBB2_13-.Ltmp12, $4  }
.Ltmp13:
0x17c: {  	_ = 	snop;
	(pc) =	sbr.rel @!p0 .LBB2_16-.Ltmp13, $4  }
0x17d: {  	v5 =	vshll.u32 v4, $0x10  }
0x17e: {  	v4 =	vand.u32 $0xFFFF0000, v4;
	[tilespmem:s2+$0x80F0] =	vst.add.f32.msk $0xffff, v5  }
0x17f: {  	s29 =	sadd.s32 $0x40, s29;
	[tilespmem:s2+$0x84F0] =	vst.add.f32.msk $0xffff, v4  }
0x180: {  	_ = 	snop  }
.LBB2_18:
0x181: {  	_ =	sfence.sel $0x180000  }
0x182: {  	[bflag:$0x0] =	sbarrier.arrive $0xFFFF  }
0x183: {  	_ =	strace $0x9000004A  }
0x184: {  	s0 =	stileid.u32;
	[bflag:$0x2] =	sbarrier.arrive $0xFFFF  }
0x185: {  	p0 =	sne.s32 s0, $0x0;
	s0 =	rddreg [dreg:$0x2]  }
0x186: {  	s0 =	sadd.s32 @!p0 $0x100000, s0  }
0x187: {  	[sflag:s0] =	ssyncadd.tile.s32 @!p0 $0x1;
	_ =	shalt  }
.Lfunc_end2:
_tile_overlayer_lowered:
.L_overlay_start_2:
0x188: {  	(tag) =	ssettag $0x2  }
0x189: {  	s0 =	rddreg [dreg:$0x0];
	s2 =	stileid.u32  }
0x18a: {  	s1 =	rddreg [dreg:$0x1];
	p0 =	sne.s32 s2, $0x0  }
0x18b: {  	s3 =	rddreg [dreg:$0x2];
	[bflag:$0x3] =	sbarrier.arrive $0xFFFF;
	s2 =	simm.s32 @!p0 $0x1C06  }
0x18c: {  	[timem:s3], [sflag:s2] =	dma.local @!p0 [hbm:s0], s1  }
0x18d: {  	s0 =	simm.s32 @!p0 $0x6  }
0x18e: {  	_ =	swait.ge @!p0 [sflag:s0], s1  }
0x18f: {  	s1 =	ssub.s32 @!p0 $0x0, s1;
	[sflag:s0] =	ssyncset.done @!p0 $0x0  }
0x190: {  	[sflag:s0] =	ssyncadd.s32 @!p0 s1  }
0x191: {  	[bflag:$0x3] =	sbarrier.arrive $0xFFFF  }
0x192: {  	_ =	shalt  }

// kernel: kernel.14.cloned.1.call-start
scs
__scs_entry_jumppad:
0x0: {  	(pc) =	sbr.rel $0x88, $3  }
0x1: {  	(tag) =	ssettag $0x0;
	lr =	simm.s32 $0x1  }
0x2: {  	[smem:$0x3F9B] =	sst lr;
	_ =	strace $0xD0000000  }
0x3: {  	_ = 	snop  }
0x4: {  	_ = 	snop  }
0x5: {  	_ = 	snop  }
0x6: {  	_ = 	snop  }
0x7: {  	_ = 	snop  }
__scs_overlays_trampoline_lowered:
0x8: {  	[smem:$0x3FAA] =	sst s0  }
0x9: {  	[smem:$0x3FAB] =	sst s1  }
0xa: {  	[smem:$0x3FAC] =	sst s2  }
0xb: {  	[smem:$0x3FAD] =	sst s3  }
0xc: {  	[smem:$0x3FAE] =	sst s4  }
0xd: {  	[smem:$0x3FAF] =	sst s5  }
0xe: {  	[smem:$0x3FB0] =	sst s6  }
0xf: {  	[smem:$0x3FB1] =	sst s7  }
0x10: {  	[smem:$0x3FB2] =	sst s8  }
0x11: {  	[smem:$0x3FB3] =	sst s9;
	s0 =	simm.s32 @!p0 $0x0  }
0x12: {  	s1 =	sld [smem:$0x3F99];
	s0 =	simm.s32 @p0 $0x1  }
0x13: {  	[smem:$0x3FB4] =	sst s0;
	s0 =	simm.s32 @!p1 $0x0  }
0x14: {  	s2 =	sld [smem:$0x3F98];
	s0 =	simm.s32 @p1 $0x1  }
0x15: {  	[smem:$0x3FB5] =	sst s0;
	s0 =	simm.s32 @!p2 $0x0  }
0x16: {  	s3 =	sld [smem:$0x3FDB];
	s0 =	simm.s32 @p2 $0x1  }
0x17: {  	s4 =	simm.s32 $0x1BF5;
	[smem:$0x3FB7] =	sst s0  }
0x18: {  	s0 =	sld [smem:$0x3F9A];
	_ =	swait.ge [sflag:s4], $0x0  }
0x19: {  	s7 =	sld [smem:$0x3F9B]  }
0x1a: {  	s8 =	sadd.s32 $0xFFFFE003, lr  }
0x1b: {  	s9 =	sadd.s32 $0xFFFFFEF7, lr;
	s5 =	simm.s32 $0xFFFFFFFF;
	p2 =	slt.u32 s8, $0xFFFFF086  }
0x1c: {  	p1 =	slt.u32 s9, $0xF7A;
	s5 =	simm.s32 @!p2 $0x0  }
0x1d: {  	s5 =	simm.s32 @p1 $0x1;
	p0 =	seq.s32 s7, s2  }
0x1e: {  	s7 =	smul.u32 @!p0 $0xF7A, s2;
	p2 =	seq.s32 @!p0 s5, $0x0  }
0x1f: {  	s9 =	smul.u32 $0xF7A, s1;
	s8 =	simm.s32 @!p0 $0x1BF5;
	p2 =	por !p2, p0  }
0x20: {  	[sflag:s8] =	ssyncset.s32 @!p0 $0xFFFFF086;
	s6 =	sadd.s32 @!p0 s3, s7;
	s7 =	simm.s32 @!p0 $0x108  }
0x21: {  	s3 =	sadd.s32 s3, s9;
	s6 =	sadd.s32 @!p0 $0x88, s6;
	s7 =	simm.s32 @p2 $0x1082  }
0x22: {  	[simem:s7], [sflag:s8] =	dma.local @!p0 [hbm:s6], $0xF7A  }
0x23: {  	s9 =	sor.u32 $0xD0000000, s2;
	s6 =	simm.s32 $0x108;
	_ =	swait.ge @!p0 [sflag:s8], $0x0  }
0x24: {  	s3 =	sadd.s32 $0x88, s3;
	s6 =	simm.s32 @!p1 $0x1082;
	[sflag:s4] =	ssyncset.s32 $0xFFFFF086  }
0x25: {  	[simem:s6], [sflag:s4] =	dma.local [hbm:s3], $0xF7A  }
0x26: {  	[smem:$0x3F9B] =	sst s1;
	(tag) =	ssettag s2;
	_ =	strace s9  }
0x27: {  	s1 =	sld [smem:$0x3FAB]  }
0x28: {  	s2 =	sld [smem:$0x3FAC]  }
0x29: {  	s4 =	sld [smem:$0x3FAE]  }
0x2a: {  	p0 =	seq.s32 s5, $0x0;
	s5 =	sld [smem:$0x3FAF]  }
0x2b: {  	s6 =	sld [smem:$0x3FB0]  }
0x2c: {  	s7 =	sld [smem:$0x3FB1]  }
0x2d: {  	s3 =	simm.s32 $0x108;
	s8 =	sld [smem:$0x3FB2]  }
0x2e: {  	s3 =	simm.s32 @!p0 $0x1082;
	s9 =	sld [smem:$0x3FB3]  }
0x2f: {  	lr =	sadd.s32 s0, s3;
	s0 =	sld [smem:$0x3FAA]  }
0x30: {  	s3 =	sld [smem:$0x3FAD]  }
0x31: {  	[smem:$0x3FB6] =	sst s10  }
0x32: {  	s10 =	sld [smem:$0x3FB4];
	_ =	sdelay $0x3  }
0x33: {  	p0 =	seq.s32 s10, $0x1;
	s10 =	sld [smem:$0x3FB6];
	_ =	sdelay $0x3  }
0x34: {  	[smem:$0x3FB6] =	sst s10  }
0x35: {  	s10 =	sld [smem:$0x3FB5];
	_ =	sdelay $0x3  }
0x36: {  	p1 =	seq.s32 s10, $0x1;
	s10 =	sld [smem:$0x3FB6];
	_ =	sdelay $0x3  }
0x37: {  	[smem:$0x3FB6] =	sst s10  }
0x38: {  	s10 =	sld [smem:$0x3FB7]  }
0x39: {  	_ = 	snop;
	(pc) =	sbr.ind lr, $3  }
0x3a: {  	_ = 	snop  }
0x3b: {  	_ = 	snop  }
0x3c: {  	p2 =	seq.s32 s10, $0x1;
	s10 =	sld [smem:$0x3FB6]  }
0x3d: {  	_ =	shalt  }
0x3e: {  	_ =	shalt  }
0x3f: {  	_ =	shalt  }
0x40: {  	_ =	shalt  }
0x41: {  	_ =	shalt  }
0x42: {  	_ =	shalt  }
0x43: {  	_ =	shalt  }
0x44: {  	_ =	shalt  }
0x45: {  	_ =	shalt  }
0x46: {  	_ =	shalt  }
0x47: {  	_ =	shalt  }
0x48: {  	_ =	shalt  }
0x49: {  	_ =	shalt  }
0x4a: {  	_ =	shalt  }
0x4b: {  	_ =	shalt  }
0x4c: {  	_ =	shalt  }
0x4d: {  	_ =	shalt  }
0x4e: {  	_ =	shalt  }
0x4f: {  	_ =	shalt  }
0x50: {  	_ =	shalt  }
0x51: {  	_ =	shalt  }
0x52: {  	_ =	shalt  }
0x53: {  	_ =	shalt  }
0x54: {  	_ =	shalt  }
0x55: {  	_ =	shalt  }
0x56: {  	_ =	shalt  }
0x57: {  	_ =	shalt  }
0x58: {  	_ =	shalt  }
0x59: {  	_ =	shalt  }
0x5a: {  	_ =	shalt  }
0x5b: {  	_ =	shalt  }
0x5c: {  	_ =	shalt  }
0x5d: {  	_ =	shalt  }
0x5e: {  	_ =	shalt  }
0x5f: {  	_ =	shalt  }
0x60: {  	_ =	shalt  }
0x61: {  	_ =	shalt  }
0x62: {  	_ =	shalt  }
0x63: {  	_ =	shalt  }
0x64: {  	_ =	shalt  }
0x65: {  	_ =	shalt  }
0x66: {  	_ =	shalt  }
0x67: {  	_ =	shalt  }
0x68: {  	_ =	shalt  }
0x69: {  	_ =	shalt  }
0x6a: {  	_ =	shalt  }
0x6b: {  	_ =	shalt  }
0x6c: {  	_ =	shalt  }
0x6d: {  	_ =	shalt  }
0x6e: {  	_ =	shalt  }
0x6f: {  	_ =	shalt  }
0x70: {  	_ =	shalt  }
0x71: {  	_ =	shalt  }
0x72: {  	_ =	shalt  }
0x73: {  	_ =	shalt  }
0x74: {  	_ =	shalt  }
0x75: {  	_ =	shalt  }
0x76: {  	_ =	shalt  }
0x77: {  	_ =	shalt  }
0x78: {  	_ =	shalt  }
0x79: {  	_ =	shalt  }
0x7a: {  	_ =	shalt  }
0x7b: {  	_ =	shalt  }
0x7c: {  	_ =	shalt  }
0x7d: {  	_ =	shalt  }
0x7e: {  	_ =	shalt  }
0x7f: {  	_ =	shalt  }
0x80: {  	_ =	shalt  }
0x81: {  	_ =	shalt  }
0x82: {  	_ =	shalt  }
0x83: {  	_ =	shalt  }
0x84: {  	_ =	shalt  }
0x85: {  	_ =	shalt  }
0x86: {  	_ =	shalt  }
0x87: {  	_ =	shalt  }
.Lfunc_end0:
.L_simem_size_0:
called_computation.2_lowered:
.L_overlay_start_0:
0x88: {  	s2 =	sld [smem:$0x3FD9]  }
0x89: {  	s3 =	sld [smem:$0x3FFE];
	_ =	sdelay $0x1  }
0x8a: {  	s1 =	srdreg.scid  }
0x8b: {  	s0 =	sand.u32 $0x1, s1  }
0x8c: {  	s17 =	sshll.u32 s0, $0xA;
	s2 =	sadd.s32 s3, s2  }
0x8d: {  	s2 =	sadd.s32 s2, s17  }
0x8e: {  	[smem:$0x3FC2] =	sst s2  }
0x8f: {  	_ = 	snop  }
0x90: {  	s2 =	sld [smem:$0x3FD0];
	(tm) =	ssettm $0x1  }
0x91: {  	s18 =	sld [smem:$0x3FFB];
	_ =	sdelay $0x3  }
0x92: {  	_ =	strace s18  }
0x93: {  	s3 =	sld [smem:$0x3FFC];
	_ =	sdelay $0x3  }
0x94: {  	_ =	strace s3  }
0x95: {  	s3 =	sld [smem:$0x3FFD];
	_ =	sdelay $0x3  }
0x96: {  	_ =	strace s3  }
0x97: {  	_ =	strace $0x8FFFFFFF  }
0x98: {  	s19 =	sld [smem:$0x3FDB];
	_ =	sdelay $0x1  }
0x99: {  	s4 =	simm.s32 $_scs_section_size  }
0x9a: {  	s5 =	simm.s32 $_size__tile_overlayer_lowered;
	s6 =	simm.s32 $_tile_overlayer_lowered  }
0x9b: {  	s22 =	simm.s32 $0x1BFF;
	s21 =	sshll.u32 s6, $0x1;
	s3 =	sadd.s32 s4, s19  }
0x9c: {  	s7 =	simm.s32 $0x0;
	s20 =	sshll.u32 s5, $0x1;
	s5 =	sadd.s32 s21, s3  }
0x9d: {  	[timem:s7], [sflag:s22] =	dma.local [hbm:s5], s20  }
0x9e: {  	_ =	swait.ge [sflag:s22], s20  }
0x9f: {  	s4 =	ssub.s32 $0x0, s20;
	[sflag:s22] =	ssyncset.done $0x0  }
0xa0: {  	[sflag:s22] =	ssyncadd.s32 s4;
	_ =	sdelay $0x1  }
0xa1: {  	s23 =	simm.s32 $0x1B8B  }
0xa2: {  	_ =	swait.ge [sflag:s23], $0x1  }
0xa3: {  	[sflag:s23] =	ssyncset.done $0x0  }
0xa4: {  	s25 =	simm.s32 $0x1B8E;
	s24 =	sld [smem:$0x3FFE];
	[sflag:s23] =	ssyncadd.s32 $0xFFFFFFFF  }
0xa5: {  	s26 =	simm.s32 $execute0_lowered;
	[smem:$0x3FD2] =	sst s25  }
0xa6: {  	s5 =	sshll.u32 s26, $0x1;
	_ =	strace $0x8000004C;
	[dreg:$0x1] =	wrdreg $0xFFFFFFFF  }
0xa7: {  	s28 =	simm.s32 $_size_execute0_lowered;
	s3 =	sadd.s32 s3, s5;
	[dreg:$0x0] =	wrdreg $0x0  }
0xa8: {  	s5 =	sshll.u32 s28, $0x1;
	[dreg:$0x2] =	wrdreg s3  }
0xa9: {  	[dreg:$0x3] =	wrdreg s5  }
0xaa: {  	[dreg:$0x4] =	wrdreg $0xC0  }
0xab: {  	_ =	task [dreg:s7], $0x5FFFF  }
0xac: {  	[dreg:$0x1] =	wrdreg $0xFFFFFFFF  }
0xad: {  	[dreg:$0x0] =	wrdreg $0x60  }
0xae: {  	[dreg:$0x2] =	wrdreg s24  }
0xaf: {  	[dreg:$0x3] =	wrdreg s2  }
0xb0: {  	[dreg:$0x4] =	wrdreg $0x9  }
0xb1: {  	_ =	task.clear_ibuf [dreg:s7], $0x5FFFF;
	_ =	strace $0x9000004C  }
0xb2: {  	s29 =	simm.s32 $0x9;
	_ =	strace $0x8000004E  }
0xb3: {  	_ =	swait.ge [sflag:s29], $0x1  }
0xb4: {  	[sflag:s29] =	ssyncadd.s32 $0xFFFFFFFF  }
0xb5: {  	_ =	strace $0x9000004E  }
0xb6: {  	_ =	sfence  }
0xb7: {  	s30 =	sld [smem:$0x0];
	_ =	sdelay $0x2  }
0xb8: {  	s31 =	sshll.u32 s1, $0xD;
	s1 =	sshrl.u32 s1, $0x2  }
0xb9: {  	s3 =	sand.u32 $0x4000, s31;
	s1 =	sadd.s32 s1, s30  }
0xba: {  	s0 =	sor.u32 s3, s0;
	s1 =	sshll.u32 s1, $0x11  }
0xbb: {  	s0 =	sor.u32 s1, s0  }
0xbc: {  	s0 =	sadd.s32 $0x8F2B, s0  }
0xbd: {  	[sflag:s0] =	ssyncadd.remote.s32 $0x1  }
0xbe: {  	_ =	sfence.sel $0xFFFF  }
0xbf: {  	[dreg:$0x0] =	wrdreg $0xFFFFFFFF;
	(pc) =	sbr.abs _section_cstart, $3  }
0xc0: {  	[dreg:$0x1] =	wrdreg $0xFFFFFFFF  }
0xc1: {  	_ =	task.clear_ibuf [dreg:s7], $0x2FFFF;
	_ =	strace $0x9FFFFFFF  }
0xc2: {  	(tm) =	ssettm $0x7FFFFFFF  }
0xc3: {  	_ =	shalt  }
tec
execute0_lowered:
.L_overlay_start_1:
0x0: {  	(tag) =	ssettag $0x1  }
0x1: {  	s0 =	rddreg [dreg:$0x0]  }
0x2: {  	s1 =	rddreg [dreg:$0x1];
	s2 =	srdreg.scid  }
0x3: {  	s3 =	simm.s32 $0x0;
	s5 =	stileid.u32;
	s9 =	simm.s32 $0x2000  }
0x4: {  	s10 =	simm.s32 $0x3000;
	s11 =	simm.s32 $0x1;
	s12 =	simm.s32 $0x2  }
0x5: {  	s13 =	simm.s32 $0x4000;
	s14 =	simm.s32 $0x5000;
	s15 =	simm.s32 $0x40  }
0x6: {  	s16 =	simm.s32 $0x6000;
	s17 =	simm.s32 $0x6080;
	s19 =	simm.s32 $0x3  }
0x7: {  	s20 =	simm.s32 $0x4;
	s22 =	simm.s32 $0x6;
	s2 =	sand.u32 $0x1, s2  }
0x8: {  	s23 =	simm.s32 $0x0;
	[smem:$0x7FF] =	sst s3;
	s4 =	sshll.u32 s2, $0x4  }
.Ltmp0:
0x9: {  	_ =	strace $0x8000004D;
	s6 =	sor.u32 s5, s4;
	(pc) =	sbr.rel .LBB2_1-.Ltmp0, $4  }
0xa: {  	s2 =	ssub.s32 $0x2, s2;
	s4 =	sadd.s32 $0x6800, s0;
	s7 =	smul.u32 $0x2800, s6  }
0xb: {  	s5 =	sadd.s32 $0x1800, s0;
	s8 =	sshrl.u32 s2, $0x1;
	s18 =	smul.u32 $0x140, s6  }
0xc: {  	v1 =	vimm.f32 $0.0e+00;
	v2 =	vimm.s32 $0x0;
	s2 =	ssub.s32 s2, s8;
	s8 =	simm.s32 $0x1000;
	s0 =	sadd.s32 s7, s0  }
0xd: {  	v3 =	vimm.s32 $0x140;
	vm0 =	vmmov $0x1;
	s7 =	smax.u32 s2, $0x1;
	v0 =	vmov s18;
	s18 =	simm.s32 $0x5;
	s6 =	sadd.s32 $0x59A00, s0  }
.LBB2_17:
0xe: {  	_ =	swait.ge [sflag:s11], $0xFA0  }
0xf: {  	[sflag:s11] =	ssyncset.done $0x0  }
0x10: {  	[sflag:s11] =	ssyncadd.s32 $0xFFFFF060  }
0x11: {  	s23 =	sadd.s32 $0x1, s23;
	_ =	swait.ge [sflag:s12], $0xFA0  }
0x12: {  	p0 =	sne.s32 s23, s7;
	[sflag:s12] =	ssyncset.done $0x0  }
.Ltmp1:
0x13: {  	s0 =	simm.s32 $0x8080;
	[sflag:s12] =	ssyncadd.s32 $0xFFFFF060;
	(pc) =	sbr.rel @!p0 .LBB2_18-.Ltmp1, $4  }
0x14: {  	[hbm4b:s6+s3] =	stream.linear.scatter [tilespmem:s0], [sflag:$0x6], $0x14000, $0x38;
	[tilespmem:$0x1C880] =	vst v63  }
0x15: {  	_ =	swait.ge [sflag:s22], $0x14000  }
0x16: {  	[sflag:s22] =	ssyncset.done $0x0  }
0x17: {  	[sflag:s22] =	ssyncadd.s32 $0xFFFEC000  }
.LBB2_1:
0x18: {  	s0 =	simm.s32 $0x0  }
0x19: {  	s2 =	sand.u32 $0x400, s3;
	s24 =	simm.s32 $0x0;
	s0 =	sand.u32 $0x1F800, s0  }
0x1a: {  	s24 =	sand.u32 $0x380, s24;
	s0 =	sor.u32 s2, s0  }
0x1b: {  	s31 =	sand.u32 $0x70, s3;
	s0 =	sor.u32 s24, s0  }
0x1c: {  	s2 =	sor.u32 s31, s0  }
0x1d: {  	s24 =	simm.s32 $0x0;
	s0 =	simm.s32 $0x1;
	[tilespmem:s2+$0x8080] =	vst v1;
	s2 =	simm.s32 $0x80  }
.LBB2_2:
0x1e: {  	s25 =	sshll.u32 s0, $0x4;
	p0 =	sne.s32 s0, $0x140F  }
0x1f: {  	s26 =	smov.u32 s0;
	s0 =	sadd.s32 $0x1, s0;
	s28 =	sand.u32 $0x400, s2  }
.Ltmp2:
0x20: {  	s25 =	sand.u32 $0x1F800, s25;
	s26 =	sshll.u32 s26, $0x3;
	(pc) =	sbr.rel @p0 .LBB2_2-.Ltmp2, $4  }
0x21: {  	s24 =	sadd.s32 $0x10, s24;
	s26 =	sand.u32 $0x380, s26;
	s25 =	sor.u32 s28, s25  }
0x22: {  	s28 =	sand.u32 $0x70, s24;
	s25 =	sor.u32 s26, s25  }
0x23: {  	s25 =	sor.u32 s28, s25  }
0x24: {  	s2 =	sadd.s32 $0x80, s2;
	[tilespmem:s25+$0x8080] =	vst v1  }
.Ltmp3:
0x25: {  	(pc) =	sbr.rel .LBB2_4-.Ltmp3, $4  }
0x26: {  	s24 =	simm.s32 $0x0  }
0x27: {  	[tilespmem:s24], [sflag:$0x1] =	stream.linear.gather [hbm4b:s4+s24], $0xFA0, $0x38;
	[tilespmem:$0x1C880] =	vst v63  }
0x28: {  	s25 =	simm.s32 $0x0  }
0x29: {  	[tilespmem:s8], [sflag:$0x2] =	stream.linear.gather [hbm4b:s5+s24], $0xFA0, $0x38;
	[tilespmem:$0x1C880] =	vst v63  }
.LBB2_16:
0x2a: {  	s25 =	sadd.s32 $0x1, s25  }
0x2b: {  	p0 =	sne.s32 s25, $0x14  }
.Ltmp4:
0x2c: {  	_ = 	snop;
	(pc) =	sbr.rel @!p0 .LBB2_17-.Ltmp4, $1  }
0x2d: {  	_ =	sdelay $0x3  }
.LBB2_4:
0x2e: {  	s0 =	smul.u32 $0x1F40, s25;
	_ =	sdelay $0x1  }
0x2f: {  	s0 =	sshrl.u32 s0, $0x3  }
0x30: {  	s0 =	sadd.s32 $0x1F4, s0  }
0x31: {  	s2 =	sadd.s32 s4, s0  }
0x32: {  	[tilespmem:s9], [sflag:$0x3] =	stream.linear.gather [hbm4b:s2+s24], $0xFA0, $0x38;
	[tilespmem:$0x1C880] =	vst v63  }
0x33: {  	s0 =	sadd.s32 s5, s0  }
0x34: {  	[tilespmem:s10], [sflag:$0x4] =	stream.linear.gather [hbm4b:s0+s24], $0xFA0, $0x38;
	[tilespmem:$0x1C880] =	vst v63  }
0x35: {  	_ =	swait.ge [sflag:s11], $0xFA0  }
0x36: {  	[sflag:s11] =	ssyncset.done $0x0  }
0x37: {  	[sflag:s11] =	ssyncadd.s32 $0xFFFFF060  }
0x38: {  	_ =	swait.ge [sflag:s12], $0xFA0  }
0x39: {  	[sflag:s12] =	ssyncset.done $0x0  }
0x3a: {  	s31 =	simm.s32 $0x0;
	[sflag:s12] =	ssyncadd.s32 $0xFFFFF060  }
0x3b: {  	v4 =	vld [tilespmem:s31+$0x1000];
	_ =	sdelay $0x4  }
0x3c: {  	v4 =	vsub.s32 v4, v0  }
0x3d: {  	vm1 =	vlt.u32 v4, $0x140  }
0x3e: {  	v5 =	vsel vm1, $0x1, v2  }
0x3f: {  	(xrf0) =	vadd.scan.msk.s32 $0xffff, v5;
	_ =	sdelay $0x2  }
0x40: {  	v5 =	vmov s24  }
0x41: {  	v5 =	vadd.s32 $0xFFFFFFFF, v5  }
0x42: {  	v5 =	vbroadcast v5, $0x0  }
0x43: {  	v6, _, _ =	vpop (xrf0)  }
0x44: {  	v7 =	vld [tilespmem:s31+$0x0];
	v5 =	vadd.s32 v6, v5;
	(v2sf) =	vpush v6, $0xF;
	_ =	sdelay $0x4  }
0x45: {  	[tilespmem:v5+s13+$0x0] =	vst.idx.msk vm1, v7  }
0x46: {  	s26 =	simm.s32 $0x80;
	s2 =	simm.s32 $0x10;
	s0 =	simm.s32 $0x0;
	[tilespmem:v5+s14+$0x0] =	vst.idx.msk vm1, v4  }
.LBB2_5:
0x47: {  	p0 =	sne.s32 s26, $0x3E40;
	v4 =	vld [tilespmem:s2+$0x1000];
	_ =	sdelay $0x4  }
0x48: {  	v4 =	vsub.s32 v4, v0  }
0x49: {  	vm1 =	vlt.u32 v4, $0x140  }
0x4a: {  	v5 =	vsel vm1, $0x1, v2  }
0x4b: {  	(xrf0) =	vadd.scan.msk.s32 $0xffff, v5;
	s28 =	spop (v2sf)  }
0x4c: {  	s0 =	sadd.s32 s0, s28  }
0x4d: {  	v5 =	vmov s0  }
0x4e: {  	v5 =	vadd.s32 $0xFFFFFFFF, v5  }
0x4f: {  	v5 =	vbroadcast v5, $0x0;
	_ =	sdelay $0x1  }
0x50: {  	v6, _, _ =	vpop (xrf0)  }
0x51: {  	v7 =	vld [tilespmem:s2+$0x0];
	v5 =	vadd.s32 v6, v5;
	(v2sf) =	vpush v6, $0xF;
	_ =	sdelay $0x1  }
.Ltmp5:
0x52: {  	(pc) =	sbr.rel @p0 .LBB2_5-.Ltmp5, $3  }
0x53: {  	_ =	sdelay $0x1  }
0x54: {  	[tilespmem:v5+s13+$0x0] =	vst.idx.msk vm1, v7  }
0x55: {  	s2 =	sshra.s32 s26, $0x2;
	s26 =	sadd.s32 $0x40, s26;
	[tilespmem:v5+s14+$0x0] =	vst.idx.msk vm1, v4  }
0x56: {  	v4 =	vld [tilespmem:s2+$0x1000];
	_ =	sdelay $0x4  }
0x57: {  	v4 =	vsub.s32 v4, v0  }
0x58: {  	vm1 =	vlt.u32 v4, $0x140  }
0x59: {  	v5 =	vsel vm1, $0x1, v2  }
0x5a: {  	(xrf0) =	vadd.scan.msk.s32 $0xffff, v5;
	_ =	sdelay $0x5  }
0x5b: {  	v5, _, _ =	vpop (xrf0)  }
0x5c: {  	(v2sf) =	vpush v5, $0xF;
	_ =	sdelay $0x8  }
0x5d: {  	s26 =	spop (v2sf)  }
0x5e: {  	s0 =	sadd.s32 s0, s26  }
0x5f: {  	v6 =	vmov s0  }
0x60: {  	v6 =	vadd.s32 $0xFFFFFFFF, v6  }
0x61: {  	v6 =	vbroadcast v6, $0x0;
	_ =	sdelay $0x1  }
0x62: {  	v7 =	vld [tilespmem:s2+$0x0];
	v5 =	vadd.s32 v5, v6;
	s26 =	spop (v2sf)  }
0x63: {  	s0 =	sadd.s32 s0, s26  }
0x64: {  	s2 =	sadd.s32 $0x3F, s0  }
0x65: {  	s30 =	sand.u32 $0x3F, s2  }
0x66: {  	s31 =	sshra.s32 s2, $0x1F;
	p1 =	slt.s32 s2, $0x1;
	p0 =	sne.s32 s30, $0x0  }
0x67: {  	[tilespmem:v5+s13+$0x0] =	vst.idx.msk vm1, v7;
	s26 =	sshrl.u32 s31, $0x1A;
	p0 =	por !p1, !p0  }
0x68: {  	[tilespmem:v5+s14+$0x0] =	vst.idx.msk vm1, v4;
	s2 =	sadd.s32 s26, s2;
	s26 =	simm.s32 $0x1;
	p0 =	por !p0, !p0  }
0x69: {  	[tilespmem:s0+$0x4000] =	vst v2;
	s2 =	sshra.s32 s2, $0x6;
	s26 =	simm.s32 @!p0 $0x0  }
0x6a: {  	[tilespmem:s0+$0x5000] =	vst v3;
	s26 =	ssub.s32 s2, s26  }
0x6b: {  	[tilespmem:s0+$0x4010] =	vst v2;
	p0 =	slt.s32 s26, $0x1  }
.Ltmp6:
0x6c: {  	[tilespmem:s0+$0x5010] =	vst v3;
	(pc) =	sbr.rel @p0 .LBB2_10-.Ltmp6, $4  }
0x6d: {  	[tilespmem:s0+$0x4020] =	vst v2  }
0x6e: {  	[tilespmem:s0+$0x5020] =	vst v3  }
0x6f: {  	[tilespmem:s0+$0x4030] =	vst v2  }
0x70: {  	s28 =	simm.s32 $0x0;
	s29 =	simm.s32 $0x5000;
	[tilespmem:s0+$0x5030] =	vst v3  }
.LBB2_7:
0x71: {  	s0 =	sshll.u32 s28, $0x6  }
0x72: {  	v4 =	vld [tilespmem:s0+$0x4000];
	_ =	sdelay $0x4  }
0x73: {  	[tilespmem:$0x6000] =	vst v4  }
0x74: {  	v4 =	vld [tilespmem:s0+$0x4010];
	_ =	sdelay $0x4  }
0x75: {  	[tilespmem:$0x6010] =	vst v4  }
0x76: {  	v4 =	vld [tilespmem:s0+$0x4020];
	_ =	sdelay $0x4  }
0x77: {  	[tilespmem:$0x6020] =	vst v4  }
0x78: {  	v4 =	vld [tilespmem:s0+$0x4030];
	_ =	sdelay $0x4  }
0x79: {  	[tilespmem:$0x6030] =	vst v4;
	v4 =	vmov s29  }
0x7a: {  	[tilespmem:s17], [sflag:$0x5] =	stream.indirect.gather [hbm4b:s1+s15], $0x80, s16, s15, $0xb8;
	[tilespmem:$0x1C880] =	vst v63  }
0x7b: {  	_ =	swait.ge [sflag:s18], $0x2000  }
0x7c: {  	[sflag:s18] =	ssyncset.done $0x0  }
0x7d: {  	s2 =	simm.s32 $0x0;
	[sflag:s18] =	ssyncadd.s32 $0xFFFFE000  }
0x7e: {  	v5 =	vld.idx.msk [tilespmem:v4+s2+$0x0 ss:$0x1], $0xffff;
	_ =	sdelay $0x4  }
0x7f: {  	v5 =	vnsel vm0, $0x0, v5  }
0x80: {  	(xrf0) =	vadd.scan.msk.s32 $0xffff, v5;
	_ =	sdelay $0x5  }
0x81: {  	v5, _, _ =	vpop (xrf0)  }
0x82: {  	(v2sf) =	vpush v5, $0xF;
	_ =	sdelay $0xb  }
0x83: {  	s30 =	simm.s32 $0x60C0  }
0x84: {  	v5 =	vld [tilespmem:s30+$0xFFFFFFC0];
	_ =	sdelay $0x1  }
0x85: {  	s21 =	spop (v2sf)  }
0x86: {  	s2 =	sshll.u32 s21, $0x8;
	s0 =	sshll.u32 s21, $0x7  }
0x87: {  	s2 =	sand.u32 $0xFFFFF800, s2;
	s0 =	sand.u32 $0x380, s0  }
0x88: {  	v6 =	vshll.u32 v5, $0x10;
	s2 =	sor.u32 s0, s2  }
0x89: {  	v5 =	vand.u32 $0xFFFF0000, v5;
	[tilespmem:s2+$0x8080] =	vst.add.f32.msk $0xffff, v6  }
0x8a: {  	[tilespmem:s2+$0x8480] =	vst.add.f32.msk $0xffff, v5  }
0x8b: {  	v5 =	vld [tilespmem:s30+$0xFFFFFFD0];
	_ =	sdelay $0x4  }
0x8c: {  	v6 =	vshll.u32 v5, $0x10  }
0x8d: {  	v5 =	vand.u32 $0xFFFF0000, v5;
	[tilespmem:s2+$0x8090] =	vst.add.f32.msk $0xffff, v6  }
0x8e: {  	[tilespmem:s2+$0x8490] =	vst.add.f32.msk $0xffff, v5  }
0x8f: {  	v5 =	vld [tilespmem:s30+$0xFFFFFFE0];
	_ =	sdelay $0x4  }
0x90: {  	v6 =	vshll.u32 v5, $0x10  }
0x91: {  	v5 =	vand.u32 $0xFFFF0000, v5;
	[tilespmem:s2+$0x80A0] =	vst.add.f32.msk $0xffff, v6  }
0x92: {  	[tilespmem:s2+$0x84A0] =	vst.add.f32.msk $0xffff, v5  }
0x93: {  	v5 =	vld [tilespmem:s30+$0xFFFFFFF0];
	_ =	sdelay $0x4  }
0x94: {  	v6 =	vshll.u32 v5, $0x10  }
0x95: {  	v5 =	vand.u32 $0xFFFF0000, v5;
	[tilespmem:s2+$0x80B0] =	vst.add.f32.msk $0xffff, v6  }
0x96: {  	[tilespmem:s2+$0x84B0] =	vst.add.f32.msk $0xffff, v5  }
0x97: {  	v5 =	vld [tilespmem:s30+$0x0];
	_ =	sdelay $0x4  }
0x98: {  	v6 =	vshll.u32 v5, $0x10  }
0x99: {  	v5 =	vand.u32 $0xFFFF0000, v5;
	[tilespmem:s2+$0x80C0] =	vst.add.f32.msk $0xffff, v6  }
0x9a: {  	[tilespmem:s2+$0x84C0] =	vst.add.f32.msk $0xffff, v5  }
0x9b: {  	v5 =	vld [tilespmem:s30+$0x10];
	_ =	sdelay $0x4  }
0x9c: {  	v6 =	vshll.u32 v5, $0x10  }
0x9d: {  	v5 =	vand.u32 $0xFFFF0000, v5;
	[tilespmem:s2+$0x80D0] =	vst.add.f32.msk $0xffff, v6  }
0x9e: {  	[tilespmem:s2+$0x84D0] =	vst.add.f32.msk $0xffff, v5  }
0x9f: {  	v5 =	vld [tilespmem:s30+$0x20];
	_ =	sdelay $0x4  }
0xa0: {  	v6 =	vshll.u32 v5, $0x10  }
0xa1: {  	s31 =	simm.s32 $0x4;
	s0 =	simm.s32 $0x60C0;
	v5 =	vand.u32 $0xFFFF0000, v5;
	[tilespmem:s2+$0x80E0] =	vst.add.f32.msk $0xffff, v6  }
.LBB2_8:
0xa2: {  	p0 =	sne.s32 s31, $0xFC  }
0xa3: {  	[tilespmem:s2+$0x84E0] =	vst.add.f32.msk $0xffff, v5;
	s30 =	sadd.s32 $0x80, s30;
	s21 =	smov.u32 s31;
	s31 =	sadd.s32 $0x4, s31  }
0xa4: {  	v5 =	vld [tilespmem:s0+$0x30];
	s0 =	smov.u32 s30;
	_ =	sdelay $0x4  }
0xa5: {  	v6 =	vshll.u32 v5, $0x10;
	v5 =	vand.u32 $0xFFFF0000, v5  }
0xa6: {  	[tilespmem:s2+$0x80F0] =	vst.add.f32.msk $0xffff, v6  }
0xa7: {  	s21 =	sshra.s32 s21, $0x2;
	[tilespmem:s2+$0x84F0] =	vst.add.f32.msk $0xffff, v5  }
0xa8: {  	v5 =	vld.idx.msk [tilespmem:v4+s21+$0x0 ss:$0x1], $0xffff;
	_ =	sdelay $0x5  }
0xa9: {  	v5 =	vnsel vm0, $0x0, v5  }
0xaa: {  	(xrf0) =	vadd.scan.msk.s32 $0xffff, v5;
	_ =	sdelay $0x5  }
0xab: {  	v5, _, _ =	vpop (xrf0)  }
0xac: {  	(v2sf) =	vpush v5, $0xF;
	_ =	sdelay $0xc  }
0xad: {  	v5 =	vld [tilespmem:s30+$0xFFFFFFC0];
	_ =	sdelay $0x1  }
0xae: {  	s2 =	spop (v2sf)  }
0xaf: {  	s21 =	sshll.u32 s2, $0x8;
	s2 =	sshll.u32 s2, $0x7  }
0xb0: {  	s21 =	sand.u32 $0xFFFFF800, s21;
	s2 =	sand.u32 $0x380, s2  }
0xb1: {  	v6 =	vshll.u32 v5, $0x10;
	v5 =	vand.u32 $0xFFFF0000, v5;
	s2 =	sor.u32 s2, s21  }
0xb2: {  	[tilespmem:s2+$0x8080] =	vst.add.f32.msk $0xffff, v6  }
0xb3: {  	[tilespmem:s2+$0x8480] =	vst.add.f32.msk $0xffff, v5  }
0xb4: {  	v5 =	vld [tilespmem:s30+$0xFFFFFFD0];
	_ =	sdelay $0x4  }
0xb5: {  	v6 =	vshll.u32 v5, $0x10;
	v5 =	vand.u32 $0xFFFF0000, v5  }
0xb6: {  	[tilespmem:s2+$0x8090] =	vst.add.f32.msk $0xffff, v6  }
0xb7: {  	[tilespmem:s2+$0x8490] =	vst.add.f32.msk $0xffff, v5  }
0xb8: {  	v5 =	vld [tilespmem:s30+$0xFFFFFFE0];
	_ =	sdelay $0x4  }
0xb9: {  	v6 =	vshll.u32 v5, $0x10;
	v5 =	vand.u32 $0xFFFF0000, v5  }
0xba: {  	[tilespmem:s2+$0x80A0] =	vst.add.f32.msk $0xffff, v6  }
0xbb: {  	[tilespmem:s2+$0x84A0] =	vst.add.f32.msk $0xffff, v5  }
0xbc: {  	v5 =	vld [tilespmem:s30+$0xFFFFFFF0];
	_ =	sdelay $0x4  }
0xbd: {  	v6 =	vshll.u32 v5, $0x10;
	v5 =	vand.u32 $0xFFFF0000, v5  }
0xbe: {  	[tilespmem:s2+$0x80B0] =	vst.add.f32.msk $0xffff, v6  }
0xbf: {  	[tilespmem:s2+$0x84B0] =	vst.add.f32.msk $0xffff, v5  }
0xc0: {  	v5 =	vld [tilespmem:s30+$0x0];
	_ =	sdelay $0x4  }
0xc1: {  	v6 =	vshll.u32 v5, $0x10;
	v5 =	vand.u32 $0xFFFF0000, v5  }
0xc2: {  	[tilespmem:s2+$0x80C0] =	vst.add.f32.msk $0xffff, v6  }
0xc3: {  	[tilespmem:s2+$0x84C0] =	vst.add.f32.msk $0xffff, v5  }
0xc4: {  	v5 =	vld [tilespmem:s30+$0x10];
	_ =	sdelay $0x4  }
0xc5: {  	v6 =	vshll.u32 v5, $0x10;
	v5 =	vand.u32 $0xFFFF0000, v5  }
0xc6: {  	[tilespmem:s2+$0x80D0] =	vst.add.f32.msk $0xffff, v6  }
0xc7: {  	[tilespmem:s2+$0x84D0] =	vst.add.f32.msk $0xffff, v5  }
0xc8: {  	v5 =	vld [tilespmem:s30+$0x20];
	_ =	sdelay $0x1  }
.Ltmp7:
0xc9: {  	(pc) =	sbr.rel @p0 .LBB2_8-.Ltmp7, $3  }
0xca: {  	_ =	sdelay $0x1  }
0xcb: {  	v6 =	vshll.u32 v5, $0x10;
	v5 =	vand.u32 $0xFFFF0000, v5  }
0xcc: {  	[tilespmem:s2+$0x80E0] =	vst.add.f32.msk $0xffff, v6  }
0xcd: {  	[tilespmem:s2+$0x84E0] =	vst.add.f32.msk $0xffff, v5  }
0xce: {  	v4 =	vld [tilespmem:s0+$0x30]  }
0xcf: {  	s28 =	sadd.s32 $0x1, s28  }
0xd0: {  	p0 =	sne.s32 s28, s26  }
.Ltmp8:
0xd1: {  	_ = 	snop;
	(pc) =	sbr.rel @p0 .LBB2_7-.Ltmp8, $4  }
0xd2: {  	_ = 	snop  }
0xd3: {  	v5 =	vshll.u32 v4, $0x10  }
0xd4: {  	v4 =	vand.u32 $0xFFFF0000, v4;
	[tilespmem:s2+$0x80F0] =	vst.add.f32.msk $0xffff, v5  }
0xd5: {  	s29 =	sadd.s32 $0x40, s29;
	[tilespmem:s2+$0x84F0] =	vst.add.f32.msk $0xffff, v4  }
.LBB2_10:
0xd6: {  	s0 =	sshll.u32 s25, $0x1  }
0xd7: {  	s0 =	sadd.s32 $0x2, s0  }
0xd8: {  	s2 =	smul.u32 $0x1F4, s0  }
0xd9: {  	p0 =	seq.s32 s0, $0x28  }
0xda: {  	s2 =	simm.s32 @p0 $0x0  }
0xdb: {  	s0 =	simm.s32 $0x0;
	s21 =	sadd.s32 s4, s2  }
0xdc: {  	[tilespmem:s0], [sflag:$0x1] =	stream.linear.gather [hbm4b:s21+s0], $0xFA0, $0x38;
	[tilespmem:$0x1C880] =	vst v63  }
0xdd: {  	s2 =	sadd.s32 s5, s2  }
0xde: {  	[tilespmem:s8], [sflag:$0x2] =	stream.linear.gather [hbm4b:s2+s0], $0xFA0, $0x38;
	[tilespmem:$0x1C880] =	vst v63  }
0xdf: {  	_ =	swait.ge [sflag:s19], $0xFA0  }
0xe0: {  	[sflag:s19] =	ssyncset.done $0x0  }
0xe1: {  	[sflag:s19] =	ssyncadd.s32 $0xFFFFF060  }
0xe2: {  	_ =	swait.ge [sflag:s20], $0xFA0  }
0xe3: {  	[sflag:s20] =	ssyncset.done $0x0  }
0xe4: {  	s31 =	simm.s32 $0x0;
	[sflag:s20] =	ssyncadd.s32 $0xFFFFF060  }
0xe5: {  	v4 =	vld [tilespmem:s31+$0x3000];
	_ =	sdelay $0x4  }
0xe6: {  	v4 =	vsub.s32 v4, v0  }
0xe7: {  	vm1 =	vlt.u32 v4, $0x140  }
0xe8: {  	v5 =	vsel vm1, $0x1, v2  }
0xe9: {  	(xrf0) =	vadd.scan.msk.s32 $0xffff, v5;
	_ =	sdelay $0x2  }
0xea: {  	v5 =	vmov s0  }
0xeb: {  	v5 =	vadd.s32 $0xFFFFFFFF, v5  }
0xec: {  	v5 =	vbroadcast v5, $0x0  }
0xed: {  	v6, _, _ =	vpop (xrf0)  }
0xee: {  	v7 =	vld [tilespmem:s31+$0x2000];
	v5 =	vadd.s32 v6, v5;
	(v2sf) =	vpush v6, $0xF;
	_ =	sdelay $0x4  }
0xef: {  	[tilespmem:v5+s13+$0x0] =	vst.idx.msk vm1, v7  }
0xf0: {  	s26 =	simm.s32 $0x80;
	s2 =	simm.s32 $0x10;
	[tilespmem:v5+s14+$0x0] =	vst.idx.msk vm1, v4  }
.LBB2_11:
0xf1: {  	p0 =	sne.s32 s26, $0x3E40;
	v4 =	vld [tilespmem:s2+$0x3000];
	_ =	sdelay $0x4  }
0xf2: {  	v4 =	vsub.s32 v4, v0  }
0xf3: {  	vm1 =	vlt.u32 v4, $0x140  }
0xf4: {  	v5 =	vsel vm1, $0x1, v2  }
0xf5: {  	(xrf0) =	vadd.scan.msk.s32 $0xffff, v5;
	s21 =	spop (v2sf)  }
0xf6: {  	s0 =	sadd.s32 s0, s21  }
0xf7: {  	v5 =	vmov s0  }
0xf8: {  	v5 =	vadd.s32 $0xFFFFFFFF, v5  }
0xf9: {  	v5 =	vbroadcast v5, $0x0;
	_ =	sdelay $0x1  }
0xfa: {  	v6, _, _ =	vpop (xrf0)  }
0xfb: {  	v7 =	vld [tilespmem:s2+$0x2000];
	v5 =	vadd.s32 v6, v5;
	(v2sf) =	vpush v6, $0xF;
	_ =	sdelay $0x1  }
.Ltmp9:
0xfc: {  	(pc) =	sbr.rel @p0 .LBB2_11-.Ltmp9, $3  }
0xfd: {  	_ =	sdelay $0x1  }
0xfe: {  	[tilespmem:v5+s13+$0x0] =	vst.idx.msk vm1, v7  }
0xff: {  	s2 =	sshra.s32 s26, $0x2;
	s26 =	sadd.s32 $0x40, s26;
	[tilespmem:v5+s14+$0x0] =	vst.idx.msk vm1, v4  }
0x100: {  	v4 =	vld [tilespmem:s2+$0x3000];
	_ =	sdelay $0x4  }
0x101: {  	v4 =	vsub.s32 v4, v0  }
0x102: {  	vm1 =	vlt.u32 v4, $0x140  }
0x103: {  	v5 =	vsel vm1, $0x1, v2  }
0x104: {  	(xrf0) =	vadd.scan.msk.s32 $0xffff, v5;
	_ =	sdelay $0x5  }
0x105: {  	v5, _, _ =	vpop (xrf0)  }
0x106: {  	(v2sf) =	vpush v5, $0xF;
	_ =	sdelay $0x8  }
0x107: {  	s21 =	spop (v2sf)  }
0x108: {  	s0 =	sadd.s32 s0, s21  }
0x109: {  	v6 =	vmov s0  }
0x10a: {  	v6 =	vadd.s32 $0xFFFFFFFF, v6  }
0x10b: {  	v6 =	vbroadcast v6, $0x0;
	_ =	sdelay $0x1  }
0x10c: {  	v7 =	vld [tilespmem:s2+$0x2000];
	v5 =	vadd.s32 v5, v6;
	s26 =	spop (v2sf)  }
0x10d: {  	s0 =	sadd.s32 s0, s26  }
0x10e: {  	s2 =	sadd.s32 $0x3F, s0  }
0x10f: {  	s30 =	sand.u32 $0x3F, s2  }
0x110: {  	s31 =	sshra.s32 s2, $0x1F;
	p1 =	slt.s32 s2, $0x1;
	p0 =	sne.s32 s30, $0x0  }
0x111: {  	[tilespmem:v5+s13+$0x0] =	vst.idx.msk vm1, v7;
	s21 =	sshrl.u32 s31, $0x1A;
	p0 =	por !p1, !p0  }
0x112: {  	[tilespmem:v5+s14+$0x0] =	vst.idx.msk vm1, v4;
	s2 =	sadd.s32 s21, s2;
	s21 =	simm.s32 $0x1;
	p0 =	por !p0, !p0  }
0x113: {  	[tilespmem:s0+$0x4000] =	vst v2;
	s2 =	sshra.s32 s2, $0x6;
	s21 =	simm.s32 @!p0 $0x0  }
0x114: {  	[tilespmem:s0+$0x5000] =	vst v3;
	s26 =	ssub.s32 s2, s21  }
0x115: {  	[tilespmem:s0+$0x4010] =	vst v2;
	p0 =	slt.s32 s26, $0x1  }
.Ltmp10:
0x116: {  	[tilespmem:s0+$0x5010] =	vst v3;
	(pc) =	sbr.rel @p0 .LBB2_16-.Ltmp10, $4  }
0x117: {  	[tilespmem:s0+$0x4020] =	vst v2  }
0x118: {  	[tilespmem:s0+$0x5020] =	vst v3  }
0x119: {  	[tilespmem:s0+$0x4030] =	vst v2  }
0x11a: {  	s28 =	simm.s32 $0x0;
	s29 =	simm.s32 $0x5000;
	[tilespmem:s0+$0x5030] =	vst v3  }
.LBB2_13:
0x11b: {  	s0 =	sshll.u32 s28, $0x6  }
0x11c: {  	v4 =	vld [tilespmem:s0+$0x4000];
	_ =	sdelay $0x4  }
0x11d: {  	[tilespmem:$0x6000] =	vst v4  }
0x11e: {  	v4 =	vld [tilespmem:s0+$0x4010];
	_ =	sdelay $0x4  }
0x11f: {  	[tilespmem:$0x6010] =	vst v4  }
0x120: {  	v4 =	vld [tilespmem:s0+$0x4020];
	_ =	sdelay $0x4  }
0x121: {  	[tilespmem:$0x6020] =	vst v4  }
0x122: {  	v4 =	vld [tilespmem:s0+$0x4030];
	_ =	sdelay $0x4  }
0x123: {  	[tilespmem:$0x6030] =	vst v4;
	v4 =	vmov s29  }
0x124: {  	[tilespmem:s17], [sflag:$0x5] =	stream.indirect.gather [hbm4b:s1+s15], $0x80, s16, s15, $0xb8;
	[tilespmem:$0x1C880] =	vst v63  }
0x125: {  	_ =	swait.ge [sflag:s18], $0x2000  }
0x126: {  	[sflag:s18] =	ssyncset.done $0x0  }
0x127: {  	s2 =	simm.s32 $0x0;
	[sflag:s18] =	ssyncadd.s32 $0xFFFFE000  }
0x128: {  	v5 =	vld.idx.msk [tilespmem:v4+s2+$0x0 ss:$0x1], $0xffff;
	_ =	sdelay $0x4  }
0x129: {  	v5 =	vnsel vm0, $0x0, v5  }
0x12a: {  	(xrf0) =	vadd.scan.msk.s32 $0xffff, v5;
	_ =	sdelay $0x5  }
0x12b: {  	v5, _, _ =	vpop (xrf0)  }
0x12c: {  	(v2sf) =	vpush v5, $0xF;
	_ =	sdelay $0xb  }
0x12d: {  	s30 =	simm.s32 $0x60C0  }
0x12e: {  	v5 =	vld [tilespmem:s30+$0xFFFFFFC0];
	_ =	sdelay $0x1  }
0x12f: {  	s21 =	spop (v2sf)  }
0x130: {  	s2 =	sshll.u32 s21, $0x8;
	s0 =	sshll.u32 s21, $0x7  }
0x131: {  	s2 =	sand.u32 $0xFFFFF800, s2;
	s0 =	sand.u32 $0x380, s0  }
0x132: {  	v6 =	vshll.u32 v5, $0x10;
	s2 =	sor.u32 s0, s2  }
0x133: {  	v5 =	vand.u32 $0xFFFF0000, v5;
	[tilespmem:s2+$0x8080] =	vst.add.f32.msk $0xffff, v6  }
0x134: {  	[tilespmem:s2+$0x8480] =	vst.add.f32.msk $0xffff, v5  }
0x135: {  	v5 =	vld [tilespmem:s30+$0xFFFFFFD0];
	_ =	sdelay $0x4  }
0x136: {  	v6 =	vshll.u32 v5, $0x10  }
0x137: {  	v5 =	vand.u32 $0xFFFF0000, v5;
	[tilespmem:s2+$0x8090] =	vst.add.f32.msk $0xffff, v6  }
0x138: {  	[tilespmem:s2+$0x8490] =	vst.add.f32.msk $0xffff, v5  }
0x139: {  	v5 =	vld [tilespmem:s30+$0xFFFFFFE0];
	_ =	sdelay $0x4  }
0x13a: {  	v6 =	vshll.u32 v5, $0x10  }
0x13b: {  	v5 =	vand.u32 $0xFFFF0000, v5;
	[tilespmem:s2+$0x80A0] =	vst.add.f32.msk $0xffff, v6  }
0x13c: {  	[tilespmem:s2+$0x84A0] =	vst.add.f32.msk $0xffff, v5  }
0x13d: {  	v5 =	vld [tilespmem:s30+$0xFFFFFFF0];
	_ =	sdelay $0x4  }
0x13e: {  	v6 =	vshll.u32 v5, $0x10  }
0x13f: {  	v5 =	vand.u32 $0xFFFF0000, v5;
	[tilespmem:s2+$0x80B0] =	vst.add.f32.msk $0xffff, v6  }
0x140: {  	[tilespmem:s2+$0x84B0] =	vst.add.f32.msk $0xffff, v5  }
0x141: {  	v5 =	vld [tilespmem:s30+$0x0];
	_ =	sdelay $0x4  }
0x142: {  	v6 =	vshll.u32 v5, $0x10  }
0x143: {  	v5 =	vand.u32 $0xFFFF0000, v5;
	[tilespmem:s2+$0x80C0] =	vst.add.f32.msk $0xffff, v6  }
0x144: {  	[tilespmem:s2+$0x84C0] =	vst.add.f32.msk $0xffff, v5  }
0x145: {  	v5 =	vld [tilespmem:s30+$0x10];
	_ =	sdelay $0x4  }
0x146: {  	v6 =	vshll.u32 v5, $0x10  }
0x147: {  	v5 =	vand.u32 $0xFFFF0000, v5;
	[tilespmem:s2+$0x80D0] =	vst.add.f32.msk $0xffff, v6  }
0x148: {  	[tilespmem:s2+$0x84D0] =	vst.add.f32.msk $0xffff, v5  }
0x149: {  	v5 =	vld [tilespmem:s30+$0x20];
	_ =	sdelay $0x4  }
0x14a: {  	v6 =	vshll.u32 v5, $0x10  }
0x14b: {  	s31 =	simm.s32 $0x4;
	s0 =	simm.s32 $0x60C0;
	v5 =	vand.u32 $0xFFFF0000, v5;
	[tilespmem:s2+$0x80E0] =	vst.add.f32.msk $0xffff, v6  }
.LBB2_14:
0x14c: {  	p0 =	sne.s32 s31, $0xFC  }
0x14d: {  	[tilespmem:s2+$0x84E0] =	vst.add.f32.msk $0xffff, v5;
	s30 =	sadd.s32 $0x80, s30;
	s21 =	smov.u32 s31;
	s31 =	sadd.s32 $0x4, s31  }
0x14e: {  	v5 =	vld [tilespmem:s0+$0x30];
	s0 =	smov.u32 s30;
	_ =	sdelay $0x4  }
0x14f: {  	v6 =	vshll.u32 v5, $0x10;
	v5 =	vand.u32 $0xFFFF0000, v5  }
0x150: {  	[tilespmem:s2+$0x80F0] =	vst.add.f32.msk $0xffff, v6  }
0x151: {  	s21 =	sshra.s32 s21, $0x2;
	[tilespmem:s2+$0x84F0] =	vst.add.f32.msk $0xffff, v5  }
0x152: {  	v5 =	vld.idx.msk [tilespmem:v4+s21+$0x0 ss:$0x1], $0xffff;
	_ =	sdelay $0x5  }
0x153: {  	v5 =	vnsel vm0, $0x0, v5  }
0x154: {  	(xrf0) =	vadd.scan.msk.s32 $0xffff, v5;
	_ =	sdelay $0x5  }
0x155: {  	v5, _, _ =	vpop (xrf0)  }
0x156: {  	(v2sf) =	vpush v5, $0xF;
	_ =	sdelay $0xc  }
0x157: {  	v5 =	vld [tilespmem:s30+$0xFFFFFFC0];
	_ =	sdelay $0x1  }
0x158: {  	s2 =	spop (v2sf)  }
0x159: {  	s21 =	sshll.u32 s2, $0x8;
	s2 =	sshll.u32 s2, $0x7  }
0x15a: {  	s21 =	sand.u32 $0xFFFFF800, s21;
	s2 =	sand.u32 $0x380, s2  }
0x15b: {  	v6 =	vshll.u32 v5, $0x10;
	v5 =	vand.u32 $0xFFFF0000, v5;
	s2 =	sor.u32 s2, s21  }
0x15c: {  	[tilespmem:s2+$0x8080] =	vst.add.f32.msk $0xffff, v6  }
0x15d: {  	[tilespmem:s2+$0x8480] =	vst.add.f32.msk $0xffff, v5  }
0x15e: {  	v5 =	vld [tilespmem:s30+$0xFFFFFFD0];
	_ =	sdelay $0x4  }
0x15f: {  	v6 =	vshll.u32 v5, $0x10;
	v5 =	vand.u32 $0xFFFF0000, v5  }
0x160: {  	[tilespmem:s2+$0x8090] =	vst.add.f32.msk $0xffff, v6  }
0x161: {  	[tilespmem:s2+$0x8490] =	vst.add.f32.msk $0xffff, v5  }
0x162: {  	v5 =	vld [tilespmem:s30+$0xFFFFFFE0];
	_ =	sdelay $0x4  }
0x163: {  	v6 =	vshll.u32 v5, $0x10;
	v5 =	vand.u32 $0xFFFF0000, v5  }
0x164: {  	[tilespmem:s2+$0x80A0] =	vst.add.f32.msk $0xffff, v6  }
0x165: {  	[tilespmem:s2+$0x84A0] =	vst.add.f32.msk $0xffff, v5  }
0x166: {  	v5 =	vld [tilespmem:s30+$0xFFFFFFF0];
	_ =	sdelay $0x4  }
0x167: {  	v6 =	vshll.u32 v5, $0x10;
	v5 =	vand.u32 $0xFFFF0000, v5  }
0x168: {  	[tilespmem:s2+$0x80B0] =	vst.add.f32.msk $0xffff, v6  }
0x169: {  	[tilespmem:s2+$0x84B0] =	vst.add.f32.msk $0xffff, v5  }
0x16a: {  	v5 =	vld [tilespmem:s30+$0x0];
	_ =	sdelay $0x4  }
0x16b: {  	v6 =	vshll.u32 v5, $0x10;
	v5 =	vand.u32 $0xFFFF0000, v5  }
0x16c: {  	[tilespmem:s2+$0x80C0] =	vst.add.f32.msk $0xffff, v6  }
0x16d: {  	[tilespmem:s2+$0x84C0] =	vst.add.f32.msk $0xffff, v5  }
0x16e: {  	v5 =	vld [tilespmem:s30+$0x10];
	_ =	sdelay $0x4  }
0x16f: {  	v6 =	vshll.u32 v5, $0x10;
	v5 =	vand.u32 $0xFFFF0000, v5  }
0x170: {  	[tilespmem:s2+$0x80D0] =	vst.add.f32.msk $0xffff, v6  }
0x171: {  	[tilespmem:s2+$0x84D0] =	vst.add.f32.msk $0xffff, v5  }
0x172: {  	v5 =	vld [tilespmem:s30+$0x20];
	_ =	sdelay $0x1  }
.Ltmp11:
0x173: {  	(pc) =	sbr.rel @p0 .LBB2_14-.Ltmp11, $3  }
0x174: {  	_ =	sdelay $0x1  }
0x175: {  	v6 =	vshll.u32 v5, $0x10;
	v5 =	vand.u32 $0xFFFF0000, v5  }
0x176: {  	[tilespmem:s2+$0x80E0] =	vst.add.f32.msk $0xffff, v6  }
0x177: {  	[tilespmem:s2+$0x84E0] =	vst.add.f32.msk $0xffff, v5  }
0x178: {  	v4 =	vld [tilespmem:s0+$0x30]  }
0x179: {  	s28 =	sadd.s32 $0x1, s28  }
0x17a: {  	p0 =	sne.s32 s28, s26  }
.Ltmp12:
0x17b: {  	_ = 	snop;
	(pc) =	sbr.rel @p0 .LBB2_13-.Ltmp12, $4  }
.Ltmp13:
0x17c: {  	_ = 	snop;
	(pc) =	sbr.rel @!p0 .LBB2_16-.Ltmp13, $4  }
0x17d: {  	v5 =	vshll.u32 v4, $0x10  }
0x17e: {  	v4 =	vand.u32 $0xFFFF0000, v4;
	[tilespmem:s2+$0x80F0] =	vst.add.f32.msk $0xffff, v5  }
0x17f: {  	s29 =	sadd.s32 $0x40, s29;
	[tilespmem:s2+$0x84F0] =	vst.add.f32.msk $0xffff, v4  }
0x180: {  	_ = 	snop  }
.LBB2_18:
0x181: {  	_ =	sfence.sel $0x180000  }
0x182: {  	[bflag:$0x0] =	sbarrier.arrive $0xFFFF  }
0x183: {  	_ =	strace $0x9000004D  }
0x184: {  	s0 =	stileid.u32;
	[bflag:$0x2] =	sbarrier.arrive $0xFFFF  }
0x185: {  	p0 =	sne.s32 s0, $0x0;
	s0 =	rddreg [dreg:$0x2]  }
0x186: {  	s0 =	sadd.s32 @!p0 $0x100000, s0  }
0x187: {  	[sflag:s0] =	ssyncadd.tile.s32 @!p0 $0x1;
	_ =	shalt  }
.Lfunc_end2:
_tile_overlayer_lowered:
.L_overlay_start_2:
0x188: {  	(tag) =	ssettag $0x2  }
0x189: {  	s0 =	rddreg [dreg:$0x0];
	s2 =	stileid.u32  }
0x18a: {  	s1 =	rddreg [dreg:$0x1];
	p0 =	sne.s32 s2, $0x0  }
0x18b: {  	s3 =	rddreg [dreg:$0x2];
	[bflag:$0x3] =	sbarrier.arrive $0xFFFF;
	s2 =	simm.s32 @!p0 $0x1C06  }
0x18c: {  	[timem:s3], [sflag:s2] =	dma.local @!p0 [hbm:s0], s1  }
0x18d: {  	s0 =	simm.s32 @!p0 $0x6  }
0x18e: {  	_ =	swait.ge @!p0 [sflag:s0], s1  }
0x18f: {  	s1 =	ssub.s32 @!p0 $0x0, s1;
	[sflag:s0] =	ssyncset.done @!p0 $0x0  }
0x190: {  	[sflag:s0] =	ssyncadd.s32 @!p0 s1  }
0x191: {  	[bflag:$0x3] =	sbarrier.arrive $0xFFFF  }
0x192: {  	_ =	shalt  }

// kernel: kernel.8.cloned.1.call-start
scs
__scs_entry_jumppad:
0x0: {  	(pc) =	sbr.rel $0x88, $3  }
0x1: {  	(tag) =	ssettag $0x0;
	lr =	simm.s32 $0x1  }
0x2: {  	[smem:$0x3F9B] =	sst lr;
	_ =	strace $0xD0000000  }
0x3: {  	_ = 	snop  }
0x4: {  	_ = 	snop  }
0x5: {  	_ = 	snop  }
0x6: {  	_ = 	snop  }
0x7: {  	_ = 	snop  }
__scs_overlays_trampoline_lowered:
0x8: {  	[smem:$0x3FAA] =	sst s0  }
0x9: {  	[smem:$0x3FAB] =	sst s1  }
0xa: {  	[smem:$0x3FAC] =	sst s2  }
0xb: {  	[smem:$0x3FAD] =	sst s3  }
0xc: {  	[smem:$0x3FAE] =	sst s4  }
0xd: {  	[smem:$0x3FAF] =	sst s5  }
0xe: {  	[smem:$0x3FB0] =	sst s6  }
0xf: {  	[smem:$0x3FB1] =	sst s7  }
0x10: {  	[smem:$0x3FB2] =	sst s8  }
0x11: {  	[smem:$0x3FB3] =	sst s9;
	s0 =	simm.s32 @!p0 $0x0  }
0x12: {  	s1 =	sld [smem:$0x3F99];
	s0 =	simm.s32 @p0 $0x1  }
0x13: {  	[smem:$0x3FB4] =	sst s0;
	s0 =	simm.s32 @!p1 $0x0  }
0x14: {  	s2 =	sld [smem:$0x3F98];
	s0 =	simm.s32 @p1 $0x1  }
0x15: {  	[smem:$0x3FB5] =	sst s0;
	s0 =	simm.s32 @!p2 $0x0  }
0x16: {  	s3 =	sld [smem:$0x3FDB];
	s0 =	simm.s32 @p2 $0x1  }
0x17: {  	s4 =	simm.s32 $0x1BF5;
	[smem:$0x3FB7] =	sst s0  }
0x18: {  	s0 =	sld [smem:$0x3F9A];
	_ =	swait.ge [sflag:s4], $0x0  }
0x19: {  	s7 =	sld [smem:$0x3F9B]  }
0x1a: {  	s8 =	sadd.s32 $0xFFFFE003, lr  }
0x1b: {  	s9 =	sadd.s32 $0xFFFFFEF7, lr;
	s5 =	simm.s32 $0xFFFFFFFF;
	p2 =	slt.u32 s8, $0xFFFFF086  }
0x1c: {  	p1 =	slt.u32 s9, $0xF7A;
	s5 =	simm.s32 @!p2 $0x0  }
0x1d: {  	s5 =	simm.s32 @p1 $0x1;
	p0 =	seq.s32 s7, s2  }
0x1e: {  	s7 =	smul.u32 @!p0 $0xF7A, s2;
	p2 =	seq.s32 @!p0 s5, $0x0  }
0x1f: {  	s9 =	smul.u32 $0xF7A, s1;
	s8 =	simm.s32 @!p0 $0x1BF5;
	p2 =	por !p2, p0  }
0x20: {  	[sflag:s8] =	ssyncset.s32 @!p0 $0xFFFFF086;
	s6 =	sadd.s32 @!p0 s3, s7;
	s7 =	simm.s32 @!p0 $0x108  }
0x21: {  	s3 =	sadd.s32 s3, s9;
	s6 =	sadd.s32 @!p0 $0x88, s6;
	s7 =	simm.s32 @p2 $0x1082  }
0x22: {  	[simem:s7], [sflag:s8] =	dma.local @!p0 [hbm:s6], $0xF7A  }
0x23: {  	s9 =	sor.u32 $0xD0000000, s2;
	s6 =	simm.s32 $0x108;
	_ =	swait.ge @!p0 [sflag:s8], $0x0  }
0x24: {  	s3 =	sadd.s32 $0x88, s3;
	s6 =	simm.s32 @!p1 $0x1082;
	[sflag:s4] =	ssyncset.s32 $0xFFFFF086  }
0x25: {  	[simem:s6], [sflag:s4] =	dma.local [hbm:s3], $0xF7A  }
0x26: {  	[smem:$0x3F9B] =	sst s1;
	(tag) =	ssettag s2;
	_ =	strace s9  }
0x27: {  	s1 =	sld [smem:$0x3FAB]  }
0x28: {  	s2 =	sld [smem:$0x3FAC]  }
0x29: {  	s4 =	sld [smem:$0x3FAE]  }
0x2a: {  	p0 =	seq.s32 s5, $0x0;
	s5 =	sld [smem:$0x3FAF]  }
0x2b: {  	s6 =	sld [smem:$0x3FB0]  }
0x2c: {  	s7 =	sld [smem:$0x3FB1]  }
0x2d: {  	s3 =	simm.s32 $0x108;
	s8 =	sld [smem:$0x3FB2]  }
0x2e: {  	s3 =	simm.s32 @!p0 $0x1082;
	s9 =	sld [smem:$0x3FB3]  }
0x2f: {  	lr =	sadd.s32 s0, s3;
	s0 =	sld [smem:$0x3FAA]  }
0x30: {  	s3 =	sld [smem:$0x3FAD]  }
0x31: {  	[smem:$0x3FB6] =	sst s10  }
0x32: {  	s10 =	sld [smem:$0x3FB4];
	_ =	sdelay $0x3  }
0x33: {  	p0 =	seq.s32 s10, $0x1;
	s10 =	sld [smem:$0x3FB6];
	_ =	sdelay $0x3  }
0x34: {  	[smem:$0x3FB6] =	sst s10  }
0x35: {  	s10 =	sld [smem:$0x3FB5];
	_ =	sdelay $0x3  }
0x36: {  	p1 =	seq.s32 s10, $0x1;
	s10 =	sld [smem:$0x3FB6];
	_ =	sdelay $0x3  }
0x37: {  	[smem:$0x3FB6] =	sst s10  }
0x38: {  	s10 =	sld [smem:$0x3FB7]  }
0x39: {  	_ = 	snop;
	(pc) =	sbr.ind lr, $3  }
0x3a: {  	_ = 	snop  }
0x3b: {  	_ = 	snop  }
0x3c: {  	p2 =	seq.s32 s10, $0x1;
	s10 =	sld [smem:$0x3FB6]  }
0x3d: {  	_ =	shalt  }
0x3e: {  	_ =	shalt  }
0x3f: {  	_ =	shalt  }
0x40: {  	_ =	shalt  }
0x41: {  	_ =	shalt  }
0x42: {  	_ =	shalt  }
0x43: {  	_ =	shalt  }
0x44: {  	_ =	shalt  }
0x45: {  	_ =	shalt  }
0x46: {  	_ =	shalt  }
0x47: {  	_ =	shalt  }
0x48: {  	_ =	shalt  }
0x49: {  	_ =	shalt  }
0x4a: {  	_ =	shalt  }
0x4b: {  	_ =	shalt  }
0x4c: {  	_ =	shalt  }
0x4d: {  	_ =	shalt  }
0x4e: {  	_ =	shalt  }
0x4f: {  	_ =	shalt  }
0x50: {  	_ =	shalt  }
0x51: {  	_ =	shalt  }
0x52: {  	_ =	shalt  }
0x53: {  	_ =	shalt  }
0x54: {  	_ =	shalt  }
0x55: {  	_ =	shalt  }
0x56: {  	_ =	shalt  }
0x57: {  	_ =	shalt  }
0x58: {  	_ =	shalt  }
0x59: {  	_ =	shalt  }
0x5a: {  	_ =	shalt  }
0x5b: {  	_ =	shalt  }
0x5c: {  	_ =	shalt  }
0x5d: {  	_ =	shalt  }
0x5e: {  	_ =	shalt  }
0x5f: {  	_ =	shalt  }
0x60: {  	_ =	shalt  }
0x61: {  	_ =	shalt  }
0x62: {  	_ =	shalt  }
0x63: {  	_ =	shalt  }
0x64: {  	_ =	shalt  }
0x65: {  	_ =	shalt  }
0x66: {  	_ =	shalt  }
0x67: {  	_ =	shalt  }
0x68: {  	_ =	shalt  }
0x69: {  	_ =	shalt  }
0x6a: {  	_ =	shalt  }
0x6b: {  	_ =	shalt  }
0x6c: {  	_ =	shalt  }
0x6d: {  	_ =	shalt  }
0x6e: {  	_ =	shalt  }
0x6f: {  	_ =	shalt  }
0x70: {  	_ =	shalt  }
0x71: {  	_ =	shalt  }
0x72: {  	_ =	shalt  }
0x73: {  	_ =	shalt  }
0x74: {  	_ =	shalt  }
0x75: {  	_ =	shalt  }
0x76: {  	_ =	shalt  }
0x77: {  	_ =	shalt  }
0x78: {  	_ =	shalt  }
0x79: {  	_ =	shalt  }
0x7a: {  	_ =	shalt  }
0x7b: {  	_ =	shalt  }
0x7c: {  	_ =	shalt  }
0x7d: {  	_ =	shalt  }
0x7e: {  	_ =	shalt  }
0x7f: {  	_ =	shalt  }
0x80: {  	_ =	shalt  }
0x81: {  	_ =	shalt  }
0x82: {  	_ =	shalt  }
0x83: {  	_ =	shalt  }
0x84: {  	_ =	shalt  }
0x85: {  	_ =	shalt  }
0x86: {  	_ =	shalt  }
0x87: {  	_ =	shalt  }
.Lfunc_end0:
.L_simem_size_0:
called_computation_lowered:
.L_overlay_start_0:
0x88: {  	s2 =	sld [smem:$0x3FD9]  }
0x89: {  	s3 =	sld [smem:$0x3FFE];
	_ =	sdelay $0x1  }
0x8a: {  	s1 =	srdreg.scid  }
0x8b: {  	s0 =	sand.u32 $0x1, s1  }
0x8c: {  	s17 =	sshll.u32 s0, $0xA;
	s2 =	sadd.s32 s3, s2  }
0x8d: {  	s2 =	sadd.s32 s2, s17  }
0x8e: {  	[smem:$0x3FC2] =	sst s2  }
0x8f: {  	_ = 	snop  }
0x90: {  	s2 =	sld [smem:$0x3FD0];
	(tm) =	ssettm $0x1  }
0x91: {  	s18 =	sld [smem:$0x3FFB];
	_ =	sdelay $0x3  }
0x92: {  	_ =	strace s18  }
0x93: {  	s3 =	sld [smem:$0x3FFC];
	_ =	sdelay $0x3  }
0x94: {  	_ =	strace s3  }
0x95: {  	s3 =	sld [smem:$0x3FFD];
	_ =	sdelay $0x3  }
0x96: {  	_ =	strace s3  }
0x97: {  	_ =	strace $0x8FFFFFFF  }
0x98: {  	s19 =	sld [smem:$0x3FDB];
	_ =	sdelay $0x1  }
0x99: {  	s4 =	simm.s32 $_scs_section_size  }
0x9a: {  	s5 =	simm.s32 $_size__tile_overlayer_lowered;
	s6 =	simm.s32 $_tile_overlayer_lowered  }
0x9b: {  	s22 =	simm.s32 $0x1BFF;
	s21 =	sshll.u32 s6, $0x1;
	s3 =	sadd.s32 s4, s19  }
0x9c: {  	s7 =	simm.s32 $0x0;
	s20 =	sshll.u32 s5, $0x1;
	s5 =	sadd.s32 s21, s3  }
0x9d: {  	[timem:s7], [sflag:s22] =	dma.local [hbm:s5], s20  }
0x9e: {  	_ =	swait.ge [sflag:s22], s20  }
0x9f: {  	s4 =	ssub.s32 $0x0, s20;
	[sflag:s22] =	ssyncset.done $0x0  }
0xa0: {  	[sflag:s22] =	ssyncadd.s32 s4;
	_ =	sdelay $0x1  }
0xa1: {  	s23 =	simm.s32 $0x1B8B  }
0xa2: {  	_ =	swait.ge [sflag:s23], $0x1  }
0xa3: {  	[sflag:s23] =	ssyncset.done $0x0  }
0xa4: {  	s25 =	simm.s32 $0x1B8E;
	s24 =	sld [smem:$0x3FFE];
	[sflag:s23] =	ssyncadd.s32 $0xFFFFFFFF  }
0xa5: {  	s26 =	simm.s32 $execute0_lowered;
	[smem:$0x3FD2] =	sst s25  }
0xa6: {  	s5 =	sshll.u32 s26, $0x1;
	_ =	strace $0x80000046;
	[dreg:$0x1] =	wrdreg $0xFFFFFFFF  }
0xa7: {  	s28 =	simm.s32 $_size_execute0_lowered;
	s3 =	sadd.s32 s3, s5;
	[dreg:$0x0] =	wrdreg $0x0  }
0xa8: {  	s5 =	sshll.u32 s28, $0x1;
	[dreg:$0x2] =	wrdreg s3  }
0xa9: {  	[dreg:$0x3] =	wrdreg s5  }
0xaa: {  	[dreg:$0x4] =	wrdreg $0xC0  }
0xab: {  	_ =	task [dreg:s7], $0x5FFFF  }
0xac: {  	[dreg:$0x1] =	wrdreg $0xFFFFFFFF  }
0xad: {  	[dreg:$0x0] =	wrdreg $0x60  }
0xae: {  	[dreg:$0x2] =	wrdreg s24  }
0xaf: {  	[dreg:$0x3] =	wrdreg s2  }
0xb0: {  	[dreg:$0x4] =	wrdreg $0x9  }
0xb1: {  	_ =	task.clear_ibuf [dreg:s7], $0x5FFFF;
	_ =	strace $0x90000046  }
0xb2: {  	s29 =	simm.s32 $0x9;
	_ =	strace $0x80000048  }
0xb3: {  	_ =	swait.ge [sflag:s29], $0x1  }
0xb4: {  	[sflag:s29] =	ssyncadd.s32 $0xFFFFFFFF  }
0xb5: {  	_ =	strace $0x90000048  }
0xb6: {  	_ =	sfence  }
0xb7: {  	s30 =	sld [smem:$0x0];
	_ =	sdelay $0x2  }
0xb8: {  	s31 =	sshll.u32 s1, $0xD;
	s1 =	sshrl.u32 s1, $0x2  }
0xb9: {  	s3 =	sand.u32 $0x4000, s31;
	s1 =	sadd.s32 s1, s30  }
0xba: {  	s0 =	sor.u32 s3, s0;
	s1 =	sshll.u32 s1, $0x11  }
0xbb: {  	s0 =	sor.u32 s1, s0  }
0xbc: {  	s0 =	sadd.s32 $0x8F2B, s0  }
0xbd: {  	[sflag:s0] =	ssyncadd.remote.s32 $0x1  }
0xbe: {  	_ =	sfence.sel $0xFFFF  }
0xbf: {  	[dreg:$0x0] =	wrdreg $0xFFFFFFFF;
	(pc) =	sbr.abs _section_cstart, $3  }
0xc0: {  	[dreg:$0x1] =	wrdreg $0xFFFFFFFF  }
0xc1: {  	_ =	task.clear_ibuf [dreg:s7], $0x2FFFF;
	_ =	strace $0x9FFFFFFF  }
0xc2: {  	(tm) =	ssettm $0x7FFFFFFF  }
0xc3: {  	_ =	shalt  }
tec
execute0_lowered:
.L_overlay_start_1:
0x0: {  	(tag) =	ssettag $0x1  }
0x1: {  	s0 =	srdreg.scid  }
0x2: {  	s4 =	rddreg [dreg:$0x0];
	s3 =	sand.u32 $0x1, s0  }
0x3: {  	s5 =	rddreg [dreg:$0x1];
	s0 =	stileid.u32;
	s1 =	sshll.u32 s3, $0x4  }
0x4: {  	s2 =	simm.s32 $0x0;
	s9 =	simm.s32 $0x400;
	s6 =	sor.u32 s0, s1  }
0x5: {  	s10 =	simm.s32 $0x0;
	[smem:$0x7FF] =	sst s2;
	s7 =	sshrl.u32 s6, $0x3  }
0x6: {  	s8 =	sshll.u32 s0, $0x7;
	s3 =	ssub.s32 $0x2, s3;
	s7 =	smul.u32 $0x14000, s7  }
0x7: {  	s1 =	rddreg [dreg:$0x2];
	s8 =	sand.u32 $0x380, s8;
	s6 =	smul.u32 $0x271, s6  }
0x8: {  	_ =	strace $0x80000047;
	s31 =	sshrl.u32 s3, $0x1;
	s7 =	sor.u32 s8, s7  }
0x9: {  	s4 =	sadd.s32 s6, s4;
	s6 =	ssub.s32 s3, s31;
	s7 =	sshrl.u32 s7, $0x3  }
0xa: {  	s3 =	sadd.s32 $0x1800, s4;
	s8 =	simm.s32 $0x80;
	s4 =	sadd.s32 s5, s7  }
0xb: {  	v0 =	vimm.f32 $0.0e+00;
	v1 =	vimm.f32 $1.000000000e+00;
	vm0 =	vmmov $0xff;
	s5 =	smax.u32 s6, $0x1;
	s6 =	simm.s32 $0x1;
	s7 =	simm.s32 $0x1400  }
.LBB2_1:
0xc: {  	[tilespmem:s2], [sflag:$0x1] =	stream.linear.gather [hbm4b:s3+s2], $0x1388, $0x38;
	[tilespmem:$0x3C00] =	vst v63  }
0xd: {  	_ =	swait.ge [sflag:s6], $0x1388  }
0xe: {  	[sflag:s6] =	ssyncset.done $0x0  }
0xf: {  	s11 =	simm.s32 $0x0;
	[sflag:s6] =	ssyncadd.s32 $0xFFFFEC78  }
.LBB2_2:
0x10: {  	p0 =	sne.s32 s11, $0x9FC0  }
.Ltmp0:
0x11: {  	_ = 	snop;
	(pc) =	sbr.rel @p0 .LBB2_2-.Ltmp0, $3  }
0x12: {  	_ =	sdelay $0x1  }
0x13: {  	s12 =	sshra.s32 s11, $0x2  }
0x14: {  	s11 =	sadd.s32 $0x40, s11;
	[tilespmem:s12+$0x1400] =	vst v0  }
0x15: {  	s12 =	simm.s32 $0x0;
	s11 =	simm.s32 $0x40  }
.LBB2_4:
0x16: {  	p0 =	sne.s32 s11, $0x4DC0;
	v2 =	vld [tilespmem:s12+$0x0];
	_ =	sdelay $0x3  }
.Ltmp1:
0x17: {  	(pc) =	sbr.rel @p0 .LBB2_4-.Ltmp1, $2  }
0x18: {  	_ =	sdelay $0x2  }
0x19: {  	s12 =	sshra.s32 s11, $0x2;
	s11 =	sadd.s32 $0x40, s11;
	[tilespmem:v2+s7+$0x0] =	vst.idx.add.f32.msk $0xffff, v1  }
0x1a: {  	v2 =	vld [tilespmem:s12+$0x0];
	_ =	sdelay $0x7  }
0x1b: {  	[tilespmem:v2+s7+$0x0] =	vst.idx.add.f32.msk $0xffff, v1  }
0x1c: {  	v2 =	vld [tilespmem:$0x1380];
	_ =	sdelay $0x4  }
0x1d: {  	v2 =	vnsel vm0, $0x0, v2;
	_ =	sdelay $0x2  }
0x1e: {  	s10 =	sadd.s32 $0x1, s10  }
0x1f: {  	p0 =	sne.s32 s10, s5  }
.Ltmp2:
0x20: {  	[tilespmem:v2+s7+$0x0] =	vst.idx.add.f32.msk $0xff, v1;
	(pc) =	sbr.rel @p0 .LBB2_1-.Ltmp2, $4  }
0x21: {  	[hbm4b:s4+s8] =	stream.strided.scatter [tilespmem:s7], [sflag:$0x1], $0x2800, s9, s8, $0x38;
	[tilespmem:$0x3C00] =	vst v63  }
0x22: {  	_ =	swait.ge [sflag:s6], $0x2800  }
0x23: {  	[sflag:s6] =	ssyncset.done $0x0  }
0x24: {  	[sflag:s6] =	ssyncadd.s32 $0xFFFFD800  }
0x25: {  	_ =	sfence.sel $0x180000  }
0x26: {  	[bflag:$0x0] =	sbarrier.arrive $0xFFFF  }
0x27: {  	p0 =	sne.s32 s0, $0x0;
	_ =	strace $0x90000047  }
0x28: {  	s0 =	sadd.s32 @!p0 $0x100000, s1;
	[bflag:$0x2] =	sbarrier.arrive $0xFFFF  }
0x29: {  	[sflag:s0] =	ssyncadd.tile.s32 @!p0 $0x1;
	_ =	shalt  }
.Lfunc_end2:
_tile_overlayer_lowered:
.L_overlay_start_2:
0x2a: {  	(tag) =	ssettag $0x2  }
0x2b: {  	s0 =	rddreg [dreg:$0x0];
	s2 =	stileid.u32  }
0x2c: {  	s1 =	rddreg [dreg:$0x1];
	p0 =	sne.s32 s2, $0x0  }
0x2d: {  	s3 =	rddreg [dreg:$0x2];
	[bflag:$0x3] =	sbarrier.arrive $0xFFFF;
	s2 =	simm.s32 @!p0 $0x1C01  }
0x2e: {  	[timem:s3], [sflag:s2] =	dma.local @!p0 [hbm:s0], s1  }
0x2f: {  	s0 =	simm.s32 @!p0 $0x1  }
0x30: {  	_ =	swait.ge @!p0 [sflag:s0], s1  }
0x31: {  	s1 =	ssub.s32 @!p0 $0x0, s1;
	[sflag:s0] =	ssyncset.done @!p0 $0x0  }
0x32: {  	[sflag:s0] =	ssyncadd.s32 @!p0 s1  }
0x33: {  	[bflag:$0x3] =	sbarrier.arrive $0xFFFF  }
0x34: {  	_ =	shalt  }

</sc_bundles>
